<compile_context>
chip_gen: v7x
topology: tpu7x:2x2x1
jax: 0.10.2.dev20260603
libtpu: 0.0.44.dev20260713+nightly
codegen_flags: <defaults>
</compile_context>

<pallas_src>
import jax
import jax.numpy as jnp
from jax import lax
from jax.experimental import pallas as pl
from jax.experimental.pallas import tpu as pltpu
from jax.experimental.pallas import tpu_sc as plsc

N_NODES = 10000
N_CONN = 320000
D = 128
BETA = 0.9
SPIKE_THRESHOLD = 1.0

NC = 2
NS = 16
NW = NC * NS
CH = 128
NCHT = N_CONN // CH
NCHW = (NCHT // NW) & ~1
NEXTRA = NCHT - NCHW * NW
NROWS = N_NODES
RPT = 632
RPT_LAST = NROWS - 15 * RPT
MMB = NROWS // 10


def _make_sc_pass(with_counts):
    mesh = plsc.VectorSubcoreMesh(core_axis_name="c", subcore_axis_name="s",
                                  num_cores=NC, num_subcores=NS)
    out_type = [jax.ShapeDtypeStruct((NROWS, D), jnp.float32)] * 2
    if with_counts:
        out_type += [jax.ShapeDtypeStruct((NROWS,), jnp.float32)] * 4
    scratch = [pltpu.VMEM_SHARED((NROWS, D), jnp.float32)]
    if with_counts:
        scratch += [pltpu.VMEM_SHARED((NROWS,), jnp.float32)] * 2
    scratch += [
        pltpu.VMEM((CH,), jnp.int32),
        pltpu.VMEM((CH,), jnp.int32),
        pltpu.VMEM((CH,), jnp.int32),
        pltpu.VMEM((CH,), jnp.int32),
        pltpu.VMEM((CH,), jnp.int32),
        pltpu.VMEM((CH,), jnp.int32),
        pltpu.VMEM((CH, D), jnp.float32),
        pltpu.VMEM((CH, D), jnp.float32),
        pltpu.VMEM((CH,), jnp.float32),
        pltpu.SemaphoreType.DMA,
        pltpu.SemaphoreType.DMA,
        pltpu.SemaphoreType.DMA,
        pltpu.SemaphoreType.DMA,
        pltpu.SemaphoreType.DMA,
        pltpu.SemaphoreType.DMA,
        pltpu.SemaphoreType.DMA,
    ]
    if with_counts:
        scratch += [pltpu.VMEM((MMB,), jnp.float32)]

    def body(*refs):
        if with_counts:
            (table_hbm, gidx_hbm, sidx_hbm,
             acc0_out, acc1_out, hg0_out, hg1_out, hs0_out, hs1_out,
             acc_sh, hg_sh, hs_sh,
             gb0, sb0, gb1, sb1, gb2, sb2, rows0_v, rows1_v, ones_v,
             semi0, semi1, semi2, semr0, semr1, sems0, sems1, hbuf) = refs
        else:
            (table_hbm, gidx_hbm, sidx_hbm,
             acc0_out, acc1_out,
             acc_sh,
             gb0, sb0, gb1, sb1, gb2, sb2, rows0_v, rows1_v, ones_v,
             semi0, semi1, semi2, semr0, semr1, sems0, sems1) = refs
        isets = ((gb0, sb0, semi0), (gb1, sb1, semi1), (gb2, sb2, semi2))
        rsets = ((rows0_v, semr0, sems0), (rows1_v, semr1, sems1))
        cid = lax.axis_index("c")
        sid = lax.axis_index("s")
        wid = sid * NC + cid
        base = sid * RPT
        zv = jnp.zeros((16,), jnp.float32)

        def zrow(j, c):
            for i in range(D // 16):
                rows0_v[j, pl.ds(i * 16, 16)] = zv
            return c

        lax.fori_loop(0, CH, zrow, 0)

        def zero_slices(nrows):
            for k in range(nrows // CH):
                pltpu.sync_copy(rows0_v, acc_sh.at[pl.ds(base + k * CH, CH)])
            rem = nrows % CH
            pltpu.sync_copy(rows0_v.at[pl.ds(0, rem)],
                            acc_sh.at[pl.ds(base + nrows - rem, rem)])
            if with_counts:
                for h_sh in (hg_sh, hs_sh):
                    for k in range(nrows // CH):
                        pltpu.sync_copy(rows0_v.at[0],
                                        h_sh.at[pl.ds(base + k * CH, CH)])
                    pltpu.sync_copy(rows0_v.at[0, pl.ds(0, rem)],
                                    h_sh.at[pl.ds(base + nrows - rem, rem)])

        @pl.when(sid < 15)
        def _():
            zero_slices(RPT)

        @pl.when(sid == 15)
        def _():
            zero_slices(RPT_LAST)

        if with_counts:
            for i in range(CH // 16):
                ones_v[pl.ds(i * 16, 16)] = jnp.full((16,), 1.0, jnp.float32)
        plsc.subcore_barrier()

        base_c = NCHW * wid + jnp.minimum(wid, NEXTRA)

        def idxload(c, gb, sb, sem):
            pltpu.async_copy(gidx_hbm.at[c, 0], gb, sem)
            pltpu.async_copy(sidx_hbm.at[c, 0], sb, sem)

        def idxwait(gb, sb, sem):
            pltpu.make_async_copy(gidx_hbm.at[0, 0], gb, sem).wait()
            pltpu.make_async_copy(sidx_hbm.at[0, 0], sb, sem).wait()

        def rows_gather(gb, buf, sem):
            pltpu.async_copy(table_hbm.at[gb], buf, sem)

        def rows_wait(gb, buf, sem):
            pltpu.make_async_copy(table_hbm.at[gb], buf, sem).wait()

        def consume(gb, sb, buf):
            pltpu.sync_copy(buf, acc_sh.at[sb], add=True)
            if with_counts:
                pltpu.sync_copy(ones_v, hg_sh.at[gb], add=True)
                pltpu.sync_copy(ones_v, hs_sh.at[sb], add=True)

        def consume_async(gb, sb, buf, sem):
            pltpu.async_copy(buf, acc_sh.at[sb], sem, add=True)
            if with_counts:
                pltpu.async_copy(ones_v, hg_sh.at[gb], sem, add=True)
                pltpu.async_copy(ones_v, hs_sh.at[sb], sem, add=True)

        def consume_wait(sem):
            pltpu.make_async_copy(rows0_v, acc_sh.at[sb0], sem).wait()
            if with_counts:
                pltpu.make_async_copy(ones_v, hg_sh.at[gb0], sem).wait()
                pltpu.make_async_copy(ones_v, hs_sh.at[sb0], sem).wait()

        idxload(base_c, gb0, sb0, semi0)
        idxwait(gb0, sb0, semi0)
        idxload(base_c + 1, gb1, sb1, semi1)
        rows_gather(gb0, rows0_v, semr0)
        idxwait(gb1, sb1, semi1)

        def six(t, carry):
            c = base_c + 6 * t
            for k in range(6):
                gb_c, sb_c, _ = isets[k % 3]
                gb_n, sb_n, _ = isets[(k + 1) % 3]
                gb_p, sb_p, semi_p = isets[(k + 2) % 3]
                buf_c, semr_c, sems_c = rsets[k % 2]
                buf_n, semr_n, sems_n = rsets[(k + 1) % 2]

                j = 6 * t + k
                gcond = j + 1 < NCHW if k < 5 else (6 * t + 6 < NCHW)
                if k == 0:
                    gcond = gcond & (t > 0)

                    @pl.when(t == 0)
                    def _():
                        rows_gather(gb_n, buf_n, semr_n)

                @pl.when(gcond)
                def _():
                    consume_wait(sems_n)
                    rows_gather(gb_n, buf_n, semr_n)

                @pl.when(j + 2 < NCHW)
                def _():
                    idxload(c + k + 2, gb_p, sb_p, semi_p)

                rows_wait(gb_c, buf_c, semr_c)
                consume_async(gb_c, sb_c, buf_c, sems_c)

                @pl.when(j + 2 < NCHW)
                def _():
                    idxwait(gb_p, sb_p, semi_p)
            return carry

        lax.fori_loop(0, NCHW // 6, six, 0)
        consume_wait(sems0)
        consume_wait(sems1)

        @pl.when(wid < NEXTRA)
        def _():
            c = base_c + NCHW
            idxload(c, gb0, sb0, semi0)
            idxwait(gb0, sb0, semi0)
            rows_gather(gb0, rows0_v, semr0)
            rows_wait(gb0, rows0_v, semr0)
            consume(gb0, sb0, rows0_v)

        plsc.subcore_barrier()

        def writeback(nrows, acc_out):
            sl = pl.ds(base, nrows)
            pltpu.sync_copy(acc_sh.at[sl], acc_out.at[sl])

        @pl.when((cid == 0) & (sid < 15))
        def _():
            writeback(RPT, acc0_out)

        @pl.when((cid == 0) & (sid == 15))
        def _():
            writeback(RPT_LAST, acc0_out)

        @pl.when((cid == 1) & (sid < 15))
        def _():
            writeback(RPT, acc1_out)

        @pl.when((cid == 1) & (sid == 15))
        def _():
            writeback(RPT_LAST, acc1_out)

        if with_counts:
            def hist_write(h_sh, h_out):
                for p in range(NROWS // MMB):
                    ps = pl.ds(p * MMB, MMB)
                    pltpu.sync_copy(h_sh.at[ps], hbuf)
                    pltpu.sync_copy(hbuf, h_out.at[ps])

            @pl.when((cid == 0) & (sid == 0))
            def _():
                hist_write(hg_sh, hg0_out)
                hist_write(hs_sh, hs0_out)

            @pl.when((cid == 1) & (sid == 0))
            def _():
                hist_write(hg_sh, hg1_out)
                hist_write(hs_sh, hs1_out)

    return pl.kernel(body, out_type=tuple(out_type), mesh=mesh,
                     scratch_types=tuple(scratch))


def _inv_cnt(c0_ref, c1_ref):
    cnt = c0_ref[...] + c1_ref[...]
    return jnp.where(cnt > 0, 1.0 / cnt, 0.0)[:, None]


def _scale_body(m0_ref, m1_ref, c0_ref, c1_ref, o_ref):
    o_ref[...] = (m0_ref[...] + m1_ref[...]) * _inv_cnt(c0_ref, c1_ref)


def _snn_body(o0_ref, o1_ref, c0_ref, c1_ref, w_ref, bias_ref, mem_ref,
              out_ref):
    agg = (o0_ref[...] + o1_ref[...]) * _inv_cnt(c0_ref, c1_ref)
    v = lax.dot_general(agg, w_ref[...], (((1,), (1,)), ((), ())),
                        preferred_element_type=jnp.float32)
    v = v + bias_ref[...] + BETA * mem_ref[...]
    out_ref[...] = (v > SPIKE_THRESHOLD).astype(jnp.float32)


def kernel(x, hyperedge_index, W, bias, membrane):
    nodep = hyperedge_index[0].reshape(NCHT, 1, CH)
    edgep = hyperedge_index[1].reshape(NCHT, 1, CH)

    m0, m1, hn0, hn1, he0, he1 = _make_sc_pass(True)(x, nodep, edgep)

    m_scaled = pl.pallas_call(
        _scale_body,
        out_shape=jax.ShapeDtypeStruct((NROWS, D), jnp.float32),
    )(m0, m1, he0, he1)

    o0, o1 = _make_sc_pass(False)(m_scaled, edgep, nodep)

    spike = pl.pallas_call(
        _snn_body,
        out_shape=jax.ShapeDtypeStruct((NROWS, D), jnp.float32),
    )(o0, o1, hn0, hn1, W, bias.reshape(1, D), membrane.reshape(1, D))

    return spike

# --- scband reference (transcript-rebuilt; emitter-appended) ---
"""Pipeline reference for scband-hypergraph-snn-34454227648541 (READ-ONLY COPY).

The authoritative reference and input builder live on the scoring server;
editing this copy changes nothing except your own understanding.
"""

import jax, jax.numpy as jnp
import numpy as np

N_NODES = 10000
N_HEDGES = 10000
N_CONN = 320000
D_IN = 128
D_OUT = 128
BETA = 0.9
THRESHOLD = 1.0


def setup_inputs(seed: int = 0) -> dict:
    key = jax.random.key(seed)
    k1, k2, k3 = jax.random.split(key, 3)
    x = jax.random.normal(k1, (N_NODES, D_IN), dtype=jnp.float32)
    hyperedge_index = jax.random.randint(k2, (2, N_CONN), 0, N_HEDGES, dtype=jnp.int32)
    limit = float(np.sqrt(6.0 / (D_IN + D_OUT)))
    W = jax.random.uniform(k3, (D_OUT, D_IN), dtype=jnp.float32, minval=-limit, maxval=limit)
    bias = jnp.zeros((D_OUT,), dtype=jnp.float32)
    membrane = jnp.zeros((D_OUT,), dtype=jnp.float32)
    return {"x": x, "hyperedge_index": hyperedge_index, "W": W, "bias": bias, "membrane": membrane}


def fast_sigmoid(v):
    # snntorch fast_sigmoid surrogate: forward pass is a heaviside step
    return (v > 0).astype(jnp.float32)


def reference(x, hyperedge_index, W, bias, membrane):
    num_nodes = x.shape[0]
    # filter connections whose node index is out of range (faithful to torch forward)
    mask = hyperedge_index[0] < num_nodes
    maskf = mask.astype(jnp.float32)
    node_idx = jnp.where(mask, hyperedge_index[0], 0)
    edge_idx = jnp.where(mask, hyperedge_index[1], 0)
    num_edges = N_HEDGES
    # HypergraphConv (use_attention=False): X' = D^-1 H W_e B^-1 H^T X Theta + b
    xw = x @ W.T
    hyperedge_weight = jnp.ones((num_edges,), dtype=jnp.float32)
    D = jax.ops.segment_sum(maskf * hyperedge_weight[edge_idx], node_idx, num_segments=num_nodes)
    D = jnp.where(D > 0, 1.0 / D, 0.0)
    B = jax.ops.segment_sum(maskf, edge_idx, num_segments=num_edges)
    B = jnp.where(B > 0, 1.0 / B, 0.0)
    # node -> hyperedge propagation
    m = jax.ops.segment_sum(maskf[:, None] * B[edge_idx][:, None] * xw[node_idx], edge_idx, num_segments=num_edges)
    # hyperedge -> node propagation
    out = jax.ops.segment_sum(maskf[:, None] * D[node_idx][:, None] * m[edge_idx], node_idx, num_segments=num_nodes)
    out = out + bias
    # snnLayer (single step, membrane starts at zeros param)
    mem = BETA * membrane + out
    spike = fast_sigmoid(mem - THRESHOLD)
    return spike


if False:  # reference __main__ guard neutralized (emitter)
    inp = setup_inputs()
    o = reference(**inp)
    print(o.shape, o.dtype)

if __name__ == "__main__":
    import jax
    _d = setup_inputs()
    print(jax.jit(kernel)(*tuple(_d.values())))

</pallas_src>

<mosaic_0001>
#map = affine_map<(d0, d1) -> (0, 0)>
#map1 = affine_map<(d0, d1) -> (0, 0, 0)>
#map2 = affine_map<(d0, d1) -> (0)>
module attributes {stable_mosaic.version = 14 : i64} {
  func.func @body(%arg0: i32, %arg1: i32, %arg2: memref<10000x128xf32, #tpu.memory_space<hbm>>, %arg3: memref<2500x1x128xi32, #tpu.memory_space<hbm>>, %arg4: memref<2500x1x128xi32, #tpu.memory_space<hbm>>, %arg5: memref<10000x128xf32, #tpu.memory_space<hbm>>, %arg6: memref<10000x128xf32, #tpu.memory_space<hbm>>, %arg7: memref<10000xf32, #tpu.memory_space<hbm>>, %arg8: memref<10000xf32, #tpu.memory_space<hbm>>, %arg9: memref<10000xf32, #tpu.memory_space<hbm>>, %arg10: memref<10000xf32, #tpu.memory_space<hbm>>, %arg11: memref<10000x128xf32, #tpu.memory_space<vmem_shared>>, %arg12: memref<10000xf32, #tpu.memory_space<vmem_shared>>, %arg13: memref<10000xf32, #tpu.memory_space<vmem_shared>>, %arg14: memref<128xi32, #tpu.memory_space<vmem>>, %arg15: memref<128xi32, #tpu.memory_space<vmem>>, %arg16: memref<128xi32, #tpu.memory_space<vmem>>, %arg17: memref<128xi32, #tpu.memory_space<vmem>>, %arg18: memref<128xi32, #tpu.memory_space<vmem>>, %arg19: memref<128xi32, #tpu.memory_space<vmem>>, %arg20: memref<128x128xf32, #tpu.memory_space<vmem>>, %arg21: memref<128x128xf32, #tpu.memory_space<vmem>>, %arg22: memref<128xf32, #tpu.memory_space<vmem>>, %arg23: memref<!tpu.dma_semaphore, #tpu.memory_space<semaphore_mem>>, %arg24: memref<!tpu.dma_semaphore, #tpu.memory_space<semaphore_mem>>, %arg25: memref<!tpu.dma_semaphore, #tpu.memory_space<semaphore_mem>>, %arg26: memref<!tpu.dma_semaphore, #tpu.memory_space<semaphore_mem>>, %arg27: memref<!tpu.dma_semaphore, #tpu.memory_space<semaphore_mem>>, %arg28: memref<!tpu.dma_semaphore, #tpu.memory_space<semaphore_mem>>, %arg29: memref<!tpu.dma_semaphore, #tpu.memory_space<semaphore_mem>>, %arg30: memref<1000xf32, #tpu.memory_space<vmem>>) attributes {dimension_semantics = [#tpu.dimension_semantics<core_parallel>, #tpu.dimension_semantics<subcore_parallel>], iteration_bounds = array<i64: 2, 16>, scalar_prefetch = 0 : i64, scratch_operands = 20 : i64, tpu.core_type = #tpu.core_type<sc_vector_subcore>, window_params = [{transform_indices = #map}, {transform_indices = #map1}, {transform_indices = #map1}, {transform_indices = #map}, {transform_indices = #map}, {transform_indices = #map2}, {transform_indices = #map2}, {transform_indices = #map2}, {transform_indices = #map2}]} {
    %mul3A = arith.constant 2 : i32
    %mul3A_0 = arith.muli %arg1, %mul3A : i32
    %add3A = arith.addi %mul3A_0, %arg0 : i32
    %mul3A_1 = arith.constant 632 : i32
    %mul3A_2 = arith.muli %arg1, %mul3A_1 : i32
    %broadcast_in_dim3A = arith.constant 0.000000e+00 : f32
    %broadcast_in_dim3A_3 = vector.broadcast %broadcast_in_dim3A : f32 to vector<16xf32>
    %scan3A = arith.constant 0 : i32
    %scan3A_4 = arith.constant 0 : i32
    %scan3A_5 = arith.constant 128 : i32
    %scan3A_6 = arith.addi %scan3A_4, %scan3A_5 : i32
    %scan3A_7 = arith.constant 1 : i32
    scf.for %scan3A_202 = %scan3A_4 to %scan3A_6 step %scan3A_7  : i32 {
      %swap3A_203 = arith.index_cast %scan3A_202 : i32 to index
      %swap3A_204 = arith.constant 0 : index
      %swap3A_205 = tpu.vector_load %arg20[%swap3A_203, %swap3A_204] {strides = array<i32>} : memref<128x128xf32, #tpu.memory_space<vmem>>, vector<1x16xf32>,
      %swap3A_206 = vector.shape_cast %swap3A_205 : vector<1x16xf32> to vector<16xf32>
      %swap3A_207 = vector.shape_cast %broadcast_in_dim3A_3 : vector<16xf32> to vector<1x16xf32>
      tpu.vector_store %arg20[%swap3A_203, %swap3A_204], %swap3A_207 {strides = array<i32>} : memref<128x128xf32, #tpu.memory_space<vmem>>, vector<1x16xf32>,
      %swap3A_208 = arith.index_cast %scan3A_202 : i32 to index
      %swap3A_209 = arith.constant 16 : index
      %swap3A_210 = tpu.vector_load %arg20[%swap3A_208, %swap3A_209] {strides = array<i32>} : memref<128x128xf32, #tpu.memory_space<vmem>>, vector<1x16xf32>,
      %swap3A_211 = vector.shape_cast %swap3A_210 : vector<1x16xf32> to vector<16xf32>
      %swap3A_212 = vector.shape_cast %broadcast_in_dim3A_3 : vector<16xf32> to vector<1x16xf32>
      tpu.vector_store %arg20[%swap3A_208, %swap3A_209], %swap3A_212 {strides = array<i32>} : memref<128x128xf32, #tpu.memory_space<vmem>>, vector<1x16xf32>,
      %swap3A_213 = arith.index_cast %scan3A_202 : i32 to index
      %swap3A_214 = arith.constant 32 : index
      %swap3A_215 = tpu.vector_load %arg20[%swap3A_213, %swap3A_214] {strides = array<i32>} : memref<128x128xf32, #tpu.memory_space<vmem>>, vector<1x16xf32>,
      %swap3A_216 = vector.shape_cast %swap3A_215 : vector<1x16xf32> to vector<16xf32>
      %swap3A_217 = vector.shape_cast %broadcast_in_dim3A_3 : vector<16xf32> to vector<1x16xf32>
      tpu.vector_store %arg20[%swap3A_213, %swap3A_214], %swap3A_217 {strides = array<i32>} : memref<128x128xf32, #tpu.memory_space<vmem>>, vector<1x16xf32>,
      %swap3A_218 = arith.index_cast %scan3A_202 : i32 to index
      %swap3A_219 = arith.constant 48 : index
      %swap3A_220 = tpu.vector_load %arg20[%swap3A_218, %swap3A_219] {strides = array<i32>} : memref<128x128xf32, #tpu.memory_space<vmem>>, vector<1x16xf32>,
      %swap3A_221 = vector.shape_cast %swap3A_220 : vector<1x16xf32> to vector<16xf32>
      %swap3A_222 = vector.shape_cast %broadcast_in_dim3A_3 : vector<16xf32> to vector<1x16xf32>
      tpu.vector_store %arg20[%swap3A_218, %swap3A_219], %swap3A_222 {strides = array<i32>} : memref<128x128xf32, #tpu.memory_space<vmem>>, vector<1x16xf32>,
      %swap3A_223 = arith.index_cast %scan3A_202 : i32 to index
      %swap3A_224 = arith.constant 64 : index
      %swap3A_225 = tpu.vector_load %arg20[%swap3A_223, %swap3A_224] {strides = array<i32>} : memref<128x128xf32, #tpu.memory_space<vmem>>, vector<1x16xf32>,
      %swap3A_226 = vector.shape_cast %swap3A_225 : vector<1x16xf32> to vector<16xf32>
      %swap3A_227 = vector.shape_cast %broadcast_in_dim3A_3 : vector<16xf32> to vector<1x16xf32>
      tpu.vector_store %arg20[%swap3A_223, %swap3A_224], %swap3A_227 {strides = array<i32>} : memref<128x128xf32, #tpu.memory_space<vmem>>, vector<1x16xf32>,
      %swap3A_228 = arith.index_cast %scan3A_202 : i32 to index
      %swap3A_229 = arith.constant 80 : index
      %swap3A_230 = tpu.vector_load %arg20[%swap3A_228, %swap3A_229] {strides = array<i32>} : memref<128x128xf32, #tpu.memory_space<vmem>>, vector<1x16xf32>,
      %swap3A_231 = vector.shape_cast %swap3A_230 : vector<1x16xf32> to vector<16xf32>
      %swap3A_232 = vector.shape_cast %broadcast_in_dim3A_3 : vector<16xf32> to vector<1x16xf32>
      tpu.vector_store %arg20[%swap3A_228, %swap3A_229], %swap3A_232 {strides = array<i32>} : memref<128x128xf32, #tpu.memory_space<vmem>>, vector<1x16xf32>,
      %swap3A_233 = arith.index_cast %scan3A_202 : i32 to index
      %swap3A_234 = arith.constant 96 : index
      %swap3A_235 = tpu.vector_load %arg20[%swap3A_233, %swap3A_234] {strides = array<i32>} : memref<128x128xf32, #tpu.memory_space<vmem>>, vector<1x16xf32>,
      %swap3A_236 = vector.shape_cast %swap3A_235 : vector<1x16xf32> to vector<16xf32>
      %swap3A_237 = vector.shape_cast %broadcast_in_dim3A_3 : vector<16xf32> to vector<1x16xf32>
      tpu.vector_store %arg20[%swap3A_233, %swap3A_234], %swap3A_237 {strides = array<i32>} : memref<128x128xf32, #tpu.memory_space<vmem>>, vector<1x16xf32>,
      %swap3A_238 = arith.index_cast %scan3A_202 : i32 to index
      %swap3A_239 = arith.constant 112 : index
      %swap3A_240 = tpu.vector_load %arg20[%swap3A_238, %swap3A_239] {strides = array<i32>} : memref<128x128xf32, #tpu.memory_space<vmem>>, vector<1x16xf32>,
      %swap3A_241 = vector.shape_cast %swap3A_240 : vector<1x16xf32> to vector<16xf32>
      %swap3A_242 = vector.shape_cast %broadcast_in_dim3A_3 : vector<16xf32> to vector<1x16xf32>
      tpu.vector_store %arg20[%swap3A_238, %swap3A_239], %swap3A_242 {strides = array<i32>} : memref<128x128xf32, #tpu.memory_space<vmem>>, vector<1x16xf32>,
    }
    %scan3A_8 = arith.constant 128 : i32
    %lt3A = arith.constant 15 : i32
    %lt3A_9 = arith.cmpi slt, %arg1, %lt3A : i32
    %convert_element_type3A = arith.extui %lt3A_9 : i1 to i32
    %cond3A = arith.constant 0 : i32
    %cond3A_10 = arith.cmpi ne, %convert_element_type3A, %cond3A : i32
    scf.if %cond3A_10 {
      %add3A_202 = arith.constant 0 : i32
      %add3A_203 = arith.addi %mul3A_2, %add3A_202 : i32
      "tpu.region"() ({
        %run_scoped3A_246 = tpu.sem_alloc : memref<!tpu.dma_semaphore, #tpu.memory_space<semaphore_mem>>
        %dma_start3A_247 = arith.constant 0 : i32
        %dma_start3A_248 = tpu.memref_slice %arg11[%add3A_203, %dma_start3A_247] : memref<10000x128xf32, #tpu.memory_space<vmem_shared>> -> memref<128x128xf32, #tpu.memory_space<vmem_shared>>
        %dma_start3A_249 = arith.constant 0 : i32
        %dma_start3A_250 = tpu.memref_slice %arg11[%add3A_203, %dma_start3A_249] : memref<10000x128xf32, #tpu.memory_space<vmem_shared>> -> memref<128x128xf32, #tpu.memory_space<vmem_shared>>
        tpu.enqueue_dma source(%arg20 : memref<128x128xf32, #tpu.memory_space<vmem>>) target(%dma_start3A_250 : memref<128x128xf32, #tpu.memory_space<vmem_shared>>) target_semaphore(%run_scoped3A_246 : memref<!tpu.dma_semaphore, #tpu.memory_space<semaphore_mem>>)
        %dma_wait3A_251 = arith.constant 0 : i32
        %dma_wait3A_252 = tpu.memref_slice %arg11[%add3A_203, %dma_wait3A_251] : memref<10000x128xf32, #tpu.memory_space<vmem_shared>> -> memref<128x128xf32, #tpu.memory_space<vmem_shared>>
        %dma_wait3A_253 = arith.constant 0 : i32
        %dma_wait3A_254 = tpu.memref_slice %arg11[%add3A_203, %dma_wait3A_253] : memref<10000x128xf32, #tpu.memory_space<vmem_shared>> -> memref<128x128xf32, #tpu.memory_space<vmem_shared>>
        tpu.wait_dma2 semaphore(%run_scoped3A_246 : memref<!tpu.dma_semaphore, #tpu.memory_space<semaphore_mem>>) src(%arg20 : memref<128x128xf32, #tpu.memory_space<vmem>>) dst(%dma_wait3A_254 : memref<128x128xf32, #tpu.memory_space<vmem_shared>>)
        tpu.yield
      }) : () -> ()
      %add3A_204 = arith.constant 128 : i32
      %add3A_205 = arith.addi %mul3A_2, %add3A_204 : i32
      "tpu.region"() ({
        %run_scoped3A_246 = tpu.sem_alloc : memref<!tpu.dma_semaphore, #tpu.memory_space<semaphore_mem>>
        %dma_start3A_247 = arith.constant 0 : i32
        %dma_start3A_248 = tpu.memref_slice %arg11[%add3A_205, %dma_start3A_247] : memref<10000x128xf32, #tpu.memory_space<vmem_shared>> -> memref<128x128xf32, #tpu.memory_space<vmem_shared>>
        %dma_start3A_249 = arith.constant 0 : i32
        %dma_start3A_250 = tpu.memref_slice %arg11[%add3A_205, %dma_start3A_249] : memref<10000x128xf32, #tpu.memory_space<vmem_shared>> -> memref<128x128xf32, #tpu.memory_space<vmem_shared>>
        tpu.enqueue_dma source(%arg20 : memref<128x128xf32, #tpu.memory_space<vmem>>) target(%dma_start3A_250 : memref<128x128xf32, #tpu.memory_space<vmem_shared>>) target_semaphore(%run_scoped3A_246 : memref<!tpu.dma_semaphore, #tpu.memory_space<semaphore_mem>>)
        %dma_wait3A_251 = arith.constant 0 : i32
        %dma_wait3A_252 = tpu.memref_slice %arg11[%add3A_205, %dma_wait3A_251] : memref<10000x128xf32, #tpu.memory_space<vmem_shared>> -> memref<128x128xf32, #tpu.memory_space<vmem_shared>>
        %dma_wait3A_253 = arith.constant 0 : i32
        %dma_wait3A_254 = tpu.memref_slice %arg11[%add3A_205, %dma_wait3A_253] : memref<10000x128xf32, #tpu.memory_space<vmem_shared>> -> memref<128x128xf32, #tpu.memory_space<vmem_shared>>
        tpu.wait_dma2 semaphore(%run_scoped3A_246 : memref<!tpu.dma_semaphore, #tpu.memory_space<semaphore_mem>>) src(%arg20 : memref<128x128xf32, #tpu.memory_space<vmem>>) dst(%dma_wait3A_254 : memref<128x128xf32, #tpu.memory_space<vmem_shared>>)
        tpu.yield
      }) : () -> ()
      %add3A_206 = arith.constant 256 : i32
      %add3A_207 = arith.addi %mul3A_2, %add3A_206 : i32
      "tpu.region"() ({
        %run_scoped3A_246 = tpu.sem_alloc : memref<!tpu.dma_semaphore, #tpu.memory_space<semaphore_mem>>
        %dma_start3A_247 = arith.constant 0 : i32
        %dma_start3A_248 = tpu.memref_slice %arg11[%add3A_207, %dma_start3A_247] : memref<10000x128xf32, #tpu.memory_space<vmem_shared>> -> memref<128x128xf32, #tpu.memory_space<vmem_shared>>
        %dma_start3A_249 = arith.constant 0 : i32
        %dma_start3A_250 = tpu.memref_slice %arg11[%add3A_207, %dma_start3A_249] : memref<10000x128xf32, #tpu.memory_space<vmem_shared>> -> memref<128x128xf32, #tpu.memory_space<vmem_shared>>
        tpu.enqueue_dma source(%arg20 : memref<128x128xf32, #tpu.memory_space<vmem>>) target(%dma_start3A_250 : memref<128x128xf32, #tpu.memory_space<vmem_shared>>) target_semaphore(%run_scoped3A_246 : memref<!tpu.dma_semaphore, #tpu.memory_space<semaphore_mem>>)
        %dma_wait3A_251 = arith.constant 0 : i32
        %dma_wait3A_252 = tpu.memref_slice %arg11[%add3A_207, %dma_wait3A_251] : memref<10000x128xf32, #tpu.memory_space<vmem_shared>> -> memref<128x128xf32, #tpu.memory_space<vmem_shared>>
        %dma_wait3A_253 = arith.constant 0 : i32
        %dma_wait3A_254 = tpu.memref_slice %arg11[%add3A_207, %dma_wait3A_253] : memref<10000x128xf32, #tpu.memory_space<vmem_shared>> -> memref<128x128xf32, #tpu.memory_space<vmem_shared>>
        tpu.wait_dma2 semaphore(%run_scoped3A_246 : memref<!tpu.dma_semaphore, #tpu.memory_space<semaphore_mem>>) src(%arg20 : memref<128x128xf32, #tpu.memory_space<vmem>>) dst(%dma_wait3A_254 : memref<128x128xf32, #tpu.memory_space<vmem_shared>>)
        tpu.yield
      }) : () -> ()
      %add3A_208 = arith.constant 384 : i32
      %add3A_209 = arith.addi %mul3A_2, %add3A_208 : i32
      "tpu.region"() ({
        %run_scoped3A_246 = tpu.sem_alloc : memref<!tpu.dma_semaphore, #tpu.memory_space<semaphore_mem>>
        %dma_start3A_247 = arith.constant 0 : i32
        %dma_start3A_248 = tpu.memref_slice %arg11[%add3A_209, %dma_start3A_247] : memref<10000x128xf32, #tpu.memory_space<vmem_shared>> -> memref<128x128xf32, #tpu.memory_space<vmem_shared>>
        %dma_start3A_249 = arith.constant 0 : i32
        %dma_start3A_250 = tpu.memref_slice %arg11[%add3A_209, %dma_start3A_249] : memref<10000x128xf32, #tpu.memory_space<vmem_shared>> -> memref<128x128xf32, #tpu.memory_space<vmem_shared>>
        tpu.enqueue_dma source(%arg20 : memref<128x128xf32, #tpu.memory_space<vmem>>) target(%dma_start3A_250 : memref<128x128xf32, #tpu.memory_space<vmem_shared>>) target_semaphore(%run_scoped3A_246 : memref<!tpu.dma_semaphore, #tpu.memory_space<semaphore_mem>>)
        %dma_wait3A_251 = arith.constant 0 : i32
        %dma_wait3A_252 = tpu.memref_slice %arg11[%add3A_209, %dma_wait3A_251] : memref<10000x128xf32, #tpu.memory_space<vmem_shared>> -> memref<128x128xf32, #tpu.memory_space<vmem_shared>>
        %dma_wait3A_253 = arith.constant 0 : i32
        %dma_wait3A_254 = tpu.memref_slice %arg11[%add3A_209, %dma_wait3A_253] : memref<10000x128xf32, #tpu.memory_space<vmem_shared>> -> memref<128x128xf32, #tpu.memory_space<vmem_shared>>
        tpu.wait_dma2 semaphore(%run_scoped3A_246 : memref<!tpu.dma_semaphore, #tpu.memory_space<semaphore_mem>>) src(%arg20 : memref<128x128xf32, #tpu.memory_space<vmem>>) dst(%dma_wait3A_254 : memref<128x128xf32, #tpu.memory_space<vmem_shared>>)
        tpu.yield
      }) : () -> ()
      %add3A_210 = arith.constant 632 : i32
      %add3A_211 = arith.addi %mul3A_2, %add3A_210 : i32
      %sub3A = arith.constant 120 : i32
      %sub3A_212 = arith.subi %add3A_211, %sub3A : i32
      "tpu.region"() ({
        %run_scoped3A_246 = tpu.sem_alloc : memref<!tpu.dma_semaphore, #tpu.memory_space<semaphore_mem>>
        %dma_start3A_247 = arith.constant 0 : i32
        %dma_start3A_248 = arith.constant 0 : i32
        %dma_start3A_249 = tpu.memref_slice %arg20[%dma_start3A_247, %dma_start3A_248] : memref<128x128xf32, #tpu.memory_space<vmem>> -> memref<120x128xf32, #tpu.memory_space<vmem>>
        %dma_start3A_250 = arith.constant 0 : i32
        %dma_start3A_251 = tpu.memref_slice %arg11[%sub3A_212, %dma_start3A_250] : memref<10000x128xf32, #tpu.memory_space<vmem_shared>> -> memref<120x128xf32, #tpu.memory_space<vmem_shared>>
        %dma_start3A_252 = arith.constant 0 : i32
        %dma_start3A_253 = tpu.memref_slice %arg11[%sub3A_212, %dma_start3A_252] : memref<10000x128xf32, #tpu.memory_space<vmem_shared>> -> memref<120x128xf32, #tpu.memory_space<vmem_shared>>
        %dma_start3A_254 = arith.constant 0 : i32
        %dma_start3A_255 = arith.constant 0 : i32
        %dma_start3A_256 = tpu.memref_slice %arg20[%dma_start3A_254, %dma_start3A_255] : memref<128x128xf32, #tpu.memory_space<vmem>> -> memref<120x128xf32, #tpu.memory_space<vmem>>
        tpu.enqueue_dma source(%dma_start3A_256 : memref<120x128xf32, #tpu.memory_space<vmem>>) target(%dma_start3A_253 : memref<120x128xf32, #tpu.memory_space<vmem_shared>>) target_semaphore(%run_scoped3A_246 : memref<!tpu.dma_semaphore, #tpu.memory_space<semaphore_mem>>)
        %dma_wait3A_257 = arith.constant 0 : i32
        %dma_wait3A_258 = arith.constant 0 : i32
        %dma_wait3A_259 = tpu.memref_slice %arg20[%dma_wait3A_257, %dma_wait3A_258] : memref<128x128xf32, #tpu.memory_space<vmem>> -> memref<120x128xf32, #tpu.memory_space<vmem>>
        %dma_wait3A_260 = arith.constant 0 : i32
        %dma_wait3A_261 = tpu.memref_slice %arg11[%sub3A_212, %dma_wait3A_260] : memref<10000x128xf32, #tpu.memory_space<vmem_shared>> -> memref<120x128xf32, #tpu.memory_space<vmem_shared>>
        %dma_wait3A_262 = arith.constant 0 : i32
        %dma_wait3A_263 = tpu.memref_slice %arg11[%sub3A_212, %dma_wait3A_262] : memref<10000x128xf32, #tpu.memory_space<vmem_shared>> -> memref<120x128xf32, #tpu.memory_space<vmem_shared>>
        %dma_wait3A_264 = arith.constant 0 : i32
        %dma_wait3A_265 = arith.constant 0 : i32
        %dma_wait3A_266 = tpu.memref_slice %arg20[%dma_wait3A_264, %dma_wait3A_265] : memref<128x128xf32, #tpu.memory_space<vmem>> -> memref<120x128xf32, #tpu.memory_space<vmem>>
        tpu.wait_dma2 semaphore(%run_scoped3A_246 : memref<!tpu.dma_semaphore, #tpu.memory_space<semaphore_mem>>) src(%dma_wait3A_266 : memref<120x128xf32, #tpu.memory_space<vmem>>) dst(%dma_wait3A_263 : memref<120x128xf32, #tpu.memory_space<vmem_shared>>)
        tpu.yield
      }) : () -> ()
      %add3A_213 = arith.constant 0 : i32
      %add3A_214 = arith.addi %mul3A_2, %add3A_213 : i32
      %run_scoped3A = arith.constant 0 : i32
      "tpu.region"() ({
        %run_scoped3A_246 = tpu.sem_alloc : memref<!tpu.dma_semaphore, #tpu.memory_space<semaphore_mem>>
        %dma_start3A_247 = arith.constant 0 : i32
        %dma_start3A_248 = tpu.memref_slice %arg20[%run_scoped3A, %dma_start3A_247] : memref<128x128xf32, #tpu.memory_space<vmem>> -> memref<1x128xf32, #tpu.memory_space<vmem>>
        %dma_start3A_249 = tpu.memref_squeeze %dma_start3A_248 : memref<1x128xf32, #tpu.memory_space<vmem>> -> memref<128xf32, #tpu.memory_space<vmem>>
        %dma_start3A_250 = tpu.memref_slice %arg12[%add3A_214] : memref<10000xf32, #tpu.memory_space<vmem_shared>> -> memref<128xf32, #tpu.memory_space<vmem_shared>>
        %dma_start3A_251 = tpu.memref_slice %arg12[%add3A_214] : memref<10000xf32, #tpu.memory_space<vmem_shared>> -> memref<128xf32, #tpu.memory_space<vmem_shared>>
        %dma_start3A_252 = arith.constant 0 : i32
        %dma_start3A_253 = tpu.memref_slice %arg20[%run_scoped3A, %dma_start3A_252] : memref<128x128xf32, #tpu.memory_space<vmem>> -> memref<1x128xf32, #tpu.memory_space<vmem>>
        %dma_start3A_254 = tpu.memref_squeeze %dma_start3A_253 : memref<1x128xf32, #tpu.memory_space<vmem>> -> memref<128xf32, #tpu.memory_space<vmem>>
        tpu.enqueue_dma source(%dma_start3A_254 : memref<128xf32, #tpu.memory_space<vmem>>) target(%dma_start3A_251 : memref<128xf32, #tpu.memory_space<vmem_shared>>) target_semaphore(%run_scoped3A_246 : memref<!tpu.dma_semaphore, #tpu.memory_space<semaphore_mem>>)
        %dma_wait3A_255 = arith.constant 0 : i32
        %dma_wait3A_256 = tpu.memref_slice %arg20[%run_scoped3A, %dma_wait3A_255] : memref<128x128xf32, #tpu.memory_space<vmem>> -> memref<1x128xf32, #tpu.memory_space<vmem>>
        %dma_wait3A_257 = tpu.memref_squeeze %dma_wait3A_256 : memref<1x128xf32, #tpu.memory_space<vmem>> -> memref<128xf32, #tpu.memory_space<vmem>>
        %dma_wait3A_258 = tpu.memref_slice %arg12[%add3A_214] : memref<10000xf32, #tpu.memory_space<vmem_shared>> -> memref<128xf32, #tpu.memory_space<vmem_shared>>
        %dma_wait3A_259 = tpu.memref_slice %arg12[%add3A_214] : memref<10000xf32, #tpu.memory_space<vmem_shared>> -> memref<128xf32, #tpu.memory_space<vmem_shared>>
        %dma_wait3A_260 = arith.constant 0 : i32
        %dma_wait3A_261 = tpu.memref_slice %arg20[%run_scoped3A, %dma_wait3A_260] : memref<128x128xf32, #tpu.memory_space<vmem>> -> memref<1x128xf32, #tpu.memory_space<vmem>>
        %dma_wait3A_262 = tpu.memref_squeeze %dma_wait3A_261 : memref<1x128xf32, #tpu.memory_space<vmem>> -> memref<128xf32, #tpu.memory_space<vmem>>
        tpu.wait_dma2 semaphore(%run_scoped3A_246 : memref<!tpu.dma_semaphore, #tpu.memory_space<semaphore_mem>>) src(%dma_wait3A_262 : memref<128xf32, #tpu.memory_space<vmem>>) dst(%dma_wait3A_259 : memref<128xf32, #tpu.memory_space<vmem_shared>>)
        tpu.yield
      }) : () -> ()
      %add3A_215 = arith.constant 128 : i32
      %add3A_216 = arith.addi %mul3A_2, %add3A_215 : i32
      %run_scoped3A_217 = arith.constant 0 : i32
      "tpu.region"() ({
        %run_scoped3A_246 = tpu.sem_alloc : memref<!tpu.dma_semaphore, #tpu.memory_space<semaphore_mem>>
        %dma_start3A_247 = arith.constant 0 : i32
        %dma_start3A_248 = tpu.memref_slice %arg20[%run_scoped3A_217, %dma_start3A_247] : memref<128x128xf32, #tpu.memory_space<vmem>> -> memref<1x128xf32, #tpu.memory_space<vmem>>
        %dma_start3A_249 = tpu.memref_squeeze %dma_start3A_248 : memref<1x128xf32, #tpu.memory_space<vmem>> -> memref<128xf32, #tpu.memory_space<vmem>>
        %dma_start3A_250 = tpu.memref_slice %arg12[%add3A_216] : memref<10000xf32, #tpu.memory_space<vmem_shared>> -> memref<128xf32, #tpu.memory_space<vmem_shared>>
        %dma_start3A_251 = tpu.memref_slice %arg12[%add3A_216] : memref<10000xf32, #tpu.memory_space<vmem_shared>> -> memref<128xf32, #tpu.memory_space<vmem_shared>>
        %dma_start3A_252 = arith.constant 0 : i32
        %dma_start3A_253 = tpu.memref_slice %arg20[%run_scoped3A_217, %dma_start3A_252] : memref<128x128xf32, #tpu.memory_space<vmem>> -> memref<1x128xf32, #tpu.memory_space<vmem>>
        %dma_start3A_254 = tpu.memref_squeeze %dma_start3A_253 : memref<1x128xf32, #tpu.memory_space<vmem>> -> memref<128xf32, #tpu.memory_space<vmem>>
        tpu.enqueue_dma source(%dma_start3A_254 : memref<128xf32, #tpu.memory_space<vmem>>) target(%dma_start3A_251 : memref<128xf32, #tpu.memory_space<vmem_shared>>) target_semaphore(%run_scoped3A_246 : memref<!tpu.dma_semaphore, #tpu.memory_space<semaphore_mem>>)
        %dma_wait3A_255 = arith.constant 0 : i32
        %dma_wait3A_256 = tpu.memref_slice %arg20[%run_scoped3A_217, %dma_wait3A_255] : memref<128x128xf32, #tpu.memory_space<vmem>> -> memref<1x128xf32, #tpu.memory_space<vmem>>
        %dma_wait3A_257 = tpu.memref_squeeze %dma_wait3A_256 : memref<1x128xf32, #tpu.memory_space<vmem>> -> memref<128xf32, #tpu.memory_space<vmem>>
        %dma_wait3A_258 = tpu.memref_slice %arg12[%add3A_216] : memref<10000xf32, #tpu.memory_space<vmem_shared>> -> memref<128xf32, #tpu.memory_space<vmem_shared>>
        %dma_wait3A_259 = tpu.memref_slice %arg12[%add3A_216] : memref<10000xf32, #tpu.memory_space<vmem_shared>> -> memref<128xf32, #tpu.memory_space<vmem_shared>>
        %dma_wait3A_260 = arith.constant 0 : i32
        %dma_wait3A_261 = tpu.memref_slice %arg20[%run_scoped3A_217, %dma_wait3A_260] : memref<128x128xf32, #tpu.memory_space<vmem>> -> memref<1x128xf32, #tpu.memory_space<vmem>>
        %dma_wait3A_262 = tpu.memref_squeeze %dma_wait3A_261 : memref<1x128xf32, #tpu.memory_space<vmem>> -> memref<128xf32, #tpu.memory_space<vmem>>
        tpu.wait_dma2 semaphore(%run_scoped3A_246 : memref<!tpu.dma_semaphore, #tpu.memory_space<semaphore_mem>>) src(%dma_wait3A_262 : memref<128xf32, #tpu.memory_space<vmem>>) dst(%dma_wait3A_259 : memref<128xf32, #tpu.memory_space<vmem_shared>>)
        tpu.yield
      }) : () -> ()
      %add3A_218 = arith.constant 256 : i32
      %add3A_219 = arith.addi %mul3A_2, %add3A_218 : i32
      %run_scoped3A_220 = arith.constant 0 : i32
      "tpu.region"() ({
        %run_scoped3A_246 = tpu.sem_alloc : memref<!tpu.dma_semaphore, #tpu.memory_space<semaphore_mem>>
        %dma_start3A_247 = arith.constant 0 : i32
        %dma_start3A_248 = tpu.memref_slice %arg20[%run_scoped3A_220, %dma_start3A_247] : memref<128x128xf32, #tpu.memory_space<vmem>> -> memref<1x128xf32, #tpu.memory_space<vmem>>
        %dma_start3A_249 = tpu.memref_squeeze %dma_start3A_248 : memref<1x128xf32, #tpu.memory_space<vmem>> -> memref<128xf32, #tpu.memory_space<vmem>>
        %dma_start3A_250 = tpu.memref_slice %arg12[%add3A_219] : memref<10000xf32, #tpu.memory_space<vmem_shared>> -> memref<128xf32, #tpu.memory_space<vmem_shared>>
        %dma_start3A_251 = tpu.memref_slice %arg12[%add3A_219] : memref<10000xf32, #tpu.memory_space<vmem_shared>> -> memref<128xf32, #tpu.memory_space<vmem_shared>>
        %dma_start3A_252 = arith.constant 0 : i32
        %dma_start3A_253 = tpu.memref_slice %arg20[%run_scoped3A_220, %dma_start3A_252] : memref<128x128xf32, #tpu.memory_space<vmem>> -> memref<1x128xf32, #tpu.memory_space<vmem>>
        %dma_start3A_254 = tpu.memref_squeeze %dma_start3A_253 : memref<1x128xf32, #tpu.memory_space<vmem>> -> memref<128xf32, #tpu.memory_space<vmem>>
        tpu.enqueue_dma source(%dma_start3A_254 : memref<128xf32, #tpu.memory_space<vmem>>) target(%dma_start3A_251 : memref<128xf32, #tpu.memory_space<vmem_shared>>) target_semaphore(%run_scoped3A_246 : memref<!tpu.dma_semaphore, #tpu.memory_space<semaphore_mem>>)
        %dma_wait3A_255 = arith.constant 0 : i32
        %dma_wait3A_256 = tpu.memref_slice %arg20[%run_scoped3A_220, %dma_wait3A_255] : memref<128x128xf32, #tpu.memory_space<vmem>> -> memref<1x128xf32, #tpu.memory_space<vmem>>
        %dma_wait3A_257 = tpu.memref_squeeze %dma_wait3A_256 : memref<1x128xf32, #tpu.memory_space<vmem>> -> memref<128xf32, #tpu.memory_space<vmem>>
        %dma_wait3A_258 = tpu.memref_slice %arg12[%add3A_219] : memref<10000xf32, #tpu.memory_space<vmem_shared>> -> memref<128xf32, #tpu.memory_space<vmem_shared>>
        %dma_wait3A_259 = tpu.memref_slice %arg12[%add3A_219] : memref<10000xf32, #tpu.memory_space<vmem_shared>> -> memref<128xf32, #tpu.memory_space<vmem_shared>>
        %dma_wait3A_260 = arith.constant 0 : i32
        %dma_wait3A_261 = tpu.memref_slice %arg20[%run_scoped3A_220, %dma_wait3A_260] : memref<128x128xf32, #tpu.memory_space<vmem>> -> memref<1x128xf32, #tpu.memory_space<vmem>>
        %dma_wait3A_262 = tpu.memref_squeeze %dma_wait3A_261 : memref<1x128xf32, #tpu.memory_space<vmem>> -> memref<128xf32, #tpu.memory_space<vmem>>
        tpu.wait_dma2 semaphore(%run_scoped3A_246 : memref<!tpu.dma_semaphore, #tpu.memory_space<semaphore_mem>>) src(%dma_wait3A_262 : memref<128xf32, #tpu.memory_space<vmem>>) dst(%dma_wait3A_259 : memref<128xf32, #tpu.memory_space<vmem_shared>>)
        tpu.yield
      }) : () -> ()
      %add3A_221 = arith.constant 384 : i32
      %add3A_222 = arith.addi %mul3A_2, %add3A_221 : i32
      %run_scoped3A_223 = arith.constant 0 : i32
      "tpu.region"() ({
        %run_scoped3A_246 = tpu.sem_alloc : memref<!tpu.dma_semaphore, #tpu.memory_space<semaphore_mem>>
        %dma_start3A_247 = arith.constant 0 : i32
        %dma_start3A_248 = tpu.memref_slice %arg20[%run_scoped3A_223, %dma_start3A_247] : memref<128x128xf32, #tpu.memory_space<vmem>> -> memref<1x128xf32, #tpu.memory_space<vmem>>
        %dma_start3A_249 = tpu.memref_squeeze %dma_start3A_248 : memref<1x128xf32, #tpu.memory_space<vmem>> -> memref<128xf32, #tpu.memory_space<vmem>>
        %dma_start3A_250 = tpu.memref_slice %arg12[%add3A_222] : memref<10000xf32, #tpu.memory_space<vmem_shared>> -> memref<128xf32, #tpu.memory_space<vmem_shared>>
        %dma_start3A_251 = tpu.memref_slice %arg12[%add3A_222] : memref<10000xf32, #tpu.memory_space<vmem_shared>> -> memref<128xf32, #tpu.memory_space<vmem_shared>>
        %dma_start3A_252 = arith.constant 0 : i32
        %dma_start3A_253 = tpu.memref_slice %arg20[%run_scoped3A_223, %dma_start3A_252] : memref<128x128xf32, #tpu.memory_space<vmem>> -> memref<1x128xf32, #tpu.memory_space<vmem>>
        %dma_start3A_254 = tpu.memref_squeeze %dma_start3A_253 : memref<1x128xf32, #tpu.memory_space<vmem>> -> memref<128xf32, #tpu.memory_space<vmem>>
        tpu.enqueue_dma source(%dma_start3A_254 : memref<128xf32, #tpu.memory_space<vmem>>) target(%dma_start3A_251 : memref<128xf32, #tpu.memory_space<vmem_shared>>) target_semaphore(%run_scoped3A_246 : memref<!tpu.dma_semaphore, #tpu.memory_space<semaphore_mem>>)
        %dma_wait3A_255 = arith.constant 0 : i32
        %dma_wait3A_256 = tpu.memref_slice %arg20[%run_scoped3A_223, %dma_wait3A_255] : memref<128x128xf32, #tpu.memory_space<vmem>> -> memref<1x128xf32, #tpu.memory_space<vmem>>
        %dma_wait3A_257 = tpu.memref_squeeze %dma_wait3A_256 : memref<1x128xf32, #tpu.memory_space<vmem>> -> memref<128xf32, #tpu.memory_space<vmem>>
        %dma_wait3A_258 = tpu.memref_slice %arg12[%add3A_222] : memref<10000xf32, #tpu.memory_space<vmem_shared>> -> memref<128xf32, #tpu.memory_space<vmem_shared>>
        %dma_wait3A_259 = tpu.memref_slice %arg12[%add3A_222] : memref<10000xf32, #tpu.memory_space<vmem_shared>> -> memref<128xf32, #tpu.memory_space<vmem_shared>>
        %dma_wait3A_260 = arith.constant 0 : i32
        %dma_wait3A_261 = tpu.memref_slice %arg20[%run_scoped3A_223, %dma_wait3A_260] : memref<128x128xf32, #tpu.memory_space<vmem>> -> memref<1x128xf32, #tpu.memory_space<vmem>>
        %dma_wait3A_262 = tpu.memref_squeeze %dma_wait3A_261 : memref<1x128xf32, #tpu.memory_space<vmem>> -> memref<128xf32, #tpu.memory_space<vmem>>
        tpu.wait_dma2 semaphore(%run_scoped3A_246 : memref<!tpu.dma_semaphore, #tpu.memory_space<semaphore_mem>>) src(%dma_wait3A_262 : memref<128xf32, #tpu.memory_space<vmem>>) dst(%dma_wait3A_259 : memref<128xf32, #tpu.memory_space<vmem_shared>>)
        tpu.yield
      }) : () -> ()
      %add3A_224 = arith.constant 632 : i32
      %add3A_225 = arith.addi %mul3A_2, %add3A_224 : i32
      %sub3A_226 = arith.constant 120 : i32
      %sub3A_227 = arith.subi %add3A_225, %sub3A_226 : i32
      %run_scoped3A_228 = arith.constant 0 : i32
      "tpu.region"() ({
        %run_scoped3A_246 = tpu.sem_alloc : memref<!tpu.dma_semaphore, #tpu.memory_space<semaphore_mem>>
        %dma_start3A_247 = arith.constant 0 : i32
        %dma_start3A_248 = tpu.memref_slice %arg20[%run_scoped3A_228, %dma_start3A_247] : memref<128x128xf32, #tpu.memory_space<vmem>> -> memref<1x120xf32, #tpu.memory_space<vmem>>
        %dma_start3A_249 = tpu.memref_squeeze %dma_start3A_248 : memref<1x120xf32, #tpu.memory_space<vmem>> -> memref<120xf32, #tpu.memory_space<vmem>>
        %dma_start3A_250 = tpu.memref_slice %arg12[%sub3A_227] : memref<10000xf32, #tpu.memory_space<vmem_shared>> -> memref<120xf32, #tpu.memory_space<vmem_shared>>
        %dma_start3A_251 = tpu.memref_slice %arg12[%sub3A_227] : memref<10000xf32, #tpu.memory_space<vmem_shared>> -> memref<120xf32, #tpu.memory_space<vmem_shared>>
        %dma_start3A_252 = arith.constant 0 : i32
        %dma_start3A_253 = tpu.memref_slice %arg20[%run_scoped3A_228, %dma_start3A_252] : memref<128x128xf32, #tpu.memory_space<vmem>> -> memref<1x120xf32, #tpu.memory_space<vmem>>
        %dma_start3A_254 = tpu.memref_squeeze %dma_start3A_253 : memref<1x120xf32, #tpu.memory_space<vmem>> -> memref<120xf32, #tpu.memory_space<vmem>>
        tpu.enqueue_dma source(%dma_start3A_254 : memref<120xf32, #tpu.memory_space<vmem>>) target(%dma_start3A_251 : memref<120xf32, #tpu.memory_space<vmem_shared>>) target_semaphore(%run_scoped3A_246 : memref<!tpu.dma_semaphore, #tpu.memory_space<semaphore_mem>>)
        %dma_wait3A_255 = arith.constant 0 : i32
        %dma_wait3A_256 = tpu.memref_slice %arg20[%run_scoped3A_228, %dma_wait3A_255] : memref<128x128xf32, #tpu.memory_space<vmem>> -> memref<1x120xf32, #tpu.memory_space<vmem>>
        %dma_wait3A_257 = tpu.memref_squeeze %dma_wait3A_256 : memref<1x120xf32, #tpu.memory_space<vmem>> -> memref<120xf32, #tpu.memory_space<vmem>>
        %dma_wait3A_258 = tpu.memref_slice %arg12[%sub3A_227] : memref<10000xf32, #tpu.memory_space<vmem_shared>> -> memref<120xf32, #tpu.memory_space<vmem_shared>>
        %dma_wait3A_259 = tpu.memref_slice %arg12[%sub3A_227] : memref<10000xf32, #tpu.memory_space<vmem_shared>> -> memref<120xf32, #tpu.memory_space<vmem_shared>>
        %dma_wait3A_260 = arith.constant 0 : i32
        %dma_wait3A_261 = tpu.memref_slice %arg20[%run_scoped3A_228, %dma_wait3A_260] : memref<128x128xf32, #tpu.memory_space<vmem>> -> memref<1x120xf32, #tpu.memory_space<vmem>>
        %dma_wait3A_262 = tpu.memref_squeeze %dma_wait3A_261 : memref<1x120xf32, #tpu.memory_space<vmem>> -> memref<120xf32, #tpu.memory_space<vmem>>
        tpu.wait_dma2 semaphore(%run_scoped3A_246 : memref<!tpu.dma_semaphore, #tpu.memory_space<semaphore_mem>>) src(%dma_wait3A_262 : memref<120xf32, #tpu.memory_space<vmem>>) dst(%dma_wait3A_259 : memref<120xf32, #tpu.memory_space<vmem_shared>>)
        tpu.yield
      }) : () -> ()
      %add3A_229 = arith.constant 0 : i32
      %add3A_230 = arith.addi %mul3A_2, %add3A_229 : i32
      %run_scoped3A_231 = arith.constant 0 : i32
      "tpu.region"() ({
        %run_scoped3A_246 = tpu.sem_alloc : memref<!tpu.dma_semaphore, #tpu.memory_space<semaphore_mem>>
        %dma_start3A_247 = arith.constant 0 : i32
        %dma_start3A_248 = tpu.memref_slice %arg20[%run_scoped3A_231, %dma_start3A_247] : memref<128x128xf32, #tpu.memory_space<vmem>> -> memref<1x128xf32, #tpu.memory_space<vmem>>
        %dma_start3A_249 = tpu.memref_squeeze %dma_start3A_248 : memref<1x128xf32, #tpu.memory_space<vmem>> -> memref<128xf32, #tpu.memory_space<vmem>>
        %dma_start3A_250 = tpu.memref_slice %arg13[%add3A_230] : memref<10000xf32, #tpu.memory_space<vmem_shared>> -> memref<128xf32, #tpu.memory_space<vmem_shared>>
        %dma_start3A_251 = tpu.memref_slice %arg13[%add3A_230] : memref<10000xf32, #tpu.memory_space<vmem_shared>> -> memref<128xf32, #tpu.memory_space<vmem_shared>>
        %dma_start3A_252 = arith.constant 0 : i32
        %dma_start3A_253 = tpu.memref_slice %arg20[%run_scoped3A_231, %dma_start3A_252] : memref<128x128xf32, #tpu.memory_space<vmem>> -> memref<1x128xf32, #tpu.memory_space<vmem>>
        %dma_start3A_254 = tpu.memref_squeeze %dma_start3A_253 : memref<1x128xf32, #tpu.memory_space<vmem>> -> memref<128xf32, #tpu.memory_space<vmem>>
        tpu.enqueue_dma source(%dma_start3A_254 : memref<128xf32, #tpu.memory_space<vmem>>) target(%dma_start3A_251 : memref<128xf32, #tpu.memory_space<vmem_shared>>) target_semaphore(%run_scoped3A_246 : memref<!tpu.dma_semaphore, #tpu.memory_space<semaphore_mem>>)
        %dma_wait3A_255 = arith.constant 0 : i32
        %dma_wait3A_256 = tpu.memref_slice %arg20[%run_scoped3A_231, %dma_wait3A_255] : memref<128x128xf32, #tpu.memory_space<vmem>> -> memref<1x128xf32, #tpu.memory_space<vmem>>
        %dma_wait3A_257 = tpu.memref_squeeze %dma_wait3A_256 : memref<1x128xf32, #tpu.memory_space<vmem>> -> memref<128xf32, #tpu.memory_space<vmem>>
        %dma_wait3A_258 = tpu.memref_slice %arg13[%add3A_230] : memref<10000xf32, #tpu.memory_space<vmem_shared>> -> memref<128xf32, #tpu.memory_space<vmem_shared>>
        %dma_wait3A_259 = tpu.memref_slice %arg13[%add3A_230] : memref<10000xf32, #tpu.memory_space<vmem_shared>> -> memref<128xf32, #tpu.memory_space<vmem_shared>>
        %dma_wait3A_260 = arith.constant 0 : i32
        %dma_wait3A_261 = tpu.memref_slice %arg20[%run_scoped3A_231, %dma_wait3A_260] : memref<128x128xf32, #tpu.memory_space<vmem>> -> memref<1x128xf32, #tpu.memory_space<vmem>>
        %dma_wait3A_262 = tpu.memref_squeeze %dma_wait3A_261 : memref<1x128xf32, #tpu.memory_space<vmem>> -> memref<128xf32, #tpu.memory_space<vmem>>
        tpu.wait_dma2 semaphore(%run_scoped3A_246 : memref<!tpu.dma_semaphore, #tpu.memory_space<semaphore_mem>>) src(%dma_wait3A_262 : memref<128xf32, #tpu.memory_space<vmem>>) dst(%dma_wait3A_259 : memref<128xf32, #tpu.memory_space<vmem_shared>>)
        tpu.yield
      }) : () -> ()
      %add3A_232 = arith.constant 128 : i32
      %add3A_233 = arith.addi %mul3A_2, %add3A_232 : i32
      %run_scoped3A_234 = arith.constant 0 : i32
      "tpu.region"() ({
        %run_scoped3A_246 = tpu.sem_alloc : memref<!tpu.dma_semaphore, #tpu.memory_space<semaphore_mem>>
        %dma_start3A_247 = arith.constant 0 : i32
        %dma_start3A_248 = tpu.memref_slice %arg20[%run_scoped3A_234, %dma_start3A_247] : memref<128x128xf32, #tpu.memory_space<vmem>> -> memref<1x128xf32, #tpu.memory_space<vmem>>
        %dma_start3A_249 = tpu.memref_squeeze %dma_start3A_248 : memref<1x128xf32, #tpu.memory_space<vmem>> -> memref<128xf32, #tpu.memory_space<vmem>>
        %dma_start3A_250 = tpu.memref_slice %arg13[%add3A_233] : memref<10000xf32, #tpu.memory_space<vmem_shared>> -> memref<128xf32, #tpu.memory_space<vmem_shared>>
        %dma_start3A_251 = tpu.memref_slice %arg13[%add3A_233] : memref<10000xf32, #tpu.memory_space<vmem_shared>> -> memref<128xf32, #tpu.memory_space<vmem_shared>>
        %dma_start3A_252 = arith.constant 0 : i32
        %dma_start3A_253 = tpu.memref_slice %arg20[%run_scoped3A_234, %dma_start3A_252] : memref<128x128xf32, #tpu.memory_space<vmem>> -> memref<1x128xf32, #tpu.memory_space<vmem>>
        %dma_start3A_254 = tpu.memref_squeeze %dma_start3A_253 : memref<1x128xf32, #tpu.memory_space<vmem>> -> memref<128xf32, #tpu.memory_space<vmem>>
        tpu.enqueue_dma source(%dma_start3A_254 : memref<128xf32, #tpu.memory_space<vmem>>) target(%dma_start3A_251 : memref<128xf32, #tpu.memory_space<vmem_shared>>) target_semaphore(%run_scoped3A_246 : memref<!tpu.dma_semaphore, #tpu.memory_space<semaphore_mem>>)
        %dma_wait3A_255 = arith.constant 0 : i32
        %dma_wait3A_256 = tpu.memref_slice %arg20[%run_scoped3A_234, %dma_wait3A_255] : memref<128x128xf32, #tpu.memory_space<vmem>> -> memref<1x128xf32, #tpu.memory_space<vmem>>
        %dma_wait3A_257 = tpu.memref_squeeze %dma_wait3A_256 : memref<1x128xf32, #tpu.memory_space<vmem>> -> memref<128xf32, #tpu.memory_space<vmem>>
        %dma_wait3A_258 = tpu.memref_slice %arg13[%add3A_233] : memref<10000xf32, #tpu.memory_space<vmem_shared>> -> memref<128xf32, #tpu.memory_space<vmem_shared>>
        %dma_wait3A_259 = tpu.memref_slice %arg13[%add3A_233] : memref<10000xf32, #tpu.memory_space<vmem_shared>> -> memref<128xf32, #tpu.memory_space<vmem_shared>>
        %dma_wait3A_260 = arith.constant 0 : i32
        %dma_wait3A_261 = tpu.memref_slice %arg20[%run_scoped3A_234, %dma_wait3A_260] : memref<128x128xf32, #tpu.memory_space<vmem>> -> memref<1x128xf32, #tpu.memory_space<vmem>>
        %dma_wait3A_262 = tpu.memref_squeeze %dma_wait3A_261 : memref<1x128xf32, #tpu.memory_space<vmem>> -> memref<128xf32, #tpu.memory_space<vmem>>
        tpu.wait_dma2 semaphore(%run_scoped3A_246 : memref<!tpu.dma_semaphore, #tpu.memory_space<semaphore_mem>>) src(%dma_wait3A_262 : memref<128xf32, #tpu.memory_space<vmem>>) dst(%dma_wait3A_259 : memref<128xf32, #tpu.memory_space<vmem_shared>>)
        tpu.yield
      }) : () -> ()
      %add3A_235 = arith.constant 256 : i32
      %add3A_236 = arith.addi %mul3A_2, %add3A_235 : i32
      %run_scoped3A_237 = arith.constant 0 : i32
      "tpu.region"() ({
        %run_scoped3A_246 = tpu.sem_alloc : memref<!tpu.dma_semaphore, #tpu.memory_space<semaphore_mem>>
        %dma_start3A_247 = arith.constant 0 : i32
        %dma_start3A_248 = tpu.memref_slice %arg20[%run_scoped3A_237, %dma_start3A_247] : memref<128x128xf32, #tpu.memory_space<vmem>> -> memref<1x128xf32, #tpu.memory_space<vmem>>
        %dma_start3A_249 = tpu.memref_squeeze %dma_start3A_248 : memref<1x128xf32, #tpu.memory_space<vmem>> -> memref<128xf32, #tpu.memory_space<vmem>>
        %dma_start3A_250 = tpu.memref_slice %arg13[%add3A_236] : memref<10000xf32, #tpu.memory_space<vmem_shared>> -> memref<128xf32, #tpu.memory_space<vmem_shared>>
        %dma_start3A_251 = tpu.memref_slice %arg13[%add3A_236] : memref<10000xf32, #tpu.memory_space<vmem_shared>> -> memref<128xf32, #tpu.memory_space<vmem_shared>>
        %dma_start3A_252 = arith.constant 0 : i32
        %dma_start3A_253 = tpu.memref_slice %arg20[%run_scoped3A_237, %dma_start3A_252] : memref<128x128xf32, #tpu.memory_space<vmem>> -> memref<1x128xf32, #tpu.memory_space<vmem>>
        %dma_start3A_254 = tpu.memref_squeeze %dma_start3A_253 : memref<1x128xf32, #tpu.memory_space<vmem>> -> memref<128xf32, #tpu.memory_space<vmem>>
        tpu.enqueue_dma source(%dma_start3A_254 : memref<128xf32, #tpu.memory_space<vmem>>) target(%dma_start3A_251 : memref<128xf32, #tpu.memory_space<vmem_shared>>) target_semaphore(%run_scoped3A_246 : memref<!tpu.dma_semaphore, #tpu.memory_space<semaphore_mem>>)
        %dma_wait3A_255 = arith.constant 0 : i32
        %dma_wait3A_256 = tpu.memref_slice %arg20[%run_scoped3A_237, %dma_wait3A_255] : memref<128x128xf32, #tpu.memory_space<vmem>> -> memref<1x128xf32, #tpu.memory_space<vmem>>
        %dma_wait3A_257 = tpu.memref_squeeze %dma_wait3A_256 : memref<1x128xf32, #tpu.memory_space<vmem>> -> memref<128xf32, #tpu.memory_space<vmem>>
        %dma_wait3A_258 = tpu.memref_slice %arg13[%add3A_236] : memref<10000xf32, #tpu.memory_space<vmem_shared>> -> memref<128xf32, #tpu.memory_space<vmem_shared>>
        %dma_wait3A_259 = tpu.memref_slice %arg13[%add3A_236] : memref<10000xf32, #tpu.memory_space<vmem_shared>> -> memref<128xf32, #tpu.memory_space<vmem_shared>>
        %dma_wait3A_260 = arith.constant 0 : i32
        %dma_wait3A_261 = tpu.memref_slice %arg20[%run_scoped3A_237, %dma_wait3A_260] : memref<128x128xf32, #tpu.memory_space<vmem>> -> memref<1x128xf32, #tpu.memory_space<vmem>>
        %dma_wait3A_262 = tpu.memref_squeeze %dma_wait3A_261 : memref<1x128xf32, #tpu.memory_space<vmem>> -> memref<128xf32, #tpu.memory_space<vmem>>
        tpu.wait_dma2 semaphore(%run_scoped3A_246 : memref<!tpu.dma_semaphore, #tpu.memory_space<semaphore_mem>>) src(%dma_wait3A_262 : memref<128xf32, #tpu.memory_space<vmem>>) dst(%dma_wait3A_259 : memref<128xf32, #tpu.memory_space<vmem_shared>>)
        tpu.yield
      }) : () -> ()
      %add3A_238 = arith.constant 384 : i32
      %add3A_239 = arith.addi %mul3A_2, %add3A_238 : i32
      %run_scoped3A_240 = arith.constant 0 : i32
      "tpu.region"() ({
        %run_scoped3A_246 = tpu.sem_alloc : memref<!tpu.dma_semaphore, #tpu.memory_space<semaphore_mem>>
        %dma_start3A_247 = arith.constant 0 : i32
        %dma_start3A_248 = tpu.memref_slice %arg20[%run_scoped3A_240, %dma_start3A_247] : memref<128x128xf32, #tpu.memory_space<vmem>> -> memref<1x128xf32, #tpu.memory_space<vmem>>
        %dma_start3A_249 = tpu.memref_squeeze %dma_start3A_248 : memref<1x128xf32, #tpu.memory_space<vmem>> -> memref<128xf32, #tpu.memory_space<vmem>>
        %dma_start3A_250 = tpu.memref_slice %arg13[%add3A_239] : memref<10000xf32, #tpu.memory_space<vmem_shared>> -> memref<128xf32, #tpu.memory_space<vmem_shared>>
        %dma_start3A_251 = tpu.memref_slice %arg13[%add3A_239] : memref<10000xf32, #tpu.memory_space<vmem_shared>> -> memref<128xf32, #tpu.memory_space<vmem_shared>>
        %dma_start3A_252 = arith.constant 0 : i32
        %dma_start3A_253 = tpu.memref_slice %arg20[%run_scoped3A_240, %dma_start3A_252] : memref<128x128xf32, #tpu.memory_space<vmem>> -> memref<1x128xf32, #tpu.memory_space<vmem>>
        %dma_start3A_254 = tpu.memref_squeeze %dma_start3A_253 : memref<1x128xf32, #tpu.memory_space<vmem>> -> memref<128xf32, #tpu.memory_space<vmem>>
        tpu.enqueue_dma source(%dma_start3A_254 : memref<128xf32, #tpu.memory_space<vmem>>) target(%dma_start3A_251 : memref<128xf32, #tpu.memory_space<vmem_shared>>) target_semaphore(%run_scoped3A_246 : memref<!tpu.dma_semaphore, #tpu.memory_space<semaphore_mem>>)
        %dma_wait3A_255 = arith.constant 0 : i32
        %dma_wait3A_256 = tpu.memref_slice %arg20[%run_scoped3A_240, %dma_wait3A_255] : memref<128x128xf32, #tpu.memory_space<vmem>> -> memref<1x128xf32, #tpu.memory_space<vmem>>
        %dma_wait3A_257 = tpu.memref_squeeze %dma_wait3A_256 : memref<1x128xf32, #tpu.memory_space<vmem>> -> memref<128xf32, #tpu.memory_space<vmem>>
        %dma_wait3A_258 = tpu.memref_slice %arg13[%add3A_239] : memref<10000xf32, #tpu.memory_space<vmem_shared>> -> memref<128xf32, #tpu.memory_space<vmem_shared>>
        %dma_wait3A_259 = tpu.memref_slice %arg13[%add3A_239] : memref<10000xf32, #tpu.memory_space<vmem_shared>> -> memref<128xf32, #tpu.memory_space<vmem_shared>>
        %dma_wait3A_260 = arith.constant 0 : i32
        %dma_wait3A_261 = tpu.memref_slice %arg20[%run_scoped3A_240, %dma_wait3A_260] : memref<128x128xf32, #tpu.memory_space<vmem>> -> memref<1x128xf32, #tpu.memory_space<vmem>>
        %dma_wait3A_262 = tpu.memref_squeeze %dma_wait3A_261 : memref<1x128xf32, #tpu.memory_space<vmem>> -> memref<128xf32, #tpu.memory_space<vmem>>
        tpu.wait_dma2 semaphore(%run_scoped3A_246 : memref<!tpu.dma_semaphore, #tpu.memory_space<semaphore_mem>>) src(%dma_wait3A_262 : memref<128xf32, #tpu.memory_space<vmem>>) dst(%dma_wait3A_259 : memref<128xf32, #tpu.memory_space<vmem_shared>>)
        tpu.yield
      }) : () -> ()
      %add3A_241 = arith.constant 632 : i32
      %add3A_242 = arith.addi %mul3A_2, %add3A_241 : i32
      %sub3A_243 = arith.constant 120 : i32
      %sub3A_244 = arith.subi %add3A_242, %sub3A_243 : i32
      %run_scoped3A_245 = arith.constant 0 : i32
      "tpu.region"() ({
        %run_scoped3A_246 = tpu.sem_alloc : memref<!tpu.dma_semaphore, #tpu.memory_space<semaphore_mem>>
        %dma_start3A_247 = arith.constant 0 : i32
        %dma_start3A_248 = tpu.memref_slice %arg20[%run_scoped3A_245, %dma_start3A_247] : memref<128x128xf32, #tpu.memory_space<vmem>> -> memref<1x120xf32, #tpu.memory_space<vmem>>
        %dma_start3A_249 = tpu.memref_squeeze %dma_start3A_248 : memref<1x120xf32, #tpu.memory_space<vmem>> -> memref<120xf32, #tpu.memory_space<vmem>>
        %dma_start3A_250 = tpu.memref_slice %arg13[%sub3A_244] : memref<10000xf32, #tpu.memory_space<vmem_shared>> -> memref<120xf32, #tpu.memory_space<vmem_shared>>
        %dma_start3A_251 = tpu.memref_slice %arg13[%sub3A_244] : memref<10000xf32, #tpu.memory_space<vmem_shared>> -> memref<120xf32, #tpu.memory_space<vmem_shared>>
        %dma_start3A_252 = arith.constant 0 : i32
        %dma_start3A_253 = tpu.memref_slice %arg20[%run_scoped3A_245, %dma_start3A_252] : memref<128x128xf32, #tpu.memory_space<vmem>> -> memref<1x120xf32, #tpu.memory_space<vmem>>
        %dma_start3A_254 = tpu.memref_squeeze %dma_start3A_253 : memref<1x120xf32, #tpu.memory_space<vmem>> -> memref<120xf32, #tpu.memory_space<vmem>>
        tpu.enqueue_dma source(%dma_start3A_254 : memref<120xf32, #tpu.memory_space<vmem>>) target(%dma_start3A_251 : memref<120xf32, #tpu.memory_space<vmem_shared>>) target_semaphore(%run_scoped3A_246 : memref<!tpu.dma_semaphore, #tpu.memory_space<semaphore_mem>>)
        %dma_wait3A_255 = arith.constant 0 : i32
        %dma_wait3A_256 = tpu.memref_slice %arg20[%run_scoped3A_245, %dma_wait3A_255] : memref<128x128xf32, #tpu.memory_space<vmem>> -> memref<1x120xf32, #tpu.memory_space<vmem>>
        %dma_wait3A_257 = tpu.memref_squeeze %dma_wait3A_256 : memref<1x120xf32, #tpu.memory_space<vmem>> -> memref<120xf32, #tpu.memory_space<vmem>>
        %dma_wait3A_258 = tpu.memref_slice %arg13[%sub3A_244] : memref<10000xf32, #tpu.memory_space<vmem_shared>> -> memref<120xf32, #tpu.memory_space<vmem_shared>>
        %dma_wait3A_259 = tpu.memref_slice %arg13[%sub3A_244] : memref<10000xf32, #tpu.memory_space<vmem_shared>> -> memref<120xf32, #tpu.memory_space<vmem_shared>>
        %dma_wait3A_260 = arith.constant 0 : i32
        %dma_wait3A_261 = tpu.memref_slice %arg20[%run_scoped3A_245, %dma_wait3A_260] : memref<128x128xf32, #tpu.memory_space<vmem>> -> memref<1x120xf32, #tpu.memory_space<vmem>>
        %dma_wait3A_262 = tpu.memref_squeeze %dma_wait3A_261 : memref<1x120xf32, #tpu.memory_space<vmem>> -> memref<120xf32, #tpu.memory_space<vmem>>
        tpu.wait_dma2 semaphore(%run_scoped3A_246 : memref<!tpu.dma_semaphore, #tpu.memory_space<semaphore_mem>>) src(%dma_wait3A_262 : memref<120xf32, #tpu.memory_space<vmem>>) dst(%dma_wait3A_259 : memref<120xf32, #tpu.memory_space<vmem_shared>>)
        tpu.yield
      }) : () -> ()
    } else {
    }
    %eq3A = arith.constant 15 : i32
    %eq3A_11 = arith.cmpi eq, %arg1, %eq3A : i32
    %convert_element_type3A_12 = arith.extui %eq3A_11 : i1 to i32
    %cond3A_13 = arith.constant 0 : i32
    %cond3A_14 = arith.cmpi ne, %convert_element_type3A_12, %cond3A_13 : i32
    scf.if %cond3A_14 {
      %add3A_202 = arith.constant 0 : i32
      %add3A_203 = arith.addi %mul3A_2, %add3A_202 : i32
      "tpu.region"() ({
        %run_scoped3A_246 = tpu.sem_alloc : memref<!tpu.dma_semaphore, #tpu.memory_space<semaphore_mem>>
        %dma_start3A_247 = arith.constant 0 : i32
        %dma_start3A_248 = tpu.memref_slice %arg11[%add3A_203, %dma_start3A_247] : memref<10000x128xf32, #tpu.memory_space<vmem_shared>> -> memref<128x128xf32, #tpu.memory_space<vmem_shared>>
        %dma_start3A_249 = arith.constant 0 : i32
        %dma_start3A_250 = tpu.memref_slice %arg11[%add3A_203, %dma_start3A_249] : memref<10000x128xf32, #tpu.memory_space<vmem_shared>> -> memref<128x128xf32, #tpu.memory_space<vmem_shared>>
        tpu.enqueue_dma source(%arg20 : memref<128x128xf32, #tpu.memory_space<vmem>>) target(%dma_start3A_250 : memref<128x128xf32, #tpu.memory_space<vmem_shared>>) target_semaphore(%run_scoped3A_246 : memref<!tpu.dma_semaphore, #tpu.memory_space<semaphore_mem>>)
        %dma_wait3A_251 = arith.constant 0 : i32
        %dma_wait3A_252 = tpu.memref_slice %arg11[%add3A_203, %dma_wait3A_251] : memref<10000x128xf32, #tpu.memory_space<vmem_shared>> -> memref<128x128xf32, #tpu.memory_space<vmem_shared>>
        %dma_wait3A_253 = arith.constant 0 : i32
        %dma_wait3A_254 = tpu.memref_slice %arg11[%add3A_203, %dma_wait3A_253] : memref<10000x128xf32, #tpu.memory_space<vmem_shared>> -> memref<128x128xf32, #tpu.memory_space<vmem_shared>>
        tpu.wait_dma2 semaphore(%run_scoped3A_246 : memref<!tpu.dma_semaphore, #tpu.memory_space<semaphore_mem>>) src(%arg20 : memref<128x128xf32, #tpu.memory_space<vmem>>) dst(%dma_wait3A_254 : memref<128x128xf32, #tpu.memory_space<vmem_shared>>)
        tpu.yield
      }) : () -> ()
      %add3A_204 = arith.constant 128 : i32
      %add3A_205 = arith.addi %mul3A_2, %add3A_204 : i32
      "tpu.region"() ({
        %run_scoped3A_246 = tpu.sem_alloc : memref<!tpu.dma_semaphore, #tpu.memory_space<semaphore_mem>>
        %dma_start3A_247 = arith.constant 0 : i32
        %dma_start3A_248 = tpu.memref_slice %arg11[%add3A_205, %dma_start3A_247] : memref<10000x128xf32, #tpu.memory_space<vmem_shared>> -> memref<128x128xf32, #tpu.memory_space<vmem_shared>>
        %dma_start3A_249 = arith.constant 0 : i32
        %dma_start3A_250 = tpu.memref_slice %arg11[%add3A_205, %dma_start3A_249] : memref<10000x128xf32, #tpu.memory_space<vmem_shared>> -> memref<128x128xf32, #tpu.memory_space<vmem_shared>>
        tpu.enqueue_dma source(%arg20 : memref<128x128xf32, #tpu.memory_space<vmem>>) target(%dma_start3A_250 : memref<128x128xf32, #tpu.memory_space<vmem_shared>>) target_semaphore(%run_scoped3A_246 : memref<!tpu.dma_semaphore, #tpu.memory_space<semaphore_mem>>)
        %dma_wait3A_251 = arith.constant 0 : i32
        %dma_wait3A_252 = tpu.memref_slice %arg11[%add3A_205, %dma_wait3A_251] : memref<10000x128xf32, #tpu.memory_space<vmem_shared>> -> memref<128x128xf32, #tpu.memory_space<vmem_shared>>
        %dma_wait3A_253 = arith.constant 0 : i32
        %dma_wait3A_254 = tpu.memref_slice %arg11[%add3A_205, %dma_wait3A_253] : memref<10000x128xf32, #tpu.memory_space<vmem_shared>> -> memref<128x128xf32, #tpu.memory_space<vmem_shared>>
        tpu.wait_dma2 semaphore(%run_scoped3A_246 : memref<!tpu.dma_semaphore, #tpu.memory_space<semaphore_mem>>) src(%arg20 : memref<128x128xf32, #tpu.memory_space<vmem>>) dst(%dma_wait3A_254 : memref<128x128xf32, #tpu.memory_space<vmem_shared>>)
        tpu.yield
      }) : () -> ()
      %add3A_206 = arith.constant 256 : i32
      %add3A_207 = arith.addi %mul3A_2, %add3A_206 : i32
      "tpu.region"() ({
        %run_scoped3A_246 = tpu.sem_alloc : memref<!tpu.dma_semaphore, #tpu.memory_space<semaphore_mem>>
        %dma_start3A_247 = arith.constant 0 : i32
        %dma_start3A_248 = tpu.memref_slice %arg11[%add3A_207, %dma_start3A_247] : memref<10000x128xf32, #tpu.memory_space<vmem_shared>> -> memref<128x128xf32, #tpu.memory_space<vmem_shared>>
        %dma_start3A_249 = arith.constant 0 : i32
        %dma_start3A_250 = tpu.memref_slice %arg11[%add3A_207, %dma_start3A_249] : memref<10000x128xf32, #tpu.memory_space<vmem_shared>> -> memref<128x128xf32, #tpu.memory_space<vmem_shared>>
        tpu.enqueue_dma source(%arg20 : memref<128x128xf32, #tpu.memory_space<vmem>>) target(%dma_start3A_250 : memref<128x128xf32, #tpu.memory_space<vmem_shared>>) target_semaphore(%run_scoped3A_246 : memref<!tpu.dma_semaphore, #tpu.memory_space<semaphore_mem>>)
        %dma_wait3A_251 = arith.constant 0 : i32
        %dma_wait3A_252 = tpu.memref_slice %arg11[%add3A_207, %dma_wait3A_251] : memref<10000x128xf32, #tpu.memory_space<vmem_shared>> -> memref<128x128xf32, #tpu.memory_space<vmem_shared>>
        %dma_wait3A_253 = arith.constant 0 : i32
        %dma_wait3A_254 = tpu.memref_slice %arg11[%add3A_207, %dma_wait3A_253] : memref<10000x128xf32, #tpu.memory_space<vmem_shared>> -> memref<128x128xf32, #tpu.memory_space<vmem_shared>>
        tpu.wait_dma2 semaphore(%run_scoped3A_246 : memref<!tpu.dma_semaphore, #tpu.memory_space<semaphore_mem>>) src(%arg20 : memref<128x128xf32, #tpu.memory_space<vmem>>) dst(%dma_wait3A_254 : memref<128x128xf32, #tpu.memory_space<vmem_shared>>)
        tpu.yield
      }) : () -> ()
      %add3A_208 = arith.constant 384 : i32
      %add3A_209 = arith.addi %mul3A_2, %add3A_208 : i32
      "tpu.region"() ({
        %run_scoped3A_246 = tpu.sem_alloc : memref<!tpu.dma_semaphore, #tpu.memory_space<semaphore_mem>>
        %dma_start3A_247 = arith.constant 0 : i32
        %dma_start3A_248 = tpu.memref_slice %arg11[%add3A_209, %dma_start3A_247] : memref<10000x128xf32, #tpu.memory_space<vmem_shared>> -> memref<128x128xf32, #tpu.memory_space<vmem_shared>>
        %dma_start3A_249 = arith.constant 0 : i32
        %dma_start3A_250 = tpu.memref_slice %arg11[%add3A_209, %dma_start3A_249] : memref<10000x128xf32, #tpu.memory_space<vmem_shared>> -> memref<128x128xf32, #tpu.memory_space<vmem_shared>>
        tpu.enqueue_dma source(%arg20 : memref<128x128xf32, #tpu.memory_space<vmem>>) target(%dma_start3A_250 : memref<128x128xf32, #tpu.memory_space<vmem_shared>>) target_semaphore(%run_scoped3A_246 : memref<!tpu.dma_semaphore, #tpu.memory_space<semaphore_mem>>)
        %dma_wait3A_251 = arith.constant 0 : i32
        %dma_wait3A_252 = tpu.memref_slice %arg11[%add3A_209, %dma_wait3A_251] : memref<10000x128xf32, #tpu.memory_space<vmem_shared>> -> memref<128x128xf32, #tpu.memory_space<vmem_shared>>
        %dma_wait3A_253 = arith.constant 0 : i32
        %dma_wait3A_254 = tpu.memref_slice %arg11[%add3A_209, %dma_wait3A_253] : memref<10000x128xf32, #tpu.memory_space<vmem_shared>> -> memref<128x128xf32, #tpu.memory_space<vmem_shared>>
        tpu.wait_dma2 semaphore(%run_scoped3A_246 : memref<!tpu.dma_semaphore, #tpu.memory_space<semaphore_mem>>) src(%arg20 : memref<128x128xf32, #tpu.memory_space<vmem>>) dst(%dma_wait3A_254 : memref<128x128xf32, #tpu.memory_space<vmem_shared>>)
        tpu.yield
      }) : () -> ()
      %add3A_210 = arith.constant 520 : i32
      %add3A_211 = arith.addi %mul3A_2, %add3A_210 : i32
      %sub3A = arith.constant 8 : i32
      %sub3A_212 = arith.subi %add3A_211, %sub3A : i32
      "tpu.region"() ({
        %run_scoped3A_246 = tpu.sem_alloc : memref<!tpu.dma_semaphore, #tpu.memory_space<semaphore_mem>>
        %dma_start3A_247 = arith.constant 0 : i32
        %dma_start3A_248 = arith.constant 0 : i32
        %dma_start3A_249 = tpu.memref_slice %arg20[%dma_start3A_247, %dma_start3A_248] : memref<128x128xf32, #tpu.memory_space<vmem>> -> memref<8x128xf32, #tpu.memory_space<vmem>>
        %dma_start3A_250 = arith.constant 0 : i32
        %dma_start3A_251 = tpu.memref_slice %arg11[%sub3A_212, %dma_start3A_250] : memref<10000x128xf32, #tpu.memory_space<vmem_shared>> -> memref<8x128xf32, #tpu.memory_space<vmem_shared>>
        %dma_start3A_252 = arith.constant 0 : i32
        %dma_start3A_253 = tpu.memref_slice %arg11[%sub3A_212, %dma_start3A_252] : memref<10000x128xf32, #tpu.memory_space<vmem_shared>> -> memref<8x128xf32, #tpu.memory_space<vmem_shared>>
        %dma_start3A_254 = arith.constant 0 : i32
        %dma_start3A_255 = arith.constant 0 : i32
        %dma_start3A_256 = tpu.memref_slice %arg20[%dma_start3A_254, %dma_start3A_255] : memref<128x128xf32, #tpu.memory_space<vmem>> -> memref<8x128xf32, #tpu.memory_space<vmem>>
        tpu.enqueue_dma source(%dma_start3A_256 : memref<8x128xf32, #tpu.memory_space<vmem>>) target(%dma_start3A_253 : memref<8x128xf32, #tpu.memory_space<vmem_shared>>) target_semaphore(%run_scoped3A_246 : memref<!tpu.dma_semaphore, #tpu.memory_space<semaphore_mem>>)
        %dma_wait3A_257 = arith.constant 0 : i32
        %dma_wait3A_258 = arith.constant 0 : i32
        %dma_wait3A_259 = tpu.memref_slice %arg20[%dma_wait3A_257, %dma_wait3A_258] : memref<128x128xf32, #tpu.memory_space<vmem>> -> memref<8x128xf32, #tpu.memory_space<vmem>>
        %dma_wait3A_260 = arith.constant 0 : i32
        %dma_wait3A_261 = tpu.memref_slice %arg11[%sub3A_212, %dma_wait3A_260] : memref<10000x128xf32, #tpu.memory_space<vmem_shared>> -> memref<8x128xf32, #tpu.memory_space<vmem_shared>>
        %dma_wait3A_262 = arith.constant 0 : i32
        %dma_wait3A_263 = tpu.memref_slice %arg11[%sub3A_212, %dma_wait3A_262] : memref<10000x128xf32, #tpu.memory_space<vmem_shared>> -> memref<8x128xf32, #tpu.memory_space<vmem_shared>>
        %dma_wait3A_264 = arith.constant 0 : i32
        %dma_wait3A_265 = arith.constant 0 : i32
        %dma_wait3A_266 = tpu.memref_slice %arg20[%dma_wait3A_264, %dma_wait3A_265] : memref<128x128xf32, #tpu.memory_space<vmem>> -> memref<8x128xf32, #tpu.memory_space<vmem>>
        tpu.wait_dma2 semaphore(%run_scoped3A_246 : memref<!tpu.dma_semaphore, #tpu.memory_space<semaphore_mem>>) src(%dma_wait3A_266 : memref<8x128xf32, #tpu.memory_space<vmem>>) dst(%dma_wait3A_263 : memref<8x128xf32, #tpu.memory_space<vmem_shared>>)
        tpu.yield
      }) : () -> ()
      %add3A_213 = arith.constant 0 : i32
      %add3A_214 = arith.addi %mul3A_2, %add3A_213 : i32
      %run_scoped3A = arith.constant 0 : i32
      "tpu.region"() ({
        %run_scoped3A_246 = tpu.sem_alloc : memref<!tpu.dma_semaphore, #tpu.memory_space<semaphore_mem>>
        %dma_start3A_247 = arith.constant 0 : i32
        %dma_start3A_248 = tpu.memref_slice %arg20[%run_scoped3A, %dma_start3A_247] : memref<128x128xf32, #tpu.memory_space<vmem>> -> memref<1x128xf32, #tpu.memory_space<vmem>>
        %dma_start3A_249 = tpu.memref_squeeze %dma_start3A_248 : memref<1x128xf32, #tpu.memory_space<vmem>> -> memref<128xf32, #tpu.memory_space<vmem>>
        %dma_start3A_250 = tpu.memref_slice %arg12[%add3A_214] : memref<10000xf32, #tpu.memory_space<vmem_shared>> -> memref<128xf32, #tpu.memory_space<vmem_shared>>
        %dma_start3A_251 = tpu.memref_slice %arg12[%add3A_214] : memref<10000xf32, #tpu.memory_space<vmem_shared>> -> memref<128xf32, #tpu.memory_space<vmem_shared>>
        %dma_start3A_252 = arith.constant 0 : i32
        %dma_start3A_253 = tpu.memref_slice %arg20[%run_scoped3A, %dma_start3A_252] : memref<128x128xf32, #tpu.memory_space<vmem>> -> memref<1x128xf32, #tpu.memory_space<vmem>>
        %dma_start3A_254 = tpu.memref_squeeze %dma_start3A_253 : memref<1x128xf32, #tpu.memory_space<vmem>> -> memref<128xf32, #tpu.memory_space<vmem>>
        tpu.enqueue_dma source(%dma_start3A_254 : memref<128xf32, #tpu.memory_space<vmem>>) target(%dma_start3A_251 : memref<128xf32, #tpu.memory_space<vmem_shared>>) target_semaphore(%run_scoped3A_246 : memref<!tpu.dma_semaphore, #tpu.memory_space<semaphore_mem>>)
        %dma_wait3A_255 = arith.constant 0 : i32
        %dma_wait3A_256 = tpu.memref_slice %arg20[%run_scoped3A, %dma_wait3A_255] : memref<128x128xf32, #tpu.memory_space<vmem>> -> memref<1x128xf32, #tpu.memory_space<vmem>>
        %dma_wait3A_257 = tpu.memref_squeeze %dma_wait3A_256 : memref<1x128xf32, #tpu.memory_space<vmem>> -> memref<128xf32, #tpu.memory_space<vmem>>
        %dma_wait3A_258 = tpu.memref_slice %arg12[%add3A_214] : memref<10000xf32, #tpu.memory_space<vmem_shared>> -> memref<128xf32, #tpu.memory_space<vmem_shared>>
        %dma_wait3A_259 = tpu.memref_slice %arg12[%add3A_214] : memref<10000xf32, #tpu.memory_space<vmem_shared>> -> memref<128xf32, #tpu.memory_space<vmem_shared>>
        %dma_wait3A_260 = arith.constant 0 : i32
        %dma_wait3A_261 = tpu.memref_slice %arg20[%run_scoped3A, %dma_wait3A_260] : memref<128x128xf32, #tpu.memory_space<vmem>> -> memref<1x128xf32, #tpu.memory_space<vmem>>
        %dma_wait3A_262 = tpu.memref_squeeze %dma_wait3A_261 : memref<1x128xf32, #tpu.memory_space<vmem>> -> memref<128xf32, #tpu.memory_space<vmem>>
        tpu.wait_dma2 semaphore(%run_scoped3A_246 : memref<!tpu.dma_semaphore, #tpu.memory_space<semaphore_mem>>) src(%dma_wait3A_262 : memref<128xf32, #tpu.memory_space<vmem>>) dst(%dma_wait3A_259 : memref<128xf32, #tpu.memory_space<vmem_shared>>)
        tpu.yield
      }) : () -> ()
      %add3A_215 = arith.constant 128 : i32
      %add3A_216 = arith.addi %mul3A_2, %add3A_215 : i32
      %run_scoped3A_217 = arith.constant 0 : i32
      "tpu.region"() ({
        %run_scoped3A_246 = tpu.sem_alloc : memref<!tpu.dma_semaphore, #tpu.memory_space<semaphore_mem>>
        %dma_start3A_247 = arith.constant 0 : i32
        %dma_start3A_248 = tpu.memref_slice %arg20[%run_scoped3A_217, %dma_start3A_247] : memref<128x128xf32, #tpu.memory_space<vmem>> -> memref<1x128xf32, #tpu.memory_space<vmem>>
        %dma_start3A_249 = tpu.memref_squeeze %dma_start3A_248 : memref<1x128xf32, #tpu.memory_space<vmem>> -> memref<128xf32, #tpu.memory_space<vmem>>
        %dma_start3A_250 = tpu.memref_slice %arg12[%add3A_216] : memref<10000xf32, #tpu.memory_space<vmem_shared>> -> memref<128xf32, #tpu.memory_space<vmem_shared>>
        %dma_start3A_251 = tpu.memref_slice %arg12[%add3A_216] : memref<10000xf32, #tpu.memory_space<vmem_shared>> -> memref<128xf32, #tpu.memory_space<vmem_shared>>
        %dma_start3A_252 = arith.constant 0 : i32
        %dma_start3A_253 = tpu.memref_slice %arg20[%run_scoped3A_217, %dma_start3A_252] : memref<128x128xf32, #tpu.memory_space<vmem>> -> memref<1x128xf32, #tpu.memory_space<vmem>>
        %dma_start3A_254 = tpu.memref_squeeze %dma_start3A_253 : memref<1x128xf32, #tpu.memory_space<vmem>> -> memref<128xf32, #tpu.memory_space<vmem>>
        tpu.enqueue_dma source(%dma_start3A_254 : memref<128xf32, #tpu.memory_space<vmem>>) target(%dma_start3A_251 : memref<128xf32, #tpu.memory_space<vmem_shared>>) target_semaphore(%run_scoped3A_246 : memref<!tpu.dma_semaphore, #tpu.memory_space<semaphore_mem>>)
        %dma_wait3A_255 = arith.constant 0 : i32
        %dma_wait3A_256 = tpu.memref_slice %arg20[%run_scoped3A_217, %dma_wait3A_255] : memref<128x128xf32, #tpu.memory_space<vmem>> -> memref<1x128xf32, #tpu.memory_space<vmem>>
        %dma_wait3A_257 = tpu.memref_squeeze %dma_wait3A_256 : memref<1x128xf32, #tpu.memory_space<vmem>> -> memref<128xf32, #tpu.memory_space<vmem>>
        %dma_wait3A_258 = tpu.memref_slice %arg12[%add3A_216] : memref<10000xf32, #tpu.memory_space<vmem_shared>> -> memref<128xf32, #tpu.memory_space<vmem_shared>>
        %dma_wait3A_259 = tpu.memref_slice %arg12[%add3A_216] : memref<10000xf32, #tpu.memory_space<vmem_shared>> -> memref<128xf32, #tpu.memory_space<vmem_shared>>
        %dma_wait3A_260 = arith.constant 0 : i32
        %dma_wait3A_261 = tpu.memref_slice %arg20[%run_scoped3A_217, %dma_wait3A_260] : memref<128x128xf32, #tpu.memory_space<vmem>> -> memref<1x128xf32, #tpu.memory_space<vmem>>
        %dma_wait3A_262 = tpu.memref_squeeze %dma_wait3A_261 : memref<1x128xf32, #tpu.memory_space<vmem>> -> memref<128xf32, #tpu.memory_space<vmem>>
        tpu.wait_dma2 semaphore(%run_scoped3A_246 : memref<!tpu.dma_semaphore, #tpu.memory_space<semaphore_mem>>) src(%dma_wait3A_262 : memref<128xf32, #tpu.memory_space<vmem>>) dst(%dma_wait3A_259 : memref<128xf32, #tpu.memory_space<vmem_shared>>)
        tpu.yield
      }) : () -> ()
      %add3A_218 = arith.constant 256 : i32
      %add3A_219 = arith.addi %mul3A_2, %add3A_218 : i32
      %run_scoped3A_220 = arith.constant 0 : i32
      "tpu.region"() ({
        %run_scoped3A_246 = tpu.sem_alloc : memref<!tpu.dma_semaphore, #tpu.memory_space<semaphore_mem>>
        %dma_start3A_247 = arith.constant 0 : i32
        %dma_start3A_248 = tpu.memref_slice %arg20[%run_scoped3A_220, %dma_start3A_247] : memref<128x128xf32, #tpu.memory_space<vmem>> -> memref<1x128xf32, #tpu.memory_space<vmem>>
        %dma_start3A_249 = tpu.memref_squeeze %dma_start3A_248 : memref<1x128xf32, #tpu.memory_space<vmem>> -> memref<128xf32, #tpu.memory_space<vmem>>
        %dma_start3A_250 = tpu.memref_slice %arg12[%add3A_219] : memref<10000xf32, #tpu.memory_space<vmem_shared>> -> memref<128xf32, #tpu.memory_space<vmem_shared>>
        %dma_start3A_251 = tpu.memref_slice %arg12[%add3A_219] : memref<10000xf32, #tpu.memory_space<vmem_shared>> -> memref<128xf32, #tpu.memory_space<vmem_shared>>
        %dma_start3A_252 = arith.constant 0 : i32
        %dma_start3A_253 = tpu.memref_slice %arg20[%run_scoped3A_220, %dma_start3A_252] : memref<128x128xf32, #tpu.memory_space<vmem>> -> memref<1x128xf32, #tpu.memory_space<vmem>>
        %dma_start3A_254 = tpu.memref_squeeze %dma_start3A_253 : memref<1x128xf32, #tpu.memory_space<vmem>> -> memref<128xf32, #tpu.memory_space<vmem>>
        tpu.enqueue_dma source(%dma_start3A_254 : memref<128xf32, #tpu.memory_space<vmem>>) target(%dma_start3A_251 : memref<128xf32, #tpu.memory_space<vmem_shared>>) target_semaphore(%run_scoped3A_246 : memref<!tpu.dma_semaphore, #tpu.memory_space<semaphore_mem>>)
        %dma_wait3A_255 = arith.constant 0 : i32
        %dma_wait3A_256 = tpu.memref_slice %arg20[%run_scoped3A_220, %dma_wait3A_255] : memref<128x128xf32, #tpu.memory_space<vmem>> -> memref<1x128xf32, #tpu.memory_space<vmem>>
        %dma_wait3A_257 = tpu.memref_squeeze %dma_wait3A_256 : memref<1x128xf32, #tpu.memory_space<vmem>> -> memref<128xf32, #tpu.memory_space<vmem>>
        %dma_wait3A_258 = tpu.memref_slice %arg12[%add3A_219] : memref<10000xf32, #tpu.memory_space<vmem_shared>> -> memref<128xf32, #tpu.memory_space<vmem_shared>>
        %dma_wait3A_259 = tpu.memref_slice %arg12[%add3A_219] : memref<10000xf32, #tpu.memory_space<vmem_shared>> -> memref<128xf32, #tpu.memory_space<vmem_shared>>
        %dma_wait3A_260 = arith.constant 0 : i32
        %dma_wait3A_261 = tpu.memref_slice %arg20[%run_scoped3A_220, %dma_wait3A_260] : memref<128x128xf32, #tpu.memory_space<vmem>> -> memref<1x128xf32, #tpu.memory_space<vmem>>
        %dma_wait3A_262 = tpu.memref_squeeze %dma_wait3A_261 : memref<1x128xf32, #tpu.memory_space<vmem>> -> memref<128xf32, #tpu.memory_space<vmem>>
        tpu.wait_dma2 semaphore(%run_scoped3A_246 : memref<!tpu.dma_semaphore, #tpu.memory_space<semaphore_mem>>) src(%dma_wait3A_262 : memref<128xf32, #tpu.memory_space<vmem>>) dst(%dma_wait3A_259 : memref<128xf32, #tpu.memory_space<vmem_shared>>)
        tpu.yield
      }) : () -> ()
      %add3A_221 = arith.constant 384 : i32
      %add3A_222 = arith.addi %mul3A_2, %add3A_221 : i32
      %run_scoped3A_223 = arith.constant 0 : i32
      "tpu.region"() ({
        %run_scoped3A_246 = tpu.sem_alloc : memref<!tpu.dma_semaphore, #tpu.memory_space<semaphore_mem>>
        %dma_start3A_247 = arith.constant 0 : i32
        %dma_start3A_248 = tpu.memref_slice %arg20[%run_scoped3A_223, %dma_start3A_247] : memref<128x128xf32, #tpu.memory_space<vmem>> -> memref<1x128xf32, #tpu.memory_space<vmem>>
        %dma_start3A_249 = tpu.memref_squeeze %dma_start3A_248 : memref<1x128xf32, #tpu.memory_space<vmem>> -> memref<128xf32, #tpu.memory_space<vmem>>
        %dma_start3A_250 = tpu.memref_slice %arg12[%add3A_222] : memref<10000xf32, #tpu.memory_space<vmem_shared>> -> memref<128xf32, #tpu.memory_space<vmem_shared>>
        %dma_start3A_251 = tpu.memref_slice %arg12[%add3A_222] : memref<10000xf32, #tpu.memory_space<vmem_shared>> -> memref<128xf32, #tpu.memory_space<vmem_shared>>
        %dma_start3A_252 = arith.constant 0 : i32
        %dma_start3A_253 = tpu.memref_slice %arg20[%run_scoped3A_223, %dma_start3A_252] : memref<128x128xf32, #tpu.memory_space<vmem>> -> memref<1x128xf32, #tpu.memory_space<vmem>>
        %dma_start3A_254 = tpu.memref_squeeze %dma_start3A_253 : memref<1x128xf32, #tpu.memory_space<vmem>> -> memref<128xf32, #tpu.memory_space<vmem>>
        tpu.enqueue_dma source(%dma_start3A_254 : memref<128xf32, #tpu.memory_space<vmem>>) target(%dma_start3A_251 : memref<128xf32, #tpu.memory_space<vmem_shared>>) target_semaphore(%run_scoped3A_246 : memref<!tpu.dma_semaphore, #tpu.memory_space<semaphore_mem>>)
        %dma_wait3A_255 = arith.constant 0 : i32
        %dma_wait3A_256 = tpu.memref_slice %arg20[%run_scoped3A_223, %dma_wait3A_255] : memref<128x128xf32, #tpu.memory_space<vmem>> -> memref<1x128xf32, #tpu.memory_space<vmem>>
        %dma_wait3A_257 = tpu.memref_squeeze %dma_wait3A_256 : memref<1x128xf32, #tpu.memory_space<vmem>> -> memref<128xf32, #tpu.memory_space<vmem>>
        %dma_wait3A_258 = tpu.memref_slice %arg12[%add3A_222] : memref<10000xf32, #tpu.memory_space<vmem_shared>> -> memref<128xf32, #tpu.memory_space<vmem_shared>>
        %dma_wait3A_259 = tpu.memref_slice %arg12[%add3A_222] : memref<10000xf32, #tpu.memory_space<vmem_shared>> -> memref<128xf32, #tpu.memory_space<vmem_shared>>
        %dma_wait3A_260 = arith.constant 0 : i32
        %dma_wait3A_261 = tpu.memref_slice %arg20[%run_scoped3A_223, %dma_wait3A_260] : memref<128x128xf32, #tpu.memory_space<vmem>> -> memref<1x128xf32, #tpu.memory_space<vmem>>
        %dma_wait3A_262 = tpu.memref_squeeze %dma_wait3A_261 : memref<1x128xf32, #tpu.memory_space<vmem>> -> memref<128xf32, #tpu.memory_space<vmem>>
        tpu.wait_dma2 semaphore(%run_scoped3A_246 : memref<!tpu.dma_semaphore, #tpu.memory_space<semaphore_mem>>) src(%dma_wait3A_262 : memref<128xf32, #tpu.memory_space<vmem>>) dst(%dma_wait3A_259 : memref<128xf32, #tpu.memory_space<vmem_shared>>)
        tpu.yield
      }) : () -> ()
      %add3A_224 = arith.constant 520 : i32
      %add3A_225 = arith.addi %mul3A_2, %add3A_224 : i32
      %sub3A_226 = arith.constant 8 : i32
      %sub3A_227 = arith.subi %add3A_225, %sub3A_226 : i32
      %run_scoped3A_228 = arith.constant 0 : i32
      "tpu.region"() ({
        %run_scoped3A_246 = tpu.sem_alloc : memref<!tpu.dma_semaphore, #tpu.memory_space<semaphore_mem>>
        %dma_start3A_247 = arith.constant 0 : i32
        %dma_start3A_248 = tpu.memref_slice %arg20[%run_scoped3A_228, %dma_start3A_247] : memref<128x128xf32, #tpu.memory_space<vmem>> -> memref<1x8xf32, #tpu.memory_space<vmem>>
        %dma_start3A_249 = tpu.memref_squeeze %dma_start3A_248 : memref<1x8xf32, #tpu.memory_space<vmem>> -> memref<8xf32, #tpu.memory_space<vmem>>
        %dma_start3A_250 = tpu.memref_slice %arg12[%sub3A_227] : memref<10000xf32, #tpu.memory_space<vmem_shared>> -> memref<8xf32, #tpu.memory_space<vmem_shared>>
        %dma_start3A_251 = tpu.memref_slice %arg12[%sub3A_227] : memref<10000xf32, #tpu.memory_space<vmem_shared>> -> memref<8xf32, #tpu.memory_space<vmem_shared>>
        %dma_start3A_252 = arith.constant 0 : i32
        %dma_start3A_253 = tpu.memref_slice %arg20[%run_scoped3A_228, %dma_start3A_252] : memref<128x128xf32, #tpu.memory_space<vmem>> -> memref<1x8xf32, #tpu.memory_space<vmem>>
        %dma_start3A_254 = tpu.memref_squeeze %dma_start3A_253 : memref<1x8xf32, #tpu.memory_space<vmem>> -> memref<8xf32, #tpu.memory_space<vmem>>
        tpu.enqueue_dma source(%dma_start3A_254 : memref<8xf32, #tpu.memory_space<vmem>>) target(%dma_start3A_251 : memref<8xf32, #tpu.memory_space<vmem_shared>>) target_semaphore(%run_scoped3A_246 : memref<!tpu.dma_semaphore, #tpu.memory_space<semaphore_mem>>)
        %dma_wait3A_255 = arith.constant 0 : i32
        %dma_wait3A_256 = tpu.memref_slice %arg20[%run_scoped3A_228, %dma_wait3A_255] : memref<128x128xf32, #tpu.memory_space<vmem>> -> memref<1x8xf32, #tpu.memory_space<vmem>>
        %dma_wait3A_257 = tpu.memref_squeeze %dma_wait3A_256 : memref<1x8xf32, #tpu.memory_space<vmem>> -> memref<8xf32, #tpu.memory_space<vmem>>
        %dma_wait3A_258 = tpu.memref_slice %arg12[%sub3A_227] : memref<10000xf32, #tpu.memory_space<vmem_shared>> -> memref<8xf32, #tpu.memory_space<vmem_shared>>
        %dma_wait3A_259 = tpu.memref_slice %arg12[%sub3A_227] : memref<10000xf32, #tpu.memory_space<vmem_shared>> -> memref<8xf32, #tpu.memory_space<vmem_shared>>
        %dma_wait3A_260 = arith.constant 0 : i32
        %dma_wait3A_261 = tpu.memref_slice %arg20[%run_scoped3A_228, %dma_wait3A_260] : memref<128x128xf32, #tpu.memory_space<vmem>> -> memref<1x8xf32, #tpu.memory_space<vmem>>
        %dma_wait3A_262 = tpu.memref_squeeze %dma_wait3A_261 : memref<1x8xf32, #tpu.memory_space<vmem>> -> memref<8xf32, #tpu.memory_space<vmem>>
        tpu.wait_dma2 semaphore(%run_scoped3A_246 : memref<!tpu.dma_semaphore, #tpu.memory_space<semaphore_mem>>) src(%dma_wait3A_262 : memref<8xf32, #tpu.memory_space<vmem>>) dst(%dma_wait3A_259 : memref<8xf32, #tpu.memory_space<vmem_shared>>)
        tpu.yield
      }) : () -> ()
      %add3A_229 = arith.constant 0 : i32
      %add3A_230 = arith.addi %mul3A_2, %add3A_229 : i32
      %run_scoped3A_231 = arith.constant 0 : i32
      "tpu.region"() ({
        %run_scoped3A_246 = tpu.sem_alloc : memref<!tpu.dma_semaphore, #tpu.memory_space<semaphore_mem>>
        %dma_start3A_247 = arith.constant 0 : i32
        %dma_start3A_248 = tpu.memref_slice %arg20[%run_scoped3A_231, %dma_start3A_247] : memref<128x128xf32, #tpu.memory_space<vmem>> -> memref<1x128xf32, #tpu.memory_space<vmem>>
        %dma_start3A_249 = tpu.memref_squeeze %dma_start3A_248 : memref<1x128xf32, #tpu.memory_space<vmem>> -> memref<128xf32, #tpu.memory_space<vmem>>
        %dma_start3A_250 = tpu.memref_slice %arg13[%add3A_230] : memref<10000xf32, #tpu.memory_space<vmem_shared>> -> memref<128xf32, #tpu.memory_space<vmem_shared>>
        %dma_start3A_251 = tpu.memref_slice %arg13[%add3A_230] : memref<10000xf32, #tpu.memory_space<vmem_shared>> -> memref<128xf32, #tpu.memory_space<vmem_shared>>
        %dma_start3A_252 = arith.constant 0 : i32
        %dma_start3A_253 = tpu.memref_slice %arg20[%run_scoped3A_231, %dma_start3A_252] : memref<128x128xf32, #tpu.memory_space<vmem>> -> memref<1x128xf32, #tpu.memory_space<vmem>>
        %dma_start3A_254 = tpu.memref_squeeze %dma_start3A_253 : memref<1x128xf32, #tpu.memory_space<vmem>> -> memref<128xf32, #tpu.memory_space<vmem>>
        tpu.enqueue_dma source(%dma_start3A_254 : memref<128xf32, #tpu.memory_space<vmem>>) target(%dma_start3A_251 : memref<128xf32, #tpu.memory_space<vmem_shared>>) target_semaphore(%run_scoped3A_246 : memref<!tpu.dma_semaphore, #tpu.memory_space<semaphore_mem>>)
        %dma_wait3A_255 = arith.constant 0 : i32
        %dma_wait3A_256 = tpu.memref_slice %arg20[%run_scoped3A_231, %dma_wait3A_255] : memref<128x128xf32, #tpu.memory_space<vmem>> -> memref<1x128xf32, #tpu.memory_space<vmem>>
        %dma_wait3A_257 = tpu.memref_squeeze %dma_wait3A_256 : memref<1x128xf32, #tpu.memory_space<vmem>> -> memref<128xf32, #tpu.memory_space<vmem>>
        %dma_wait3A_258 = tpu.memref_slice %arg13[%add3A_230] : memref<10000xf32, #tpu.memory_space<vmem_shared>> -> memref<128xf32, #tpu.memory_space<vmem_shared>>
        %dma_wait3A_259 = tpu.memref_slice %arg13[%add3A_230] : memref<10000xf32, #tpu.memory_space<vmem_shared>> -> memref<128xf32, #tpu.memory_space<vmem_shared>>
        %dma_wait3A_260 = arith.constant 0 : i32
        %dma_wait3A_261 = tpu.memref_slice %arg20[%run_scoped3A_231, %dma_wait3A_260] : memref<128x128xf32, #tpu.memory_space<vmem>> -> memref<1x128xf32, #tpu.memory_space<vmem>>
        %dma_wait3A_262 = tpu.memref_squeeze %dma_wait3A_261 : memref<1x128xf32, #tpu.memory_space<vmem>> -> memref<128xf32, #tpu.memory_space<vmem>>
        tpu.wait_dma2 semaphore(%run_scoped3A_246 : memref<!tpu.dma_semaphore, #tpu.memory_space<semaphore_mem>>) src(%dma_wait3A_262 : memref<128xf32, #tpu.memory_space<vmem>>) dst(%dma_wait3A_259 : memref<128xf32, #tpu.memory_space<vmem_shared>>)
        tpu.yield
      }) : () -> ()
      %add3A_232 = arith.constant 128 : i32
      %add3A_233 = arith.addi %mul3A_2, %add3A_232 : i32
      %run_scoped3A_234 = arith.constant 0 : i32
      "tpu.region"() ({
        %run_scoped3A_246 = tpu.sem_alloc : memref<!tpu.dma_semaphore, #tpu.memory_space<semaphore_mem>>
        %dma_start3A_247 = arith.constant 0 : i32
        %dma_start3A_248 = tpu.memref_slice %arg20[%run_scoped3A_234, %dma_start3A_247] : memref<128x128xf32, #tpu.memory_space<vmem>> -> memref<1x128xf32, #tpu.memory_space<vmem>>
        %dma_start3A_249 = tpu.memref_squeeze %dma_start3A_248 : memref<1x128xf32, #tpu.memory_space<vmem>> -> memref<128xf32, #tpu.memory_space<vmem>>
        %dma_start3A_250 = tpu.memref_slice %arg13[%add3A_233] : memref<10000xf32, #tpu.memory_space<vmem_shared>> -> memref<128xf32, #tpu.memory_space<vmem_shared>>
        %dma_start3A_251 = tpu.memref_slice %arg13[%add3A_233] : memref<10000xf32, #tpu.memory_space<vmem_shared>> -> memref<128xf32, #tpu.memory_space<vmem_shared>>
        %dma_start3A_252 = arith.constant 0 : i32
        %dma_start3A_253 = tpu.memref_slice %arg20[%run_scoped3A_234, %dma_start3A_252] : memref<128x128xf32, #tpu.memory_space<vmem>> -> memref<1x128xf32, #tpu.memory_space<vmem>>
        %dma_start3A_254 = tpu.memref_squeeze %dma_start3A_253 : memref<1x128xf32, #tpu.memory_space<vmem>> -> memref<128xf32, #tpu.memory_space<vmem>>
        tpu.enqueue_dma source(%dma_start3A_254 : memref<128xf32, #tpu.memory_space<vmem>>) target(%dma_start3A_251 : memref<128xf32, #tpu.memory_space<vmem_shared>>) target_semaphore(%run_scoped3A_246 : memref<!tpu.dma_semaphore, #tpu.memory_space<semaphore_mem>>)
        %dma_wait3A_255 = arith.constant 0 : i32
        %dma_wait3A_256 = tpu.memref_slice %arg20[%run_scoped3A_234, %dma_wait3A_255] : memref<128x128xf32, #tpu.memory_space<vmem>> -> memref<1x128xf32, #tpu.memory_space<vmem>>
        %dma_wait3A_257 = tpu.memref_squeeze %dma_wait3A_256 : memref<1x128xf32, #tpu.memory_space<vmem>> -> memref<128xf32, #tpu.memory_space<vmem>>
        %dma_wait3A_258 = tpu.memref_slice %arg13[%add3A_233] : memref<10000xf32, #tpu.memory_space<vmem_shared>> -> memref<128xf32, #tpu.memory_space<vmem_shared>>
        %dma_wait3A_259 = tpu.memref_slice %arg13[%add3A_233] : memref<10000xf32, #tpu.memory_space<vmem_shared>> -> memref<128xf32, #tpu.memory_space<vmem_shared>>
        %dma_wait3A_260 = arith.constant 0 : i32
        %dma_wait3A_261 = tpu.memref_slice %arg20[%run_scoped3A_234, %dma_wait3A_260] : memref<128x128xf32, #tpu.memory_space<vmem>> -> memref<1x128xf32, #tpu.memory_space<vmem>>
        %dma_wait3A_262 = tpu.memref_squeeze %dma_wait3A_261 : memref<1x128xf32, #tpu.memory_space<vmem>> -> memref<128xf32, #tpu.memory_space<vmem>>
        tpu.wait_dma2 semaphore(%run_scoped3A_246 : memref<!tpu.dma_semaphore, #tpu.memory_space<semaphore_mem>>) src(%dma_wait3A_262 : memref<128xf32, #tpu.memory_space<vmem>>) dst(%dma_wait3A_259 : memref<128xf32, #tpu.memory_space<vmem_shared>>)
        tpu.yield
      }) : () -> ()
      %add3A_235 = arith.constant 256 : i32
      %add3A_236 = arith.addi %mul3A_2, %add3A_235 : i32
      %run_scoped3A_237 = arith.constant 0 : i32
      "tpu.region"() ({
        %run_scoped3A_246 = tpu.sem_alloc : memref<!tpu.dma_semaphore, #tpu.memory_space<semaphore_mem>>
        %dma_start3A_247 = arith.constant 0 : i32
        %dma_start3A_248 = tpu.memref_slice %arg20[%run_scoped3A_237, %dma_start3A_247] : memref<128x128xf32, #tpu.memory_space<vmem>> -> memref<1x128xf32, #tpu.memory_space<vmem>>
        %dma_start3A_249 = tpu.memref_squeeze %dma_start3A_248 : memref<1x128xf32, #tpu.memory_space<vmem>> -> memref<128xf32, #tpu.memory_space<vmem>>
        %dma_start3A_250 = tpu.memref_slice %arg13[%add3A_236] : memref<10000xf32, #tpu.memory_space<vmem_shared>> -> memref<128xf32, #tpu.memory_space<vmem_shared>>
        %dma_start3A_251 = tpu.memref_slice %arg13[%add3A_236] : memref<10000xf32, #tpu.memory_space<vmem_shared>> -> memref<128xf32, #tpu.memory_space<vmem_shared>>
        %dma_start3A_252 = arith.constant 0 : i32
        %dma_start3A_253 = tpu.memref_slice %arg20[%run_scoped3A_237, %dma_start3A_252] : memref<128x128xf32, #tpu.memory_space<vmem>> -> memref<1x128xf32, #tpu.memory_space<vmem>>
        %dma_start3A_254 = tpu.memref_squeeze %dma_start3A_253 : memref<1x128xf32, #tpu.memory_space<vmem>> -> memref<128xf32, #tpu.memory_space<vmem>>
        tpu.enqueue_dma source(%dma_start3A_254 : memref<128xf32, #tpu.memory_space<vmem>>) target(%dma_start3A_251 : memref<128xf32, #tpu.memory_space<vmem_shared>>) target_semaphore(%run_scoped3A_246 : memref<!tpu.dma_semaphore, #tpu.memory_space<semaphore_mem>>)
        %dma_wait3A_255 = arith.constant 0 : i32
        %dma_wait3A_256 = tpu.memref_slice %arg20[%run_scoped3A_237, %dma_wait3A_255] : memref<128x128xf32, #tpu.memory_space<vmem>> -> memref<1x128xf32, #tpu.memory_space<vmem>>
        %dma_wait3A_257 = tpu.memref_squeeze %dma_wait3A_256 : memref<1x128xf32, #tpu.memory_space<vmem>> -> memref<128xf32, #tpu.memory_space<vmem>>
        %dma_wait3A_258 = tpu.memref_slice %arg13[%add3A_236] : memref<10000xf32, #tpu.memory_space<vmem_shared>> -> memref<128xf32, #tpu.memory_space<vmem_shared>>
        %dma_wait3A_259 = tpu.memref_slice %arg13[%add3A_236] : memref<10000xf32, #tpu.memory_space<vmem_shared>> -> memref<128xf32, #tpu.memory_space<vmem_shared>>
        %dma_wait3A_260 = arith.constant 0 : i32
        %dma_wait3A_261 = tpu.memref_slice %arg20[%run_scoped3A_237, %dma_wait3A_260] : memref<128x128xf32, #tpu.memory_space<vmem>> -> memref<1x128xf32, #tpu.memory_space<vmem>>
        %dma_wait3A_262 = tpu.memref_squeeze %dma_wait3A_261 : memref<1x128xf32, #tpu.memory_space<vmem>> -> memref<128xf32, #tpu.memory_space<vmem>>
        tpu.wait_dma2 semaphore(%run_scoped3A_246 : memref<!tpu.dma_semaphore, #tpu.memory_space<semaphore_mem>>) src(%dma_wait3A_262 : memref<128xf32, #tpu.memory_space<vmem>>) dst(%dma_wait3A_259 : memref<128xf32, #tpu.memory_space<vmem_shared>>)
        tpu.yield
      }) : () -> ()
      %add3A_238 = arith.constant 384 : i32
      %add3A_239 = arith.addi %mul3A_2, %add3A_238 : i32
      %run_scoped3A_240 = arith.constant 0 : i32
      "tpu.region"() ({
        %run_scoped3A_246 = tpu.sem_alloc : memref<!tpu.dma_semaphore, #tpu.memory_space<semaphore_mem>>
        %dma_start3A_247 = arith.constant 0 : i32
        %dma_start3A_248 = tpu.memref_slice %arg20[%run_scoped3A_240, %dma_start3A_247] : memref<128x128xf32, #tpu.memory_space<vmem>> -> memref<1x128xf32, #tpu.memory_space<vmem>>
        %dma_start3A_249 = tpu.memref_squeeze %dma_start3A_248 : memref<1x128xf32, #tpu.memory_space<vmem>> -> memref<128xf32, #tpu.memory_space<vmem>>
        %dma_start3A_250 = tpu.memref_slice %arg13[%add3A_239] : memref<10000xf32, #tpu.memory_space<vmem_shared>> -> memref<128xf32, #tpu.memory_space<vmem_shared>>
        %dma_start3A_251 = tpu.memref_slice %arg13[%add3A_239] : memref<10000xf32, #tpu.memory_space<vmem_shared>> -> memref<128xf32, #tpu.memory_space<vmem_shared>>
        %dma_start3A_252 = arith.constant 0 : i32
        %dma_start3A_253 = tpu.memref_slice %arg20[%run_scoped3A_240, %dma_start3A_252] : memref<128x128xf32, #tpu.memory_space<vmem>> -> memref<1x128xf32, #tpu.memory_space<vmem>>
        %dma_start3A_254 = tpu.memref_squeeze %dma_start3A_253 : memref<1x128xf32, #tpu.memory_space<vmem>> -> memref<128xf32, #tpu.memory_space<vmem>>
        tpu.enqueue_dma source(%dma_start3A_254 : memref<128xf32, #tpu.memory_space<vmem>>) target(%dma_start3A_251 : memref<128xf32, #tpu.memory_space<vmem_shared>>) target_semaphore(%run_scoped3A_246 : memref<!tpu.dma_semaphore, #tpu.memory_space<semaphore_mem>>)
        %dma_wait3A_255 = arith.constant 0 : i32
        %dma_wait3A_256 = tpu.memref_slice %arg20[%run_scoped3A_240, %dma_wait3A_255] : memref<128x128xf32, #tpu.memory_space<vmem>> -> memref<1x128xf32, #tpu.memory_space<vmem>>
        %dma_wait3A_257 = tpu.memref_squeeze %dma_wait3A_256 : memref<1x128xf32, #tpu.memory_space<vmem>> -> memref<128xf32, #tpu.memory_space<vmem>>
        %dma_wait3A_258 = tpu.memref_slice %arg13[%add3A_239] : memref<10000xf32, #tpu.memory_space<vmem_shared>> -> memref<128xf32, #tpu.memory_space<vmem_shared>>
        %dma_wait3A_259 = tpu.memref_slice %arg13[%add3A_239] : memref<10000xf32, #tpu.memory_space<vmem_shared>> -> memref<128xf32, #tpu.memory_space<vmem_shared>>
        %dma_wait3A_260 = arith.constant 0 : i32
        %dma_wait3A_261 = tpu.memref_slice %arg20[%run_scoped3A_240, %dma_wait3A_260] : memref<128x128xf32, #tpu.memory_space<vmem>> -> memref<1x128xf32, #tpu.memory_space<vmem>>
        %dma_wait3A_262 = tpu.memref_squeeze %dma_wait3A_261 : memref<1x128xf32, #tpu.memory_space<vmem>> -> memref<128xf32, #tpu.memory_space<vmem>>
        tpu.wait_dma2 semaphore(%run_scoped3A_246 : memref<!tpu.dma_semaphore, #tpu.memory_space<semaphore_mem>>) src(%dma_wait3A_262 : memref<128xf32, #tpu.memory_space<vmem>>) dst(%dma_wait3A_259 : memref<128xf32, #tpu.memory_space<vmem_shared>>)
        tpu.yield
      }) : () -> ()
      %add3A_241 = arith.constant 520 : i32
      %add3A_242 = arith.addi %mul3A_2, %add3A_241 : i32
      %sub3A_243 = arith.constant 8 : i32
      %sub3A_244 = arith.subi %add3A_242, %sub3A_243 : i32
      %run_scoped3A_245 = arith.constant 0 : i32
      "tpu.region"() ({
        %run_scoped3A_246 = tpu.sem_alloc : memref<!tpu.dma_semaphore, #tpu.memory_space<semaphore_mem>>
        %dma_start3A_247 = arith.constant 0 : i32
        %dma_start3A_248 = tpu.memref_slice %arg20[%run_scoped3A_245, %dma_start3A_247] : memref<128x128xf32, #tpu.memory_space<vmem>> -> memref<1x8xf32, #tpu.memory_space<vmem>>
        %dma_start3A_249 = tpu.memref_squeeze %dma_start3A_248 : memref<1x8xf32, #tpu.memory_space<vmem>> -> memref<8xf32, #tpu.memory_space<vmem>>
        %dma_start3A_250 = tpu.memref_slice %arg13[%sub3A_244] : memref<10000xf32, #tpu.memory_space<vmem_shared>> -> memref<8xf32, #tpu.memory_space<vmem_shared>>
        %dma_start3A_251 = tpu.memref_slice %arg13[%sub3A_244] : memref<10000xf32, #tpu.memory_space<vmem_shared>> -> memref<8xf32, #tpu.memory_space<vmem_shared>>
        %dma_start3A_252 = arith.constant 0 : i32
        %dma_start3A_253 = tpu.memref_slice %arg20[%run_scoped3A_245, %dma_start3A_252] : memref<128x128xf32, #tpu.memory_space<vmem>> -> memref<1x8xf32, #tpu.memory_space<vmem>>
        %dma_start3A_254 = tpu.memref_squeeze %dma_start3A_253 : memref<1x8xf32, #tpu.memory_space<vmem>> -> memref<8xf32, #tpu.memory_space<vmem>>
        tpu.enqueue_dma source(%dma_start3A_254 : memref<8xf32, #tpu.memory_space<vmem>>) target(%dma_start3A_251 : memref<8xf32, #tpu.memory_space<vmem_shared>>) target_semaphore(%run_scoped3A_246 : memref<!tpu.dma_semaphore, #tpu.memory_space<semaphore_mem>>)
        %dma_wait3A_255 = arith.constant 0 : i32
        %dma_wait3A_256 = tpu.memref_slice %arg20[%run_scoped3A_245, %dma_wait3A_255] : memref<128x128xf32, #tpu.memory_space<vmem>> -> memref<1x8xf32, #tpu.memory_space<vmem>>
        %dma_wait3A_257 = tpu.memref_squeeze %dma_wait3A_256 : memref<1x8xf32, #tpu.memory_space<vmem>> -> memref<8xf32, #tpu.memory_space<vmem>>
        %dma_wait3A_258 = tpu.memref_slice %arg13[%sub3A_244] : memref<10000xf32, #tpu.memory_space<vmem_shared>> -> memref<8xf32, #tpu.memory_space<vmem_shared>>
        %dma_wait3A_259 = tpu.memref_slice %arg13[%sub3A_244] : memref<10000xf32, #tpu.memory_space<vmem_shared>> -> memref<8xf32, #tpu.memory_space<vmem_shared>>
        %dma_wait3A_260 = arith.constant 0 : i32
        %dma_wait3A_261 = tpu.memref_slice %arg20[%run_scoped3A_245, %dma_wait3A_260] : memref<128x128xf32, #tpu.memory_space<vmem>> -> memref<1x8xf32, #tpu.memory_space<vmem>>
        %dma_wait3A_262 = tpu.memref_squeeze %dma_wait3A_261 : memref<1x8xf32, #tpu.memory_space<vmem>> -> memref<8xf32, #tpu.memory_space<vmem>>
        tpu.wait_dma2 semaphore(%run_scoped3A_246 : memref<!tpu.dma_semaphore, #tpu.memory_space<semaphore_mem>>) src(%dma_wait3A_262 : memref<8xf32, #tpu.memory_space<vmem>>) dst(%dma_wait3A_259 : memref<8xf32, #tpu.memory_space<vmem_shared>>)
        tpu.yield
      }) : () -> ()
    } else {
    }
    %broadcast_in_dim3A_15 = arith.constant 1.000000e+00 : f32
    %broadcast_in_dim3A_16 = vector.broadcast %broadcast_in_dim3A_15 : f32 to vector<16xf32>
    %swap3A = arith.constant 0 : index
    %swap3A_17 = tpu.vector_load %arg22[%swap3A] {strides = array<i32>} : memref<128xf32, #tpu.memory_space<vmem>>, vector<16xf32>,
    %swap3A_18 = vector.shape_cast %swap3A_17 : vector<16xf32> to vector<16xf32>
    %swap3A_19 = vector.shape_cast %broadcast_in_dim3A_16 : vector<16xf32> to vector<16xf32>
    tpu.vector_store %arg22[%swap3A], %swap3A_19 {strides = array<i32>} : memref<128xf32, #tpu.memory_space<vmem>>, vector<16xf32>,
    %broadcast_in_dim3A_20 = arith.constant 1.000000e+00 : f32
    %broadcast_in_dim3A_21 = vector.broadcast %broadcast_in_dim3A_20 : f32 to vector<16xf32>
    %swap3A_22 = arith.constant 16 : index
    %swap3A_23 = tpu.vector_load %arg22[%swap3A_22] {strides = array<i32>} : memref<128xf32, #tpu.memory_space<vmem>>, vector<16xf32>,
    %swap3A_24 = vector.shape_cast %swap3A_23 : vector<16xf32> to vector<16xf32>
    %swap3A_25 = vector.shape_cast %broadcast_in_dim3A_21 : vector<16xf32> to vector<16xf32>
    tpu.vector_store %arg22[%swap3A_22], %swap3A_25 {strides = array<i32>} : memref<128xf32, #tpu.memory_space<vmem>>, vector<16xf32>,
    %broadcast_in_dim3A_26 = arith.constant 1.000000e+00 : f32
    %broadcast_in_dim3A_27 = vector.broadcast %broadcast_in_dim3A_26 : f32 to vector<16xf32>
    %swap3A_28 = arith.constant 32 : index
    %swap3A_29 = tpu.vector_load %arg22[%swap3A_28] {strides = array<i32>} : memref<128xf32, #tpu.memory_space<vmem>>, vector<16xf32>,
    %swap3A_30 = vector.shape_cast %swap3A_29 : vector<16xf32> to vector<16xf32>
    %swap3A_31 = vector.shape_cast %broadcast_in_dim3A_27 : vector<16xf32> to vector<16xf32>
    tpu.vector_store %arg22[%swap3A_28], %swap3A_31 {strides = array<i32>} : memref<128xf32, #tpu.memory_space<vmem>>, vector<16xf32>,
    %broadcast_in_dim3A_32 = arith.constant 1.000000e+00 : f32
    %broadcast_in_dim3A_33 = vector.broadcast %broadcast_in_dim3A_32 : f32 to vector<16xf32>
    %swap3A_34 = arith.constant 48 : index
    %swap3A_35 = tpu.vector_load %arg22[%swap3A_34] {strides = array<i32>} : memref<128xf32, #tpu.memory_space<vmem>>, vector<16xf32>,
    %swap3A_36 = vector.shape_cast %swap3A_35 : vector<16xf32> to vector<16xf32>
    %swap3A_37 = vector.shape_cast %broadcast_in_dim3A_33 : vector<16xf32> to vector<16xf32>
    tpu.vector_store %arg22[%swap3A_34], %swap3A_37 {strides = array<i32>} : memref<128xf32, #tpu.memory_space<vmem>>, vector<16xf32>,
    %broadcast_in_dim3A_38 = arith.constant 1.000000e+00 : f32
    %broadcast_in_dim3A_39 = vector.broadcast %broadcast_in_dim3A_38 : f32 to vector<16xf32>
    %swap3A_40 = arith.constant 64 : index
    %swap3A_41 = tpu.vector_load %arg22[%swap3A_40] {strides = array<i32>} : memref<128xf32, #tpu.memory_space<vmem>>, vector<16xf32>,
    %swap3A_42 = vector.shape_cast %swap3A_41 : vector<16xf32> to vector<16xf32>
    %swap3A_43 = vector.shape_cast %broadcast_in_dim3A_39 : vector<16xf32> to vector<16xf32>
    tpu.vector_store %arg22[%swap3A_40], %swap3A_43 {strides = array<i32>} : memref<128xf32, #tpu.memory_space<vmem>>, vector<16xf32>,
    %broadcast_in_dim3A_44 = arith.constant 1.000000e+00 : f32
    %broadcast_in_dim3A_45 = vector.broadcast %broadcast_in_dim3A_44 : f32 to vector<16xf32>
    %swap3A_46 = arith.constant 80 : index
    %swap3A_47 = tpu.vector_load %arg22[%swap3A_46] {strides = array<i32>} : memref<128xf32, #tpu.memory_space<vmem>>, vector<16xf32>,
    %swap3A_48 = vector.shape_cast %swap3A_47 : vector<16xf32> to vector<16xf32>
    %swap3A_49 = vector.shape_cast %broadcast_in_dim3A_45 : vector<16xf32> to vector<16xf32>
    tpu.vector_store %arg22[%swap3A_46], %swap3A_49 {strides = array<i32>} : memref<128xf32, #tpu.memory_space<vmem>>, vector<16xf32>,
    %broadcast_in_dim3A_50 = arith.constant 1.000000e+00 : f32
    %broadcast_in_dim3A_51 = vector.broadcast %broadcast_in_dim3A_50 : f32 to vector<16xf32>
    %swap3A_52 = arith.constant 96 : index
    %swap3A_53 = tpu.vector_load %arg22[%swap3A_52] {strides = array<i32>} : memref<128xf32, #tpu.memory_space<vmem>>, vector<16xf32>,
    %swap3A_54 = vector.shape_cast %swap3A_53 : vector<16xf32> to vector<16xf32>
    %swap3A_55 = vector.shape_cast %broadcast_in_dim3A_51 : vector<16xf32> to vector<16xf32>
    tpu.vector_store %arg22[%swap3A_52], %swap3A_55 {strides = array<i32>} : memref<128xf32, #tpu.memory_space<vmem>>, vector<16xf32>,
    %broadcast_in_dim3A_56 = arith.constant 1.000000e+00 : f32
    %broadcast_in_dim3A_57 = vector.broadcast %broadcast_in_dim3A_56 : f32 to vector<16xf32>
    %swap3A_58 = arith.constant 112 : index
    %swap3A_59 = tpu.vector_load %arg22[%swap3A_58] {strides = array<i32>} : memref<128xf32, #tpu.memory_space<vmem>>, vector<16xf32>,
    %swap3A_60 = vector.shape_cast %swap3A_59 : vector<16xf32> to vector<16xf32>
    %swap3A_61 = vector.shape_cast %broadcast_in_dim3A_57 : vector<16xf32> to vector<16xf32>
    tpu.vector_store %arg22[%swap3A_58], %swap3A_61 {strides = array<i32>} : memref<128xf32, #tpu.memory_space<vmem>>, vector<16xf32>,
    %barrier3A = arith.constant 0 : index
    tpu.barrier barrier_id(%barrier3A)
    %mul3A_62 = arith.constant 78 : i32
    %mul3A_63 = arith.muli %mul3A_62, %add3A : i32
    %min3A = arith.constant 4 : i32
    %min3A_64 = arith.minsi %add3A, %min3A : i32
    %add3A_65 = arith.addi %mul3A_63, %min3A_64 : i32
    %dma_start3A = arith.constant 0 : i32
    %dma_start3A_66 = arith.constant 0 : i32
    %dma_start3A_67 = tpu.memref_slice %arg3[%add3A_65, %dma_start3A, %dma_start3A_66] : memref<2500x1x128xi32, #tpu.memory_space<hbm>> -> memref<1x1x128xi32, #tpu.memory_space<hbm>>
    %dma_start3A_68 = tpu.memref_squeeze %dma_start3A_67 : memref<1x1x128xi32, #tpu.memory_space<hbm>> -> memref<128xi32, #tpu.memory_space<hbm>>
    %dma_start3A_69 = arith.constant 0 : i32
    %dma_start3A_70 = tpu.memref_slice %arg3[%add3A_65, %dma_start3A, %dma_start3A_69] : memref<2500x1x128xi32, #tpu.memory_space<hbm>> -> memref<1x1x128xi32, #tpu.memory_space<hbm>>
    %dma_start3A_71 = tpu.memref_squeeze %dma_start3A_70 : memref<1x1x128xi32, #tpu.memory_space<hbm>> -> memref<128xi32, #tpu.memory_space<hbm>>
    tpu.enqueue_dma source(%dma_start3A_71 : memref<128xi32, #tpu.memory_space<hbm>>) target(%arg14 : memref<128xi32, #tpu.memory_space<vmem>>) target_semaphore(%arg23 : memref<!tpu.dma_semaphore, #tpu.memory_space<semaphore_mem>>)
    %dma_start3A_72 = arith.constant 0 : i32
    %dma_start3A_73 = arith.constant 0 : i32
    %dma_start3A_74 = tpu.memref_slice %arg4[%add3A_65, %dma_start3A_72, %dma_start3A_73] : memref<2500x1x128xi32, #tpu.memory_space<hbm>> -> memref<1x1x128xi32, #tpu.memory_space<hbm>>
    %dma_start3A_75 = tpu.memref_squeeze %dma_start3A_74 : memref<1x1x128xi32, #tpu.memory_space<hbm>> -> memref<128xi32, #tpu.memory_space<hbm>>
    %dma_start3A_76 = arith.constant 0 : i32
    %dma_start3A_77 = tpu.memref_slice %arg4[%add3A_65, %dma_start3A_72, %dma_start3A_76] : memref<2500x1x128xi32, #tpu.memory_space<hbm>> -> memref<1x1x128xi32, #tpu.memory_space<hbm>>
    %dma_start3A_78 = tpu.memref_squeeze %dma_start3A_77 : memref<1x1x128xi32, #tpu.memory_space<hbm>> -> memref<128xi32, #tpu.memory_space<hbm>>
    tpu.enqueue_dma source(%dma_start3A_78 : memref<128xi32, #tpu.memory_space<hbm>>) target(%arg15 : memref<128xi32, #tpu.memory_space<vmem>>) target_semaphore(%arg23 : memref<!tpu.dma_semaphore, #tpu.memory_space<semaphore_mem>>)
    %dma_wait3A = arith.constant 0 : i32
    %dma_wait3A_79 = arith.constant 0 : i32
    %dma_wait3A_80 = arith.constant 0 : i32
    %dma_wait3A_81 = tpu.memref_slice %arg3[%dma_wait3A, %dma_wait3A_79, %dma_wait3A_80] : memref<2500x1x128xi32, #tpu.memory_space<hbm>> -> memref<1x1x128xi32, #tpu.memory_space<hbm>>
    %dma_wait3A_82 = tpu.memref_squeeze %dma_wait3A_81 : memref<1x1x128xi32, #tpu.memory_space<hbm>> -> memref<128xi32, #tpu.memory_space<hbm>>
    %dma_wait3A_83 = arith.constant 0 : i32
    %dma_wait3A_84 = tpu.memref_slice %arg3[%dma_wait3A, %dma_wait3A_79, %dma_wait3A_83] : memref<2500x1x128xi32, #tpu.memory_space<hbm>> -> memref<1x1x128xi32, #tpu.memory_space<hbm>>
    %dma_wait3A_85 = tpu.memref_squeeze %dma_wait3A_84 : memref<1x1x128xi32, #tpu.memory_space<hbm>> -> memref<128xi32, #tpu.memory_space<hbm>>
    tpu.wait_dma2 semaphore(%arg23 : memref<!tpu.dma_semaphore, #tpu.memory_space<semaphore_mem>>) src(%dma_wait3A_85 : memref<128xi32, #tpu.memory_space<hbm>>) dst(%arg14 : memref<128xi32, #tpu.memory_space<vmem>>)
    %dma_wait3A_86 = arith.constant 0 : i32
    %dma_wait3A_87 = arith.constant 0 : i32
    %dma_wait3A_88 = arith.constant 0 : i32
    %dma_wait3A_89 = tpu.memref_slice %arg4[%dma_wait3A_86, %dma_wait3A_87, %dma_wait3A_88] : memref<2500x1x128xi32, #tpu.memory_space<hbm>> -> memref<1x1x128xi32, #tpu.memory_space<hbm>>
    %dma_wait3A_90 = tpu.memref_squeeze %dma_wait3A_89 : memref<1x1x128xi32, #tpu.memory_space<hbm>> -> memref<128xi32, #tpu.memory_space<hbm>>
    %dma_wait3A_91 = arith.constant 0 : i32
    %dma_wait3A_92 = tpu.memref_slice %arg4[%dma_wait3A_86, %dma_wait3A_87, %dma_wait3A_91] : memref<2500x1x128xi32, #tpu.memory_space<hbm>> -> memref<1x1x128xi32, #tpu.memory_space<hbm>>
    %dma_wait3A_93 = tpu.memref_squeeze %dma_wait3A_92 : memref<1x1x128xi32, #tpu.memory_space<hbm>> -> memref<128xi32, #tpu.memory_space<hbm>>
    tpu.wait_dma2 semaphore(%arg23 : memref<!tpu.dma_semaphore, #tpu.memory_space<semaphore_mem>>) src(%dma_wait3A_93 : memref<128xi32, #tpu.memory_space<hbm>>) dst(%arg15 : memref<128xi32, #tpu.memory_space<vmem>>)
    %add3A_94 = arith.constant 1 : i32
    %add3A_95 = arith.addi %add3A_65, %add3A_94 : i32
    %dma_start3A_96 = arith.constant 0 : i32
    %dma_start3A_97 = arith.constant 0 : i32
    %dma_start3A_98 = tpu.memref_slice %arg3[%add3A_95, %dma_start3A_96, %dma_start3A_97] : memref<2500x1x128xi32, #tpu.memory_space<hbm>> -> memref<1x1x128xi32, #tpu.memory_space<hbm>>
    %dma_start3A_99 = tpu.memref_squeeze %dma_start3A_98 : memref<1x1x128xi32, #tpu.memory_space<hbm>> -> memref<128xi32, #tpu.memory_space<hbm>>
    %dma_start3A_100 = arith.constant 0 : i32
    %dma_start3A_101 = tpu.memref_slice %arg3[%add3A_95, %dma_start3A_96, %dma_start3A_100] : memref<2500x1x128xi32, #tpu.memory_space<hbm>> -> memref<1x1x128xi32, #tpu.memory_space<hbm>>
    %dma_start3A_102 = tpu.memref_squeeze %dma_start3A_101 : memref<1x1x128xi32, #tpu.memory_space<hbm>> -> memref<128xi32, #tpu.memory_space<hbm>>
    tpu.enqueue_dma source(%dma_start3A_102 : memref<128xi32, #tpu.memory_space<hbm>>) target(%arg16 : memref<128xi32, #tpu.memory_space<vmem>>) target_semaphore(%arg24 : memref<!tpu.dma_semaphore, #tpu.memory_space<semaphore_mem>>)
    %dma_start3A_103 = arith.constant 0 : i32
    %dma_start3A_104 = arith.constant 0 : i32
    %dma_start3A_105 = tpu.memref_slice %arg4[%add3A_95, %dma_start3A_103, %dma_start3A_104] : memref<2500x1x128xi32, #tpu.memory_space<hbm>> -> memref<1x1x128xi32, #tpu.memory_space<hbm>>
    %dma_start3A_106 = tpu.memref_squeeze %dma_start3A_105 : memref<1x1x128xi32, #tpu.memory_space<hbm>> -> memref<128xi32, #tpu.memory_space<hbm>>
    %dma_start3A_107 = arith.constant 0 : i32
    %dma_start3A_108 = tpu.memref_slice %arg4[%add3A_95, %dma_start3A_103, %dma_start3A_107] : memref<2500x1x128xi32, #tpu.memory_space<hbm>> -> memref<1x1x128xi32, #tpu.memory_space<hbm>>
    %dma_start3A_109 = tpu.memref_squeeze %dma_start3A_108 : memref<1x1x128xi32, #tpu.memory_space<hbm>> -> memref<128xi32, #tpu.memory_space<hbm>>
    tpu.enqueue_dma source(%dma_start3A_109 : memref<128xi32, #tpu.memory_space<hbm>>) target(%arg17 : memref<128xi32, #tpu.memory_space<vmem>>) target_semaphore(%arg24 : memref<!tpu.dma_semaphore, #tpu.memory_space<semaphore_mem>>)
    %dma_start3A_110 = arith.constant 0 : i32
    %dma_start3A_111 = arith.constant 0 : i32
    %dma_start3A_112 = tpu.memref_slice %arg2[%dma_start3A_110, %dma_start3A_111] : memref<10000x128xf32, #tpu.memory_space<hbm>> -> memref<10000x128xf32, #tpu.memory_space<hbm>>
    tpu.enqueue_indirect_dma source(%dma_start3A_112 : memref<10000x128xf32, #tpu.memory_space<hbm>>) target(%arg20 : memref<128x128xf32, #tpu.memory_space<vmem>>) offsets(%arg14 : memref<128xi32, #tpu.memory_space<vmem>>) semaphore(%arg26 : memref<!tpu.dma_semaphore, #tpu.memory_space<semaphore_mem>>)
    %dma_wait3A_113 = arith.constant 0 : i32
    %dma_wait3A_114 = arith.constant 0 : i32
    %dma_wait3A_115 = arith.constant 0 : i32
    %dma_wait3A_116 = tpu.memref_slice %arg3[%dma_wait3A_113, %dma_wait3A_114, %dma_wait3A_115] : memref<2500x1x128xi32, #tpu.memory_space<hbm>> -> memref<1x1x128xi32, #tpu.memory_space<hbm>>
    %dma_wait3A_117 = tpu.memref_squeeze %dma_wait3A_116 : memref<1x1x128xi32, #tpu.memory_space<hbm>> -> memref<128xi32, #tpu.memory_space<hbm>>
    %dma_wait3A_118 = arith.constant 0 : i32
    %dma_wait3A_119 = tpu.memref_slice %arg3[%dma_wait3A_113, %dma_wait3A_114, %dma_wait3A_118] : memref<2500x1x128xi32, #tpu.memory_space<hbm>> -> memref<1x1x128xi32, #tpu.memory_space<hbm>>
    %dma_wait3A_120 = tpu.memref_squeeze %dma_wait3A_119 : memref<1x1x128xi32, #tpu.memory_space<hbm>> -> memref<128xi32, #tpu.memory_space<hbm>>
    tpu.wait_dma2 semaphore(%arg24 : memref<!tpu.dma_semaphore, #tpu.memory_space<semaphore_mem>>) src(%dma_wait3A_120 : memref<128xi32, #tpu.memory_space<hbm>>) dst(%arg16 : memref<128xi32, #tpu.memory_space<vmem>>)
    %dma_wait3A_121 = arith.constant 0 : i32
    %dma_wait3A_122 = arith.constant 0 : i32
    %dma_wait3A_123 = arith.constant 0 : i32
    %dma_wait3A_124 = tpu.memref_slice %arg4[%dma_wait3A_121, %dma_wait3A_122, %dma_wait3A_123] : memref<2500x1x128xi32, #tpu.memory_space<hbm>> -> memref<1x1x128xi32, #tpu.memory_space<hbm>>
    %dma_wait3A_125 = tpu.memref_squeeze %dma_wait3A_124 : memref<1x1x128xi32, #tpu.memory_space<hbm>> -> memref<128xi32, #tpu.memory_space<hbm>>
    %dma_wait3A_126 = arith.constant 0 : i32
    %dma_wait3A_127 = tpu.memref_slice %arg4[%dma_wait3A_121, %dma_wait3A_122, %dma_wait3A_126] : memref<2500x1x128xi32, #tpu.memory_space<hbm>> -> memref<1x1x128xi32, #tpu.memory_space<hbm>>
    %dma_wait3A_128 = tpu.memref_squeeze %dma_wait3A_127 : memref<1x1x128xi32, #tpu.memory_space<hbm>> -> memref<128xi32, #tpu.memory_space<hbm>>
    tpu.wait_dma2 semaphore(%arg24 : memref<!tpu.dma_semaphore, #tpu.memory_space<semaphore_mem>>) src(%dma_wait3A_128 : memref<128xi32, #tpu.memory_space<hbm>>) dst(%arg17 : memref<128xi32, #tpu.memory_space<vmem>>)
    %scan3A_129 = arith.constant 0 : i32
    %scan3A_130 = arith.constant 0 : i32
    %scan3A_131 = arith.constant 13 : i32
    %scan3A_132 = arith.addi %scan3A_130, %scan3A_131 : i32
    %scan3A_133 = arith.constant 1 : i32
    scf.for %scan3A_202 = %scan3A_130 to %scan3A_132 step %scan3A_133  : i32 {
      %mul3A_203 = arith.constant 6 : i32
      %mul3A_204 = arith.muli %mul3A_203, %scan3A_202 : i32
      %add3A_205 = arith.addi %add3A_65, %mul3A_204 : i32
      %mul3A_206 = arith.constant 6 : i32
      %mul3A_207 = arith.muli %mul3A_206, %scan3A_202 : i32
      %add3A_208 = arith.constant 0 : i32
      %add3A_209 = arith.addi %mul3A_207, %add3A_208 : i32
      %add3A_210 = arith.constant 1 : i32
      %add3A_211 = arith.addi %add3A_209, %add3A_210 : i32
      %lt3A_212 = arith.constant 78 : i32
      %lt3A_213 = arith.cmpi slt, %add3A_211, %lt3A_212 : i32
      %gt3A = arith.constant 0 : i32
      %gt3A_214 = arith.cmpi sgt, %scan3A_202, %gt3A : i32
      %and3A_215 = arith.andi %lt3A_213, %gt3A_214 : i1
      %eq3A_216 = arith.constant 0 : i32
      %eq3A_217 = arith.cmpi eq, %scan3A_202, %eq3A_216 : i32
      %convert_element_type3A_218 = arith.extui %eq3A_217 : i1 to i32
      %cond3A_219 = arith.constant 0 : i32
      %cond3A_220 = arith.cmpi ne, %convert_element_type3A_218, %cond3A_219 : i32
      scf.if %cond3A_220 {
        %dma_start3A_425 = arith.constant 0 : i32
        %dma_start3A_426 = arith.constant 0 : i32
        %dma_start3A_427 = tpu.memref_slice %arg2[%dma_start3A_425, %dma_start3A_426] : memref<10000x128xf32, #tpu.memory_space<hbm>> -> memref<10000x128xf32, #tpu.memory_space<hbm>>
        tpu.enqueue_indirect_dma source(%dma_start3A_427 : memref<10000x128xf32, #tpu.memory_space<hbm>>) target(%arg21 : memref<128x128xf32, #tpu.memory_space<vmem>>) offsets(%arg16 : memref<128xi32, #tpu.memory_space<vmem>>) semaphore(%arg27 : memref<!tpu.dma_semaphore, #tpu.memory_space<semaphore_mem>>)
      } else {
      }
      %convert_element_type3A_221 = arith.extui %and3A_215 : i1 to i32
      %cond3A_222 = arith.constant 0 : i32
      %cond3A_223 = arith.cmpi ne, %convert_element_type3A_221, %cond3A_222 : i32
      scf.if %cond3A_223 {
        %dma_wait3A_425 = arith.constant 0 : i32
        %dma_wait3A_426 = arith.constant 0 : i32
        %dma_wait3A_427 = tpu.memref_slice %arg11[%dma_wait3A_425, %dma_wait3A_426] : memref<10000x128xf32, #tpu.memory_space<vmem_shared>> -> memref<10000x128xf32, #tpu.memory_space<vmem_shared>>
        tpu.wait_indirect_dma semaphore(%arg29 : memref<!tpu.dma_semaphore, #tpu.memory_space<semaphore_mem>>) src(%arg20 : memref<128x128xf32, #tpu.memory_space<vmem>>) dst(%dma_wait3A_427 : memref<10000x128xf32, #tpu.memory_space<vmem_shared>>)
        %dma_wait3A_428 = arith.constant 0 : i32
        %dma_wait3A_429 = tpu.memref_slice %arg12[%dma_wait3A_428] : memref<10000xf32, #tpu.memory_space<vmem_shared>> -> memref<10000xf32, #tpu.memory_space<vmem_shared>>
        tpu.wait_indirect_dma semaphore(%arg29 : memref<!tpu.dma_semaphore, #tpu.memory_space<semaphore_mem>>) src(%arg22 : memref<128xf32, #tpu.memory_space<vmem>>) dst(%dma_wait3A_429 : memref<10000xf32, #tpu.memory_space<vmem_shared>>)
        %dma_wait3A_430 = arith.constant 0 : i32
        %dma_wait3A_431 = tpu.memref_slice %arg13[%dma_wait3A_430] : memref<10000xf32, #tpu.memory_space<vmem_shared>> -> memref<10000xf32, #tpu.memory_space<vmem_shared>>
        tpu.wait_indirect_dma semaphore(%arg29 : memref<!tpu.dma_semaphore, #tpu.memory_space<semaphore_mem>>) src(%arg22 : memref<128xf32, #tpu.memory_space<vmem>>) dst(%dma_wait3A_431 : memref<10000xf32, #tpu.memory_space<vmem_shared>>)
        %dma_start3A_432 = arith.constant 0 : i32
        %dma_start3A_433 = arith.constant 0 : i32
        %dma_start3A_434 = tpu.memref_slice %arg2[%dma_start3A_432, %dma_start3A_433] : memref<10000x128xf32, #tpu.memory_space<hbm>> -> memref<10000x128xf32, #tpu.memory_space<hbm>>
        tpu.enqueue_indirect_dma source(%dma_start3A_434 : memref<10000x128xf32, #tpu.memory_space<hbm>>) target(%arg21 : memref<128x128xf32, #tpu.memory_space<vmem>>) offsets(%arg16 : memref<128xi32, #tpu.memory_space<vmem>>) semaphore(%arg27 : memref<!tpu.dma_semaphore, #tpu.memory_space<semaphore_mem>>)
      } else {
      }
      %add3A_224 = arith.constant 2 : i32
      %add3A_225 = arith.addi %add3A_209, %add3A_224 : i32
      %lt3A_226 = arith.constant 78 : i32
      %lt3A_227 = arith.cmpi slt, %add3A_225, %lt3A_226 : i32
      %convert_element_type3A_228 = arith.extui %lt3A_227 : i1 to i32
      %cond3A_229 = arith.constant 0 : i32
      %cond3A_230 = arith.cmpi ne, %convert_element_type3A_228, %cond3A_229 : i32
      scf.if %cond3A_230 {
        %add3A_425 = arith.constant 0 : i32
        %add3A_426 = arith.addi %add3A_205, %add3A_425 : i32
        %add3A_427 = arith.constant 2 : i32
        %add3A_428 = arith.addi %add3A_426, %add3A_427 : i32
        %dma_start3A_429 = arith.constant 0 : i32
        %dma_start3A_430 = arith.constant 0 : i32
        %dma_start3A_431 = tpu.memref_slice %arg3[%add3A_428, %dma_start3A_429, %dma_start3A_430] : memref<2500x1x128xi32, #tpu.memory_space<hbm>> -> memref<1x1x128xi32, #tpu.memory_space<hbm>>
        %dma_start3A_432 = tpu.memref_squeeze %dma_start3A_431 : memref<1x1x128xi32, #tpu.memory_space<hbm>> -> memref<128xi32, #tpu.memory_space<hbm>>
        %dma_start3A_433 = arith.constant 0 : i32
        %dma_start3A_434 = tpu.memref_slice %arg3[%add3A_428, %dma_start3A_429, %dma_start3A_433] : memref<2500x1x128xi32, #tpu.memory_space<hbm>> -> memref<1x1x128xi32, #tpu.memory_space<hbm>>
        %dma_start3A_435 = tpu.memref_squeeze %dma_start3A_434 : memref<1x1x128xi32, #tpu.memory_space<hbm>> -> memref<128xi32, #tpu.memory_space<hbm>>
        tpu.enqueue_dma source(%dma_start3A_435 : memref<128xi32, #tpu.memory_space<hbm>>) target(%arg18 : memref<128xi32, #tpu.memory_space<vmem>>) target_semaphore(%arg25 : memref<!tpu.dma_semaphore, #tpu.memory_space<semaphore_mem>>)
        %dma_start3A_436 = arith.constant 0 : i32
        %dma_start3A_437 = arith.constant 0 : i32
        %dma_start3A_438 = tpu.memref_slice %arg4[%add3A_428, %dma_start3A_436, %dma_start3A_437] : memref<2500x1x128xi32, #tpu.memory_space<hbm>> -> memref<1x1x128xi32, #tpu.memory_space<hbm>>
        %dma_start3A_439 = tpu.memref_squeeze %dma_start3A_438 : memref<1x1x128xi32, #tpu.memory_space<hbm>> -> memref<128xi32, #tpu.memory_space<hbm>>
        %dma_start3A_440 = arith.constant 0 : i32
        %dma_start3A_441 = tpu.memref_slice %arg4[%add3A_428, %dma_start3A_436, %dma_start3A_440] : memref<2500x1x128xi32, #tpu.memory_space<hbm>> -> memref<1x1x128xi32, #tpu.memory_space<hbm>>
        %dma_start3A_442 = tpu.memref_squeeze %dma_start3A_441 : memref<1x1x128xi32, #tpu.memory_space<hbm>> -> memref<128xi32, #tpu.memory_space<hbm>>
        tpu.enqueue_dma source(%dma_start3A_442 : memref<128xi32, #tpu.memory_space<hbm>>) target(%arg19 : memref<128xi32, #tpu.memory_space<vmem>>) target_semaphore(%arg25 : memref<!tpu.dma_semaphore, #tpu.memory_space<semaphore_mem>>)
      } else {
      }
      %dma_wait3A_231 = arith.constant 0 : i32
      %dma_wait3A_232 = arith.constant 0 : i32
      %dma_wait3A_233 = tpu.memref_slice %arg2[%dma_wait3A_231, %dma_wait3A_232] : memref<10000x128xf32, #tpu.memory_space<hbm>> -> memref<10000x128xf32, #tpu.memory_space<hbm>>
      tpu.wait_indirect_dma semaphore(%arg26 : memref<!tpu.dma_semaphore, #tpu.memory_space<semaphore_mem>>) src(%dma_wait3A_233 : memref<10000x128xf32, #tpu.memory_space<hbm>>) dst(%arg20 : memref<128x128xf32, #tpu.memory_space<vmem>>)
      %dma_start3A_234 = arith.constant 0 : i32
      %dma_start3A_235 = arith.constant 0 : i32
      %dma_start3A_236 = tpu.memref_slice %arg11[%dma_start3A_234, %dma_start3A_235] : memref<10000x128xf32, #tpu.memory_space<vmem_shared>> -> memref<10000x128xf32, #tpu.memory_space<vmem_shared>>
      tpu.enqueue_indirect_dma source(%arg20 : memref<128x128xf32, #tpu.memory_space<vmem>>) target(%dma_start3A_236 : memref<10000x128xf32, #tpu.memory_space<vmem_shared>>) offsets(%arg15 : memref<128xi32, #tpu.memory_space<vmem>>) semaphore(%arg28 : memref<!tpu.dma_semaphore, #tpu.memory_space<semaphore_mem>>) {add = true}
      %dma_start3A_237 = arith.constant 0 : i32
      %dma_start3A_238 = tpu.memref_slice %arg12[%dma_start3A_237] : memref<10000xf32, #tpu.memory_space<vmem_shared>> -> memref<10000xf32, #tpu.memory_space<vmem_shared>>
      tpu.enqueue_indirect_dma source(%arg22 : memref<128xf32, #tpu.memory_space<vmem>>) target(%dma_start3A_238 : memref<10000xf32, #tpu.memory_space<vmem_shared>>) offsets(%arg14 : memref<128xi32, #tpu.memory_space<vmem>>) semaphore(%arg28 : memref<!tpu.dma_semaphore, #tpu.memory_space<semaphore_mem>>) {add = true}
      %dma_start3A_239 = arith.constant 0 : i32
      %dma_start3A_240 = tpu.memref_slice %arg13[%dma_start3A_239] : memref<10000xf32, #tpu.memory_space<vmem_shared>> -> memref<10000xf32, #tpu.memory_space<vmem_shared>>
      tpu.enqueue_indirect_dma source(%arg22 : memref<128xf32, #tpu.memory_space<vmem>>) target(%dma_start3A_240 : memref<10000xf32, #tpu.memory_space<vmem_shared>>) offsets(%arg15 : memref<128xi32, #tpu.memory_space<vmem>>) semaphore(%arg28 : memref<!tpu.dma_semaphore, #tpu.memory_space<semaphore_mem>>) {add = true}
      %add3A_241 = arith.constant 2 : i32
      %add3A_242 = arith.addi %add3A_209, %add3A_241 : i32
      %lt3A_243 = arith.constant 78 : i32
      %lt3A_244 = arith.cmpi slt, %add3A_242, %lt3A_243 : i32
      %convert_element_type3A_245 = arith.extui %lt3A_244 : i1 to i32
      %cond3A_246 = arith.constant 0 : i32
      %cond3A_247 = arith.cmpi ne, %convert_element_type3A_245, %cond3A_246 : i32
      scf.if %cond3A_247 {
        %dma_wait3A_425 = arith.constant 0 : i32
        %dma_wait3A_426 = arith.constant 0 : i32
        %dma_wait3A_427 = arith.constant 0 : i32
        %dma_wait3A_428 = tpu.memref_slice %arg3[%dma_wait3A_425, %dma_wait3A_426, %dma_wait3A_427] : memref<2500x1x128xi32, #tpu.memory_space<hbm>> -> memref<1x1x128xi32, #tpu.memory_space<hbm>>
        %dma_wait3A_429 = tpu.memref_squeeze %dma_wait3A_428 : memref<1x1x128xi32, #tpu.memory_space<hbm>> -> memref<128xi32, #tpu.memory_space<hbm>>
        %dma_wait3A_430 = arith.constant 0 : i32
        %dma_wait3A_431 = tpu.memref_slice %arg3[%dma_wait3A_425, %dma_wait3A_426, %dma_wait3A_430] : memref<2500x1x128xi32, #tpu.memory_space<hbm>> -> memref<1x1x128xi32, #tpu.memory_space<hbm>>
        %dma_wait3A_432 = tpu.memref_squeeze %dma_wait3A_431 : memref<1x1x128xi32, #tpu.memory_space<hbm>> -> memref<128xi32, #tpu.memory_space<hbm>>
        tpu.wait_dma2 semaphore(%arg25 : memref<!tpu.dma_semaphore, #tpu.memory_space<semaphore_mem>>) src(%dma_wait3A_432 : memref<128xi32, #tpu.memory_space<hbm>>) dst(%arg18 : memref<128xi32, #tpu.memory_space<vmem>>)
        %dma_wait3A_433 = arith.constant 0 : i32
        %dma_wait3A_434 = arith.constant 0 : i32
        %dma_wait3A_435 = arith.constant 0 : i32
        %dma_wait3A_436 = tpu.memref_slice %arg4[%dma_wait3A_433, %dma_wait3A_434, %dma_wait3A_435] : memref<2500x1x128xi32, #tpu.memory_space<hbm>> -> memref<1x1x128xi32, #tpu.memory_space<hbm>>
        %dma_wait3A_437 = tpu.memref_squeeze %dma_wait3A_436 : memref<1x1x128xi32, #tpu.memory_space<hbm>> -> memref<128xi32, #tpu.memory_space<hbm>>
        %dma_wait3A_438 = arith.constant 0 : i32
        %dma_wait3A_439 = tpu.memref_slice %arg4[%dma_wait3A_433, %dma_wait3A_434, %dma_wait3A_438] : memref<2500x1x128xi32, #tpu.memory_space<hbm>> -> memref<1x1x128xi32, #tpu.memory_space<hbm>>
        %dma_wait3A_440 = tpu.memref_squeeze %dma_wait3A_439 : memref<1x1x128xi32, #tpu.memory_space<hbm>> -> memref<128xi32, #tpu.memory_space<hbm>>
        tpu.wait_dma2 semaphore(%arg25 : memref<!tpu.dma_semaphore, #tpu.memory_space<semaphore_mem>>) src(%dma_wait3A_440 : memref<128xi32, #tpu.memory_space<hbm>>) dst(%arg19 : memref<128xi32, #tpu.memory_space<vmem>>)
      } else {
      }
      %mul3A_248 = arith.constant 6 : i32
      %mul3A_249 = arith.muli %mul3A_248, %scan3A_202 : i32
      %add3A_250 = arith.constant 1 : i32
      %add3A_251 = arith.addi %mul3A_249, %add3A_250 : i32
      %add3A_252 = arith.constant 1 : i32
      %add3A_253 = arith.addi %add3A_251, %add3A_252 : i32
      %lt3A_254 = arith.constant 78 : i32
      %lt3A_255 = arith.cmpi slt, %add3A_253, %lt3A_254 : i32
      %convert_element_type3A_256 = arith.extui %lt3A_255 : i1 to i32
      %cond3A_257 = arith.constant 0 : i32
      %cond3A_258 = arith.cmpi ne, %convert_element_type3A_256, %cond3A_257 : i32
      scf.if %cond3A_258 {
        %dma_wait3A_425 = arith.constant 0 : i32
        %dma_wait3A_426 = arith.constant 0 : i32
        %dma_wait3A_427 = tpu.memref_slice %arg11[%dma_wait3A_425, %dma_wait3A_426] : memref<10000x128xf32, #tpu.memory_space<vmem_shared>> -> memref<10000x128xf32, #tpu.memory_space<vmem_shared>>
        tpu.wait_indirect_dma semaphore(%arg28 : memref<!tpu.dma_semaphore, #tpu.memory_space<semaphore_mem>>) src(%arg20 : memref<128x128xf32, #tpu.memory_space<vmem>>) dst(%dma_wait3A_427 : memref<10000x128xf32, #tpu.memory_space<vmem_shared>>)
        %dma_wait3A_428 = arith.constant 0 : i32
        %dma_wait3A_429 = tpu.memref_slice %arg12[%dma_wait3A_428] : memref<10000xf32, #tpu.memory_space<vmem_shared>> -> memref<10000xf32, #tpu.memory_space<vmem_shared>>
        tpu.wait_indirect_dma semaphore(%arg28 : memref<!tpu.dma_semaphore, #tpu.memory_space<semaphore_mem>>) src(%arg22 : memref<128xf32, #tpu.memory_space<vmem>>) dst(%dma_wait3A_429 : memref<10000xf32, #tpu.memory_space<vmem_shared>>)
        %dma_wait3A_430 = arith.constant 0 : i32
        %dma_wait3A_431 = tpu.memref_slice %arg13[%dma_wait3A_430] : memref<10000xf32, #tpu.memory_space<vmem_shared>> -> memref<10000xf32, #tpu.memory_space<vmem_shared>>
        tpu.wait_indirect_dma semaphore(%arg28 : memref<!tpu.dma_semaphore, #tpu.memory_space<semaphore_mem>>) src(%arg22 : memref<128xf32, #tpu.memory_space<vmem>>) dst(%dma_wait3A_431 : memref<10000xf32, #tpu.memory_space<vmem_shared>>)
        %dma_start3A_432 = arith.constant 0 : i32
        %dma_start3A_433 = arith.constant 0 : i32
        %dma_start3A_434 = tpu.memref_slice %arg2[%dma_start3A_432, %dma_start3A_433] : memref<10000x128xf32, #tpu.memory_space<hbm>> -> memref<10000x128xf32, #tpu.memory_space<hbm>>
        tpu.enqueue_indirect_dma source(%dma_start3A_434 : memref<10000x128xf32, #tpu.memory_space<hbm>>) target(%arg20 : memref<128x128xf32, #tpu.memory_space<vmem>>) offsets(%arg18 : memref<128xi32, #tpu.memory_space<vmem>>) semaphore(%arg26 : memref<!tpu.dma_semaphore, #tpu.memory_space<semaphore_mem>>)
      } else {
      }
      %add3A_259 = arith.constant 2 : i32
      %add3A_260 = arith.addi %add3A_251, %add3A_259 : i32
      %lt3A_261 = arith.constant 78 : i32
      %lt3A_262 = arith.cmpi slt, %add3A_260, %lt3A_261 : i32
      %convert_element_type3A_263 = arith.extui %lt3A_262 : i1 to i32
      %cond3A_264 = arith.constant 0 : i32
      %cond3A_265 = arith.cmpi ne, %convert_element_type3A_263, %cond3A_264 : i32
      scf.if %cond3A_265 {
        %add3A_425 = arith.constant 1 : i32
        %add3A_426 = arith.addi %add3A_205, %add3A_425 : i32
        %add3A_427 = arith.constant 2 : i32
        %add3A_428 = arith.addi %add3A_426, %add3A_427 : i32
        %dma_start3A_429 = arith.constant 0 : i32
        %dma_start3A_430 = arith.constant 0 : i32
        %dma_start3A_431 = tpu.memref_slice %arg3[%add3A_428, %dma_start3A_429, %dma_start3A_430] : memref<2500x1x128xi32, #tpu.memory_space<hbm>> -> memref<1x1x128xi32, #tpu.memory_space<hbm>>
        %dma_start3A_432 = tpu.memref_squeeze %dma_start3A_431 : memref<1x1x128xi32, #tpu.memory_space<hbm>> -> memref<128xi32, #tpu.memory_space<hbm>>
        %dma_start3A_433 = arith.constant 0 : i32
        %dma_start3A_434 = tpu.memref_slice %arg3[%add3A_428, %dma_start3A_429, %dma_start3A_433] : memref<2500x1x128xi32, #tpu.memory_space<hbm>> -> memref<1x1x128xi32, #tpu.memory_space<hbm>>
        %dma_start3A_435 = tpu.memref_squeeze %dma_start3A_434 : memref<1x1x128xi32, #tpu.memory_space<hbm>> -> memref<128xi32, #tpu.memory_space<hbm>>
        tpu.enqueue_dma source(%dma_start3A_435 : memref<128xi32, #tpu.memory_space<hbm>>) target(%arg14 : memref<128xi32, #tpu.memory_space<vmem>>) target_semaphore(%arg23 : memref<!tpu.dma_semaphore, #tpu.memory_space<semaphore_mem>>)
        %dma_start3A_436 = arith.constant 0 : i32
        %dma_start3A_437 = arith.constant 0 : i32
        %dma_start3A_438 = tpu.memref_slice %arg4[%add3A_428, %dma_start3A_436, %dma_start3A_437] : memref<2500x1x128xi32, #tpu.memory_space<hbm>> -> memref<1x1x128xi32, #tpu.memory_space<hbm>>
        %dma_start3A_439 = tpu.memref_squeeze %dma_start3A_438 : memref<1x1x128xi32, #tpu.memory_space<hbm>> -> memref<128xi32, #tpu.memory_space<hbm>>
        %dma_start3A_440 = arith.constant 0 : i32
        %dma_start3A_441 = tpu.memref_slice %arg4[%add3A_428, %dma_start3A_436, %dma_start3A_440] : memref<2500x1x128xi32, #tpu.memory_space<hbm>> -> memref<1x1x128xi32, #tpu.memory_space<hbm>>
        %dma_start3A_442 = tpu.memref_squeeze %dma_start3A_441 : memref<1x1x128xi32, #tpu.memory_space<hbm>> -> memref<128xi32, #tpu.memory_space<hbm>>
        tpu.enqueue_dma source(%dma_start3A_442 : memref<128xi32, #tpu.memory_space<hbm>>) target(%arg15 : memref<128xi32, #tpu.memory_space<vmem>>) target_semaphore(%arg23 : memref<!tpu.dma_semaphore, #tpu.memory_space<semaphore_mem>>)
      } else {
      }
      %dma_wait3A_266 = arith.constant 0 : i32
      %dma_wait3A_267 = arith.constant 0 : i32
      %dma_wait3A_268 = tpu.memref_slice %arg2[%dma_wait3A_266, %dma_wait3A_267] : memref<10000x128xf32, #tpu.memory_space<hbm>> -> memref<10000x128xf32, #tpu.memory_space<hbm>>
      tpu.wait_indirect_dma semaphore(%arg27 : memref<!tpu.dma_semaphore, #tpu.memory_space<semaphore_mem>>) src(%dma_wait3A_268 : memref<10000x128xf32, #tpu.memory_space<hbm>>) dst(%arg21 : memref<128x128xf32, #tpu.memory_space<vmem>>)
      %dma_start3A_269 = arith.constant 0 : i32
      %dma_start3A_270 = arith.constant 0 : i32
      %dma_start3A_271 = tpu.memref_slice %arg11[%dma_start3A_269, %dma_start3A_270] : memref<10000x128xf32, #tpu.memory_space<vmem_shared>> -> memref<10000x128xf32, #tpu.memory_space<vmem_shared>>
      tpu.enqueue_indirect_dma source(%arg21 : memref<128x128xf32, #tpu.memory_space<vmem>>) target(%dma_start3A_271 : memref<10000x128xf32, #tpu.memory_space<vmem_shared>>) offsets(%arg17 : memref<128xi32, #tpu.memory_space<vmem>>) semaphore(%arg29 : memref<!tpu.dma_semaphore, #tpu.memory_space<semaphore_mem>>) {add = true}
      %dma_start3A_272 = arith.constant 0 : i32
      %dma_start3A_273 = tpu.memref_slice %arg12[%dma_start3A_272] : memref<10000xf32, #tpu.memory_space<vmem_shared>> -> memref<10000xf32, #tpu.memory_space<vmem_shared>>
      tpu.enqueue_indirect_dma source(%arg22 : memref<128xf32, #tpu.memory_space<vmem>>) target(%dma_start3A_273 : memref<10000xf32, #tpu.memory_space<vmem_shared>>) offsets(%arg16 : memref<128xi32, #tpu.memory_space<vmem>>) semaphore(%arg29 : memref<!tpu.dma_semaphore, #tpu.memory_space<semaphore_mem>>) {add = true}
      %dma_start3A_274 = arith.constant 0 : i32
      %dma_start3A_275 = tpu.memref_slice %arg13[%dma_start3A_274] : memref<10000xf32, #tpu.memory_space<vmem_shared>> -> memref<10000xf32, #tpu.memory_space<vmem_shared>>
      tpu.enqueue_indirect_dma source(%arg22 : memref<128xf32, #tpu.memory_space<vmem>>) target(%dma_start3A_275 : memref<10000xf32, #tpu.memory_space<vmem_shared>>) offsets(%arg17 : memref<128xi32, #tpu.memory_space<vmem>>) semaphore(%arg29 : memref<!tpu.dma_semaphore, #tpu.memory_space<semaphore_mem>>) {add = true}
      %add3A_276 = arith.constant 2 : i32
      %add3A_277 = arith.addi %add3A_251, %add3A_276 : i32
      %lt3A_278 = arith.constant 78 : i32
      %lt3A_279 = arith.cmpi slt, %add3A_277, %lt3A_278 : i32
      %convert_element_type3A_280 = arith.extui %lt3A_279 : i1 to i32
      %cond3A_281 = arith.constant 0 : i32
      %cond3A_282 = arith.cmpi ne, %convert_element_type3A_280, %cond3A_281 : i32
      scf.if %cond3A_282 {
        %dma_wait3A_425 = arith.constant 0 : i32
        %dma_wait3A_426 = arith.constant 0 : i32
        %dma_wait3A_427 = arith.constant 0 : i32
        %dma_wait3A_428 = tpu.memref_slice %arg3[%dma_wait3A_425, %dma_wait3A_426, %dma_wait3A_427] : memref<2500x1x128xi32, #tpu.memory_space<hbm>> -> memref<1x1x128xi32, #tpu.memory_space<hbm>>
        %dma_wait3A_429 = tpu.memref_squeeze %dma_wait3A_428 : memref<1x1x128xi32, #tpu.memory_space<hbm>> -> memref<128xi32, #tpu.memory_space<hbm>>
        %dma_wait3A_430 = arith.constant 0 : i32
        %dma_wait3A_431 = tpu.memref_slice %arg3[%dma_wait3A_425, %dma_wait3A_426, %dma_wait3A_430] : memref<2500x1x128xi32, #tpu.memory_space<hbm>> -> memref<1x1x128xi32, #tpu.memory_space<hbm>>
        %dma_wait3A_432 = tpu.memref_squeeze %dma_wait3A_431 : memref<1x1x128xi32, #tpu.memory_space<hbm>> -> memref<128xi32, #tpu.memory_space<hbm>>
        tpu.wait_dma2 semaphore(%arg23 : memref<!tpu.dma_semaphore, #tpu.memory_space<semaphore_mem>>) src(%dma_wait3A_432 : memref<128xi32, #tpu.memory_space<hbm>>) dst(%arg14 : memref<128xi32, #tpu.memory_space<vmem>>)
        %dma_wait3A_433 = arith.constant 0 : i32
        %dma_wait3A_434 = arith.constant 0 : i32
        %dma_wait3A_435 = arith.constant 0 : i32
        %dma_wait3A_436 = tpu.memref_slice %arg4[%dma_wait3A_433, %dma_wait3A_434, %dma_wait3A_435] : memref<2500x1x128xi32, #tpu.memory_space<hbm>> -> memref<1x1x128xi32, #tpu.memory_space<hbm>>
        %dma_wait3A_437 = tpu.memref_squeeze %dma_wait3A_436 : memref<1x1x128xi32, #tpu.memory_space<hbm>> -> memref<128xi32, #tpu.memory_space<hbm>>
        %dma_wait3A_438 = arith.constant 0 : i32
        %dma_wait3A_439 = tpu.memref_slice %arg4[%dma_wait3A_433, %dma_wait3A_434, %dma_wait3A_438] : memref<2500x1x128xi32, #tpu.memory_space<hbm>> -> memref<1x1x128xi32, #tpu.memory_space<hbm>>
        %dma_wait3A_440 = tpu.memref_squeeze %dma_wait3A_439 : memref<1x1x128xi32, #tpu.memory_space<hbm>> -> memref<128xi32, #tpu.memory_space<hbm>>
        tpu.wait_dma2 semaphore(%arg23 : memref<!tpu.dma_semaphore, #tpu.memory_space<semaphore_mem>>) src(%dma_wait3A_440 : memref<128xi32, #tpu.memory_space<hbm>>) dst(%arg15 : memref<128xi32, #tpu.memory_space<vmem>>)
      } else {
      }
      %mul3A_283 = arith.constant 6 : i32
      %mul3A_284 = arith.muli %mul3A_283, %scan3A_202 : i32
      %add3A_285 = arith.constant 2 : i32
      %add3A_286 = arith.addi %mul3A_284, %add3A_285 : i32
      %add3A_287 = arith.constant 1 : i32
      %add3A_288 = arith.addi %add3A_286, %add3A_287 : i32
      %lt3A_289 = arith.constant 78 : i32
      %lt3A_290 = arith.cmpi slt, %add3A_288, %lt3A_289 : i32
      %convert_element_type3A_291 = arith.extui %lt3A_290 : i1 to i32
      %cond3A_292 = arith.constant 0 : i32
      %cond3A_293 = arith.cmpi ne, %convert_element_type3A_291, %cond3A_292 : i32
      scf.if %cond3A_293 {
        %dma_wait3A_425 = arith.constant 0 : i32
        %dma_wait3A_426 = arith.constant 0 : i32
        %dma_wait3A_427 = tpu.memref_slice %arg11[%dma_wait3A_425, %dma_wait3A_426] : memref<10000x128xf32, #tpu.memory_space<vmem_shared>> -> memref<10000x128xf32, #tpu.memory_space<vmem_shared>>
        tpu.wait_indirect_dma semaphore(%arg29 : memref<!tpu.dma_semaphore, #tpu.memory_space<semaphore_mem>>) src(%arg20 : memref<128x128xf32, #tpu.memory_space<vmem>>) dst(%dma_wait3A_427 : memref<10000x128xf32, #tpu.memory_space<vmem_shared>>)
        %dma_wait3A_428 = arith.constant 0 : i32
        %dma_wait3A_429 = tpu.memref_slice %arg12[%dma_wait3A_428] : memref<10000xf32, #tpu.memory_space<vmem_shared>> -> memref<10000xf32, #tpu.memory_space<vmem_shared>>
        tpu.wait_indirect_dma semaphore(%arg29 : memref<!tpu.dma_semaphore, #tpu.memory_space<semaphore_mem>>) src(%arg22 : memref<128xf32, #tpu.memory_space<vmem>>) dst(%dma_wait3A_429 : memref<10000xf32, #tpu.memory_space<vmem_shared>>)
        %dma_wait3A_430 = arith.constant 0 : i32
        %dma_wait3A_431 = tpu.memref_slice %arg13[%dma_wait3A_430] : memref<10000xf32, #tpu.memory_space<vmem_shared>> -> memref<10000xf32, #tpu.memory_space<vmem_shared>>
        tpu.wait_indirect_dma semaphore(%arg29 : memref<!tpu.dma_semaphore, #tpu.memory_space<semaphore_mem>>) src(%arg22 : memref<128xf32, #tpu.memory_space<vmem>>) dst(%dma_wait3A_431 : memref<10000xf32, #tpu.memory_space<vmem_shared>>)
        %dma_start3A_432 = arith.constant 0 : i32
        %dma_start3A_433 = arith.constant 0 : i32
        %dma_start3A_434 = tpu.memref_slice %arg2[%dma_start3A_432, %dma_start3A_433] : memref<10000x128xf32, #tpu.memory_space<hbm>> -> memref<10000x128xf32, #tpu.memory_space<hbm>>
        tpu.enqueue_indirect_dma source(%dma_start3A_434 : memref<10000x128xf32, #tpu.memory_space<hbm>>) target(%arg21 : memref<128x128xf32, #tpu.memory_space<vmem>>) offsets(%arg14 : memref<128xi32, #tpu.memory_space<vmem>>) semaphore(%arg27 : memref<!tpu.dma_semaphore, #tpu.memory_space<semaphore_mem>>)
      } else {
      }
      %add3A_294 = arith.constant 2 : i32
      %add3A_295 = arith.addi %add3A_286, %add3A_294 : i32
      %lt3A_296 = arith.constant 78 : i32
      %lt3A_297 = arith.cmpi slt, %add3A_295, %lt3A_296 : i32
      %convert_element_type3A_298 = arith.extui %lt3A_297 : i1 to i32
      %cond3A_299 = arith.constant 0 : i32
      %cond3A_300 = arith.cmpi ne, %convert_element_type3A_298, %cond3A_299 : i32
      scf.if %cond3A_300 {
        %add3A_425 = arith.constant 2 : i32
        %add3A_426 = arith.addi %add3A_205, %add3A_425 : i32
        %add3A_427 = arith.constant 2 : i32
        %add3A_428 = arith.addi %add3A_426, %add3A_427 : i32
        %dma_start3A_429 = arith.constant 0 : i32
        %dma_start3A_430 = arith.constant 0 : i32
        %dma_start3A_431 = tpu.memref_slice %arg3[%add3A_428, %dma_start3A_429, %dma_start3A_430] : memref<2500x1x128xi32, #tpu.memory_space<hbm>> -> memref<1x1x128xi32, #tpu.memory_space<hbm>>
        %dma_start3A_432 = tpu.memref_squeeze %dma_start3A_431 : memref<1x1x128xi32, #tpu.memory_space<hbm>> -> memref<128xi32, #tpu.memory_space<hbm>>
        %dma_start3A_433 = arith.constant 0 : i32
        %dma_start3A_434 = tpu.memref_slice %arg3[%add3A_428, %dma_start3A_429, %dma_start3A_433] : memref<2500x1x128xi32, #tpu.memory_space<hbm>> -> memref<1x1x128xi32, #tpu.memory_space<hbm>>
        %dma_start3A_435 = tpu.memref_squeeze %dma_start3A_434 : memref<1x1x128xi32, #tpu.memory_space<hbm>> -> memref<128xi32, #tpu.memory_space<hbm>>
        tpu.enqueue_dma source(%dma_start3A_435 : memref<128xi32, #tpu.memory_space<hbm>>) target(%arg16 : memref<128xi32, #tpu.memory_space<vmem>>) target_semaphore(%arg24 : memref<!tpu.dma_semaphore, #tpu.memory_space<semaphore_mem>>)
        %dma_start3A_436 = arith.constant 0 : i32
        %dma_start3A_437 = arith.constant 0 : i32
        %dma_start3A_438 = tpu.memref_slice %arg4[%add3A_428, %dma_start3A_436, %dma_start3A_437] : memref<2500x1x128xi32, #tpu.memory_space<hbm>> -> memref<1x1x128xi32, #tpu.memory_space<hbm>>
        %dma_start3A_439 = tpu.memref_squeeze %dma_start3A_438 : memref<1x1x128xi32, #tpu.memory_space<hbm>> -> memref<128xi32, #tpu.memory_space<hbm>>
        %dma_start3A_440 = arith.constant 0 : i32
        %dma_start3A_441 = tpu.memref_slice %arg4[%add3A_428, %dma_start3A_436, %dma_start3A_440] : memref<2500x1x128xi32, #tpu.memory_space<hbm>> -> memref<1x1x128xi32, #tpu.memory_space<hbm>>
        %dma_start3A_442 = tpu.memref_squeeze %dma_start3A_441 : memref<1x1x128xi32, #tpu.memory_space<hbm>> -> memref<128xi32, #tpu.memory_space<hbm>>
        tpu.enqueue_dma source(%dma_start3A_442 : memref<128xi32, #tpu.memory_space<hbm>>) target(%arg17 : memref<128xi32, #tpu.memory_space<vmem>>) target_semaphore(%arg24 : memref<!tpu.dma_semaphore, #tpu.memory_space<semaphore_mem>>)
      } else {
      }
      %dma_wait3A_301 = arith.constant 0 : i32
      %dma_wait3A_302 = arith.constant 0 : i32
      %dma_wait3A_303 = tpu.memref_slice %arg2[%dma_wait3A_301, %dma_wait3A_302] : memref<10000x128xf32, #tpu.memory_space<hbm>> -> memref<10000x128xf32, #tpu.memory_space<hbm>>
      tpu.wait_indirect_dma semaphore(%arg26 : memref<!tpu.dma_semaphore, #tpu.memory_space<semaphore_mem>>) src(%dma_wait3A_303 : memref<10000x128xf32, #tpu.memory_space<hbm>>) dst(%arg20 : memref<128x128xf32, #tpu.memory_space<vmem>>)
      %dma_start3A_304 = arith.constant 0 : i32
      %dma_start3A_305 = arith.constant 0 : i32
      %dma_start3A_306 = tpu.memref_slice %arg11[%dma_start3A_304, %dma_start3A_305] : memref<10000x128xf32, #tpu.memory_space<vmem_shared>> -> memref<10000x128xf32, #tpu.memory_space<vmem_shared>>
      tpu.enqueue_indirect_dma source(%arg20 : memref<128x128xf32, #tpu.memory_space<vmem>>) target(%dma_start3A_306 : memref<10000x128xf32, #tpu.memory_space<vmem_shared>>) offsets(%arg19 : memref<128xi32, #tpu.memory_space<vmem>>) semaphore(%arg28 : memref<!tpu.dma_semaphore, #tpu.memory_space<semaphore_mem>>) {add = true}
      %dma_start3A_307 = arith.constant 0 : i32
      %dma_start3A_308 = tpu.memref_slice %arg12[%dma_start3A_307] : memref<10000xf32, #tpu.memory_space<vmem_shared>> -> memref<10000xf32, #tpu.memory_space<vmem_shared>>
      tpu.enqueue_indirect_dma source(%arg22 : memref<128xf32, #tpu.memory_space<vmem>>) target(%dma_start3A_308 : memref<10000xf32, #tpu.memory_space<vmem_shared>>) offsets(%arg18 : memref<128xi32, #tpu.memory_space<vmem>>) semaphore(%arg28 : memref<!tpu.dma_semaphore, #tpu.memory_space<semaphore_mem>>) {add = true}
      %dma_start3A_309 = arith.constant 0 : i32
      %dma_start3A_310 = tpu.memref_slice %arg13[%dma_start3A_309] : memref<10000xf32, #tpu.memory_space<vmem_shared>> -> memref<10000xf32, #tpu.memory_space<vmem_shared>>
      tpu.enqueue_indirect_dma source(%arg22 : memref<128xf32, #tpu.memory_space<vmem>>) target(%dma_start3A_310 : memref<10000xf32, #tpu.memory_space<vmem_shared>>) offsets(%arg19 : memref<128xi32, #tpu.memory_space<vmem>>) semaphore(%arg28 : memref<!tpu.dma_semaphore, #tpu.memory_space<semaphore_mem>>) {add = true}
      %add3A_311 = arith.constant 2 : i32
      %add3A_312 = arith.addi %add3A_286, %add3A_311 : i32
      %lt3A_313 = arith.constant 78 : i32
      %lt3A_314 = arith.cmpi slt, %add3A_312, %lt3A_313 : i32
      %convert_element_type3A_315 = arith.extui %lt3A_314 : i1 to i32
      %cond3A_316 = arith.constant 0 : i32
      %cond3A_317 = arith.cmpi ne, %convert_element_type3A_315, %cond3A_316 : i32
      scf.if %cond3A_317 {
        %dma_wait3A_425 = arith.constant 0 : i32
        %dma_wait3A_426 = arith.constant 0 : i32
        %dma_wait3A_427 = arith.constant 0 : i32
        %dma_wait3A_428 = tpu.memref_slice %arg3[%dma_wait3A_425, %dma_wait3A_426, %dma_wait3A_427] : memref<2500x1x128xi32, #tpu.memory_space<hbm>> -> memref<1x1x128xi32, #tpu.memory_space<hbm>>
        %dma_wait3A_429 = tpu.memref_squeeze %dma_wait3A_428 : memref<1x1x128xi32, #tpu.memory_space<hbm>> -> memref<128xi32, #tpu.memory_space<hbm>>
        %dma_wait3A_430 = arith.constant 0 : i32
        %dma_wait3A_431 = tpu.memref_slice %arg3[%dma_wait3A_425, %dma_wait3A_426, %dma_wait3A_430] : memref<2500x1x128xi32, #tpu.memory_space<hbm>> -> memref<1x1x128xi32, #tpu.memory_space<hbm>>
        %dma_wait3A_432 = tpu.memref_squeeze %dma_wait3A_431 : memref<1x1x128xi32, #tpu.memory_space<hbm>> -> memref<128xi32, #tpu.memory_space<hbm>>
        tpu.wait_dma2 semaphore(%arg24 : memref<!tpu.dma_semaphore, #tpu.memory_space<semaphore_mem>>) src(%dma_wait3A_432 : memref<128xi32, #tpu.memory_space<hbm>>) dst(%arg16 : memref<128xi32, #tpu.memory_space<vmem>>)
        %dma_wait3A_433 = arith.constant 0 : i32
        %dma_wait3A_434 = arith.constant 0 : i32
        %dma_wait3A_435 = arith.constant 0 : i32
        %dma_wait3A_436 = tpu.memref_slice %arg4[%dma_wait3A_433, %dma_wait3A_434, %dma_wait3A_435] : memref<2500x1x128xi32, #tpu.memory_space<hbm>> -> memref<1x1x128xi32, #tpu.memory_space<hbm>>
        %dma_wait3A_437 = tpu.memref_squeeze %dma_wait3A_436 : memref<1x1x128xi32, #tpu.memory_space<hbm>> -> memref<128xi32, #tpu.memory_space<hbm>>
        %dma_wait3A_438 = arith.constant 0 : i32
        %dma_wait3A_439 = tpu.memref_slice %arg4[%dma_wait3A_433, %dma_wait3A_434, %dma_wait3A_438] : memref<2500x1x128xi32, #tpu.memory_space<hbm>> -> memref<1x1x128xi32, #tpu.memory_space<hbm>>
        %dma_wait3A_440 = tpu.memref_squeeze %dma_wait3A_439 : memref<1x1x128xi32, #tpu.memory_space<hbm>> -> memref<128xi32, #tpu.memory_space<hbm>>
        tpu.wait_dma2 semaphore(%arg24 : memref<!tpu.dma_semaphore, #tpu.memory_space<semaphore_mem>>) src(%dma_wait3A_440 : memref<128xi32, #tpu.memory_space<hbm>>) dst(%arg17 : memref<128xi32, #tpu.memory_space<vmem>>)
      } else {
      }
      %mul3A_318 = arith.constant 6 : i32
      %mul3A_319 = arith.muli %mul3A_318, %scan3A_202 : i32
      %add3A_320 = arith.constant 3 : i32
      %add3A_321 = arith.addi %mul3A_319, %add3A_320 : i32
      %add3A_322 = arith.constant 1 : i32
      %add3A_323 = arith.addi %add3A_321, %add3A_322 : i32
      %lt3A_324 = arith.constant 78 : i32
      %lt3A_325 = arith.cmpi slt, %add3A_323, %lt3A_324 : i32
      %convert_element_type3A_326 = arith.extui %lt3A_325 : i1 to i32
      %cond3A_327 = arith.constant 0 : i32
      %cond3A_328 = arith.cmpi ne, %convert_element_type3A_326, %cond3A_327 : i32
      scf.if %cond3A_328 {
        %dma_wait3A_425 = arith.constant 0 : i32
        %dma_wait3A_426 = arith.constant 0 : i32
        %dma_wait3A_427 = tpu.memref_slice %arg11[%dma_wait3A_425, %dma_wait3A_426] : memref<10000x128xf32, #tpu.memory_space<vmem_shared>> -> memref<10000x128xf32, #tpu.memory_space<vmem_shared>>
        tpu.wait_indirect_dma semaphore(%arg28 : memref<!tpu.dma_semaphore, #tpu.memory_space<semaphore_mem>>) src(%arg20 : memref<128x128xf32, #tpu.memory_space<vmem>>) dst(%dma_wait3A_427 : memref<10000x128xf32, #tpu.memory_space<vmem_shared>>)
        %dma_wait3A_428 = arith.constant 0 : i32
        %dma_wait3A_429 = tpu.memref_slice %arg12[%dma_wait3A_428] : memref<10000xf32, #tpu.memory_space<vmem_shared>> -> memref<10000xf32, #tpu.memory_space<vmem_shared>>
        tpu.wait_indirect_dma semaphore(%arg28 : memref<!tpu.dma_semaphore, #tpu.memory_space<semaphore_mem>>) src(%arg22 : memref<128xf32, #tpu.memory_space<vmem>>) dst(%dma_wait3A_429 : memref<10000xf32, #tpu.memory_space<vmem_shared>>)
        %dma_wait3A_430 = arith.constant 0 : i32
        %dma_wait3A_431 = tpu.memref_slice %arg13[%dma_wait3A_430] : memref<10000xf32, #tpu.memory_space<vmem_shared>> -> memref<10000xf32, #tpu.memory_space<vmem_shared>>
        tpu.wait_indirect_dma semaphore(%arg28 : memref<!tpu.dma_semaphore, #tpu.memory_space<semaphore_mem>>) src(%arg22 : memref<128xf32, #tpu.memory_space<vmem>>) dst(%dma_wait3A_431 : memref<10000xf32, #tpu.memory_space<vmem_shared>>)
        %dma_start3A_432 = arith.constant 0 : i32
        %dma_start3A_433 = arith.constant 0 : i32
        %dma_start3A_434 = tpu.memref_slice %arg2[%dma_start3A_432, %dma_start3A_433] : memref<10000x128xf32, #tpu.memory_space<hbm>> -> memref<10000x128xf32, #tpu.memory_space<hbm>>
        tpu.enqueue_indirect_dma source(%dma_start3A_434 : memref<10000x128xf32, #tpu.memory_space<hbm>>) target(%arg20 : memref<128x128xf32, #tpu.memory_space<vmem>>) offsets(%arg16 : memref<128xi32, #tpu.memory_space<vmem>>) semaphore(%arg26 : memref<!tpu.dma_semaphore, #tpu.memory_space<semaphore_mem>>)
      } else {
      }
      %add3A_329 = arith.constant 2 : i32
      %add3A_330 = arith.addi %add3A_321, %add3A_329 : i32
      %lt3A_331 = arith.constant 78 : i32
      %lt3A_332 = arith.cmpi slt, %add3A_330, %lt3A_331 : i32
      %convert_element_type3A_333 = arith.extui %lt3A_332 : i1 to i32
      %cond3A_334 = arith.constant 0 : i32
      %cond3A_335 = arith.cmpi ne, %convert_element_type3A_333, %cond3A_334 : i32
      scf.if %cond3A_335 {
        %add3A_425 = arith.constant 3 : i32
        %add3A_426 = arith.addi %add3A_205, %add3A_425 : i32
        %add3A_427 = arith.constant 2 : i32
        %add3A_428 = arith.addi %add3A_426, %add3A_427 : i32
        %dma_start3A_429 = arith.constant 0 : i32
        %dma_start3A_430 = arith.constant 0 : i32
        %dma_start3A_431 = tpu.memref_slice %arg3[%add3A_428, %dma_start3A_429, %dma_start3A_430] : memref<2500x1x128xi32, #tpu.memory_space<hbm>> -> memref<1x1x128xi32, #tpu.memory_space<hbm>>
        %dma_start3A_432 = tpu.memref_squeeze %dma_start3A_431 : memref<1x1x128xi32, #tpu.memory_space<hbm>> -> memref<128xi32, #tpu.memory_space<hbm>>
        %dma_start3A_433 = arith.constant 0 : i32
        %dma_start3A_434 = tpu.memref_slice %arg3[%add3A_428, %dma_start3A_429, %dma_start3A_433] : memref<2500x1x128xi32, #tpu.memory_space<hbm>> -> memref<1x1x128xi32, #tpu.memory_space<hbm>>
        %dma_start3A_435 = tpu.memref_squeeze %dma_start3A_434 : memref<1x1x128xi32, #tpu.memory_space<hbm>> -> memref<128xi32, #tpu.memory_space<hbm>>
        tpu.enqueue_dma source(%dma_start3A_435 : memref<128xi32, #tpu.memory_space<hbm>>) target(%arg18 : memref<128xi32, #tpu.memory_space<vmem>>) target_semaphore(%arg25 : memref<!tpu.dma_semaphore, #tpu.memory_space<semaphore_mem>>)
        %dma_start3A_436 = arith.constant 0 : i32
        %dma_start3A_437 = arith.constant 0 : i32
        %dma_start3A_438 = tpu.memref_slice %arg4[%add3A_428, %dma_start3A_436, %dma_start3A_437] : memref<2500x1x128xi32, #tpu.memory_space<hbm>> -> memref<1x1x128xi32, #tpu.memory_space<hbm>>
        %dma_start3A_439 = tpu.memref_squeeze %dma_start3A_438 : memref<1x1x128xi32, #tpu.memory_space<hbm>> -> memref<128xi32, #tpu.memory_space<hbm>>
        %dma_start3A_440 = arith.constant 0 : i32
        %dma_start3A_441 = tpu.memref_slice %arg4[%add3A_428, %dma_start3A_436, %dma_start3A_440] : memref<2500x1x128xi32, #tpu.memory_space<hbm>> -> memref<1x1x128xi32, #tpu.memory_space<hbm>>
        %dma_start3A_442 = tpu.memref_squeeze %dma_start3A_441 : memref<1x1x128xi32, #tpu.memory_space<hbm>> -> memref<128xi32, #tpu.memory_space<hbm>>
        tpu.enqueue_dma source(%dma_start3A_442 : memref<128xi32, #tpu.memory_space<hbm>>) target(%arg19 : memref<128xi32, #tpu.memory_space<vmem>>) target_semaphore(%arg25 : memref<!tpu.dma_semaphore, #tpu.memory_space<semaphore_mem>>)
      } else {
      }
      %dma_wait3A_336 = arith.constant 0 : i32
      %dma_wait3A_337 = arith.constant 0 : i32
      %dma_wait3A_338 = tpu.memref_slice %arg2[%dma_wait3A_336, %dma_wait3A_337] : memref<10000x128xf32, #tpu.memory_space<hbm>> -> memref<10000x128xf32, #tpu.memory_space<hbm>>
      tpu.wait_indirect_dma semaphore(%arg27 : memref<!tpu.dma_semaphore, #tpu.memory_space<semaphore_mem>>) src(%dma_wait3A_338 : memref<10000x128xf32, #tpu.memory_space<hbm>>) dst(%arg21 : memref<128x128xf32, #tpu.memory_space<vmem>>)
      %dma_start3A_339 = arith.constant 0 : i32
      %dma_start3A_340 = arith.constant 0 : i32
      %dma_start3A_341 = tpu.memref_slice %arg11[%dma_start3A_339, %dma_start3A_340] : memref<10000x128xf32, #tpu.memory_space<vmem_shared>> -> memref<10000x128xf32, #tpu.memory_space<vmem_shared>>
      tpu.enqueue_indirect_dma source(%arg21 : memref<128x128xf32, #tpu.memory_space<vmem>>) target(%dma_start3A_341 : memref<10000x128xf32, #tpu.memory_space<vmem_shared>>) offsets(%arg15 : memref<128xi32, #tpu.memory_space<vmem>>) semaphore(%arg29 : memref<!tpu.dma_semaphore, #tpu.memory_space<semaphore_mem>>) {add = true}
      %dma_start3A_342 = arith.constant 0 : i32
      %dma_start3A_343 = tpu.memref_slice %arg12[%dma_start3A_342] : memref<10000xf32, #tpu.memory_space<vmem_shared>> -> memref<10000xf32, #tpu.memory_space<vmem_shared>>
      tpu.enqueue_indirect_dma source(%arg22 : memref<128xf32, #tpu.memory_space<vmem>>) target(%dma_start3A_343 : memref<10000xf32, #tpu.memory_space<vmem_shared>>) offsets(%arg14 : memref<128xi32, #tpu.memory_space<vmem>>) semaphore(%arg29 : memref<!tpu.dma_semaphore, #tpu.memory_space<semaphore_mem>>) {add = true}
      %dma_start3A_344 = arith.constant 0 : i32
      %dma_start3A_345 = tpu.memref_slice %arg13[%dma_start3A_344] : memref<10000xf32, #tpu.memory_space<vmem_shared>> -> memref<10000xf32, #tpu.memory_space<vmem_shared>>
      tpu.enqueue_indirect_dma source(%arg22 : memref<128xf32, #tpu.memory_space<vmem>>) target(%dma_start3A_345 : memref<10000xf32, #tpu.memory_space<vmem_shared>>) offsets(%arg15 : memref<128xi32, #tpu.memory_space<vmem>>) semaphore(%arg29 : memref<!tpu.dma_semaphore, #tpu.memory_space<semaphore_mem>>) {add = true}
      %add3A_346 = arith.constant 2 : i32
      %add3A_347 = arith.addi %add3A_321, %add3A_346 : i32
      %lt3A_348 = arith.constant 78 : i32
      %lt3A_349 = arith.cmpi slt, %add3A_347, %lt3A_348 : i32
      %convert_element_type3A_350 = arith.extui %lt3A_349 : i1 to i32
      %cond3A_351 = arith.constant 0 : i32
      %cond3A_352 = arith.cmpi ne, %convert_element_type3A_350, %cond3A_351 : i32
      scf.if %cond3A_352 {
        %dma_wait3A_425 = arith.constant 0 : i32
        %dma_wait3A_426 = arith.constant 0 : i32
        %dma_wait3A_427 = arith.constant 0 : i32
        %dma_wait3A_428 = tpu.memref_slice %arg3[%dma_wait3A_425, %dma_wait3A_426, %dma_wait3A_427] : memref<2500x1x128xi32, #tpu.memory_space<hbm>> -> memref<1x1x128xi32, #tpu.memory_space<hbm>>
        %dma_wait3A_429 = tpu.memref_squeeze %dma_wait3A_428 : memref<1x1x128xi32, #tpu.memory_space<hbm>> -> memref<128xi32, #tpu.memory_space<hbm>>
        %dma_wait3A_430 = arith.constant 0 : i32
        %dma_wait3A_431 = tpu.memref_slice %arg3[%dma_wait3A_425, %dma_wait3A_426, %dma_wait3A_430] : memref<2500x1x128xi32, #tpu.memory_space<hbm>> -> memref<1x1x128xi32, #tpu.memory_space<hbm>>
        %dma_wait3A_432 = tpu.memref_squeeze %dma_wait3A_431 : memref<1x1x128xi32, #tpu.memory_space<hbm>> -> memref<128xi32, #tpu.memory_space<hbm>>
        tpu.wait_dma2 semaphore(%arg25 : memref<!tpu.dma_semaphore, #tpu.memory_space<semaphore_mem>>) src(%dma_wait3A_432 : memref<128xi32, #tpu.memory_space<hbm>>) dst(%arg18 : memref<128xi32, #tpu.memory_space<vmem>>)
        %dma_wait3A_433 = arith.constant 0 : i32
        %dma_wait3A_434 = arith.constant 0 : i32
        %dma_wait3A_435 = arith.constant 0 : i32
        %dma_wait3A_436 = tpu.memref_slice %arg4[%dma_wait3A_433, %dma_wait3A_434, %dma_wait3A_435] : memref<2500x1x128xi32, #tpu.memory_space<hbm>> -> memref<1x1x128xi32, #tpu.memory_space<hbm>>
        %dma_wait3A_437 = tpu.memref_squeeze %dma_wait3A_436 : memref<1x1x128xi32, #tpu.memory_space<hbm>> -> memref<128xi32, #tpu.memory_space<hbm>>
        %dma_wait3A_438 = arith.constant 0 : i32
        %dma_wait3A_439 = tpu.memref_slice %arg4[%dma_wait3A_433, %dma_wait3A_434, %dma_wait3A_438] : memref<2500x1x128xi32, #tpu.memory_space<hbm>> -> memref<1x1x128xi32, #tpu.memory_space<hbm>>
        %dma_wait3A_440 = tpu.memref_squeeze %dma_wait3A_439 : memref<1x1x128xi32, #tpu.memory_space<hbm>> -> memref<128xi32, #tpu.memory_space<hbm>>
        tpu.wait_dma2 semaphore(%arg25 : memref<!tpu.dma_semaphore, #tpu.memory_space<semaphore_mem>>) src(%dma_wait3A_440 : memref<128xi32, #tpu.memory_space<hbm>>) dst(%arg19 : memref<128xi32, #tpu.memory_space<vmem>>)
      } else {
      }
      %mul3A_353 = arith.constant 6 : i32
      %mul3A_354 = arith.muli %mul3A_353, %scan3A_202 : i32
      %add3A_355 = arith.constant 4 : i32
      %add3A_356 = arith.addi %mul3A_354, %add3A_355 : i32
      %add3A_357 = arith.constant 1 : i32
      %add3A_358 = arith.addi %add3A_356, %add3A_357 : i32
      %lt3A_359 = arith.constant 78 : i32
      %lt3A_360 = arith.cmpi slt, %add3A_358, %lt3A_359 : i32
      %convert_element_type3A_361 = arith.extui %lt3A_360 : i1 to i32
      %cond3A_362 = arith.constant 0 : i32
      %cond3A_363 = arith.cmpi ne, %convert_element_type3A_361, %cond3A_362 : i32
      scf.if %cond3A_363 {
        %dma_wait3A_425 = arith.constant 0 : i32
        %dma_wait3A_426 = arith.constant 0 : i32
        %dma_wait3A_427 = tpu.memref_slice %arg11[%dma_wait3A_425, %dma_wait3A_426] : memref<10000x128xf32, #tpu.memory_space<vmem_shared>> -> memref<10000x128xf32, #tpu.memory_space<vmem_shared>>
        tpu.wait_indirect_dma semaphore(%arg29 : memref<!tpu.dma_semaphore, #tpu.memory_space<semaphore_mem>>) src(%arg20 : memref<128x128xf32, #tpu.memory_space<vmem>>) dst(%dma_wait3A_427 : memref<10000x128xf32, #tpu.memory_space<vmem_shared>>)
        %dma_wait3A_428 = arith.constant 0 : i32
        %dma_wait3A_429 = tpu.memref_slice %arg12[%dma_wait3A_428] : memref<10000xf32, #tpu.memory_space<vmem_shared>> -> memref<10000xf32, #tpu.memory_space<vmem_shared>>
        tpu.wait_indirect_dma semaphore(%arg29 : memref<!tpu.dma_semaphore, #tpu.memory_space<semaphore_mem>>) src(%arg22 : memref<128xf32, #tpu.memory_space<vmem>>) dst(%dma_wait3A_429 : memref<10000xf32, #tpu.memory_space<vmem_shared>>)
        %dma_wait3A_430 = arith.constant 0 : i32
        %dma_wait3A_431 = tpu.memref_slice %arg13[%dma_wait3A_430] : memref<10000xf32, #tpu.memory_space<vmem_shared>> -> memref<10000xf32, #tpu.memory_space<vmem_shared>>
        tpu.wait_indirect_dma semaphore(%arg29 : memref<!tpu.dma_semaphore, #tpu.memory_space<semaphore_mem>>) src(%arg22 : memref<128xf32, #tpu.memory_space<vmem>>) dst(%dma_wait3A_431 : memref<10000xf32, #tpu.memory_space<vmem_shared>>)
        %dma_start3A_432 = arith.constant 0 : i32
        %dma_start3A_433 = arith.constant 0 : i32
        %dma_start3A_434 = tpu.memref_slice %arg2[%dma_start3A_432, %dma_start3A_433] : memref<10000x128xf32, #tpu.memory_space<hbm>> -> memref<10000x128xf32, #tpu.memory_space<hbm>>
        tpu.enqueue_indirect_dma source(%dma_start3A_434 : memref<10000x128xf32, #tpu.memory_space<hbm>>) target(%arg21 : memref<128x128xf32, #tpu.memory_space<vmem>>) offsets(%arg18 : memref<128xi32, #tpu.memory_space<vmem>>) semaphore(%arg27 : memref<!tpu.dma_semaphore, #tpu.memory_space<semaphore_mem>>)
      } else {
      }
      %add3A_364 = arith.constant 2 : i32
      %add3A_365 = arith.addi %add3A_356, %add3A_364 : i32
      %lt3A_366 = arith.constant 78 : i32
      %lt3A_367 = arith.cmpi slt, %add3A_365, %lt3A_366 : i32
      %convert_element_type3A_368 = arith.extui %lt3A_367 : i1 to i32
      %cond3A_369 = arith.constant 0 : i32
      %cond3A_370 = arith.cmpi ne, %convert_element_type3A_368, %cond3A_369 : i32
      scf.if %cond3A_370 {
        %add3A_425 = arith.constant 4 : i32
        %add3A_426 = arith.addi %add3A_205, %add3A_425 : i32
        %add3A_427 = arith.constant 2 : i32
        %add3A_428 = arith.addi %add3A_426, %add3A_427 : i32
        %dma_start3A_429 = arith.constant 0 : i32
        %dma_start3A_430 = arith.constant 0 : i32
        %dma_start3A_431 = tpu.memref_slice %arg3[%add3A_428, %dma_start3A_429, %dma_start3A_430] : memref<2500x1x128xi32, #tpu.memory_space<hbm>> -> memref<1x1x128xi32, #tpu.memory_space<hbm>>
        %dma_start3A_432 = tpu.memref_squeeze %dma_start3A_431 : memref<1x1x128xi32, #tpu.memory_space<hbm>> -> memref<128xi32, #tpu.memory_space<hbm>>
        %dma_start3A_433 = arith.constant 0 : i32
        %dma_start3A_434 = tpu.memref_slice %arg3[%add3A_428, %dma_start3A_429, %dma_start3A_433] : memref<2500x1x128xi32, #tpu.memory_space<hbm>> -> memref<1x1x128xi32, #tpu.memory_space<hbm>>
        %dma_start3A_435 = tpu.memref_squeeze %dma_start3A_434 : memref<1x1x128xi32, #tpu.memory_space<hbm>> -> memref<128xi32, #tpu.memory_space<hbm>>
        tpu.enqueue_dma source(%dma_start3A_435 : memref<128xi32, #tpu.memory_space<hbm>>) target(%arg14 : memref<128xi32, #tpu.memory_space<vmem>>) target_semaphore(%arg23 : memref<!tpu.dma_semaphore, #tpu.memory_space<semaphore_mem>>)
        %dma_start3A_436 = arith.constant 0 : i32
        %dma_start3A_437 = arith.constant 0 : i32
        %dma_start3A_438 = tpu.memref_slice %arg4[%add3A_428, %dma_start3A_436, %dma_start3A_437] : memref<2500x1x128xi32, #tpu.memory_space<hbm>> -> memref<1x1x128xi32, #tpu.memory_space<hbm>>
        %dma_start3A_439 = tpu.memref_squeeze %dma_start3A_438 : memref<1x1x128xi32, #tpu.memory_space<hbm>> -> memref<128xi32, #tpu.memory_space<hbm>>
        %dma_start3A_440 = arith.constant 0 : i32
        %dma_start3A_441 = tpu.memref_slice %arg4[%add3A_428, %dma_start3A_436, %dma_start3A_440] : memref<2500x1x128xi32, #tpu.memory_space<hbm>> -> memref<1x1x128xi32, #tpu.memory_space<hbm>>
        %dma_start3A_442 = tpu.memref_squeeze %dma_start3A_441 : memref<1x1x128xi32, #tpu.memory_space<hbm>> -> memref<128xi32, #tpu.memory_space<hbm>>
        tpu.enqueue_dma source(%dma_start3A_442 : memref<128xi32, #tpu.memory_space<hbm>>) target(%arg15 : memref<128xi32, #tpu.memory_space<vmem>>) target_semaphore(%arg23 : memref<!tpu.dma_semaphore, #tpu.memory_space<semaphore_mem>>)
      } else {
      }
      %dma_wait3A_371 = arith.constant 0 : i32
      %dma_wait3A_372 = arith.constant 0 : i32
      %dma_wait3A_373 = tpu.memref_slice %arg2[%dma_wait3A_371, %dma_wait3A_372] : memref<10000x128xf32, #tpu.memory_space<hbm>> -> memref<10000x128xf32, #tpu.memory_space<hbm>>
      tpu.wait_indirect_dma semaphore(%arg26 : memref<!tpu.dma_semaphore, #tpu.memory_space<semaphore_mem>>) src(%dma_wait3A_373 : memref<10000x128xf32, #tpu.memory_space<hbm>>) dst(%arg20 : memref<128x128xf32, #tpu.memory_space<vmem>>)
      %dma_start3A_374 = arith.constant 0 : i32
      %dma_start3A_375 = arith.constant 0 : i32
      %dma_start3A_376 = tpu.memref_slice %arg11[%dma_start3A_374, %dma_start3A_375] : memref<10000x128xf32, #tpu.memory_space<vmem_shared>> -> memref<10000x128xf32, #tpu.memory_space<vmem_shared>>
      tpu.enqueue_indirect_dma source(%arg20 : memref<128x128xf32, #tpu.memory_space<vmem>>) target(%dma_start3A_376 : memref<10000x128xf32, #tpu.memory_space<vmem_shared>>) offsets(%arg17 : memref<128xi32, #tpu.memory_space<vmem>>) semaphore(%arg28 : memref<!tpu.dma_semaphore, #tpu.memory_space<semaphore_mem>>) {add = true}
      %dma_start3A_377 = arith.constant 0 : i32
      %dma_start3A_378 = tpu.memref_slice %arg12[%dma_start3A_377] : memref<10000xf32, #tpu.memory_space<vmem_shared>> -> memref<10000xf32, #tpu.memory_space<vmem_shared>>
      tpu.enqueue_indirect_dma source(%arg22 : memref<128xf32, #tpu.memory_space<vmem>>) target(%dma_start3A_378 : memref<10000xf32, #tpu.memory_space<vmem_shared>>) offsets(%arg16 : memref<128xi32, #tpu.memory_space<vmem>>) semaphore(%arg28 : memref<!tpu.dma_semaphore, #tpu.memory_space<semaphore_mem>>) {add = true}
      %dma_start3A_379 = arith.constant 0 : i32
      %dma_start3A_380 = tpu.memref_slice %arg13[%dma_start3A_379] : memref<10000xf32, #tpu.memory_space<vmem_shared>> -> memref<10000xf32, #tpu.memory_space<vmem_shared>>
      tpu.enqueue_indirect_dma source(%arg22 : memref<128xf32, #tpu.memory_space<vmem>>) target(%dma_start3A_380 : memref<10000xf32, #tpu.memory_space<vmem_shared>>) offsets(%arg17 : memref<128xi32, #tpu.memory_space<vmem>>) semaphore(%arg28 : memref<!tpu.dma_semaphore, #tpu.memory_space<semaphore_mem>>) {add = true}
      %add3A_381 = arith.constant 2 : i32
      %add3A_382 = arith.addi %add3A_356, %add3A_381 : i32
      %lt3A_383 = arith.constant 78 : i32
      %lt3A_384 = arith.cmpi slt, %add3A_382, %lt3A_383 : i32
      %convert_element_type3A_385 = arith.extui %lt3A_384 : i1 to i32
      %cond3A_386 = arith.constant 0 : i32
      %cond3A_387 = arith.cmpi ne, %convert_element_type3A_385, %cond3A_386 : i32
      scf.if %cond3A_387 {
        %dma_wait3A_425 = arith.constant 0 : i32
        %dma_wait3A_426 = arith.constant 0 : i32
        %dma_wait3A_427 = arith.constant 0 : i32
        %dma_wait3A_428 = tpu.memref_slice %arg3[%dma_wait3A_425, %dma_wait3A_426, %dma_wait3A_427] : memref<2500x1x128xi32, #tpu.memory_space<hbm>> -> memref<1x1x128xi32, #tpu.memory_space<hbm>>
        %dma_wait3A_429 = tpu.memref_squeeze %dma_wait3A_428 : memref<1x1x128xi32, #tpu.memory_space<hbm>> -> memref<128xi32, #tpu.memory_space<hbm>>
        %dma_wait3A_430 = arith.constant 0 : i32
        %dma_wait3A_431 = tpu.memref_slice %arg3[%dma_wait3A_425, %dma_wait3A_426, %dma_wait3A_430] : memref<2500x1x128xi32, #tpu.memory_space<hbm>> -> memref<1x1x128xi32, #tpu.memory_space<hbm>>
        %dma_wait3A_432 = tpu.memref_squeeze %dma_wait3A_431 : memref<1x1x128xi32, #tpu.memory_space<hbm>> -> memref<128xi32, #tpu.memory_space<hbm>>
        tpu.wait_dma2 semaphore(%arg23 : memref<!tpu.dma_semaphore, #tpu.memory_space<semaphore_mem>>) src(%dma_wait3A_432 : memref<128xi32, #tpu.memory_space<hbm>>) dst(%arg14 : memref<128xi32, #tpu.memory_space<vmem>>)
        %dma_wait3A_433 = arith.constant 0 : i32
        %dma_wait3A_434 = arith.constant 0 : i32
        %dma_wait3A_435 = arith.constant 0 : i32
        %dma_wait3A_436 = tpu.memref_slice %arg4[%dma_wait3A_433, %dma_wait3A_434, %dma_wait3A_435] : memref<2500x1x128xi32, #tpu.memory_space<hbm>> -> memref<1x1x128xi32, #tpu.memory_space<hbm>>
        %dma_wait3A_437 = tpu.memref_squeeze %dma_wait3A_436 : memref<1x1x128xi32, #tpu.memory_space<hbm>> -> memref<128xi32, #tpu.memory_space<hbm>>
        %dma_wait3A_438 = arith.constant 0 : i32
        %dma_wait3A_439 = tpu.memref_slice %arg4[%dma_wait3A_433, %dma_wait3A_434, %dma_wait3A_438] : memref<2500x1x128xi32, #tpu.memory_space<hbm>> -> memref<1x1x128xi32, #tpu.memory_space<hbm>>
        %dma_wait3A_440 = tpu.memref_squeeze %dma_wait3A_439 : memref<1x1x128xi32, #tpu.memory_space<hbm>> -> memref<128xi32, #tpu.memory_space<hbm>>
        tpu.wait_dma2 semaphore(%arg23 : memref<!tpu.dma_semaphore, #tpu.memory_space<semaphore_mem>>) src(%dma_wait3A_440 : memref<128xi32, #tpu.memory_space<hbm>>) dst(%arg15 : memref<128xi32, #tpu.memory_space<vmem>>)
      } else {
      }
      %mul3A_388 = arith.constant 6 : i32
      %mul3A_389 = arith.muli %mul3A_388, %scan3A_202 : i32
      %add3A_390 = arith.constant 5 : i32
      %add3A_391 = arith.addi %mul3A_389, %add3A_390 : i32
      %mul3A_392 = arith.constant 6 : i32
      %mul3A_393 = arith.muli %mul3A_392, %scan3A_202 : i32
      %add3A_394 = arith.constant 6 : i32
      %add3A_395 = arith.addi %mul3A_393, %add3A_394 : i32
      %lt3A_396 = arith.constant 78 : i32
      %lt3A_397 = arith.cmpi slt, %add3A_395, %lt3A_396 : i32
      %convert_element_type3A_398 = arith.extui %lt3A_397 : i1 to i32
      %cond3A_399 = arith.constant 0 : i32
      %cond3A_400 = arith.cmpi ne, %convert_element_type3A_398, %cond3A_399 : i32
      scf.if %cond3A_400 {
        %dma_wait3A_425 = arith.constant 0 : i32
        %dma_wait3A_426 = arith.constant 0 : i32
        %dma_wait3A_427 = tpu.memref_slice %arg11[%dma_wait3A_425, %dma_wait3A_426] : memref<10000x128xf32, #tpu.memory_space<vmem_shared>> -> memref<10000x128xf32, #tpu.memory_space<vmem_shared>>
        tpu.wait_indirect_dma semaphore(%arg28 : memref<!tpu.dma_semaphore, #tpu.memory_space<semaphore_mem>>) src(%arg20 : memref<128x128xf32, #tpu.memory_space<vmem>>) dst(%dma_wait3A_427 : memref<10000x128xf32, #tpu.memory_space<vmem_shared>>)
        %dma_wait3A_428 = arith.constant 0 : i32
        %dma_wait3A_429 = tpu.memref_slice %arg12[%dma_wait3A_428] : memref<10000xf32, #tpu.memory_space<vmem_shared>> -> memref<10000xf32, #tpu.memory_space<vmem_shared>>
        tpu.wait_indirect_dma semaphore(%arg28 : memref<!tpu.dma_semaphore, #tpu.memory_space<semaphore_mem>>) src(%arg22 : memref<128xf32, #tpu.memory_space<vmem>>) dst(%dma_wait3A_429 : memref<10000xf32, #tpu.memory_space<vmem_shared>>)
        %dma_wait3A_430 = arith.constant 0 : i32
        %dma_wait3A_431 = tpu.memref_slice %arg13[%dma_wait3A_430] : memref<10000xf32, #tpu.memory_space<vmem_shared>> -> memref<10000xf32, #tpu.memory_space<vmem_shared>>
        tpu.wait_indirect_dma semaphore(%arg28 : memref<!tpu.dma_semaphore, #tpu.memory_space<semaphore_mem>>) src(%arg22 : memref<128xf32, #tpu.memory_space<vmem>>) dst(%dma_wait3A_431 : memref<10000xf32, #tpu.memory_space<vmem_shared>>)
        %dma_start3A_432 = arith.constant 0 : i32
        %dma_start3A_433 = arith.constant 0 : i32
        %dma_start3A_434 = tpu.memref_slice %arg2[%dma_start3A_432, %dma_start3A_433] : memref<10000x128xf32, #tpu.memory_space<hbm>> -> memref<10000x128xf32, #tpu.memory_space<hbm>>
        tpu.enqueue_indirect_dma source(%dma_start3A_434 : memref<10000x128xf32, #tpu.memory_space<hbm>>) target(%arg20 : memref<128x128xf32, #tpu.memory_space<vmem>>) offsets(%arg14 : memref<128xi32, #tpu.memory_space<vmem>>) semaphore(%arg26 : memref<!tpu.dma_semaphore, #tpu.memory_space<semaphore_mem>>)
      } else {
      }
      %add3A_401 = arith.constant 2 : i32
      %add3A_402 = arith.addi %add3A_391, %add3A_401 : i32
      %lt3A_403 = arith.constant 78 : i32
      %lt3A_404 = arith.cmpi slt, %add3A_402, %lt3A_403 : i32
      %convert_element_type3A_405 = arith.extui %lt3A_404 : i1 to i32
      %cond3A_406 = arith.constant 0 : i32
      %cond3A_407 = arith.cmpi ne, %convert_element_type3A_405, %cond3A_406 : i32
      scf.if %cond3A_407 {
        %add3A_425 = arith.constant 5 : i32
        %add3A_426 = arith.addi %add3A_205, %add3A_425 : i32
        %add3A_427 = arith.constant 2 : i32
        %add3A_428 = arith.addi %add3A_426, %add3A_427 : i32
        %dma_start3A_429 = arith.constant 0 : i32
        %dma_start3A_430 = arith.constant 0 : i32
        %dma_start3A_431 = tpu.memref_slice %arg3[%add3A_428, %dma_start3A_429, %dma_start3A_430] : memref<2500x1x128xi32, #tpu.memory_space<hbm>> -> memref<1x1x128xi32, #tpu.memory_space<hbm>>
        %dma_start3A_432 = tpu.memref_squeeze %dma_start3A_431 : memref<1x1x128xi32, #tpu.memory_space<hbm>> -> memref<128xi32, #tpu.memory_space<hbm>>
        %dma_start3A_433 = arith.constant 0 : i32
        %dma_start3A_434 = tpu.memref_slice %arg3[%add3A_428, %dma_start3A_429, %dma_start3A_433] : memref<2500x1x128xi32, #tpu.memory_space<hbm>> -> memref<1x1x128xi32, #tpu.memory_space<hbm>>
        %dma_start3A_435 = tpu.memref_squeeze %dma_start3A_434 : memref<1x1x128xi32, #tpu.memory_space<hbm>> -> memref<128xi32, #tpu.memory_space<hbm>>
        tpu.enqueue_dma source(%dma_start3A_435 : memref<128xi32, #tpu.memory_space<hbm>>) target(%arg16 : memref<128xi32, #tpu.memory_space<vmem>>) target_semaphore(%arg24 : memref<!tpu.dma_semaphore, #tpu.memory_space<semaphore_mem>>)
        %dma_start3A_436 = arith.constant 0 : i32
        %dma_start3A_437 = arith.constant 0 : i32
        %dma_start3A_438 = tpu.memref_slice %arg4[%add3A_428, %dma_start3A_436, %dma_start3A_437] : memref<2500x1x128xi32, #tpu.memory_space<hbm>> -> memref<1x1x128xi32, #tpu.memory_space<hbm>>
        %dma_start3A_439 = tpu.memref_squeeze %dma_start3A_438 : memref<1x1x128xi32, #tpu.memory_space<hbm>> -> memref<128xi32, #tpu.memory_space<hbm>>
        %dma_start3A_440 = arith.constant 0 : i32
        %dma_start3A_441 = tpu.memref_slice %arg4[%add3A_428, %dma_start3A_436, %dma_start3A_440] : memref<2500x1x128xi32, #tpu.memory_space<hbm>> -> memref<1x1x128xi32, #tpu.memory_space<hbm>>
        %dma_start3A_442 = tpu.memref_squeeze %dma_start3A_441 : memref<1x1x128xi32, #tpu.memory_space<hbm>> -> memref<128xi32, #tpu.memory_space<hbm>>
        tpu.enqueue_dma source(%dma_start3A_442 : memref<128xi32, #tpu.memory_space<hbm>>) target(%arg17 : memref<128xi32, #tpu.memory_space<vmem>>) target_semaphore(%arg24 : memref<!tpu.dma_semaphore, #tpu.memory_space<semaphore_mem>>)
      } else {
      }
      %dma_wait3A_408 = arith.constant 0 : i32
      %dma_wait3A_409 = arith.constant 0 : i32
      %dma_wait3A_410 = tpu.memref_slice %arg2[%dma_wait3A_408, %dma_wait3A_409] : memref<10000x128xf32, #tpu.memory_space<hbm>> -> memref<10000x128xf32, #tpu.memory_space<hbm>>
      tpu.wait_indirect_dma semaphore(%arg27 : memref<!tpu.dma_semaphore, #tpu.memory_space<semaphore_mem>>) src(%dma_wait3A_410 : memref<10000x128xf32, #tpu.memory_space<hbm>>) dst(%arg21 : memref<128x128xf32, #tpu.memory_space<vmem>>)
      %dma_start3A_411 = arith.constant 0 : i32
      %dma_start3A_412 = arith.constant 0 : i32
      %dma_start3A_413 = tpu.memref_slice %arg11[%dma_start3A_411, %dma_start3A_412] : memref<10000x128xf32, #tpu.memory_space<vmem_shared>> -> memref<10000x128xf32, #tpu.memory_space<vmem_shared>>
      tpu.enqueue_indirect_dma source(%arg21 : memref<128x128xf32, #tpu.memory_space<vmem>>) target(%dma_start3A_413 : memref<10000x128xf32, #tpu.memory_space<vmem_shared>>) offsets(%arg19 : memref<128xi32, #tpu.memory_space<vmem>>) semaphore(%arg29 : memref<!tpu.dma_semaphore, #tpu.memory_space<semaphore_mem>>) {add = true}
      %dma_start3A_414 = arith.constant 0 : i32
      %dma_start3A_415 = tpu.memref_slice %arg12[%dma_start3A_414] : memref<10000xf32, #tpu.memory_space<vmem_shared>> -> memref<10000xf32, #tpu.memory_space<vmem_shared>>
      tpu.enqueue_indirect_dma source(%arg22 : memref<128xf32, #tpu.memory_space<vmem>>) target(%dma_start3A_415 : memref<10000xf32, #tpu.memory_space<vmem_shared>>) offsets(%arg18 : memref<128xi32, #tpu.memory_space<vmem>>) semaphore(%arg29 : memref<!tpu.dma_semaphore, #tpu.memory_space<semaphore_mem>>) {add = true}
      %dma_start3A_416 = arith.constant 0 : i32
      %dma_start3A_417 = tpu.memref_slice %arg13[%dma_start3A_416] : memref<10000xf32, #tpu.memory_space<vmem_shared>> -> memref<10000xf32, #tpu.memory_space<vmem_shared>>
      tpu.enqueue_indirect_dma source(%arg22 : memref<128xf32, #tpu.memory_space<vmem>>) target(%dma_start3A_417 : memref<10000xf32, #tpu.memory_space<vmem_shared>>) offsets(%arg19 : memref<128xi32, #tpu.memory_space<vmem>>) semaphore(%arg29 : memref<!tpu.dma_semaphore, #tpu.memory_space<semaphore_mem>>) {add = true}
      %add3A_418 = arith.constant 2 : i32
      %add3A_419 = arith.addi %add3A_391, %add3A_418 : i32
      %lt3A_420 = arith.constant 78 : i32
      %lt3A_421 = arith.cmpi slt, %add3A_419, %lt3A_420 : i32
      %convert_element_type3A_422 = arith.extui %lt3A_421 : i1 to i32
      %cond3A_423 = arith.constant 0 : i32
      %cond3A_424 = arith.cmpi ne, %convert_element_type3A_422, %cond3A_423 : i32
      scf.if %cond3A_424 {
        %dma_wait3A_425 = arith.constant 0 : i32
        %dma_wait3A_426 = arith.constant 0 : i32
        %dma_wait3A_427 = arith.constant 0 : i32
        %dma_wait3A_428 = tpu.memref_slice %arg3[%dma_wait3A_425, %dma_wait3A_426, %dma_wait3A_427] : memref<2500x1x128xi32, #tpu.memory_space<hbm>> -> memref<1x1x128xi32, #tpu.memory_space<hbm>>
        %dma_wait3A_429 = tpu.memref_squeeze %dma_wait3A_428 : memref<1x1x128xi32, #tpu.memory_space<hbm>> -> memref<128xi32, #tpu.memory_space<hbm>>
        %dma_wait3A_430 = arith.constant 0 : i32
        %dma_wait3A_431 = tpu.memref_slice %arg3[%dma_wait3A_425, %dma_wait3A_426, %dma_wait3A_430] : memref<2500x1x128xi32, #tpu.memory_space<hbm>> -> memref<1x1x128xi32, #tpu.memory_space<hbm>>
        %dma_wait3A_432 = tpu.memref_squeeze %dma_wait3A_431 : memref<1x1x128xi32, #tpu.memory_space<hbm>> -> memref<128xi32, #tpu.memory_space<hbm>>
        tpu.wait_dma2 semaphore(%arg24 : memref<!tpu.dma_semaphore, #tpu.memory_space<semaphore_mem>>) src(%dma_wait3A_432 : memref<128xi32, #tpu.memory_space<hbm>>) dst(%arg16 : memref<128xi32, #tpu.memory_space<vmem>>)
        %dma_wait3A_433 = arith.constant 0 : i32
        %dma_wait3A_434 = arith.constant 0 : i32
        %dma_wait3A_435 = arith.constant 0 : i32
        %dma_wait3A_436 = tpu.memref_slice %arg4[%dma_wait3A_433, %dma_wait3A_434, %dma_wait3A_435] : memref<2500x1x128xi32, #tpu.memory_space<hbm>> -> memref<1x1x128xi32, #tpu.memory_space<hbm>>
        %dma_wait3A_437 = tpu.memref_squeeze %dma_wait3A_436 : memref<1x1x128xi32, #tpu.memory_space<hbm>> -> memref<128xi32, #tpu.memory_space<hbm>>
        %dma_wait3A_438 = arith.constant 0 : i32
        %dma_wait3A_439 = tpu.memref_slice %arg4[%dma_wait3A_433, %dma_wait3A_434, %dma_wait3A_438] : memref<2500x1x128xi32, #tpu.memory_space<hbm>> -> memref<1x1x128xi32, #tpu.memory_space<hbm>>
        %dma_wait3A_440 = tpu.memref_squeeze %dma_wait3A_439 : memref<1x1x128xi32, #tpu.memory_space<hbm>> -> memref<128xi32, #tpu.memory_space<hbm>>
        tpu.wait_dma2 semaphore(%arg24 : memref<!tpu.dma_semaphore, #tpu.memory_space<semaphore_mem>>) src(%dma_wait3A_440 : memref<128xi32, #tpu.memory_space<hbm>>) dst(%arg17 : memref<128xi32, #tpu.memory_space<vmem>>)
      } else {
      }
    }
    %scan3A_134 = arith.constant 13 : i32
    %dma_wait3A_135 = arith.constant 0 : i32
    %dma_wait3A_136 = arith.constant 0 : i32
    %dma_wait3A_137 = tpu.memref_slice %arg11[%dma_wait3A_135, %dma_wait3A_136] : memref<10000x128xf32, #tpu.memory_space<vmem_shared>> -> memref<10000x128xf32, #tpu.memory_space<vmem_shared>>
    tpu.wait_indirect_dma semaphore(%arg28 : memref<!tpu.dma_semaphore, #tpu.memory_space<semaphore_mem>>) src(%arg20 : memref<128x128xf32, #tpu.memory_space<vmem>>) dst(%dma_wait3A_137 : memref<10000x128xf32, #tpu.memory_space<vmem_shared>>)
    %dma_wait3A_138 = arith.constant 0 : i32
    %dma_wait3A_139 = tpu.memref_slice %arg12[%dma_wait3A_138] : memref<10000xf32, #tpu.memory_space<vmem_shared>> -> memref<10000xf32, #tpu.memory_space<vmem_shared>>
    tpu.wait_indirect_dma semaphore(%arg28 : memref<!tpu.dma_semaphore, #tpu.memory_space<semaphore_mem>>) src(%arg22 : memref<128xf32, #tpu.memory_space<vmem>>) dst(%dma_wait3A_139 : memref<10000xf32, #tpu.memory_space<vmem_shared>>)
    %dma_wait3A_140 = arith.constant 0 : i32
    %dma_wait3A_141 = tpu.memref_slice %arg13[%dma_wait3A_140] : memref<10000xf32, #tpu.memory_space<vmem_shared>> -> memref<10000xf32, #tpu.memory_space<vmem_shared>>
    tpu.wait_indirect_dma semaphore(%arg28 : memref<!tpu.dma_semaphore, #tpu.memory_space<semaphore_mem>>) src(%arg22 : memref<128xf32, #tpu.memory_space<vmem>>) dst(%dma_wait3A_141 : memref<10000xf32, #tpu.memory_space<vmem_shared>>)
    %dma_wait3A_142 = arith.constant 0 : i32
    %dma_wait3A_143 = arith.constant 0 : i32
    %dma_wait3A_144 = tpu.memref_slice %arg11[%dma_wait3A_142, %dma_wait3A_143] : memref<10000x128xf32, #tpu.memory_space<vmem_shared>> -> memref<10000x128xf32, #tpu.memory_space<vmem_shared>>
    tpu.wait_indirect_dma semaphore(%arg29 : memref<!tpu.dma_semaphore, #tpu.memory_space<semaphore_mem>>) src(%arg20 : memref<128x128xf32, #tpu.memory_space<vmem>>) dst(%dma_wait3A_144 : memref<10000x128xf32, #tpu.memory_space<vmem_shared>>)
    %dma_wait3A_145 = arith.constant 0 : i32
    %dma_wait3A_146 = tpu.memref_slice %arg12[%dma_wait3A_145] : memref<10000xf32, #tpu.memory_space<vmem_shared>> -> memref<10000xf32, #tpu.memory_space<vmem_shared>>
    tpu.wait_indirect_dma semaphore(%arg29 : memref<!tpu.dma_semaphore, #tpu.memory_space<semaphore_mem>>) src(%arg22 : memref<128xf32, #tpu.memory_space<vmem>>) dst(%dma_wait3A_146 : memref<10000xf32, #tpu.memory_space<vmem_shared>>)
    %dma_wait3A_147 = arith.constant 0 : i32
    %dma_wait3A_148 = tpu.memref_slice %arg13[%dma_wait3A_147] : memref<10000xf32, #tpu.memory_space<vmem_shared>> -> memref<10000xf32, #tpu.memory_space<vmem_shared>>
    tpu.wait_indirect_dma semaphore(%arg29 : memref<!tpu.dma_semaphore, #tpu.memory_space<semaphore_mem>>) src(%arg22 : memref<128xf32, #tpu.memory_space<vmem>>) dst(%dma_wait3A_148 : memref<10000xf32, #tpu.memory_space<vmem_shared>>)
    %lt3A_149 = arith.constant 4 : i32
    %lt3A_150 = arith.cmpi slt, %add3A, %lt3A_149 : i32
    %convert_element_type3A_151 = arith.extui %lt3A_150 : i1 to i32
    %cond3A_152 = arith.constant 0 : i32
    %cond3A_153 = arith.cmpi ne, %convert_element_type3A_151, %cond3A_152 : i32
    scf.if %cond3A_153 {
      %add3A_202 = arith.constant 78 : i32
      %add3A_203 = arith.addi %add3A_65, %add3A_202 : i32
      %dma_start3A_204 = arith.constant 0 : i32
      %dma_start3A_205 = arith.constant 0 : i32
      %dma_start3A_206 = tpu.memref_slice %arg3[%add3A_203, %dma_start3A_204, %dma_start3A_205] : memref<2500x1x128xi32, #tpu.memory_space<hbm>> -> memref<1x1x128xi32, #tpu.memory_space<hbm>>
      %dma_start3A_207 = tpu.memref_squeeze %dma_start3A_206 : memref<1x1x128xi32, #tpu.memory_space<hbm>> -> memref<128xi32, #tpu.memory_space<hbm>>
      %dma_start3A_208 = arith.constant 0 : i32
      %dma_start3A_209 = tpu.memref_slice %arg3[%add3A_203, %dma_start3A_204, %dma_start3A_208] : memref<2500x1x128xi32, #tpu.memory_space<hbm>> -> memref<1x1x128xi32, #tpu.memory_space<hbm>>
      %dma_start3A_210 = tpu.memref_squeeze %dma_start3A_209 : memref<1x1x128xi32, #tpu.memory_space<hbm>> -> memref<128xi32, #tpu.memory_space<hbm>>
      tpu.enqueue_dma source(%dma_start3A_210 : memref<128xi32, #tpu.memory_space<hbm>>) target(%arg14 : memref<128xi32, #tpu.memory_space<vmem>>) target_semaphore(%arg23 : memref<!tpu.dma_semaphore, #tpu.memory_space<semaphore_mem>>)
      %dma_start3A_211 = arith.constant 0 : i32
      %dma_start3A_212 = arith.constant 0 : i32
      %dma_start3A_213 = tpu.memref_slice %arg4[%add3A_203, %dma_start3A_211, %dma_start3A_212] : memref<2500x1x128xi32, #tpu.memory_space<hbm>> -> memref<1x1x128xi32, #tpu.memory_space<hbm>>
      %dma_start3A_214 = tpu.memref_squeeze %dma_start3A_213 : memref<1x1x128xi32, #tpu.memory_space<hbm>> -> memref<128xi32, #tpu.memory_space<hbm>>
      %dma_start3A_215 = arith.constant 0 : i32
      %dma_start3A_216 = tpu.memref_slice %arg4[%add3A_203, %dma_start3A_211, %dma_start3A_215] : memref<2500x1x128xi32, #tpu.memory_space<hbm>> -> memref<1x1x128xi32, #tpu.memory_space<hbm>>
      %dma_start3A_217 = tpu.memref_squeeze %dma_start3A_216 : memref<1x1x128xi32, #tpu.memory_space<hbm>> -> memref<128xi32, #tpu.memory_space<hbm>>
      tpu.enqueue_dma source(%dma_start3A_217 : memref<128xi32, #tpu.memory_space<hbm>>) target(%arg15 : memref<128xi32, #tpu.memory_space<vmem>>) target_semaphore(%arg23 : memref<!tpu.dma_semaphore, #tpu.memory_space<semaphore_mem>>)
      %dma_wait3A_218 = arith.constant 0 : i32
      %dma_wait3A_219 = arith.constant 0 : i32
      %dma_wait3A_220 = arith.constant 0 : i32
      %dma_wait3A_221 = tpu.memref_slice %arg3[%dma_wait3A_218, %dma_wait3A_219, %dma_wait3A_220] : memref<2500x1x128xi32, #tpu.memory_space<hbm>> -> memref<1x1x128xi32, #tpu.memory_space<hbm>>
      %dma_wait3A_222 = tpu.memref_squeeze %dma_wait3A_221 : memref<1x1x128xi32, #tpu.memory_space<hbm>> -> memref<128xi32, #tpu.memory_space<hbm>>
      %dma_wait3A_223 = arith.constant 0 : i32
      %dma_wait3A_224 = tpu.memref_slice %arg3[%dma_wait3A_218, %dma_wait3A_219, %dma_wait3A_223] : memref<2500x1x128xi32, #tpu.memory_space<hbm>> -> memref<1x1x128xi32, #tpu.memory_space<hbm>>
      %dma_wait3A_225 = tpu.memref_squeeze %dma_wait3A_224 : memref<1x1x128xi32, #tpu.memory_space<hbm>> -> memref<128xi32, #tpu.memory_space<hbm>>
      tpu.wait_dma2 semaphore(%arg23 : memref<!tpu.dma_semaphore, #tpu.memory_space<semaphore_mem>>) src(%dma_wait3A_225 : memref<128xi32, #tpu.memory_space<hbm>>) dst(%arg14 : memref<128xi32, #tpu.memory_space<vmem>>)
      %dma_wait3A_226 = arith.constant 0 : i32
      %dma_wait3A_227 = arith.constant 0 : i32
      %dma_wait3A_228 = arith.constant 0 : i32
      %dma_wait3A_229 = tpu.memref_slice %arg4[%dma_wait3A_226, %dma_wait3A_227, %dma_wait3A_228] : memref<2500x1x128xi32, #tpu.memory_space<hbm>> -> memref<1x1x128xi32, #tpu.memory_space<hbm>>
      %dma_wait3A_230 = tpu.memref_squeeze %dma_wait3A_229 : memref<1x1x128xi32, #tpu.memory_space<hbm>> -> memref<128xi32, #tpu.memory_space<hbm>>
      %dma_wait3A_231 = arith.constant 0 : i32
      %dma_wait3A_232 = tpu.memref_slice %arg4[%dma_wait3A_226, %dma_wait3A_227, %dma_wait3A_231] : memref<2500x1x128xi32, #tpu.memory_space<hbm>> -> memref<1x1x128xi32, #tpu.memory_space<hbm>>
      %dma_wait3A_233 = tpu.memref_squeeze %dma_wait3A_232 : memref<1x1x128xi32, #tpu.memory_space<hbm>> -> memref<128xi32, #tpu.memory_space<hbm>>
      tpu.wait_dma2 semaphore(%arg23 : memref<!tpu.dma_semaphore, #tpu.memory_space<semaphore_mem>>) src(%dma_wait3A_233 : memref<128xi32, #tpu.memory_space<hbm>>) dst(%arg15 : memref<128xi32, #tpu.memory_space<vmem>>)
      %dma_start3A_234 = arith.constant 0 : i32
      %dma_start3A_235 = arith.constant 0 : i32
      %dma_start3A_236 = tpu.memref_slice %arg2[%dma_start3A_234, %dma_start3A_235] : memref<10000x128xf32, #tpu.memory_space<hbm>> -> memref<10000x128xf32, #tpu.memory_space<hbm>>
      tpu.enqueue_indirect_dma source(%dma_start3A_236 : memref<10000x128xf32, #tpu.memory_space<hbm>>) target(%arg20 : memref<128x128xf32, #tpu.memory_space<vmem>>) offsets(%arg14 : memref<128xi32, #tpu.memory_space<vmem>>) semaphore(%arg26 : memref<!tpu.dma_semaphore, #tpu.memory_space<semaphore_mem>>)
      %dma_wait3A_237 = arith.constant 0 : i32
      %dma_wait3A_238 = arith.constant 0 : i32
      %dma_wait3A_239 = tpu.memref_slice %arg2[%dma_wait3A_237, %dma_wait3A_238] : memref<10000x128xf32, #tpu.memory_space<hbm>> -> memref<10000x128xf32, #tpu.memory_space<hbm>>
      tpu.wait_indirect_dma semaphore(%arg26 : memref<!tpu.dma_semaphore, #tpu.memory_space<semaphore_mem>>) src(%dma_wait3A_239 : memref<10000x128xf32, #tpu.memory_space<hbm>>) dst(%arg20 : memref<128x128xf32, #tpu.memory_space<vmem>>)
      "tpu.region"() ({
        %run_scoped3A = tpu.sem_alloc : memref<!tpu.dma_semaphore, #tpu.memory_space<semaphore_mem>>
        %dma_start3A_240 = arith.constant 0 : i32
        %dma_start3A_241 = arith.constant 0 : i32
        %dma_start3A_242 = tpu.memref_slice %arg11[%dma_start3A_240, %dma_start3A_241] : memref<10000x128xf32, #tpu.memory_space<vmem_shared>> -> memref<10000x128xf32, #tpu.memory_space<vmem_shared>>
        tpu.enqueue_indirect_dma source(%arg20 : memref<128x128xf32, #tpu.memory_space<vmem>>) target(%dma_start3A_242 : memref<10000x128xf32, #tpu.memory_space<vmem_shared>>) offsets(%arg15 : memref<128xi32, #tpu.memory_space<vmem>>) semaphore(%run_scoped3A : memref<!tpu.dma_semaphore, #tpu.memory_space<semaphore_mem>>) {add = true}
        %dma_wait3A_243 = arith.constant 0 : i32
        %dma_wait3A_244 = arith.constant 0 : i32
        %dma_wait3A_245 = tpu.memref_slice %arg11[%dma_wait3A_243, %dma_wait3A_244] : memref<10000x128xf32, #tpu.memory_space<vmem_shared>> -> memref<10000x128xf32, #tpu.memory_space<vmem_shared>>
        tpu.wait_indirect_dma semaphore(%run_scoped3A : memref<!tpu.dma_semaphore, #tpu.memory_space<semaphore_mem>>) src(%arg20 : memref<128x128xf32, #tpu.memory_space<vmem>>) dst(%dma_wait3A_245 : memref<10000x128xf32, #tpu.memory_space<vmem_shared>>)
        tpu.yield
      }) : () -> ()
      "tpu.region"() ({
        %run_scoped3A = tpu.sem_alloc : memref<!tpu.dma_semaphore, #tpu.memory_space<semaphore_mem>>
        %dma_start3A_240 = arith.constant 0 : i32
        %dma_start3A_241 = tpu.memref_slice %arg12[%dma_start3A_240] : memref<10000xf32, #tpu.memory_space<vmem_shared>> -> memref<10000xf32, #tpu.memory_space<vmem_shared>>
        tpu.enqueue_indirect_dma source(%arg22 : memref<128xf32, #tpu.memory_space<vmem>>) target(%dma_start3A_241 : memref<10000xf32, #tpu.memory_space<vmem_shared>>) offsets(%arg14 : memref<128xi32, #tpu.memory_space<vmem>>) semaphore(%run_scoped3A : memref<!tpu.dma_semaphore, #tpu.memory_space<semaphore_mem>>) {add = true}
        %dma_wait3A_242 = arith.constant 0 : i32
        %dma_wait3A_243 = tpu.memref_slice %arg12[%dma_wait3A_242] : memref<10000xf32, #tpu.memory_space<vmem_shared>> -> memref<10000xf32, #tpu.memory_space<vmem_shared>>
        tpu.wait_indirect_dma semaphore(%run_scoped3A : memref<!tpu.dma_semaphore, #tpu.memory_space<semaphore_mem>>) src(%arg22 : memref<128xf32, #tpu.memory_space<vmem>>) dst(%dma_wait3A_243 : memref<10000xf32, #tpu.memory_space<vmem_shared>>)
        tpu.yield
      }) : () -> ()
      "tpu.region"() ({
        %run_scoped3A = tpu.sem_alloc : memref<!tpu.dma_semaphore, #tpu.memory_space<semaphore_mem>>
        %dma_start3A_240 = arith.constant 0 : i32
        %dma_start3A_241 = tpu.memref_slice %arg13[%dma_start3A_240] : memref<10000xf32, #tpu.memory_space<vmem_shared>> -> memref<10000xf32, #tpu.memory_space<vmem_shared>>
        tpu.enqueue_indirect_dma source(%arg22 : memref<128xf32, #tpu.memory_space<vmem>>) target(%dma_start3A_241 : memref<10000xf32, #tpu.memory_space<vmem_shared>>) offsets(%arg15 : memref<128xi32, #tpu.memory_space<vmem>>) semaphore(%run_scoped3A : memref<!tpu.dma_semaphore, #tpu.memory_space<semaphore_mem>>) {add = true}
        %dma_wait3A_242 = arith.constant 0 : i32
        %dma_wait3A_243 = tpu.memref_slice %arg13[%dma_wait3A_242] : memref<10000xf32, #tpu.memory_space<vmem_shared>> -> memref<10000xf32, #tpu.memory_space<vmem_shared>>
        tpu.wait_indirect_dma semaphore(%run_scoped3A : memref<!tpu.dma_semaphore, #tpu.memory_space<semaphore_mem>>) src(%arg22 : memref<128xf32, #tpu.memory_space<vmem>>) dst(%dma_wait3A_243 : memref<10000xf32, #tpu.memory_space<vmem_shared>>)
        tpu.yield
      }) : () -> ()
    } else {
    }
    %barrier3A_154 = arith.constant 0 : index
    tpu.barrier barrier_id(%barrier3A_154)
    %eq3A_155 = arith.constant 0 : i32
    %eq3A_156 = arith.cmpi eq, %arg0, %eq3A_155 : i32
    %lt3A_157 = arith.constant 15 : i32
    %lt3A_158 = arith.cmpi slt, %arg1, %lt3A_157 : i32
    %and3A = arith.andi %eq3A_156, %lt3A_158 : i1
    %convert_element_type3A_159 = arith.extui %and3A : i1 to i32
    %cond3A_160 = arith.constant 0 : i32
    %cond3A_161 = arith.cmpi ne, %convert_element_type3A_159, %cond3A_160 : i32
    scf.if %cond3A_161 {
      "tpu.region"() ({
        %run_scoped3A = tpu.sem_alloc : memref<!tpu.dma_semaphore, #tpu.memory_space<semaphore_mem>>
        %dma_start3A_202 = arith.constant 0 : i32
        %dma_start3A_203 = tpu.memref_slice %arg5[%mul3A_2, %dma_start3A_202] : memref<10000x128xf32, #tpu.memory_space<hbm>> -> memref<632x128xf32, #tpu.memory_space<hbm>>
        %dma_start3A_204 = arith.constant 0 : i32
        %dma_start3A_205 = tpu.memref_slice %arg11[%mul3A_2, %dma_start3A_204] : memref<10000x128xf32, #tpu.memory_space<vmem_shared>> -> memref<632x128xf32, #tpu.memory_space<vmem_shared>>
        tpu.enqueue_dma source(%dma_start3A_205 : memref<632x128xf32, #tpu.memory_space<vmem_shared>>) target(%dma_start3A_203 : memref<632x128xf32, #tpu.memory_space<hbm>>) target_semaphore(%run_scoped3A : memref<!tpu.dma_semaphore, #tpu.memory_space<semaphore_mem>>)
        %dma_wait3A_206 = arith.constant 0 : i32
        %dma_wait3A_207 = tpu.memref_slice %arg5[%mul3A_2, %dma_wait3A_206] : memref<10000x128xf32, #tpu.memory_space<hbm>> -> memref<632x128xf32, #tpu.memory_space<hbm>>
        %dma_wait3A_208 = arith.constant 0 : i32
        %dma_wait3A_209 = tpu.memref_slice %arg11[%mul3A_2, %dma_wait3A_208] : memref<10000x128xf32, #tpu.memory_space<vmem_shared>> -> memref<632x128xf32, #tpu.memory_space<vmem_shared>>
        tpu.wait_dma2 semaphore(%run_scoped3A : memref<!tpu.dma_semaphore, #tpu.memory_space<semaphore_mem>>) src(%dma_wait3A_209 : memref<632x128xf32, #tpu.memory_space<vmem_shared>>) dst(%dma_wait3A_207 : memref<632x128xf32, #tpu.memory_space<hbm>>)
        tpu.yield
      }) : () -> ()
    } else {
    }
    %eq3A_162 = arith.constant 0 : i32
    %eq3A_163 = arith.cmpi eq, %arg0, %eq3A_162 : i32
    %eq3A_164 = arith.constant 15 : i32
    %eq3A_165 = arith.cmpi eq, %arg1, %eq3A_164 : i32
    %and3A_166 = arith.andi %eq3A_163, %eq3A_165 : i1
    %convert_element_type3A_167 = arith.extui %and3A_166 : i1 to i32
    %cond3A_168 = arith.constant 0 : i32
    %cond3A_169 = arith.cmpi ne, %convert_element_type3A_167, %cond3A_168 : i32
    scf.if %cond3A_169 {
      "tpu.region"() ({
        %run_scoped3A = tpu.sem_alloc : memref<!tpu.dma_semaphore, #tpu.memory_space<semaphore_mem>>
        %dma_start3A_202 = arith.constant 0 : i32
        %dma_start3A_203 = tpu.memref_slice %arg5[%mul3A_2, %dma_start3A_202] : memref<10000x128xf32, #tpu.memory_space<hbm>> -> memref<520x128xf32, #tpu.memory_space<hbm>>
        %dma_start3A_204 = arith.constant 0 : i32
        %dma_start3A_205 = tpu.memref_slice %arg11[%mul3A_2, %dma_start3A_204] : memref<10000x128xf32, #tpu.memory_space<vmem_shared>> -> memref<520x128xf32, #tpu.memory_space<vmem_shared>>
        tpu.enqueue_dma source(%dma_start3A_205 : memref<520x128xf32, #tpu.memory_space<vmem_shared>>) target(%dma_start3A_203 : memref<520x128xf32, #tpu.memory_space<hbm>>) target_semaphore(%run_scoped3A : memref<!tpu.dma_semaphore, #tpu.memory_space<semaphore_mem>>)
        %dma_wait3A_206 = arith.constant 0 : i32
        %dma_wait3A_207 = tpu.memref_slice %arg5[%mul3A_2, %dma_wait3A_206] : memref<10000x128xf32, #tpu.memory_space<hbm>> -> memref<520x128xf32, #tpu.memory_space<hbm>>
        %dma_wait3A_208 = arith.constant 0 : i32
        %dma_wait3A_209 = tpu.memref_slice %arg11[%mul3A_2, %dma_wait3A_208] : memref<10000x128xf32, #tpu.memory_space<vmem_shared>> -> memref<520x128xf32, #tpu.memory_space<vmem_shared>>
        tpu.wait_dma2 semaphore(%run_scoped3A : memref<!tpu.dma_semaphore, #tpu.memory_space<semaphore_mem>>) src(%dma_wait3A_209 : memref<520x128xf32, #tpu.memory_space<vmem_shared>>) dst(%dma_wait3A_207 : memref<520x128xf32, #tpu.memory_space<hbm>>)
        tpu.yield
      }) : () -> ()
    } else {
    }
    %eq3A_170 = arith.constant 1 : i32
    %eq3A_171 = arith.cmpi eq, %arg0, %eq3A_170 : i32
    %lt3A_172 = arith.constant 15 : i32
    %lt3A_173 = arith.cmpi slt, %arg1, %lt3A_172 : i32
    %and3A_174 = arith.andi %eq3A_171, %lt3A_173 : i1
    %convert_element_type3A_175 = arith.extui %and3A_174 : i1 to i32
    %cond3A_176 = arith.constant 0 : i32
    %cond3A_177 = arith.cmpi ne, %convert_element_type3A_175, %cond3A_176 : i32
    scf.if %cond3A_177 {
      "tpu.region"() ({
        %run_scoped3A = tpu.sem_alloc : memref<!tpu.dma_semaphore, #tpu.memory_space<semaphore_mem>>
        %dma_start3A_202 = arith.constant 0 : i32
        %dma_start3A_203 = tpu.memref_slice %arg6[%mul3A_2, %dma_start3A_202] : memref<10000x128xf32, #tpu.memory_space<hbm>> -> memref<632x128xf32, #tpu.memory_space<hbm>>
        %dma_start3A_204 = arith.constant 0 : i32
        %dma_start3A_205 = tpu.memref_slice %arg11[%mul3A_2, %dma_start3A_204] : memref<10000x128xf32, #tpu.memory_space<vmem_shared>> -> memref<632x128xf32, #tpu.memory_space<vmem_shared>>
        tpu.enqueue_dma source(%dma_start3A_205 : memref<632x128xf32, #tpu.memory_space<vmem_shared>>) target(%dma_start3A_203 : memref<632x128xf32, #tpu.memory_space<hbm>>) target_semaphore(%run_scoped3A : memref<!tpu.dma_semaphore, #tpu.memory_space<semaphore_mem>>)
        %dma_wait3A_206 = arith.constant 0 : i32
        %dma_wait3A_207 = tpu.memref_slice %arg6[%mul3A_2, %dma_wait3A_206] : memref<10000x128xf32, #tpu.memory_space<hbm>> -> memref<632x128xf32, #tpu.memory_space<hbm>>
        %dma_wait3A_208 = arith.constant 0 : i32
        %dma_wait3A_209 = tpu.memref_slice %arg11[%mul3A_2, %dma_wait3A_208] : memref<10000x128xf32, #tpu.memory_space<vmem_shared>> -> memref<632x128xf32, #tpu.memory_space<vmem_shared>>
        tpu.wait_dma2 semaphore(%run_scoped3A : memref<!tpu.dma_semaphore, #tpu.memory_space<semaphore_mem>>) src(%dma_wait3A_209 : memref<632x128xf32, #tpu.memory_space<vmem_shared>>) dst(%dma_wait3A_207 : memref<632x128xf32, #tpu.memory_space<hbm>>)
        tpu.yield
      }) : () -> ()
    } else {
    }
    %eq3A_178 = arith.constant 1 : i32
    %eq3A_179 = arith.cmpi eq, %arg0, %eq3A_178 : i32
    %eq3A_180 = arith.constant 15 : i32
    %eq3A_181 = arith.cmpi eq, %arg1, %eq3A_180 : i32
    %and3A_182 = arith.andi %eq3A_179, %eq3A_181 : i1
    %convert_element_type3A_183 = arith.extui %and3A_182 : i1 to i32
    %cond3A_184 = arith.constant 0 : i32
    %cond3A_185 = arith.cmpi ne, %convert_element_type3A_183, %cond3A_184 : i32
    scf.if %cond3A_185 {
      "tpu.region"() ({
        %run_scoped3A = tpu.sem_alloc : memref<!tpu.dma_semaphore, #tpu.memory_space<semaphore_mem>>
        %dma_start3A_202 = arith.constant 0 : i32
        %dma_start3A_203 = tpu.memref_slice %arg6[%mul3A_2, %dma_start3A_202] : memref<10000x128xf32, #tpu.memory_space<hbm>> -> memref<520x128xf32, #tpu.memory_space<hbm>>
        %dma_start3A_204 = arith.constant 0 : i32
        %dma_start3A_205 = tpu.memref_slice %arg11[%mul3A_2, %dma_start3A_204] : memref<10000x128xf32, #tpu.memory_space<vmem_shared>> -> memref<520x128xf32, #tpu.memory_space<vmem_shared>>
        tpu.enqueue_dma source(%dma_start3A_205 : memref<520x128xf32, #tpu.memory_space<vmem_shared>>) target(%dma_start3A_203 : memref<520x128xf32, #tpu.memory_space<hbm>>) target_semaphore(%run_scoped3A : memref<!tpu.dma_semaphore, #tpu.memory_space<semaphore_mem>>)
        %dma_wait3A_206 = arith.constant 0 : i32
        %dma_wait3A_207 = tpu.memref_slice %arg6[%mul3A_2, %dma_wait3A_206] : memref<10000x128xf32, #tpu.memory_space<hbm>> -> memref<520x128xf32, #tpu.memory_space<hbm>>
        %dma_wait3A_208 = arith.constant 0 : i32
        %dma_wait3A_209 = tpu.memref_slice %arg11[%mul3A_2, %dma_wait3A_208] : memref<10000x128xf32, #tpu.memory_space<vmem_shared>> -> memref<520x128xf32, #tpu.memory_space<vmem_shared>>
        tpu.wait_dma2 semaphore(%run_scoped3A : memref<!tpu.dma_semaphore, #tpu.memory_space<semaphore_mem>>) src(%dma_wait3A_209 : memref<520x128xf32, #tpu.memory_space<vmem_shared>>) dst(%dma_wait3A_207 : memref<520x128xf32, #tpu.memory_space<hbm>>)
        tpu.yield
      }) : () -> ()
    } else {
    }
    %eq3A_186 = arith.constant 0 : i32
    %eq3A_187 = arith.cmpi eq, %arg0, %eq3A_186 : i32
    %eq3A_188 = arith.constant 0 : i32
    %eq3A_189 = arith.cmpi eq, %arg1, %eq3A_188 : i32
    %and3A_190 = arith.andi %eq3A_187, %eq3A_189 : i1
    %convert_element_type3A_191 = arith.extui %and3A_190 : i1 to i32
    %cond3A_192 = arith.constant 0 : i32
    %cond3A_193 = arith.cmpi ne, %convert_element_type3A_191, %cond3A_192 : i32
    scf.if %cond3A_193 {
      "tpu.region"() ({
        %run_scoped3A = tpu.sem_alloc : memref<!tpu.dma_semaphore, #tpu.memory_space<semaphore_mem>>
        %dma_start3A_202 = arith.constant 0 : i32
        %dma_start3A_203 = tpu.memref_slice %arg12[%dma_start3A_202] : memref<10000xf32, #tpu.memory_space<vmem_shared>> -> memref<1000xf32, #tpu.memory_space<vmem_shared>>
        %dma_start3A_204 = arith.constant 0 : i32
        %dma_start3A_205 = tpu.memref_slice %arg12[%dma_start3A_204] : memref<10000xf32, #tpu.memory_space<vmem_shared>> -> memref<1000xf32, #tpu.memory_space<vmem_shared>>
        tpu.enqueue_dma source(%dma_start3A_205 : memref<1000xf32, #tpu.memory_space<vmem_shared>>) target(%arg30 : memref<1000xf32, #tpu.memory_space<vmem>>) target_semaphore(%run_scoped3A : memref<!tpu.dma_semaphore, #tpu.memory_space<semaphore_mem>>)
        %dma_wait3A_206 = arith.constant 0 : i32
        %dma_wait3A_207 = tpu.memref_slice %arg12[%dma_wait3A_206] : memref<10000xf32, #tpu.memory_space<vmem_shared>> -> memref<1000xf32, #tpu.memory_space<vmem_shared>>
        %dma_wait3A_208 = arith.constant 0 : i32
        %dma_wait3A_209 = tpu.memref_slice %arg12[%dma_wait3A_208] : memref<10000xf32, #tpu.memory_space<vmem_shared>> -> memref<1000xf32, #tpu.memory_space<vmem_shared>>
        tpu.wait_dma2 semaphore(%run_scoped3A : memref<!tpu.dma_semaphore, #tpu.memory_space<semaphore_mem>>) src(%dma_wait3A_209 : memref<1000xf32, #tpu.memory_space<vmem_shared>>) dst(%arg30 : memref<1000xf32, #tpu.memory_space<vmem>>)
        tpu.yield
      }) : () -> ()
      "tpu.region"() ({
        %run_scoped3A = tpu.sem_alloc : memref<!tpu.dma_semaphore, #tpu.memory_space<semaphore_mem>>
        %dma_start3A_202 = arith.constant 0 : i32
        %dma_start3A_203 = tpu.memref_slice %arg7[%dma_start3A_202] : memref<10000xf32, #tpu.memory_space<hbm>> -> memref<1000xf32, #tpu.memory_space<hbm>>
        %dma_start3A_204 = arith.constant 0 : i32
        %dma_start3A_205 = tpu.memref_slice %arg7[%dma_start3A_204] : memref<10000xf32, #tpu.memory_space<hbm>> -> memref<1000xf32, #tpu.memory_space<hbm>>
        tpu.enqueue_dma source(%arg30 : memref<1000xf32, #tpu.memory_space<vmem>>) target(%dma_start3A_205 : memref<1000xf32, #tpu.memory_space<hbm>>) target_semaphore(%run_scoped3A : memref<!tpu.dma_semaphore, #tpu.memory_space<semaphore_mem>>)
        %dma_wait3A_206 = arith.constant 0 : i32
        %dma_wait3A_207 = tpu.memref_slice %arg7[%dma_wait3A_206] : memref<10000xf32, #tpu.memory_space<hbm>> -> memref<1000xf32, #tpu.memory_space<hbm>>
        %dma_wait3A_208 = arith.constant 0 : i32
        %dma_wait3A_209 = tpu.memref_slice %arg7[%dma_wait3A_208] : memref<10000xf32, #tpu.memory_space<hbm>> -> memref<1000xf32, #tpu.memory_space<hbm>>
        tpu.wait_dma2 semaphore(%run_scoped3A : memref<!tpu.dma_semaphore, #tpu.memory_space<semaphore_mem>>) src(%arg30 : memref<1000xf32, #tpu.memory_space<vmem>>) dst(%dma_wait3A_209 : memref<1000xf32, #tpu.memory_space<hbm>>)
        tpu.yield
      }) : () -> ()
      "tpu.region"() ({
        %run_scoped3A = tpu.sem_alloc : memref<!tpu.dma_semaphore, #tpu.memory_space<semaphore_mem>>
        %dma_start3A_202 = arith.constant 1000 : i32
        %dma_start3A_203 = tpu.memref_slice %arg12[%dma_start3A_202] : memref<10000xf32, #tpu.memory_space<vmem_shared>> -> memref<1000xf32, #tpu.memory_space<vmem_shared>>
        %dma_start3A_204 = arith.constant 1000 : i32
        %dma_start3A_205 = tpu.memref_slice %arg12[%dma_start3A_204] : memref<10000xf32, #tpu.memory_space<vmem_shared>> -> memref<1000xf32, #tpu.memory_space<vmem_shared>>
        tpu.enqueue_dma source(%dma_start3A_205 : memref<1000xf32, #tpu.memory_space<vmem_shared>>) target(%arg30 : memref<1000xf32, #tpu.memory_space<vmem>>) target_semaphore(%run_scoped3A : memref<!tpu.dma_semaphore, #tpu.memory_space<semaphore_mem>>)
        %dma_wait3A_206 = arith.constant 1000 : i32
        %dma_wait3A_207 = tpu.memref_slice %arg12[%dma_wait3A_206] : memref<10000xf32, #tpu.memory_space<vmem_shared>> -> memref<1000xf32, #tpu.memory_space<vmem_shared>>
        %dma_wait3A_208 = arith.constant 1000 : i32
        %dma_wait3A_209 = tpu.memref_slice %arg12[%dma_wait3A_208] : memref<10000xf32, #tpu.memory_space<vmem_shared>> -> memref<1000xf32, #tpu.memory_space<vmem_shared>>
        tpu.wait_dma2 semaphore(%run_scoped3A : memref<!tpu.dma_semaphore, #tpu.memory_space<semaphore_mem>>) src(%dma_wait3A_209 : memref<1000xf32, #tpu.memory_space<vmem_shared>>) dst(%arg30 : memref<1000xf32, #tpu.memory_space<vmem>>)
        tpu.yield
      }) : () -> ()
      "tpu.region"() ({
        %run_scoped3A = tpu.sem_alloc : memref<!tpu.dma_semaphore, #tpu.memory_space<semaphore_mem>>
        %dma_start3A_202 = arith.constant 1000 : i32
        %dma_start3A_203 = tpu.memref_slice %arg7[%dma_start3A_202] : memref<10000xf32, #tpu.memory_space<hbm>> -> memref<1000xf32, #tpu.memory_space<hbm>>
        %dma_start3A_204 = arith.constant 1000 : i32
        %dma_start3A_205 = tpu.memref_slice %arg7[%dma_start3A_204] : memref<10000xf32, #tpu.memory_space<hbm>> -> memref<1000xf32, #tpu.memory_space<hbm>>
        tpu.enqueue_dma source(%arg30 : memref<1000xf32, #tpu.memory_space<vmem>>) target(%dma_start3A_205 : memref<1000xf32, #tpu.memory_space<hbm>>) target_semaphore(%run_scoped3A : memref<!tpu.dma_semaphore, #tpu.memory_space<semaphore_mem>>)
        %dma_wait3A_206 = arith.constant 1000 : i32
        %dma_wait3A_207 = tpu.memref_slice %arg7[%dma_wait3A_206] : memref<10000xf32, #tpu.memory_space<hbm>> -> memref<1000xf32, #tpu.memory_space<hbm>>
        %dma_wait3A_208 = arith.constant 1000 : i32
        %dma_wait3A_209 = tpu.memref_slice %arg7[%dma_wait3A_208] : memref<10000xf32, #tpu.memory_space<hbm>> -> memref<1000xf32, #tpu.memory_space<hbm>>
        tpu.wait_dma2 semaphore(%run_scoped3A : memref<!tpu.dma_semaphore, #tpu.memory_space<semaphore_mem>>) src(%arg30 : memref<1000xf32, #tpu.memory_space<vmem>>) dst(%dma_wait3A_209 : memref<1000xf32, #tpu.memory_space<hbm>>)
        tpu.yield
      }) : () -> ()
      "tpu.region"() ({
        %run_scoped3A = tpu.sem_alloc : memref<!tpu.dma_semaphore, #tpu.memory_space<semaphore_mem>>
        %dma_start3A_202 = arith.constant 2000 : i32
        %dma_start3A_203 = tpu.memref_slice %arg12[%dma_start3A_202] : memref<10000xf32, #tpu.memory_space<vmem_shared>> -> memref<1000xf32, #tpu.memory_space<vmem_shared>>
        %dma_start3A_204 = arith.constant 2000 : i32
        %dma_start3A_205 = tpu.memref_slice %arg12[%dma_start3A_204] : memref<10000xf32, #tpu.memory_space<vmem_shared>> -> memref<1000xf32, #tpu.memory_space<vmem_shared>>
        tpu.enqueue_dma source(%dma_start3A_205 : memref<1000xf32, #tpu.memory_space<vmem_shared>>) target(%arg30 : memref<1000xf32, #tpu.memory_space<vmem>>) target_semaphore(%run_scoped3A : memref<!tpu.dma_semaphore, #tpu.memory_space<semaphore_mem>>)
        %dma_wait3A_206 = arith.constant 2000 : i32
        %dma_wait3A_207 = tpu.memref_slice %arg12[%dma_wait3A_206] : memref<10000xf32, #tpu.memory_space<vmem_shared>> -> memref<1000xf32, #tpu.memory_space<vmem_shared>>
        %dma_wait3A_208 = arith.constant 2000 : i32
        %dma_wait3A_209 = tpu.memref_slice %arg12[%dma_wait3A_208] : memref<10000xf32, #tpu.memory_space<vmem_shared>> -> memref<1000xf32, #tpu.memory_space<vmem_shared>>
        tpu.wait_dma2 semaphore(%run_scoped3A : memref<!tpu.dma_semaphore, #tpu.memory_space<semaphore_mem>>) src(%dma_wait3A_209 : memref<1000xf32, #tpu.memory_space<vmem_shared>>) dst(%arg30 : memref<1000xf32, #tpu.memory_space<vmem>>)
        tpu.yield
      }) : () -> ()
      "tpu.region"() ({
        %run_scoped3A = tpu.sem_alloc : memref<!tpu.dma_semaphore, #tpu.memory_space<semaphore_mem>>
        %dma_start3A_202 = arith.constant 2000 : i32
        %dma_start3A_203 = tpu.memref_slice %arg7[%dma_start3A_202] : memref<10000xf32, #tpu.memory_space<hbm>> -> memref<1000xf32, #tpu.memory_space<hbm>>
        %dma_start3A_204 = arith.constant 2000 : i32
        %dma_start3A_205 = tpu.memref_slice %arg7[%dma_start3A_204] : memref<10000xf32, #tpu.memory_space<hbm>> -> memref<1000xf32, #tpu.memory_space<hbm>>
        tpu.enqueue_dma source(%arg30 : memref<1000xf32, #tpu.memory_space<vmem>>) target(%dma_start3A_205 : memref<1000xf32, #tpu.memory_space<hbm>>) target_semaphore(%run_scoped3A : memref<!tpu.dma_semaphore, #tpu.memory_space<semaphore_mem>>)
        %dma_wait3A_206 = arith.constant 2000 : i32
        %dma_wait3A_207 = tpu.memref_slice %arg7[%dma_wait3A_206] : memref<10000xf32, #tpu.memory_space<hbm>> -> memref<1000xf32, #tpu.memory_space<hbm>>
        %dma_wait3A_208 = arith.constant 2000 : i32
        %dma_wait3A_209 = tpu.memref_slice %arg7[%dma_wait3A_208] : memref<10000xf32, #tpu.memory_space<hbm>> -> memref<1000xf32, #tpu.memory_space<hbm>>
        tpu.wait_dma2 semaphore(%run_scoped3A : memref<!tpu.dma_semaphore, #tpu.memory_space<semaphore_mem>>) src(%arg30 : memref<1000xf32, #tpu.memory_space<vmem>>) dst(%dma_wait3A_209 : memref<1000xf32, #tpu.memory_space<hbm>>)
        tpu.yield
      }) : () -> ()
      "tpu.region"() ({
        %run_scoped3A = tpu.sem_alloc : memref<!tpu.dma_semaphore, #tpu.memory_space<semaphore_mem>>
        %dma_start3A_202 = arith.constant 3000 : i32
        %dma_start3A_203 = tpu.memref_slice %arg12[%dma_start3A_202] : memref<10000xf32, #tpu.memory_space<vmem_shared>> -> memref<1000xf32, #tpu.memory_space<vmem_shared>>
        %dma_start3A_204 = arith.constant 3000 : i32
        %dma_start3A_205 = tpu.memref_slice %arg12[%dma_start3A_204] : memref<10000xf32, #tpu.memory_space<vmem_shared>> -> memref<1000xf32, #tpu.memory_space<vmem_shared>>
        tpu.enqueue_dma source(%dma_start3A_205 : memref<1000xf32, #tpu.memory_space<vmem_shared>>) target(%arg30 : memref<1000xf32, #tpu.memory_space<vmem>>) target_semaphore(%run_scoped3A : memref<!tpu.dma_semaphore, #tpu.memory_space<semaphore_mem>>)
        %dma_wait3A_206 = arith.constant 3000 : i32
        %dma_wait3A_207 = tpu.memref_slice %arg12[%dma_wait3A_206] : memref<10000xf32, #tpu.memory_space<vmem_shared>> -> memref<1000xf32, #tpu.memory_space<vmem_shared>>
        %dma_wait3A_208 = arith.constant 3000 : i32
        %dma_wait3A_209 = tpu.memref_slice %arg12[%dma_wait3A_208] : memref<10000xf32, #tpu.memory_space<vmem_shared>> -> memref<1000xf32, #tpu.memory_space<vmem_shared>>
        tpu.wait_dma2 semaphore(%run_scoped3A : memref<!tpu.dma_semaphore, #tpu.memory_space<semaphore_mem>>) src(%dma_wait3A_209 : memref<1000xf32, #tpu.memory_space<vmem_shared>>) dst(%arg30 : memref<1000xf32, #tpu.memory_space<vmem>>)
        tpu.yield
      }) : () -> ()
      "tpu.region"() ({
        %run_scoped3A = tpu.sem_alloc : memref<!tpu.dma_semaphore, #tpu.memory_space<semaphore_mem>>
        %dma_start3A_202 = arith.constant 3000 : i32
        %dma_start3A_203 = tpu.memref_slice %arg7[%dma_start3A_202] : memref<10000xf32, #tpu.memory_space<hbm>> -> memref<1000xf32, #tpu.memory_space<hbm>>
        %dma_start3A_204 = arith.constant 3000 : i32
        %dma_start3A_205 = tpu.memref_slice %arg7[%dma_start3A_204] : memref<10000xf32, #tpu.memory_space<hbm>> -> memref<1000xf32, #tpu.memory_space<hbm>>
        tpu.enqueue_dma source(%arg30 : memref<1000xf32, #tpu.memory_space<vmem>>) target(%dma_start3A_205 : memref<1000xf32, #tpu.memory_space<hbm>>) target_semaphore(%run_scoped3A : memref<!tpu.dma_semaphore, #tpu.memory_space<semaphore_mem>>)
        %dma_wait3A_206 = arith.constant 3000 : i32
        %dma_wait3A_207 = tpu.memref_slice %arg7[%dma_wait3A_206] : memref<10000xf32, #tpu.memory_space<hbm>> -> memref<1000xf32, #tpu.memory_space<hbm>>
        %dma_wait3A_208 = arith.constant 3000 : i32
        %dma_wait3A_209 = tpu.memref_slice %arg7[%dma_wait3A_208] : memref<10000xf32, #tpu.memory_space<hbm>> -> memref<1000xf32, #tpu.memory_space<hbm>>
        tpu.wait_dma2 semaphore(%run_scoped3A : memref<!tpu.dma_semaphore, #tpu.memory_space<semaphore_mem>>) src(%arg30 : memref<1000xf32, #tpu.memory_space<vmem>>) dst(%dma_wait3A_209 : memref<1000xf32, #tpu.memory_space<hbm>>)
        tpu.yield
      }) : () -> ()
      "tpu.region"() ({
        %run_scoped3A = tpu.sem_alloc : memref<!tpu.dma_semaphore, #tpu.memory_space<semaphore_mem>>
        %dma_start3A_202 = arith.constant 4000 : i32
        %dma_start3A_203 = tpu.memref_slice %arg12[%dma_start3A_202] : memref<10000xf32, #tpu.memory_space<vmem_shared>> -> memref<1000xf32, #tpu.memory_space<vmem_shared>>
        %dma_start3A_204 = arith.constant 4000 : i32
        %dma_start3A_205 = tpu.memref_slice %arg12[%dma_start3A_204] : memref<10000xf32, #tpu.memory_space<vmem_shared>> -> memref<1000xf32, #tpu.memory_space<vmem_shared>>
        tpu.enqueue_dma source(%dma_start3A_205 : memref<1000xf32, #tpu.memory_space<vmem_shared>>) target(%arg30 : memref<1000xf32, #tpu.memory_space<vmem>>) target_semaphore(%run_scoped3A : memref<!tpu.dma_semaphore, #tpu.memory_space<semaphore_mem>>)
        %dma_wait3A_206 = arith.constant 4000 : i32
        %dma_wait3A_207 = tpu.memref_slice %arg12[%dma_wait3A_206] : memref<10000xf32, #tpu.memory_space<vmem_shared>> -> memref<1000xf32, #tpu.memory_space<vmem_shared>>
        %dma_wait3A_208 = arith.constant 4000 : i32
        %dma_wait3A_209 = tpu.memref_slice %arg12[%dma_wait3A_208] : memref<10000xf32, #tpu.memory_space<vmem_shared>> -> memref<1000xf32, #tpu.memory_space<vmem_shared>>
        tpu.wait_dma2 semaphore(%run_scoped3A : memref<!tpu.dma_semaphore, #tpu.memory_space<semaphore_mem>>) src(%dma_wait3A_209 : memref<1000xf32, #tpu.memory_space<vmem_shared>>) dst(%arg30 : memref<1000xf32, #tpu.memory_space<vmem>>)
        tpu.yield
      }) : () -> ()
      "tpu.region"() ({
        %run_scoped3A = tpu.sem_alloc : memref<!tpu.dma_semaphore, #tpu.memory_space<semaphore_mem>>
        %dma_start3A_202 = arith.constant 4000 : i32
        %dma_start3A_203 = tpu.memref_slice %arg7[%dma_start3A_202] : memref<10000xf32, #tpu.memory_space<hbm>> -> memref<1000xf32, #tpu.memory_space<hbm>>
        %dma_start3A_204 = arith.constant 4000 : i32
        %dma_start3A_205 = tpu.memref_slice %arg7[%dma_start3A_204] : memref<10000xf32, #tpu.memory_space<hbm>> -> memref<1000xf32, #tpu.memory_space<hbm>>
        tpu.enqueue_dma source(%arg30 : memref<1000xf32, #tpu.memory_space<vmem>>) target(%dma_start3A_205 : memref<1000xf32, #tpu.memory_space<hbm>>) target_semaphore(%run_scoped3A : memref<!tpu.dma_semaphore, #tpu.memory_space<semaphore_mem>>)
        %dma_wait3A_206 = arith.constant 4000 : i32
        %dma_wait3A_207 = tpu.memref_slice %arg7[%dma_wait3A_206] : memref<10000xf32, #tpu.memory_space<hbm>> -> memref<1000xf32, #tpu.memory_space<hbm>>
        %dma_wait3A_208 = arith.constant 4000 : i32
        %dma_wait3A_209 = tpu.memref_slice %arg7[%dma_wait3A_208] : memref<10000xf32, #tpu.memory_space<hbm>> -> memref<1000xf32, #tpu.memory_space<hbm>>
        tpu.wait_dma2 semaphore(%run_scoped3A : memref<!tpu.dma_semaphore, #tpu.memory_space<semaphore_mem>>) src(%arg30 : memref<1000xf32, #tpu.memory_space<vmem>>) dst(%dma_wait3A_209 : memref<1000xf32, #tpu.memory_space<hbm>>)
        tpu.yield
      }) : () -> ()
      "tpu.region"() ({
        %run_scoped3A = tpu.sem_alloc : memref<!tpu.dma_semaphore, #tpu.memory_space<semaphore_mem>>
        %dma_start3A_202 = arith.constant 5000 : i32
        %dma_start3A_203 = tpu.memref_slice %arg12[%dma_start3A_202] : memref<10000xf32, #tpu.memory_space<vmem_shared>> -> memref<1000xf32, #tpu.memory_space<vmem_shared>>
        %dma_start3A_204 = arith.constant 5000 : i32
        %dma_start3A_205 = tpu.memref_slice %arg12[%dma_start3A_204] : memref<10000xf32, #tpu.memory_space<vmem_shared>> -> memref<1000xf32, #tpu.memory_space<vmem_shared>>
        tpu.enqueue_dma source(%dma_start3A_205 : memref<1000xf32, #tpu.memory_space<vmem_shared>>) target(%arg30 : memref<1000xf32, #tpu.memory_space<vmem>>) target_semaphore(%run_scoped3A : memref<!tpu.dma_semaphore, #tpu.memory_space<semaphore_mem>>)
        %dma_wait3A_206 = arith.constant 5000 : i32
        %dma_wait3A_207 = tpu.memref_slice %arg12[%dma_wait3A_206] : memref<10000xf32, #tpu.memory_space<vmem_shared>> -> memref<1000xf32, #tpu.memory_space<vmem_shared>>
        %dma_wait3A_208 = arith.constant 5000 : i32
        %dma_wait3A_209 = tpu.memref_slice %arg12[%dma_wait3A_208] : memref<10000xf32, #tpu.memory_space<vmem_shared>> -> memref<1000xf32, #tpu.memory_space<vmem_shared>>
        tpu.wait_dma2 semaphore(%run_scoped3A : memref<!tpu.dma_semaphore, #tpu.memory_space<semaphore_mem>>) src(%dma_wait3A_209 : memref<1000xf32, #tpu.memory_space<vmem_shared>>) dst(%arg30 : memref<1000xf32, #tpu.memory_space<vmem>>)
        tpu.yield
      }) : () -> ()
      "tpu.region"() ({
        %run_scoped3A = tpu.sem_alloc : memref<!tpu.dma_semaphore, #tpu.memory_space<semaphore_mem>>
        %dma_start3A_202 = arith.constant 5000 : i32
        %dma_start3A_203 = tpu.memref_slice %arg7[%dma_start3A_202] : memref<10000xf32, #tpu.memory_space<hbm>> -> memref<1000xf32, #tpu.memory_space<hbm>>
        %dma_start3A_204 = arith.constant 5000 : i32
        %dma_start3A_205 = tpu.memref_slice %arg7[%dma_start3A_204] : memref<10000xf32, #tpu.memory_space<hbm>> -> memref<1000xf32, #tpu.memory_space<hbm>>
        tpu.enqueue_dma source(%arg30 : memref<1000xf32, #tpu.memory_space<vmem>>) target(%dma_start3A_205 : memref<1000xf32, #tpu.memory_space<hbm>>) target_semaphore(%run_scoped3A : memref<!tpu.dma_semaphore, #tpu.memory_space<semaphore_mem>>)
        %dma_wait3A_206 = arith.constant 5000 : i32
        %dma_wait3A_207 = tpu.memref_slice %arg7[%dma_wait3A_206] : memref<10000xf32, #tpu.memory_space<hbm>> -> memref<1000xf32, #tpu.memory_space<hbm>>
        %dma_wait3A_208 = arith.constant 5000 : i32
        %dma_wait3A_209 = tpu.memref_slice %arg7[%dma_wait3A_208] : memref<10000xf32, #tpu.memory_space<hbm>> -> memref<1000xf32, #tpu.memory_space<hbm>>
        tpu.wait_dma2 semaphore(%run_scoped3A : memref<!tpu.dma_semaphore, #tpu.memory_space<semaphore_mem>>) src(%arg30 : memref<1000xf32, #tpu.memory_space<vmem>>) dst(%dma_wait3A_209 : memref<1000xf32, #tpu.memory_space<hbm>>)
        tpu.yield
      }) : () -> ()
      "tpu.region"() ({
        %run_scoped3A = tpu.sem_alloc : memref<!tpu.dma_semaphore, #tpu.memory_space<semaphore_mem>>
        %dma_start3A_202 = arith.constant 6000 : i32
        %dma_start3A_203 = tpu.memref_slice %arg12[%dma_start3A_202] : memref<10000xf32, #tpu.memory_space<vmem_shared>> -> memref<1000xf32, #tpu.memory_space<vmem_shared>>
        %dma_start3A_204 = arith.constant 6000 : i32
        %dma_start3A_205 = tpu.memref_slice %arg12[%dma_start3A_204] : memref<10000xf32, #tpu.memory_space<vmem_shared>> -> memref<1000xf32, #tpu.memory_space<vmem_shared>>
        tpu.enqueue_dma source(%dma_start3A_205 : memref<1000xf32, #tpu.memory_space<vmem_shared>>) target(%arg30 : memref<1000xf32, #tpu.memory_space<vmem>>) target_semaphore(%run_scoped3A : memref<!tpu.dma_semaphore, #tpu.memory_space<semaphore_mem>>)
        %dma_wait3A_206 = arith.constant 6000 : i32
        %dma_wait3A_207 = tpu.memref_slice %arg12[%dma_wait3A_206] : memref<10000xf32, #tpu.memory_space<vmem_shared>> -> memref<1000xf32, #tpu.memory_space<vmem_shared>>
        %dma_wait3A_208 = arith.constant 6000 : i32
        %dma_wait3A_209 = tpu.memref_slice %arg12[%dma_wait3A_208] : memref<10000xf32, #tpu.memory_space<vmem_shared>> -> memref<1000xf32, #tpu.memory_space<vmem_shared>>
        tpu.wait_dma2 semaphore(%run_scoped3A : memref<!tpu.dma_semaphore, #tpu.memory_space<semaphore_mem>>) src(%dma_wait3A_209 : memref<1000xf32, #tpu.memory_space<vmem_shared>>) dst(%arg30 : memref<1000xf32, #tpu.memory_space<vmem>>)
        tpu.yield
      }) : () -> ()
      "tpu.region"() ({
        %run_scoped3A = tpu.sem_alloc : memref<!tpu.dma_semaphore, #tpu.memory_space<semaphore_mem>>
        %dma_start3A_202 = arith.constant 6000 : i32
        %dma_start3A_203 = tpu.memref_slice %arg7[%dma_start3A_202] : memref<10000xf32, #tpu.memory_space<hbm>> -> memref<1000xf32, #tpu.memory_space<hbm>>
        %dma_start3A_204 = arith.constant 6000 : i32
        %dma_start3A_205 = tpu.memref_slice %arg7[%dma_start3A_204] : memref<10000xf32, #tpu.memory_space<hbm>> -> memref<1000xf32, #tpu.memory_space<hbm>>
        tpu.enqueue_dma source(%arg30 : memref<1000xf32, #tpu.memory_space<vmem>>) target(%dma_start3A_205 : memref<1000xf32, #tpu.memory_space<hbm>>) target_semaphore(%run_scoped3A : memref<!tpu.dma_semaphore, #tpu.memory_space<semaphore_mem>>)
        %dma_wait3A_206 = arith.constant 6000 : i32
        %dma_wait3A_207 = tpu.memref_slice %arg7[%dma_wait3A_206] : memref<10000xf32, #tpu.memory_space<hbm>> -> memref<1000xf32, #tpu.memory_space<hbm>>
        %dma_wait3A_208 = arith.constant 6000 : i32
        %dma_wait3A_209 = tpu.memref_slice %arg7[%dma_wait3A_208] : memref<10000xf32, #tpu.memory_space<hbm>> -> memref<1000xf32, #tpu.memory_space<hbm>>
        tpu.wait_dma2 semaphore(%run_scoped3A : memref<!tpu.dma_semaphore, #tpu.memory_space<semaphore_mem>>) src(%arg30 : memref<1000xf32, #tpu.memory_space<vmem>>) dst(%dma_wait3A_209 : memref<1000xf32, #tpu.memory_space<hbm>>)
        tpu.yield
      }) : () -> ()
      "tpu.region"() ({
        %run_scoped3A = tpu.sem_alloc : memref<!tpu.dma_semaphore, #tpu.memory_space<semaphore_mem>>
        %dma_start3A_202 = arith.constant 7000 : i32
        %dma_start3A_203 = tpu.memref_slice %arg12[%dma_start3A_202] : memref<10000xf32, #tpu.memory_space<vmem_shared>> -> memref<1000xf32, #tpu.memory_space<vmem_shared>>
        %dma_start3A_204 = arith.constant 7000 : i32
        %dma_start3A_205 = tpu.memref_slice %arg12[%dma_start3A_204] : memref<10000xf32, #tpu.memory_space<vmem_shared>> -> memref<1000xf32, #tpu.memory_space<vmem_shared>>
        tpu.enqueue_dma source(%dma_start3A_205 : memref<1000xf32, #tpu.memory_space<vmem_shared>>) target(%arg30 : memref<1000xf32, #tpu.memory_space<vmem>>) target_semaphore(%run_scoped3A : memref<!tpu.dma_semaphore, #tpu.memory_space<semaphore_mem>>)
        %dma_wait3A_206 = arith.constant 7000 : i32
        %dma_wait3A_207 = tpu.memref_slice %arg12[%dma_wait3A_206] : memref<10000xf32, #tpu.memory_space<vmem_shared>> -> memref<1000xf32, #tpu.memory_space<vmem_shared>>
        %dma_wait3A_208 = arith.constant 7000 : i32
        %dma_wait3A_209 = tpu.memref_slice %arg12[%dma_wait3A_208] : memref<10000xf32, #tpu.memory_space<vmem_shared>> -> memref<1000xf32, #tpu.memory_space<vmem_shared>>
        tpu.wait_dma2 semaphore(%run_scoped3A : memref<!tpu.dma_semaphore, #tpu.memory_space<semaphore_mem>>) src(%dma_wait3A_209 : memref<1000xf32, #tpu.memory_space<vmem_shared>>) dst(%arg30 : memref<1000xf32, #tpu.memory_space<vmem>>)
        tpu.yield
      }) : () -> ()
      "tpu.region"() ({
        %run_scoped3A = tpu.sem_alloc : memref<!tpu.dma_semaphore, #tpu.memory_space<semaphore_mem>>
        %dma_start3A_202 = arith.constant 7000 : i32
        %dma_start3A_203 = tpu.memref_slice %arg7[%dma_start3A_202] : memref<10000xf32, #tpu.memory_space<hbm>> -> memref<1000xf32, #tpu.memory_space<hbm>>
        %dma_start3A_204 = arith.constant 7000 : i32
        %dma_start3A_205 = tpu.memref_slice %arg7[%dma_start3A_204] : memref<10000xf32, #tpu.memory_space<hbm>> -> memref<1000xf32, #tpu.memory_space<hbm>>
        tpu.enqueue_dma source(%arg30 : memref<1000xf32, #tpu.memory_space<vmem>>) target(%dma_start3A_205 : memref<1000xf32, #tpu.memory_space<hbm>>) target_semaphore(%run_scoped3A : memref<!tpu.dma_semaphore, #tpu.memory_space<semaphore_mem>>)
        %dma_wait3A_206 = arith.constant 7000 : i32
        %dma_wait3A_207 = tpu.memref_slice %arg7[%dma_wait3A_206] : memref<10000xf32, #tpu.memory_space<hbm>> -> memref<1000xf32, #tpu.memory_space<hbm>>
        %dma_wait3A_208 = arith.constant 7000 : i32
        %dma_wait3A_209 = tpu.memref_slice %arg7[%dma_wait3A_208] : memref<10000xf32, #tpu.memory_space<hbm>> -> memref<1000xf32, #tpu.memory_space<hbm>>
        tpu.wait_dma2 semaphore(%run_scoped3A : memref<!tpu.dma_semaphore, #tpu.memory_space<semaphore_mem>>) src(%arg30 : memref<1000xf32, #tpu.memory_space<vmem>>) dst(%dma_wait3A_209 : memref<1000xf32, #tpu.memory_space<hbm>>)
        tpu.yield
      }) : () -> ()
      "tpu.region"() ({
        %run_scoped3A = tpu.sem_alloc : memref<!tpu.dma_semaphore, #tpu.memory_space<semaphore_mem>>
        %dma_start3A_202 = arith.constant 8000 : i32
        %dma_start3A_203 = tpu.memref_slice %arg12[%dma_start3A_202] : memref<10000xf32, #tpu.memory_space<vmem_shared>> -> memref<1000xf32, #tpu.memory_space<vmem_shared>>
        %dma_start3A_204 = arith.constant 8000 : i32
        %dma_start3A_205 = tpu.memref_slice %arg12[%dma_start3A_204] : memref<10000xf32, #tpu.memory_space<vmem_shared>> -> memref<1000xf32, #tpu.memory_space<vmem_shared>>
        tpu.enqueue_dma source(%dma_start3A_205 : memref<1000xf32, #tpu.memory_space<vmem_shared>>) target(%arg30 : memref<1000xf32, #tpu.memory_space<vmem>>) target_semaphore(%run_scoped3A : memref<!tpu.dma_semaphore, #tpu.memory_space<semaphore_mem>>)
        %dma_wait3A_206 = arith.constant 8000 : i32
        %dma_wait3A_207 = tpu.memref_slice %arg12[%dma_wait3A_206] : memref<10000xf32, #tpu.memory_space<vmem_shared>> -> memref<1000xf32, #tpu.memory_space<vmem_shared>>
        %dma_wait3A_208 = arith.constant 8000 : i32
        %dma_wait3A_209 = tpu.memref_slice %arg12[%dma_wait3A_208] : memref<10000xf32, #tpu.memory_space<vmem_shared>> -> memref<1000xf32, #tpu.memory_space<vmem_shared>>
        tpu.wait_dma2 semaphore(%run_scoped3A : memref<!tpu.dma_semaphore, #tpu.memory_space<semaphore_mem>>) src(%dma_wait3A_209 : memref<1000xf32, #tpu.memory_space<vmem_shared>>) dst(%arg30 : memref<1000xf32, #tpu.memory_space<vmem>>)
        tpu.yield
      }) : () -> ()
      "tpu.region"() ({
        %run_scoped3A = tpu.sem_alloc : memref<!tpu.dma_semaphore, #tpu.memory_space<semaphore_mem>>
        %dma_start3A_202 = arith.constant 8000 : i32
        %dma_start3A_203 = tpu.memref_slice %arg7[%dma_start3A_202] : memref<10000xf32, #tpu.memory_space<hbm>> -> memref<1000xf32, #tpu.memory_space<hbm>>
        %dma_start3A_204 = arith.constant 8000 : i32
        %dma_start3A_205 = tpu.memref_slice %arg7[%dma_start3A_204] : memref<10000xf32, #tpu.memory_space<hbm>> -> memref<1000xf32, #tpu.memory_space<hbm>>
        tpu.enqueue_dma source(%arg30 : memref<1000xf32, #tpu.memory_space<vmem>>) target(%dma_start3A_205 : memref<1000xf32, #tpu.memory_space<hbm>>) target_semaphore(%run_scoped3A : memref<!tpu.dma_semaphore, #tpu.memory_space<semaphore_mem>>)
        %dma_wait3A_206 = arith.constant 8000 : i32
        %dma_wait3A_207 = tpu.memref_slice %arg7[%dma_wait3A_206] : memref<10000xf32, #tpu.memory_space<hbm>> -> memref<1000xf32, #tpu.memory_space<hbm>>
        %dma_wait3A_208 = arith.constant 8000 : i32
        %dma_wait3A_209 = tpu.memref_slice %arg7[%dma_wait3A_208] : memref<10000xf32, #tpu.memory_space<hbm>> -> memref<1000xf32, #tpu.memory_space<hbm>>
        tpu.wait_dma2 semaphore(%run_scoped3A : memref<!tpu.dma_semaphore, #tpu.memory_space<semaphore_mem>>) src(%arg30 : memref<1000xf32, #tpu.memory_space<vmem>>) dst(%dma_wait3A_209 : memref<1000xf32, #tpu.memory_space<hbm>>)
        tpu.yield
      }) : () -> ()
      "tpu.region"() ({
        %run_scoped3A = tpu.sem_alloc : memref<!tpu.dma_semaphore, #tpu.memory_space<semaphore_mem>>
        %dma_start3A_202 = arith.constant 9000 : i32
        %dma_start3A_203 = tpu.memref_slice %arg12[%dma_start3A_202] : memref<10000xf32, #tpu.memory_space<vmem_shared>> -> memref<1000xf32, #tpu.memory_space<vmem_shared>>
        %dma_start3A_204 = arith.constant 9000 : i32
        %dma_start3A_205 = tpu.memref_slice %arg12[%dma_start3A_204] : memref<10000xf32, #tpu.memory_space<vmem_shared>> -> memref<1000xf32, #tpu.memory_space<vmem_shared>>
        tpu.enqueue_dma source(%dma_start3A_205 : memref<1000xf32, #tpu.memory_space<vmem_shared>>) target(%arg30 : memref<1000xf32, #tpu.memory_space<vmem>>) target_semaphore(%run_scoped3A : memref<!tpu.dma_semaphore, #tpu.memory_space<semaphore_mem>>)
        %dma_wait3A_206 = arith.constant 9000 : i32
        %dma_wait3A_207 = tpu.memref_slice %arg12[%dma_wait3A_206] : memref<10000xf32, #tpu.memory_space<vmem_shared>> -> memref<1000xf32, #tpu.memory_space<vmem_shared>>
        %dma_wait3A_208 = arith.constant 9000 : i32
        %dma_wait3A_209 = tpu.memref_slice %arg12[%dma_wait3A_208] : memref<10000xf32, #tpu.memory_space<vmem_shared>> -> memref<1000xf32, #tpu.memory_space<vmem_shared>>
        tpu.wait_dma2 semaphore(%run_scoped3A : memref<!tpu.dma_semaphore, #tpu.memory_space<semaphore_mem>>) src(%dma_wait3A_209 : memref<1000xf32, #tpu.memory_space<vmem_shared>>) dst(%arg30 : memref<1000xf32, #tpu.memory_space<vmem>>)
        tpu.yield
      }) : () -> ()
      "tpu.region"() ({
        %run_scoped3A = tpu.sem_alloc : memref<!tpu.dma_semaphore, #tpu.memory_space<semaphore_mem>>
        %dma_start3A_202 = arith.constant 9000 : i32
        %dma_start3A_203 = tpu.memref_slice %arg7[%dma_start3A_202] : memref<10000xf32, #tpu.memory_space<hbm>> -> memref<1000xf32, #tpu.memory_space<hbm>>
        %dma_start3A_204 = arith.constant 9000 : i32
        %dma_start3A_205 = tpu.memref_slice %arg7[%dma_start3A_204] : memref<10000xf32, #tpu.memory_space<hbm>> -> memref<1000xf32, #tpu.memory_space<hbm>>
        tpu.enqueue_dma source(%arg30 : memref<1000xf32, #tpu.memory_space<vmem>>) target(%dma_start3A_205 : memref<1000xf32, #tpu.memory_space<hbm>>) target_semaphore(%run_scoped3A : memref<!tpu.dma_semaphore, #tpu.memory_space<semaphore_mem>>)
        %dma_wait3A_206 = arith.constant 9000 : i32
        %dma_wait3A_207 = tpu.memref_slice %arg7[%dma_wait3A_206] : memref<10000xf32, #tpu.memory_space<hbm>> -> memref<1000xf32, #tpu.memory_space<hbm>>
        %dma_wait3A_208 = arith.constant 9000 : i32
        %dma_wait3A_209 = tpu.memref_slice %arg7[%dma_wait3A_208] : memref<10000xf32, #tpu.memory_space<hbm>> -> memref<1000xf32, #tpu.memory_space<hbm>>
        tpu.wait_dma2 semaphore(%run_scoped3A : memref<!tpu.dma_semaphore, #tpu.memory_space<semaphore_mem>>) src(%arg30 : memref<1000xf32, #tpu.memory_space<vmem>>) dst(%dma_wait3A_209 : memref<1000xf32, #tpu.memory_space<hbm>>)
        tpu.yield
      }) : () -> ()
      "tpu.region"() ({
        %run_scoped3A = tpu.sem_alloc : memref<!tpu.dma_semaphore, #tpu.memory_space<semaphore_mem>>
        %dma_start3A_202 = arith.constant 0 : i32
        %dma_start3A_203 = tpu.memref_slice %arg13[%dma_start3A_202] : memref<10000xf32, #tpu.memory_space<vmem_shared>> -> memref<1000xf32, #tpu.memory_space<vmem_shared>>
        %dma_start3A_204 = arith.constant 0 : i32
        %dma_start3A_205 = tpu.memref_slice %arg13[%dma_start3A_204] : memref<10000xf32, #tpu.memory_space<vmem_shared>> -> memref<1000xf32, #tpu.memory_space<vmem_shared>>
        tpu.enqueue_dma source(%dma_start3A_205 : memref<1000xf32, #tpu.memory_space<vmem_shared>>) target(%arg30 : memref<1000xf32, #tpu.memory_space<vmem>>) target_semaphore(%run_scoped3A : memref<!tpu.dma_semaphore, #tpu.memory_space<semaphore_mem>>)
        %dma_wait3A_206 = arith.constant 0 : i32
        %dma_wait3A_207 = tpu.memref_slice %arg13[%dma_wait3A_206] : memref<10000xf32, #tpu.memory_space<vmem_shared>> -> memref<1000xf32, #tpu.memory_space<vmem_shared>>
        %dma_wait3A_208 = arith.constant 0 : i32
        %dma_wait3A_209 = tpu.memref_slice %arg13[%dma_wait3A_208] : memref<10000xf32, #tpu.memory_space<vmem_shared>> -> memref<1000xf32, #tpu.memory_space<vmem_shared>>
        tpu.wait_dma2 semaphore(%run_scoped3A : memref<!tpu.dma_semaphore, #tpu.memory_space<semaphore_mem>>) src(%dma_wait3A_209 : memref<1000xf32, #tpu.memory_space<vmem_shared>>) dst(%arg30 : memref<1000xf32, #tpu.memory_space<vmem>>)
        tpu.yield
      }) : () -> ()
      "tpu.region"() ({
        %run_scoped3A = tpu.sem_alloc : memref<!tpu.dma_semaphore, #tpu.memory_space<semaphore_mem>>
        %dma_start3A_202 = arith.constant 0 : i32
        %dma_start3A_203 = tpu.memref_slice %arg9[%dma_start3A_202] : memref<10000xf32, #tpu.memory_space<hbm>> -> memref<1000xf32, #tpu.memory_space<hbm>>
        %dma_start3A_204 = arith.constant 0 : i32
        %dma_start3A_205 = tpu.memref_slice %arg9[%dma_start3A_204] : memref<10000xf32, #tpu.memory_space<hbm>> -> memref<1000xf32, #tpu.memory_space<hbm>>
        tpu.enqueue_dma source(%arg30 : memref<1000xf32, #tpu.memory_space<vmem>>) target(%dma_start3A_205 : memref<1000xf32, #tpu.memory_space<hbm>>) target_semaphore(%run_scoped3A : memref<!tpu.dma_semaphore, #tpu.memory_space<semaphore_mem>>)
        %dma_wait3A_206 = arith.constant 0 : i32
        %dma_wait3A_207 = tpu.memref_slice %arg9[%dma_wait3A_206] : memref<10000xf32, #tpu.memory_space<hbm>> -> memref<1000xf32, #tpu.memory_space<hbm>>
        %dma_wait3A_208 = arith.constant 0 : i32
        %dma_wait3A_209 = tpu.memref_slice %arg9[%dma_wait3A_208] : memref<10000xf32, #tpu.memory_space<hbm>> -> memref<1000xf32, #tpu.memory_space<hbm>>
        tpu.wait_dma2 semaphore(%run_scoped3A : memref<!tpu.dma_semaphore, #tpu.memory_space<semaphore_mem>>) src(%arg30 : memref<1000xf32, #tpu.memory_space<vmem>>) dst(%dma_wait3A_209 : memref<1000xf32, #tpu.memory_space<hbm>>)
        tpu.yield
      }) : () -> ()
      "tpu.region"() ({
        %run_scoped3A = tpu.sem_alloc : memref<!tpu.dma_semaphore, #tpu.memory_space<semaphore_mem>>
        %dma_start3A_202 = arith.constant 1000 : i32
        %dma_start3A_203 = tpu.memref_slice %arg13[%dma_start3A_202] : memref<10000xf32, #tpu.memory_space<vmem_shared>> -> memref<1000xf32, #tpu.memory_space<vmem_shared>>
        %dma_start3A_204 = arith.constant 1000 : i32
        %dma_start3A_205 = tpu.memref_slice %arg13[%dma_start3A_204] : memref<10000xf32, #tpu.memory_space<vmem_shared>> -> memref<1000xf32, #tpu.memory_space<vmem_shared>>
        tpu.enqueue_dma source(%dma_start3A_205 : memref<1000xf32, #tpu.memory_space<vmem_shared>>) target(%arg30 : memref<1000xf32, #tpu.memory_space<vmem>>) target_semaphore(%run_scoped3A : memref<!tpu.dma_semaphore, #tpu.memory_space<semaphore_mem>>)
        %dma_wait3A_206 = arith.constant 1000 : i32
        %dma_wait3A_207 = tpu.memref_slice %arg13[%dma_wait3A_206] : memref<10000xf32, #tpu.memory_space<vmem_shared>> -> memref<1000xf32, #tpu.memory_space<vmem_shared>>
        %dma_wait3A_208 = arith.constant 1000 : i32
        %dma_wait3A_209 = tpu.memref_slice %arg13[%dma_wait3A_208] : memref<10000xf32, #tpu.memory_space<vmem_shared>> -> memref<1000xf32, #tpu.memory_space<vmem_shared>>
        tpu.wait_dma2 semaphore(%run_scoped3A : memref<!tpu.dma_semaphore, #tpu.memory_space<semaphore_mem>>) src(%dma_wait3A_209 : memref<1000xf32, #tpu.memory_space<vmem_shared>>) dst(%arg30 : memref<1000xf32, #tpu.memory_space<vmem>>)
        tpu.yield
      }) : () -> ()
      "tpu.region"() ({
        %run_scoped3A = tpu.sem_alloc : memref<!tpu.dma_semaphore, #tpu.memory_space<semaphore_mem>>
        %dma_start3A_202 = arith.constant 1000 : i32
        %dma_start3A_203 = tpu.memref_slice %arg9[%dma_start3A_202] : memref<10000xf32, #tpu.memory_space<hbm>> -> memref<1000xf32, #tpu.memory_space<hbm>>
        %dma_start3A_204 = arith.constant 1000 : i32
        %dma_start3A_205 = tpu.memref_slice %arg9[%dma_start3A_204] : memref<10000xf32, #tpu.memory_space<hbm>> -> memref<1000xf32, #tpu.memory_space<hbm>>
        tpu.enqueue_dma source(%arg30 : memref<1000xf32, #tpu.memory_space<vmem>>) target(%dma_start3A_205 : memref<1000xf32, #tpu.memory_space<hbm>>) target_semaphore(%run_scoped3A : memref<!tpu.dma_semaphore, #tpu.memory_space<semaphore_mem>>)
        %dma_wait3A_206 = arith.constant 1000 : i32
        %dma_wait3A_207 = tpu.memref_slice %arg9[%dma_wait3A_206] : memref<10000xf32, #tpu.memory_space<hbm>> -> memref<1000xf32, #tpu.memory_space<hbm>>
        %dma_wait3A_208 = arith.constant 1000 : i32
        %dma_wait3A_209 = tpu.memref_slice %arg9[%dma_wait3A_208] : memref<10000xf32, #tpu.memory_space<hbm>> -> memref<1000xf32, #tpu.memory_space<hbm>>
        tpu.wait_dma2 semaphore(%run_scoped3A : memref<!tpu.dma_semaphore, #tpu.memory_space<semaphore_mem>>) src(%arg30 : memref<1000xf32, #tpu.memory_space<vmem>>) dst(%dma_wait3A_209 : memref<1000xf32, #tpu.memory_space<hbm>>)
        tpu.yield
      }) : () -> ()
      "tpu.region"() ({
        %run_scoped3A = tpu.sem_alloc : memref<!tpu.dma_semaphore, #tpu.memory_space<semaphore_mem>>
        %dma_start3A_202 = arith.constant 2000 : i32
        %dma_start3A_203 = tpu.memref_slice %arg13[%dma_start3A_202] : memref<10000xf32, #tpu.memory_space<vmem_shared>> -> memref<1000xf32, #tpu.memory_space<vmem_shared>>
        %dma_start3A_204 = arith.constant 2000 : i32
        %dma_start3A_205 = tpu.memref_slice %arg13[%dma_start3A_204] : memref<10000xf32, #tpu.memory_space<vmem_shared>> -> memref<1000xf32, #tpu.memory_space<vmem_shared>>
        tpu.enqueue_dma source(%dma_start3A_205 : memref<1000xf32, #tpu.memory_space<vmem_shared>>) target(%arg30 : memref<1000xf32, #tpu.memory_space<vmem>>) target_semaphore(%run_scoped3A : memref<!tpu.dma_semaphore, #tpu.memory_space<semaphore_mem>>)
        %dma_wait3A_206 = arith.constant 2000 : i32
        %dma_wait3A_207 = tpu.memref_slice %arg13[%dma_wait3A_206] : memref<10000xf32, #tpu.memory_space<vmem_shared>> -> memref<1000xf32, #tpu.memory_space<vmem_shared>>
        %dma_wait3A_208 = arith.constant 2000 : i32
        %dma_wait3A_209 = tpu.memref_slice %arg13[%dma_wait3A_208] : memref<10000xf32, #tpu.memory_space<vmem_shared>> -> memref<1000xf32, #tpu.memory_space<vmem_shared>>
        tpu.wait_dma2 semaphore(%run_scoped3A : memref<!tpu.dma_semaphore, #tpu.memory_space<semaphore_mem>>) src(%dma_wait3A_209 : memref<1000xf32, #tpu.memory_space<vmem_shared>>) dst(%arg30 : memref<1000xf32, #tpu.memory_space<vmem>>)
        tpu.yield
      }) : () -> ()
      "tpu.region"() ({
        %run_scoped3A = tpu.sem_alloc : memref<!tpu.dma_semaphore, #tpu.memory_space<semaphore_mem>>
        %dma_start3A_202 = arith.constant 2000 : i32
        %dma_start3A_203 = tpu.memref_slice %arg9[%dma_start3A_202] : memref<10000xf32, #tpu.memory_space<hbm>> -> memref<1000xf32, #tpu.memory_space<hbm>>
        %dma_start3A_204 = arith.constant 2000 : i32
        %dma_start3A_205 = tpu.memref_slice %arg9[%dma_start3A_204] : memref<10000xf32, #tpu.memory_space<hbm>> -> memref<1000xf32, #tpu.memory_space<hbm>>
        tpu.enqueue_dma source(%arg30 : memref<1000xf32, #tpu.memory_space<vmem>>) target(%dma_start3A_205 : memref<1000xf32, #tpu.memory_space<hbm>>) target_semaphore(%run_scoped3A : memref<!tpu.dma_semaphore, #tpu.memory_space<semaphore_mem>>)
        %dma_wait3A_206 = arith.constant 2000 : i32
        %dma_wait3A_207 = tpu.memref_slice %arg9[%dma_wait3A_206] : memref<10000xf32, #tpu.memory_space<hbm>> -> memref<1000xf32, #tpu.memory_space<hbm>>
        %dma_wait3A_208 = arith.constant 2000 : i32
        %dma_wait3A_209 = tpu.memref_slice %arg9[%dma_wait3A_208] : memref<10000xf32, #tpu.memory_space<hbm>> -> memref<1000xf32, #tpu.memory_space<hbm>>
        tpu.wait_dma2 semaphore(%run_scoped3A : memref<!tpu.dma_semaphore, #tpu.memory_space<semaphore_mem>>) src(%arg30 : memref<1000xf32, #tpu.memory_space<vmem>>) dst(%dma_wait3A_209 : memref<1000xf32, #tpu.memory_space<hbm>>)
        tpu.yield
      }) : () -> ()
      "tpu.region"() ({
        %run_scoped3A = tpu.sem_alloc : memref<!tpu.dma_semaphore, #tpu.memory_space<semaphore_mem>>
        %dma_start3A_202 = arith.constant 3000 : i32
        %dma_start3A_203 = tpu.memref_slice %arg13[%dma_start3A_202] : memref<10000xf32, #tpu.memory_space<vmem_shared>> -> memref<1000xf32, #tpu.memory_space<vmem_shared>>
        %dma_start3A_204 = arith.constant 3000 : i32
        %dma_start3A_205 = tpu.memref_slice %arg13[%dma_start3A_204] : memref<10000xf32, #tpu.memory_space<vmem_shared>> -> memref<1000xf32, #tpu.memory_space<vmem_shared>>
        tpu.enqueue_dma source(%dma_start3A_205 : memref<1000xf32, #tpu.memory_space<vmem_shared>>) target(%arg30 : memref<1000xf32, #tpu.memory_space<vmem>>) target_semaphore(%run_scoped3A : memref<!tpu.dma_semaphore, #tpu.memory_space<semaphore_mem>>)
        %dma_wait3A_206 = arith.constant 3000 : i32
        %dma_wait3A_207 = tpu.memref_slice %arg13[%dma_wait3A_206] : memref<10000xf32, #tpu.memory_space<vmem_shared>> -> memref<1000xf32, #tpu.memory_space<vmem_shared>>
        %dma_wait3A_208 = arith.constant 3000 : i32
        %dma_wait3A_209 = tpu.memref_slice %arg13[%dma_wait3A_208] : memref<10000xf32, #tpu.memory_space<vmem_shared>> -> memref<1000xf32, #tpu.memory_space<vmem_shared>>
        tpu.wait_dma2 semaphore(%run_scoped3A : memref<!tpu.dma_semaphore, #tpu.memory_space<semaphore_mem>>) src(%dma_wait3A_209 : memref<1000xf32, #tpu.memory_space<vmem_shared>>) dst(%arg30 : memref<1000xf32, #tpu.memory_space<vmem>>)
        tpu.yield
      }) : () -> ()
      "tpu.region"() ({
        %run_scoped3A = tpu.sem_alloc : memref<!tpu.dma_semaphore, #tpu.memory_space<semaphore_mem>>
        %dma_start3A_202 = arith.constant 3000 : i32
        %dma_start3A_203 = tpu.memref_slice %arg9[%dma_start3A_202] : memref<10000xf32, #tpu.memory_space<hbm>> -> memref<1000xf32, #tpu.memory_space<hbm>>
        %dma_start3A_204 = arith.constant 3000 : i32
        %dma_start3A_205 = tpu.memref_slice %arg9[%dma_start3A_204] : memref<10000xf32, #tpu.memory_space<hbm>> -> memref<1000xf32, #tpu.memory_space<hbm>>
        tpu.enqueue_dma source(%arg30 : memref<1000xf32, #tpu.memory_space<vmem>>) target(%dma_start3A_205 : memref<1000xf32, #tpu.memory_space<hbm>>) target_semaphore(%run_scoped3A : memref<!tpu.dma_semaphore, #tpu.memory_space<semaphore_mem>>)
        %dma_wait3A_206 = arith.constant 3000 : i32
        %dma_wait3A_207 = tpu.memref_slice %arg9[%dma_wait3A_206] : memref<10000xf32, #tpu.memory_space<hbm>> -> memref<1000xf32, #tpu.memory_space<hbm>>
        %dma_wait3A_208 = arith.constant 3000 : i32
        %dma_wait3A_209 = tpu.memref_slice %arg9[%dma_wait3A_208] : memref<10000xf32, #tpu.memory_space<hbm>> -> memref<1000xf32, #tpu.memory_space<hbm>>
        tpu.wait_dma2 semaphore(%run_scoped3A : memref<!tpu.dma_semaphore, #tpu.memory_space<semaphore_mem>>) src(%arg30 : memref<1000xf32, #tpu.memory_space<vmem>>) dst(%dma_wait3A_209 : memref<1000xf32, #tpu.memory_space<hbm>>)
        tpu.yield
      }) : () -> ()
      "tpu.region"() ({
        %run_scoped3A = tpu.sem_alloc : memref<!tpu.dma_semaphore, #tpu.memory_space<semaphore_mem>>
        %dma_start3A_202 = arith.constant 4000 : i32
        %dma_start3A_203 = tpu.memref_slice %arg13[%dma_start3A_202] : memref<10000xf32, #tpu.memory_space<vmem_shared>> -> memref<1000xf32, #tpu.memory_space<vmem_shared>>
        %dma_start3A_204 = arith.constant 4000 : i32
        %dma_start3A_205 = tpu.memref_slice %arg13[%dma_start3A_204] : memref<10000xf32, #tpu.memory_space<vmem_shared>> -> memref<1000xf32, #tpu.memory_space<vmem_shared>>
        tpu.enqueue_dma source(%dma_start3A_205 : memref<1000xf32, #tpu.memory_space<vmem_shared>>) target(%arg30 : memref<1000xf32, #tpu.memory_space<vmem>>) target_semaphore(%run_scoped3A : memref<!tpu.dma_semaphore, #tpu.memory_space<semaphore_mem>>)
        %dma_wait3A_206 = arith.constant 4000 : i32
        %dma_wait3A_207 = tpu.memref_slice %arg13[%dma_wait3A_206] : memref<10000xf32, #tpu.memory_space<vmem_shared>> -> memref<1000xf32, #tpu.memory_space<vmem_shared>>
        %dma_wait3A_208 = arith.constant 4000 : i32
        %dma_wait3A_209 = tpu.memref_slice %arg13[%dma_wait3A_208] : memref<10000xf32, #tpu.memory_space<vmem_shared>> -> memref<1000xf32, #tpu.memory_space<vmem_shared>>
        tpu.wait_dma2 semaphore(%run_scoped3A : memref<!tpu.dma_semaphore, #tpu.memory_space<semaphore_mem>>) src(%dma_wait3A_209 : memref<1000xf32, #tpu.memory_space<vmem_shared>>) dst(%arg30 : memref<1000xf32, #tpu.memory_space<vmem>>)
        tpu.yield
      }) : () -> ()
      "tpu.region"() ({
        %run_scoped3A = tpu.sem_alloc : memref<!tpu.dma_semaphore, #tpu.memory_space<semaphore_mem>>
        %dma_start3A_202 = arith.constant 4000 : i32
        %dma_start3A_203 = tpu.memref_slice %arg9[%dma_start3A_202] : memref<10000xf32, #tpu.memory_space<hbm>> -> memref<1000xf32, #tpu.memory_space<hbm>>
        %dma_start3A_204 = arith.constant 4000 : i32
        %dma_start3A_205 = tpu.memref_slice %arg9[%dma_start3A_204] : memref<10000xf32, #tpu.memory_space<hbm>> -> memref<1000xf32, #tpu.memory_space<hbm>>
        tpu.enqueue_dma source(%arg30 : memref<1000xf32, #tpu.memory_space<vmem>>) target(%dma_start3A_205 : memref<1000xf32, #tpu.memory_space<hbm>>) target_semaphore(%run_scoped3A : memref<!tpu.dma_semaphore, #tpu.memory_space<semaphore_mem>>)
        %dma_wait3A_206 = arith.constant 4000 : i32
        %dma_wait3A_207 = tpu.memref_slice %arg9[%dma_wait3A_206] : memref<10000xf32, #tpu.memory_space<hbm>> -> memref<1000xf32, #tpu.memory_space<hbm>>
        %dma_wait3A_208 = arith.constant 4000 : i32
        %dma_wait3A_209 = tpu.memref_slice %arg9[%dma_wait3A_208] : memref<10000xf32, #tpu.memory_space<hbm>> -> memref<1000xf32, #tpu.memory_space<hbm>>
        tpu.wait_dma2 semaphore(%run_scoped3A : memref<!tpu.dma_semaphore, #tpu.memory_space<semaphore_mem>>) src(%arg30 : memref<1000xf32, #tpu.memory_space<vmem>>) dst(%dma_wait3A_209 : memref<1000xf32, #tpu.memory_space<hbm>>)
        tpu.yield
      }) : () -> ()
      "tpu.region"() ({
        %run_scoped3A = tpu.sem_alloc : memref<!tpu.dma_semaphore, #tpu.memory_space<semaphore_mem>>
        %dma_start3A_202 = arith.constant 5000 : i32
        %dma_start3A_203 = tpu.memref_slice %arg13[%dma_start3A_202] : memref<10000xf32, #tpu.memory_space<vmem_shared>> -> memref<1000xf32, #tpu.memory_space<vmem_shared>>
        %dma_start3A_204 = arith.constant 5000 : i32
        %dma_start3A_205 = tpu.memref_slice %arg13[%dma_start3A_204] : memref<10000xf32, #tpu.memory_space<vmem_shared>> -> memref<1000xf32, #tpu.memory_space<vmem_shared>>
        tpu.enqueue_dma source(%dma_start3A_205 : memref<1000xf32, #tpu.memory_space<vmem_shared>>) target(%arg30 : memref<1000xf32, #tpu.memory_space<vmem>>) target_semaphore(%run_scoped3A : memref<!tpu.dma_semaphore, #tpu.memory_space<semaphore_mem>>)
        %dma_wait3A_206 = arith.constant 5000 : i32
        %dma_wait3A_207 = tpu.memref_slice %arg13[%dma_wait3A_206] : memref<10000xf32, #tpu.memory_space<vmem_shared>> -> memref<1000xf32, #tpu.memory_space<vmem_shared>>
        %dma_wait3A_208 = arith.constant 5000 : i32
        %dma_wait3A_209 = tpu.memref_slice %arg13[%dma_wait3A_208] : memref<10000xf32, #tpu.memory_space<vmem_shared>> -> memref<1000xf32, #tpu.memory_space<vmem_shared>>
        tpu.wait_dma2 semaphore(%run_scoped3A : memref<!tpu.dma_semaphore, #tpu.memory_space<semaphore_mem>>) src(%dma_wait3A_209 : memref<1000xf32, #tpu.memory_space<vmem_shared>>) dst(%arg30 : memref<1000xf32, #tpu.memory_space<vmem>>)
        tpu.yield
      }) : () -> ()
      "tpu.region"() ({
        %run_scoped3A = tpu.sem_alloc : memref<!tpu.dma_semaphore, #tpu.memory_space<semaphore_mem>>
        %dma_start3A_202 = arith.constant 5000 : i32
        %dma_start3A_203 = tpu.memref_slice %arg9[%dma_start3A_202] : memref<10000xf32, #tpu.memory_space<hbm>> -> memref<1000xf32, #tpu.memory_space<hbm>>
        %dma_start3A_204 = arith.constant 5000 : i32
        %dma_start3A_205 = tpu.memref_slice %arg9[%dma_start3A_204] : memref<10000xf32, #tpu.memory_space<hbm>> -> memref<1000xf32, #tpu.memory_space<hbm>>
        tpu.enqueue_dma source(%arg30 : memref<1000xf32, #tpu.memory_space<vmem>>) target(%dma_start3A_205 : memref<1000xf32, #tpu.memory_space<hbm>>) target_semaphore(%run_scoped3A : memref<!tpu.dma_semaphore, #tpu.memory_space<semaphore_mem>>)
        %dma_wait3A_206 = arith.constant 5000 : i32
        %dma_wait3A_207 = tpu.memref_slice %arg9[%dma_wait3A_206] : memref<10000xf32, #tpu.memory_space<hbm>> -> memref<1000xf32, #tpu.memory_space<hbm>>
        %dma_wait3A_208 = arith.constant 5000 : i32
        %dma_wait3A_209 = tpu.memref_slice %arg9[%dma_wait3A_208] : memref<10000xf32, #tpu.memory_space<hbm>> -> memref<1000xf32, #tpu.memory_space<hbm>>
        tpu.wait_dma2 semaphore(%run_scoped3A : memref<!tpu.dma_semaphore, #tpu.memory_space<semaphore_mem>>) src(%arg30 : memref<1000xf32, #tpu.memory_space<vmem>>) dst(%dma_wait3A_209 : memref<1000xf32, #tpu.memory_space<hbm>>)
        tpu.yield
      }) : () -> ()
      "tpu.region"() ({
        %run_scoped3A = tpu.sem_alloc : memref<!tpu.dma_semaphore, #tpu.memory_space<semaphore_mem>>
        %dma_start3A_202 = arith.constant 6000 : i32
        %dma_start3A_203 = tpu.memref_slice %arg13[%dma_start3A_202] : memref<10000xf32, #tpu.memory_space<vmem_shared>> -> memref<1000xf32, #tpu.memory_space<vmem_shared>>
        %dma_start3A_204 = arith.constant 6000 : i32
        %dma_start3A_205 = tpu.memref_slice %arg13[%dma_start3A_204] : memref<10000xf32, #tpu.memory_space<vmem_shared>> -> memref<1000xf32, #tpu.memory_space<vmem_shared>>
        tpu.enqueue_dma source(%dma_start3A_205 : memref<1000xf32, #tpu.memory_space<vmem_shared>>) target(%arg30 : memref<1000xf32, #tpu.memory_space<vmem>>) target_semaphore(%run_scoped3A : memref<!tpu.dma_semaphore, #tpu.memory_space<semaphore_mem>>)
        %dma_wait3A_206 = arith.constant 6000 : i32
        %dma_wait3A_207 = tpu.memref_slice %arg13[%dma_wait3A_206] : memref<10000xf32, #tpu.memory_space<vmem_shared>> -> memref<1000xf32, #tpu.memory_space<vmem_shared>>
        %dma_wait3A_208 = arith.constant 6000 : i32
        %dma_wait3A_209 = tpu.memref_slice %arg13[%dma_wait3A_208] : memref<10000xf32, #tpu.memory_space<vmem_shared>> -> memref<1000xf32, #tpu.memory_space<vmem_shared>>
        tpu.wait_dma2 semaphore(%run_scoped3A : memref<!tpu.dma_semaphore, #tpu.memory_space<semaphore_mem>>) src(%dma_wait3A_209 : memref<1000xf32, #tpu.memory_space<vmem_shared>>) dst(%arg30 : memref<1000xf32, #tpu.memory_space<vmem>>)
        tpu.yield
      }) : () -> ()
      "tpu.region"() ({
        %run_scoped3A = tpu.sem_alloc : memref<!tpu.dma_semaphore, #tpu.memory_space<semaphore_mem>>
        %dma_start3A_202 = arith.constant 6000 : i32
        %dma_start3A_203 = tpu.memref_slice %arg9[%dma_start3A_202] : memref<10000xf32, #tpu.memory_space<hbm>> -> memref<1000xf32, #tpu.memory_space<hbm>>
        %dma_start3A_204 = arith.constant 6000 : i32
        %dma_start3A_205 = tpu.memref_slice %arg9[%dma_start3A_204] : memref<10000xf32, #tpu.memory_space<hbm>> -> memref<1000xf32, #tpu.memory_space<hbm>>
        tpu.enqueue_dma source(%arg30 : memref<1000xf32, #tpu.memory_space<vmem>>) target(%dma_start3A_205 : memref<1000xf32, #tpu.memory_space<hbm>>) target_semaphore(%run_scoped3A : memref<!tpu.dma_semaphore, #tpu.memory_space<semaphore_mem>>)
        %dma_wait3A_206 = arith.constant 6000 : i32
        %dma_wait3A_207 = tpu.memref_slice %arg9[%dma_wait3A_206] : memref<10000xf32, #tpu.memory_space<hbm>> -> memref<1000xf32, #tpu.memory_space<hbm>>
        %dma_wait3A_208 = arith.constant 6000 : i32
        %dma_wait3A_209 = tpu.memref_slice %arg9[%dma_wait3A_208] : memref<10000xf32, #tpu.memory_space<hbm>> -> memref<1000xf32, #tpu.memory_space<hbm>>
        tpu.wait_dma2 semaphore(%run_scoped3A : memref<!tpu.dma_semaphore, #tpu.memory_space<semaphore_mem>>) src(%arg30 : memref<1000xf32, #tpu.memory_space<vmem>>) dst(%dma_wait3A_209 : memref<1000xf32, #tpu.memory_space<hbm>>)
        tpu.yield
      }) : () -> ()
      "tpu.region"() ({
        %run_scoped3A = tpu.sem_alloc : memref<!tpu.dma_semaphore, #tpu.memory_space<semaphore_mem>>
        %dma_start3A_202 = arith.constant 7000 : i32
        %dma_start3A_203 = tpu.memref_slice %arg13[%dma_start3A_202] : memref<10000xf32, #tpu.memory_space<vmem_shared>> -> memref<1000xf32, #tpu.memory_space<vmem_shared>>
        %dma_start3A_204 = arith.constant 7000 : i32
        %dma_start3A_205 = tpu.memref_slice %arg13[%dma_start3A_204] : memref<10000xf32, #tpu.memory_space<vmem_shared>> -> memref<1000xf32, #tpu.memory_space<vmem_shared>>
        tpu.enqueue_dma source(%dma_start3A_205 : memref<1000xf32, #tpu.memory_space<vmem_shared>>) target(%arg30 : memref<1000xf32, #tpu.memory_space<vmem>>) target_semaphore(%run_scoped3A : memref<!tpu.dma_semaphore, #tpu.memory_space<semaphore_mem>>)
        %dma_wait3A_206 = arith.constant 7000 : i32
        %dma_wait3A_207 = tpu.memref_slice %arg13[%dma_wait3A_206] : memref<10000xf32, #tpu.memory_space<vmem_shared>> -> memref<1000xf32, #tpu.memory_space<vmem_shared>>
        %dma_wait3A_208 = arith.constant 7000 : i32
        %dma_wait3A_209 = tpu.memref_slice %arg13[%dma_wait3A_208] : memref<10000xf32, #tpu.memory_space<vmem_shared>> -> memref<1000xf32, #tpu.memory_space<vmem_shared>>
        tpu.wait_dma2 semaphore(%run_scoped3A : memref<!tpu.dma_semaphore, #tpu.memory_space<semaphore_mem>>) src(%dma_wait3A_209 : memref<1000xf32, #tpu.memory_space<vmem_shared>>) dst(%arg30 : memref<1000xf32, #tpu.memory_space<vmem>>)
        tpu.yield
      }) : () -> ()
      "tpu.region"() ({
        %run_scoped3A = tpu.sem_alloc : memref<!tpu.dma_semaphore, #tpu.memory_space<semaphore_mem>>
        %dma_start3A_202 = arith.constant 7000 : i32
        %dma_start3A_203 = tpu.memref_slice %arg9[%dma_start3A_202] : memref<10000xf32, #tpu.memory_space<hbm>> -> memref<1000xf32, #tpu.memory_space<hbm>>
        %dma_start3A_204 = arith.constant 7000 : i32
        %dma_start3A_205 = tpu.memref_slice %arg9[%dma_start3A_204] : memref<10000xf32, #tpu.memory_space<hbm>> -> memref<1000xf32, #tpu.memory_space<hbm>>
        tpu.enqueue_dma source(%arg30 : memref<1000xf32, #tpu.memory_space<vmem>>) target(%dma_start3A_205 : memref<1000xf32, #tpu.memory_space<hbm>>) target_semaphore(%run_scoped3A : memref<!tpu.dma_semaphore, #tpu.memory_space<semaphore_mem>>)
        %dma_wait3A_206 = arith.constant 7000 : i32
        %dma_wait3A_207 = tpu.memref_slice %arg9[%dma_wait3A_206] : memref<10000xf32, #tpu.memory_space<hbm>> -> memref<1000xf32, #tpu.memory_space<hbm>>
        %dma_wait3A_208 = arith.constant 7000 : i32
        %dma_wait3A_209 = tpu.memref_slice %arg9[%dma_wait3A_208] : memref<10000xf32, #tpu.memory_space<hbm>> -> memref<1000xf32, #tpu.memory_space<hbm>>
        tpu.wait_dma2 semaphore(%run_scoped3A : memref<!tpu.dma_semaphore, #tpu.memory_space<semaphore_mem>>) src(%arg30 : memref<1000xf32, #tpu.memory_space<vmem>>) dst(%dma_wait3A_209 : memref<1000xf32, #tpu.memory_space<hbm>>)
        tpu.yield
      }) : () -> ()
      "tpu.region"() ({
        %run_scoped3A = tpu.sem_alloc : memref<!tpu.dma_semaphore, #tpu.memory_space<semaphore_mem>>
        %dma_start3A_202 = arith.constant 8000 : i32
        %dma_start3A_203 = tpu.memref_slice %arg13[%dma_start3A_202] : memref<10000xf32, #tpu.memory_space<vmem_shared>> -> memref<1000xf32, #tpu.memory_space<vmem_shared>>
        %dma_start3A_204 = arith.constant 8000 : i32
        %dma_start3A_205 = tpu.memref_slice %arg13[%dma_start3A_204] : memref<10000xf32, #tpu.memory_space<vmem_shared>> -> memref<1000xf32, #tpu.memory_space<vmem_shared>>
        tpu.enqueue_dma source(%dma_start3A_205 : memref<1000xf32, #tpu.memory_space<vmem_shared>>) target(%arg30 : memref<1000xf32, #tpu.memory_space<vmem>>) target_semaphore(%run_scoped3A : memref<!tpu.dma_semaphore, #tpu.memory_space<semaphore_mem>>)
        %dma_wait3A_206 = arith.constant 8000 : i32
        %dma_wait3A_207 = tpu.memref_slice %arg13[%dma_wait3A_206] : memref<10000xf32, #tpu.memory_space<vmem_shared>> -> memref<1000xf32, #tpu.memory_space<vmem_shared>>
        %dma_wait3A_208 = arith.constant 8000 : i32
        %dma_wait3A_209 = tpu.memref_slice %arg13[%dma_wait3A_208] : memref<10000xf32, #tpu.memory_space<vmem_shared>> -> memref<1000xf32, #tpu.memory_space<vmem_shared>>
        tpu.wait_dma2 semaphore(%run_scoped3A : memref<!tpu.dma_semaphore, #tpu.memory_space<semaphore_mem>>) src(%dma_wait3A_209 : memref<1000xf32, #tpu.memory_space<vmem_shared>>) dst(%arg30 : memref<1000xf32, #tpu.memory_space<vmem>>)
        tpu.yield
      }) : () -> ()
      "tpu.region"() ({
        %run_scoped3A = tpu.sem_alloc : memref<!tpu.dma_semaphore, #tpu.memory_space<semaphore_mem>>
        %dma_start3A_202 = arith.constant 8000 : i32
        %dma_start3A_203 = tpu.memref_slice %arg9[%dma_start3A_202] : memref<10000xf32, #tpu.memory_space<hbm>> -> memref<1000xf32, #tpu.memory_space<hbm>>
        %dma_start3A_204 = arith.constant 8000 : i32
        %dma_start3A_205 = tpu.memref_slice %arg9[%dma_start3A_204] : memref<10000xf32, #tpu.memory_space<hbm>> -> memref<1000xf32, #tpu.memory_space<hbm>>
        tpu.enqueue_dma source(%arg30 : memref<1000xf32, #tpu.memory_space<vmem>>) target(%dma_start3A_205 : memref<1000xf32, #tpu.memory_space<hbm>>) target_semaphore(%run_scoped3A : memref<!tpu.dma_semaphore, #tpu.memory_space<semaphore_mem>>)
        %dma_wait3A_206 = arith.constant 8000 : i32
        %dma_wait3A_207 = tpu.memref_slice %arg9[%dma_wait3A_206] : memref<10000xf32, #tpu.memory_space<hbm>> -> memref<1000xf32, #tpu.memory_space<hbm>>
        %dma_wait3A_208 = arith.constant 8000 : i32
        %dma_wait3A_209 = tpu.memref_slice %arg9[%dma_wait3A_208] : memref<10000xf32, #tpu.memory_space<hbm>> -> memref<1000xf32, #tpu.memory_space<hbm>>
        tpu.wait_dma2 semaphore(%run_scoped3A : memref<!tpu.dma_semaphore, #tpu.memory_space<semaphore_mem>>) src(%arg30 : memref<1000xf32, #tpu.memory_space<vmem>>) dst(%dma_wait3A_209 : memref<1000xf32, #tpu.memory_space<hbm>>)
        tpu.yield
      }) : () -> ()
      "tpu.region"() ({
        %run_scoped3A = tpu.sem_alloc : memref<!tpu.dma_semaphore, #tpu.memory_space<semaphore_mem>>
        %dma_start3A_202 = arith.constant 9000 : i32
        %dma_start3A_203 = tpu.memref_slice %arg13[%dma_start3A_202] : memref<10000xf32, #tpu.memory_space<vmem_shared>> -> memref<1000xf32, #tpu.memory_space<vmem_shared>>
        %dma_start3A_204 = arith.constant 9000 : i32
        %dma_start3A_205 = tpu.memref_slice %arg13[%dma_start3A_204] : memref<10000xf32, #tpu.memory_space<vmem_shared>> -> memref<1000xf32, #tpu.memory_space<vmem_shared>>
        tpu.enqueue_dma source(%dma_start3A_205 : memref<1000xf32, #tpu.memory_space<vmem_shared>>) target(%arg30 : memref<1000xf32, #tpu.memory_space<vmem>>) target_semaphore(%run_scoped3A : memref<!tpu.dma_semaphore, #tpu.memory_space<semaphore_mem>>)
        %dma_wait3A_206 = arith.constant 9000 : i32
        %dma_wait3A_207 = tpu.memref_slice %arg13[%dma_wait3A_206] : memref<10000xf32, #tpu.memory_space<vmem_shared>> -> memref<1000xf32, #tpu.memory_space<vmem_shared>>
        %dma_wait3A_208 = arith.constant 9000 : i32
        %dma_wait3A_209 = tpu.memref_slice %arg13[%dma_wait3A_208] : memref<10000xf32, #tpu.memory_space<vmem_shared>> -> memref<1000xf32, #tpu.memory_space<vmem_shared>>
        tpu.wait_dma2 semaphore(%run_scoped3A : memref<!tpu.dma_semaphore, #tpu.memory_space<semaphore_mem>>) src(%dma_wait3A_209 : memref<1000xf32, #tpu.memory_space<vmem_shared>>) dst(%arg30 : memref<1000xf32, #tpu.memory_space<vmem>>)
        tpu.yield
      }) : () -> ()
      "tpu.region"() ({
        %run_scoped3A = tpu.sem_alloc : memref<!tpu.dma_semaphore, #tpu.memory_space<semaphore_mem>>
        %dma_start3A_202 = arith.constant 9000 : i32
        %dma_start3A_203 = tpu.memref_slice %arg9[%dma_start3A_202] : memref<10000xf32, #tpu.memory_space<hbm>> -> memref<1000xf32, #tpu.memory_space<hbm>>
        %dma_start3A_204 = arith.constant 9000 : i32
        %dma_start3A_205 = tpu.memref_slice %arg9[%dma_start3A_204] : memref<10000xf32, #tpu.memory_space<hbm>> -> memref<1000xf32, #tpu.memory_space<hbm>>
        tpu.enqueue_dma source(%arg30 : memref<1000xf32, #tpu.memory_space<vmem>>) target(%dma_start3A_205 : memref<1000xf32, #tpu.memory_space<hbm>>) target_semaphore(%run_scoped3A : memref<!tpu.dma_semaphore, #tpu.memory_space<semaphore_mem>>)
        %dma_wait3A_206 = arith.constant 9000 : i32
        %dma_wait3A_207 = tpu.memref_slice %arg9[%dma_wait3A_206] : memref<10000xf32, #tpu.memory_space<hbm>> -> memref<1000xf32, #tpu.memory_space<hbm>>
        %dma_wait3A_208 = arith.constant 9000 : i32
        %dma_wait3A_209 = tpu.memref_slice %arg9[%dma_wait3A_208] : memref<10000xf32, #tpu.memory_space<hbm>> -> memref<1000xf32, #tpu.memory_space<hbm>>
        tpu.wait_dma2 semaphore(%run_scoped3A : memref<!tpu.dma_semaphore, #tpu.memory_space<semaphore_mem>>) src(%arg30 : memref<1000xf32, #tpu.memory_space<vmem>>) dst(%dma_wait3A_209 : memref<1000xf32, #tpu.memory_space<hbm>>)
        tpu.yield
      }) : () -> ()
    } else {
    }
    %eq3A_194 = arith.constant 1 : i32
    %eq3A_195 = arith.cmpi eq, %arg0, %eq3A_194 : i32
    %eq3A_196 = arith.constant 0 : i32
    %eq3A_197 = arith.cmpi eq, %arg1, %eq3A_196 : i32
    %and3A_198 = arith.andi %eq3A_195, %eq3A_197 : i1
    %convert_element_type3A_199 = arith.extui %and3A_198 : i1 to i32
    %cond3A_200 = arith.constant 0 : i32
    %cond3A_201 = arith.cmpi ne, %convert_element_type3A_199, %cond3A_200 : i32
    scf.if %cond3A_201 {
      "tpu.region"() ({
        %run_scoped3A = tpu.sem_alloc : memref<!tpu.dma_semaphore, #tpu.memory_space<semaphore_mem>>
        %dma_start3A_202 = arith.constant 0 : i32
        %dma_start3A_203 = tpu.memref_slice %arg12[%dma_start3A_202] : memref<10000xf32, #tpu.memory_space<vmem_shared>> -> memref<1000xf32, #tpu.memory_space<vmem_shared>>
        %dma_start3A_204 = arith.constant 0 : i32
        %dma_start3A_205 = tpu.memref_slice %arg12[%dma_start3A_204] : memref<10000xf32, #tpu.memory_space<vmem_shared>> -> memref<1000xf32, #tpu.memory_space<vmem_shared>>
        tpu.enqueue_dma source(%dma_start3A_205 : memref<1000xf32, #tpu.memory_space<vmem_shared>>) target(%arg30 : memref<1000xf32, #tpu.memory_space<vmem>>) target_semaphore(%run_scoped3A : memref<!tpu.dma_semaphore, #tpu.memory_space<semaphore_mem>>)
        %dma_wait3A_206 = arith.constant 0 : i32
        %dma_wait3A_207 = tpu.memref_slice %arg12[%dma_wait3A_206] : memref<10000xf32, #tpu.memory_space<vmem_shared>> -> memref<1000xf32, #tpu.memory_space<vmem_shared>>
        %dma_wait3A_208 = arith.constant 0 : i32
        %dma_wait3A_209 = tpu.memref_slice %arg12[%dma_wait3A_208] : memref<10000xf32, #tpu.memory_space<vmem_shared>> -> memref<1000xf32, #tpu.memory_space<vmem_shared>>
        tpu.wait_dma2 semaphore(%run_scoped3A : memref<!tpu.dma_semaphore, #tpu.memory_space<semaphore_mem>>) src(%dma_wait3A_209 : memref<1000xf32, #tpu.memory_space<vmem_shared>>) dst(%arg30 : memref<1000xf32, #tpu.memory_space<vmem>>)
        tpu.yield
      }) : () -> ()
      "tpu.region"() ({
        %run_scoped3A = tpu.sem_alloc : memref<!tpu.dma_semaphore, #tpu.memory_space<semaphore_mem>>
        %dma_start3A_202 = arith.constant 0 : i32
        %dma_start3A_203 = tpu.memref_slice %arg8[%dma_start3A_202] : memref<10000xf32, #tpu.memory_space<hbm>> -> memref<1000xf32, #tpu.memory_space<hbm>>
        %dma_start3A_204 = arith.constant 0 : i32
        %dma_start3A_205 = tpu.memref_slice %arg8[%dma_start3A_204] : memref<10000xf32, #tpu.memory_space<hbm>> -> memref<1000xf32, #tpu.memory_space<hbm>>
        tpu.enqueue_dma source(%arg30 : memref<1000xf32, #tpu.memory_space<vmem>>) target(%dma_start3A_205 : memref<1000xf32, #tpu.memory_space<hbm>>) target_semaphore(%run_scoped3A : memref<!tpu.dma_semaphore, #tpu.memory_space<semaphore_mem>>)
        %dma_wait3A_206 = arith.constant 0 : i32
        %dma_wait3A_207 = tpu.memref_slice %arg8[%dma_wait3A_206] : memref<10000xf32, #tpu.memory_space<hbm>> -> memref<1000xf32, #tpu.memory_space<hbm>>
        %dma_wait3A_208 = arith.constant 0 : i32
        %dma_wait3A_209 = tpu.memref_slice %arg8[%dma_wait3A_208] : memref<10000xf32, #tpu.memory_space<hbm>> -> memref<1000xf32, #tpu.memory_space<hbm>>
        tpu.wait_dma2 semaphore(%run_scoped3A : memref<!tpu.dma_semaphore, #tpu.memory_space<semaphore_mem>>) src(%arg30 : memref<1000xf32, #tpu.memory_space<vmem>>) dst(%dma_wait3A_209 : memref<1000xf32, #tpu.memory_space<hbm>>)
        tpu.yield
      }) : () -> ()
      "tpu.region"() ({
        %run_scoped3A = tpu.sem_alloc : memref<!tpu.dma_semaphore, #tpu.memory_space<semaphore_mem>>
        %dma_start3A_202 = arith.constant 1000 : i32
        %dma_start3A_203 = tpu.memref_slice %arg12[%dma_start3A_202] : memref<10000xf32, #tpu.memory_space<vmem_shared>> -> memref<1000xf32, #tpu.memory_space<vmem_shared>>
        %dma_start3A_204 = arith.constant 1000 : i32
        %dma_start3A_205 = tpu.memref_slice %arg12[%dma_start3A_204] : memref<10000xf32, #tpu.memory_space<vmem_shared>> -> memref<1000xf32, #tpu.memory_space<vmem_shared>>
        tpu.enqueue_dma source(%dma_start3A_205 : memref<1000xf32, #tpu.memory_space<vmem_shared>>) target(%arg30 : memref<1000xf32, #tpu.memory_space<vmem>>) target_semaphore(%run_scoped3A : memref<!tpu.dma_semaphore, #tpu.memory_space<semaphore_mem>>)
        %dma_wait3A_206 = arith.constant 1000 : i32
        %dma_wait3A_207 = tpu.memref_slice %arg12[%dma_wait3A_206] : memref<10000xf32, #tpu.memory_space<vmem_shared>> -> memref<1000xf32, #tpu.memory_space<vmem_shared>>
        %dma_wait3A_208 = arith.constant 1000 : i32
        %dma_wait3A_209 = tpu.memref_slice %arg12[%dma_wait3A_208] : memref<10000xf32, #tpu.memory_space<vmem_shared>> -> memref<1000xf32, #tpu.memory_space<vmem_shared>>
        tpu.wait_dma2 semaphore(%run_scoped3A : memref<!tpu.dma_semaphore, #tpu.memory_space<semaphore_mem>>) src(%dma_wait3A_209 : memref<1000xf32, #tpu.memory_space<vmem_shared>>) dst(%arg30 : memref<1000xf32, #tpu.memory_space<vmem>>)
        tpu.yield
      }) : () -> ()
      "tpu.region"() ({
        %run_scoped3A = tpu.sem_alloc : memref<!tpu.dma_semaphore, #tpu.memory_space<semaphore_mem>>
        %dma_start3A_202 = arith.constant 1000 : i32
        %dma_start3A_203 = tpu.memref_slice %arg8[%dma_start3A_202] : memref<10000xf32, #tpu.memory_space<hbm>> -> memref<1000xf32, #tpu.memory_space<hbm>>
        %dma_start3A_204 = arith.constant 1000 : i32
        %dma_start3A_205 = tpu.memref_slice %arg8[%dma_start3A_204] : memref<10000xf32, #tpu.memory_space<hbm>> -> memref<1000xf32, #tpu.memory_space<hbm>>
        tpu.enqueue_dma source(%arg30 : memref<1000xf32, #tpu.memory_space<vmem>>) target(%dma_start3A_205 : memref<1000xf32, #tpu.memory_space<hbm>>) target_semaphore(%run_scoped3A : memref<!tpu.dma_semaphore, #tpu.memory_space<semaphore_mem>>)
        %dma_wait3A_206 = arith.constant 1000 : i32
        %dma_wait3A_207 = tpu.memref_slice %arg8[%dma_wait3A_206] : memref<10000xf32, #tpu.memory_space<hbm>> -> memref<1000xf32, #tpu.memory_space<hbm>>
        %dma_wait3A_208 = arith.constant 1000 : i32
        %dma_wait3A_209 = tpu.memref_slice %arg8[%dma_wait3A_208] : memref<10000xf32, #tpu.memory_space<hbm>> -> memref<1000xf32, #tpu.memory_space<hbm>>
        tpu.wait_dma2 semaphore(%run_scoped3A : memref<!tpu.dma_semaphore, #tpu.memory_space<semaphore_mem>>) src(%arg30 : memref<1000xf32, #tpu.memory_space<vmem>>) dst(%dma_wait3A_209 : memref<1000xf32, #tpu.memory_space<hbm>>)
        tpu.yield
      }) : () -> ()
      "tpu.region"() ({
        %run_scoped3A = tpu.sem_alloc : memref<!tpu.dma_semaphore, #tpu.memory_space<semaphore_mem>>
        %dma_start3A_202 = arith.constant 2000 : i32
        %dma_start3A_203 = tpu.memref_slice %arg12[%dma_start3A_202] : memref<10000xf32, #tpu.memory_space<vmem_shared>> -> memref<1000xf32, #tpu.memory_space<vmem_shared>>
        %dma_start3A_204 = arith.constant 2000 : i32
        %dma_start3A_205 = tpu.memref_slice %arg12[%dma_start3A_204] : memref<10000xf32, #tpu.memory_space<vmem_shared>> -> memref<1000xf32, #tpu.memory_space<vmem_shared>>
        tpu.enqueue_dma source(%dma_start3A_205 : memref<1000xf32, #tpu.memory_space<vmem_shared>>) target(%arg30 : memref<1000xf32, #tpu.memory_space<vmem>>) target_semaphore(%run_scoped3A : memref<!tpu.dma_semaphore, #tpu.memory_space<semaphore_mem>>)
        %dma_wait3A_206 = arith.constant 2000 : i32
        %dma_wait3A_207 = tpu.memref_slice %arg12[%dma_wait3A_206] : memref<10000xf32, #tpu.memory_space<vmem_shared>> -> memref<1000xf32, #tpu.memory_space<vmem_shared>>
        %dma_wait3A_208 = arith.constant 2000 : i32
        %dma_wait3A_209 = tpu.memref_slice %arg12[%dma_wait3A_208] : memref<10000xf32, #tpu.memory_space<vmem_shared>> -> memref<1000xf32, #tpu.memory_space<vmem_shared>>
        tpu.wait_dma2 semaphore(%run_scoped3A : memref<!tpu.dma_semaphore, #tpu.memory_space<semaphore_mem>>) src(%dma_wait3A_209 : memref<1000xf32, #tpu.memory_space<vmem_shared>>) dst(%arg30 : memref<1000xf32, #tpu.memory_space<vmem>>)
        tpu.yield
      }) : () -> ()
      "tpu.region"() ({
        %run_scoped3A = tpu.sem_alloc : memref<!tpu.dma_semaphore, #tpu.memory_space<semaphore_mem>>
        %dma_start3A_202 = arith.constant 2000 : i32
        %dma_start3A_203 = tpu.memref_slice %arg8[%dma_start3A_202] : memref<10000xf32, #tpu.memory_space<hbm>> -> memref<1000xf32, #tpu.memory_space<hbm>>
        %dma_start3A_204 = arith.constant 2000 : i32
        %dma_start3A_205 = tpu.memref_slice %arg8[%dma_start3A_204] : memref<10000xf32, #tpu.memory_space<hbm>> -> memref<1000xf32, #tpu.memory_space<hbm>>
        tpu.enqueue_dma source(%arg30 : memref<1000xf32, #tpu.memory_space<vmem>>) target(%dma_start3A_205 : memref<1000xf32, #tpu.memory_space<hbm>>) target_semaphore(%run_scoped3A : memref<!tpu.dma_semaphore, #tpu.memory_space<semaphore_mem>>)
        %dma_wait3A_206 = arith.constant 2000 : i32
        %dma_wait3A_207 = tpu.memref_slice %arg8[%dma_wait3A_206] : memref<10000xf32, #tpu.memory_space<hbm>> -> memref<1000xf32, #tpu.memory_space<hbm>>
        %dma_wait3A_208 = arith.constant 2000 : i32
        %dma_wait3A_209 = tpu.memref_slice %arg8[%dma_wait3A_208] : memref<10000xf32, #tpu.memory_space<hbm>> -> memref<1000xf32, #tpu.memory_space<hbm>>
        tpu.wait_dma2 semaphore(%run_scoped3A : memref<!tpu.dma_semaphore, #tpu.memory_space<semaphore_mem>>) src(%arg30 : memref<1000xf32, #tpu.memory_space<vmem>>) dst(%dma_wait3A_209 : memref<1000xf32, #tpu.memory_space<hbm>>)
        tpu.yield
      }) : () -> ()
      "tpu.region"() ({
        %run_scoped3A = tpu.sem_alloc : memref<!tpu.dma_semaphore, #tpu.memory_space<semaphore_mem>>
        %dma_start3A_202 = arith.constant 3000 : i32
        %dma_start3A_203 = tpu.memref_slice %arg12[%dma_start3A_202] : memref<10000xf32, #tpu.memory_space<vmem_shared>> -> memref<1000xf32, #tpu.memory_space<vmem_shared>>
        %dma_start3A_204 = arith.constant 3000 : i32
        %dma_start3A_205 = tpu.memref_slice %arg12[%dma_start3A_204] : memref<10000xf32, #tpu.memory_space<vmem_shared>> -> memref<1000xf32, #tpu.memory_space<vmem_shared>>
        tpu.enqueue_dma source(%dma_start3A_205 : memref<1000xf32, #tpu.memory_space<vmem_shared>>) target(%arg30 : memref<1000xf32, #tpu.memory_space<vmem>>) target_semaphore(%run_scoped3A : memref<!tpu.dma_semaphore, #tpu.memory_space<semaphore_mem>>)
        %dma_wait3A_206 = arith.constant 3000 : i32
        %dma_wait3A_207 = tpu.memref_slice %arg12[%dma_wait3A_206] : memref<10000xf32, #tpu.memory_space<vmem_shared>> -> memref<1000xf32, #tpu.memory_space<vmem_shared>>
        %dma_wait3A_208 = arith.constant 3000 : i32
        %dma_wait3A_209 = tpu.memref_slice %arg12[%dma_wait3A_208] : memref<10000xf32, #tpu.memory_space<vmem_shared>> -> memref<1000xf32, #tpu.memory_space<vmem_shared>>
        tpu.wait_dma2 semaphore(%run_scoped3A : memref<!tpu.dma_semaphore, #tpu.memory_space<semaphore_mem>>) src(%dma_wait3A_209 : memref<1000xf32, #tpu.memory_space<vmem_shared>>) dst(%arg30 : memref<1000xf32, #tpu.memory_space<vmem>>)
        tpu.yield
      }) : () -> ()
      "tpu.region"() ({
        %run_scoped3A = tpu.sem_alloc : memref<!tpu.dma_semaphore, #tpu.memory_space<semaphore_mem>>
        %dma_start3A_202 = arith.constant 3000 : i32
        %dma_start3A_203 = tpu.memref_slice %arg8[%dma_start3A_202] : memref<10000xf32, #tpu.memory_space<hbm>> -> memref<1000xf32, #tpu.memory_space<hbm>>
        %dma_start3A_204 = arith.constant 3000 : i32
        %dma_start3A_205 = tpu.memref_slice %arg8[%dma_start3A_204] : memref<10000xf32, #tpu.memory_space<hbm>> -> memref<1000xf32, #tpu.memory_space<hbm>>
        tpu.enqueue_dma source(%arg30 : memref<1000xf32, #tpu.memory_space<vmem>>) target(%dma_start3A_205 : memref<1000xf32, #tpu.memory_space<hbm>>) target_semaphore(%run_scoped3A : memref<!tpu.dma_semaphore, #tpu.memory_space<semaphore_mem>>)
        %dma_wait3A_206 = arith.constant 3000 : i32
        %dma_wait3A_207 = tpu.memref_slice %arg8[%dma_wait3A_206] : memref<10000xf32, #tpu.memory_space<hbm>> -> memref<1000xf32, #tpu.memory_space<hbm>>
        %dma_wait3A_208 = arith.constant 3000 : i32
        %dma_wait3A_209 = tpu.memref_slice %arg8[%dma_wait3A_208] : memref<10000xf32, #tpu.memory_space<hbm>> -> memref<1000xf32, #tpu.memory_space<hbm>>
        tpu.wait_dma2 semaphore(%run_scoped3A : memref<!tpu.dma_semaphore, #tpu.memory_space<semaphore_mem>>) src(%arg30 : memref<1000xf32, #tpu.memory_space<vmem>>) dst(%dma_wait3A_209 : memref<1000xf32, #tpu.memory_space<hbm>>)
        tpu.yield
      }) : () -> ()
      "tpu.region"() ({
        %run_scoped3A = tpu.sem_alloc : memref<!tpu.dma_semaphore, #tpu.memory_space<semaphore_mem>>
        %dma_start3A_202 = arith.constant 4000 : i32
        %dma_start3A_203 = tpu.memref_slice %arg12[%dma_start3A_202] : memref<10000xf32, #tpu.memory_space<vmem_shared>> -> memref<1000xf32, #tpu.memory_space<vmem_shared>>
        %dma_start3A_204 = arith.constant 4000 : i32
        %dma_start3A_205 = tpu.memref_slice %arg12[%dma_start3A_204] : memref<10000xf32, #tpu.memory_space<vmem_shared>> -> memref<1000xf32, #tpu.memory_space<vmem_shared>>
        tpu.enqueue_dma source(%dma_start3A_205 : memref<1000xf32, #tpu.memory_space<vmem_shared>>) target(%arg30 : memref<1000xf32, #tpu.memory_space<vmem>>) target_semaphore(%run_scoped3A : memref<!tpu.dma_semaphore, #tpu.memory_space<semaphore_mem>>)
        %dma_wait3A_206 = arith.constant 4000 : i32
        %dma_wait3A_207 = tpu.memref_slice %arg12[%dma_wait3A_206] : memref<10000xf32, #tpu.memory_space<vmem_shared>> -> memref<1000xf32, #tpu.memory_space<vmem_shared>>
        %dma_wait3A_208 = arith.constant 4000 : i32
        %dma_wait3A_209 = tpu.memref_slice %arg12[%dma_wait3A_208] : memref<10000xf32, #tpu.memory_space<vmem_shared>> -> memref<1000xf32, #tpu.memory_space<vmem_shared>>
        tpu.wait_dma2 semaphore(%run_scoped3A : memref<!tpu.dma_semaphore, #tpu.memory_space<semaphore_mem>>) src(%dma_wait3A_209 : memref<1000xf32, #tpu.memory_space<vmem_shared>>) dst(%arg30 : memref<1000xf32, #tpu.memory_space<vmem>>)
        tpu.yield
      }) : () -> ()
      "tpu.region"() ({
        %run_scoped3A = tpu.sem_alloc : memref<!tpu.dma_semaphore, #tpu.memory_space<semaphore_mem>>
        %dma_start3A_202 = arith.constant 4000 : i32
        %dma_start3A_203 = tpu.memref_slice %arg8[%dma_start3A_202] : memref<10000xf32, #tpu.memory_space<hbm>> -> memref<1000xf32, #tpu.memory_space<hbm>>
        %dma_start3A_204 = arith.constant 4000 : i32
        %dma_start3A_205 = tpu.memref_slice %arg8[%dma_start3A_204] : memref<10000xf32, #tpu.memory_space<hbm>> -> memref<1000xf32, #tpu.memory_space<hbm>>
        tpu.enqueue_dma source(%arg30 : memref<1000xf32, #tpu.memory_space<vmem>>) target(%dma_start3A_205 : memref<1000xf32, #tpu.memory_space<hbm>>) target_semaphore(%run_scoped3A : memref<!tpu.dma_semaphore, #tpu.memory_space<semaphore_mem>>)
        %dma_wait3A_206 = arith.constant 4000 : i32
        %dma_wait3A_207 = tpu.memref_slice %arg8[%dma_wait3A_206] : memref<10000xf32, #tpu.memory_space<hbm>> -> memref<1000xf32, #tpu.memory_space<hbm>>
        %dma_wait3A_208 = arith.constant 4000 : i32
        %dma_wait3A_209 = tpu.memref_slice %arg8[%dma_wait3A_208] : memref<10000xf32, #tpu.memory_space<hbm>> -> memref<1000xf32, #tpu.memory_space<hbm>>
        tpu.wait_dma2 semaphore(%run_scoped3A : memref<!tpu.dma_semaphore, #tpu.memory_space<semaphore_mem>>) src(%arg30 : memref<1000xf32, #tpu.memory_space<vmem>>) dst(%dma_wait3A_209 : memref<1000xf32, #tpu.memory_space<hbm>>)
        tpu.yield
      }) : () -> ()
      "tpu.region"() ({
        %run_scoped3A = tpu.sem_alloc : memref<!tpu.dma_semaphore, #tpu.memory_space<semaphore_mem>>
        %dma_start3A_202 = arith.constant 5000 : i32
        %dma_start3A_203 = tpu.memref_slice %arg12[%dma_start3A_202] : memref<10000xf32, #tpu.memory_space<vmem_shared>> -> memref<1000xf32, #tpu.memory_space<vmem_shared>>
        %dma_start3A_204 = arith.constant 5000 : i32
        %dma_start3A_205 = tpu.memref_slice %arg12[%dma_start3A_204] : memref<10000xf32, #tpu.memory_space<vmem_shared>> -> memref<1000xf32, #tpu.memory_space<vmem_shared>>
        tpu.enqueue_dma source(%dma_start3A_205 : memref<1000xf32, #tpu.memory_space<vmem_shared>>) target(%arg30 : memref<1000xf32, #tpu.memory_space<vmem>>) target_semaphore(%run_scoped3A : memref<!tpu.dma_semaphore, #tpu.memory_space<semaphore_mem>>)
        %dma_wait3A_206 = arith.constant 5000 : i32
        %dma_wait3A_207 = tpu.memref_slice %arg12[%dma_wait3A_206] : memref<10000xf32, #tpu.memory_space<vmem_shared>> -> memref<1000xf32, #tpu.memory_space<vmem_shared>>
        %dma_wait3A_208 = arith.constant 5000 : i32
        %dma_wait3A_209 = tpu.memref_slice %arg12[%dma_wait3A_208] : memref<10000xf32, #tpu.memory_space<vmem_shared>> -> memref<1000xf32, #tpu.memory_space<vmem_shared>>
        tpu.wait_dma2 semaphore(%run_scoped3A : memref<!tpu.dma_semaphore, #tpu.memory_space<semaphore_mem>>) src(%dma_wait3A_209 : memref<1000xf32, #tpu.memory_space<vmem_shared>>) dst(%arg30 : memref<1000xf32, #tpu.memory_space<vmem>>)
        tpu.yield
      }) : () -> ()
      "tpu.region"() ({
        %run_scoped3A = tpu.sem_alloc : memref<!tpu.dma_semaphore, #tpu.memory_space<semaphore_mem>>
        %dma_start3A_202 = arith.constant 5000 : i32
        %dma_start3A_203 = tpu.memref_slice %arg8[%dma_start3A_202] : memref<10000xf32, #tpu.memory_space<hbm>> -> memref<1000xf32, #tpu.memory_space<hbm>>
        %dma_start3A_204 = arith.constant 5000 : i32
        %dma_start3A_205 = tpu.memref_slice %arg8[%dma_start3A_204] : memref<10000xf32, #tpu.memory_space<hbm>> -> memref<1000xf32, #tpu.memory_space<hbm>>
        tpu.enqueue_dma source(%arg30 : memref<1000xf32, #tpu.memory_space<vmem>>) target(%dma_start3A_205 : memref<1000xf32, #tpu.memory_space<hbm>>) target_semaphore(%run_scoped3A : memref<!tpu.dma_semaphore, #tpu.memory_space<semaphore_mem>>)
        %dma_wait3A_206 = arith.constant 5000 : i32
        %dma_wait3A_207 = tpu.memref_slice %arg8[%dma_wait3A_206] : memref<10000xf32, #tpu.memory_space<hbm>> -> memref<1000xf32, #tpu.memory_space<hbm>>
        %dma_wait3A_208 = arith.constant 5000 : i32
        %dma_wait3A_209 = tpu.memref_slice %arg8[%dma_wait3A_208] : memref<10000xf32, #tpu.memory_space<hbm>> -> memref<1000xf32, #tpu.memory_space<hbm>>
        tpu.wait_dma2 semaphore(%run_scoped3A : memref<!tpu.dma_semaphore, #tpu.memory_space<semaphore_mem>>) src(%arg30 : memref<1000xf32, #tpu.memory_space<vmem>>) dst(%dma_wait3A_209 : memref<1000xf32, #tpu.memory_space<hbm>>)
        tpu.yield
      }) : () -> ()
      "tpu.region"() ({
        %run_scoped3A = tpu.sem_alloc : memref<!tpu.dma_semaphore, #tpu.memory_space<semaphore_mem>>
        %dma_start3A_202 = arith.constant 6000 : i32
        %dma_start3A_203 = tpu.memref_slice %arg12[%dma_start3A_202] : memref<10000xf32, #tpu.memory_space<vmem_shared>> -> memref<1000xf32, #tpu.memory_space<vmem_shared>>
        %dma_start3A_204 = arith.constant 6000 : i32
        %dma_start3A_205 = tpu.memref_slice %arg12[%dma_start3A_204] : memref<10000xf32, #tpu.memory_space<vmem_shared>> -> memref<1000xf32, #tpu.memory_space<vmem_shared>>
        tpu.enqueue_dma source(%dma_start3A_205 : memref<1000xf32, #tpu.memory_space<vmem_shared>>) target(%arg30 : memref<1000xf32, #tpu.memory_space<vmem>>) target_semaphore(%run_scoped3A : memref<!tpu.dma_semaphore, #tpu.memory_space<semaphore_mem>>)
        %dma_wait3A_206 = arith.constant 6000 : i32
        %dma_wait3A_207 = tpu.memref_slice %arg12[%dma_wait3A_206] : memref<10000xf32, #tpu.memory_space<vmem_shared>> -> memref<1000xf32, #tpu.memory_space<vmem_shared>>
        %dma_wait3A_208 = arith.constant 6000 : i32
        %dma_wait3A_209 = tpu.memref_slice %arg12[%dma_wait3A_208] : memref<10000xf32, #tpu.memory_space<vmem_shared>> -> memref<1000xf32, #tpu.memory_space<vmem_shared>>
        tpu.wait_dma2 semaphore(%run_scoped3A : memref<!tpu.dma_semaphore, #tpu.memory_space<semaphore_mem>>) src(%dma_wait3A_209 : memref<1000xf32, #tpu.memory_space<vmem_shared>>) dst(%arg30 : memref<1000xf32, #tpu.memory_space<vmem>>)
        tpu.yield
      }) : () -> ()
      "tpu.region"() ({
        %run_scoped3A = tpu.sem_alloc : memref<!tpu.dma_semaphore, #tpu.memory_space<semaphore_mem>>
        %dma_start3A_202 = arith.constant 6000 : i32
        %dma_start3A_203 = tpu.memref_slice %arg8[%dma_start3A_202] : memref<10000xf32, #tpu.memory_space<hbm>> -> memref<1000xf32, #tpu.memory_space<hbm>>
        %dma_start3A_204 = arith.constant 6000 : i32
        %dma_start3A_205 = tpu.memref_slice %arg8[%dma_start3A_204] : memref<10000xf32, #tpu.memory_space<hbm>> -> memref<1000xf32, #tpu.memory_space<hbm>>
        tpu.enqueue_dma source(%arg30 : memref<1000xf32, #tpu.memory_space<vmem>>) target(%dma_start3A_205 : memref<1000xf32, #tpu.memory_space<hbm>>) target_semaphore(%run_scoped3A : memref<!tpu.dma_semaphore, #tpu.memory_space<semaphore_mem>>)
        %dma_wait3A_206 = arith.constant 6000 : i32
        %dma_wait3A_207 = tpu.memref_slice %arg8[%dma_wait3A_206] : memref<10000xf32, #tpu.memory_space<hbm>> -> memref<1000xf32, #tpu.memory_space<hbm>>
        %dma_wait3A_208 = arith.constant 6000 : i32
        %dma_wait3A_209 = tpu.memref_slice %arg8[%dma_wait3A_208] : memref<10000xf32, #tpu.memory_space<hbm>> -> memref<1000xf32, #tpu.memory_space<hbm>>
        tpu.wait_dma2 semaphore(%run_scoped3A : memref<!tpu.dma_semaphore, #tpu.memory_space<semaphore_mem>>) src(%arg30 : memref<1000xf32, #tpu.memory_space<vmem>>) dst(%dma_wait3A_209 : memref<1000xf32, #tpu.memory_space<hbm>>)
        tpu.yield
      }) : () -> ()
      "tpu.region"() ({
        %run_scoped3A = tpu.sem_alloc : memref<!tpu.dma_semaphore, #tpu.memory_space<semaphore_mem>>
        %dma_start3A_202 = arith.constant 7000 : i32
        %dma_start3A_203 = tpu.memref_slice %arg12[%dma_start3A_202] : memref<10000xf32, #tpu.memory_space<vmem_shared>> -> memref<1000xf32, #tpu.memory_space<vmem_shared>>
        %dma_start3A_204 = arith.constant 7000 : i32
        %dma_start3A_205 = tpu.memref_slice %arg12[%dma_start3A_204] : memref<10000xf32, #tpu.memory_space<vmem_shared>> -> memref<1000xf32, #tpu.memory_space<vmem_shared>>
        tpu.enqueue_dma source(%dma_start3A_205 : memref<1000xf32, #tpu.memory_space<vmem_shared>>) target(%arg30 : memref<1000xf32, #tpu.memory_space<vmem>>) target_semaphore(%run_scoped3A : memref<!tpu.dma_semaphore, #tpu.memory_space<semaphore_mem>>)
        %dma_wait3A_206 = arith.constant 7000 : i32
        %dma_wait3A_207 = tpu.memref_slice %arg12[%dma_wait3A_206] : memref<10000xf32, #tpu.memory_space<vmem_shared>> -> memref<1000xf32, #tpu.memory_space<vmem_shared>>
        %dma_wait3A_208 = arith.constant 7000 : i32
        %dma_wait3A_209 = tpu.memref_slice %arg12[%dma_wait3A_208] : memref<10000xf32, #tpu.memory_space<vmem_shared>> -> memref<1000xf32, #tpu.memory_space<vmem_shared>>
        tpu.wait_dma2 semaphore(%run_scoped3A : memref<!tpu.dma_semaphore, #tpu.memory_space<semaphore_mem>>) src(%dma_wait3A_209 : memref<1000xf32, #tpu.memory_space<vmem_shared>>) dst(%arg30 : memref<1000xf32, #tpu.memory_space<vmem>>)
        tpu.yield
      }) : () -> ()
      "tpu.region"() ({
        %run_scoped3A = tpu.sem_alloc : memref<!tpu.dma_semaphore, #tpu.memory_space<semaphore_mem>>
        %dma_start3A_202 = arith.constant 7000 : i32
        %dma_start3A_203 = tpu.memref_slice %arg8[%dma_start3A_202] : memref<10000xf32, #tpu.memory_space<hbm>> -> memref<1000xf32, #tpu.memory_space<hbm>>
        %dma_start3A_204 = arith.constant 7000 : i32
        %dma_start3A_205 = tpu.memref_slice %arg8[%dma_start3A_204] : memref<10000xf32, #tpu.memory_space<hbm>> -> memref<1000xf32, #tpu.memory_space<hbm>>
        tpu.enqueue_dma source(%arg30 : memref<1000xf32, #tpu.memory_space<vmem>>) target(%dma_start3A_205 : memref<1000xf32, #tpu.memory_space<hbm>>) target_semaphore(%run_scoped3A : memref<!tpu.dma_semaphore, #tpu.memory_space<semaphore_mem>>)
        %dma_wait3A_206 = arith.constant 7000 : i32
        %dma_wait3A_207 = tpu.memref_slice %arg8[%dma_wait3A_206] : memref<10000xf32, #tpu.memory_space<hbm>> -> memref<1000xf32, #tpu.memory_space<hbm>>
        %dma_wait3A_208 = arith.constant 7000 : i32
        %dma_wait3A_209 = tpu.memref_slice %arg8[%dma_wait3A_208] : memref<10000xf32, #tpu.memory_space<hbm>> -> memref<1000xf32, #tpu.memory_space<hbm>>
        tpu.wait_dma2 semaphore(%run_scoped3A : memref<!tpu.dma_semaphore, #tpu.memory_space<semaphore_mem>>) src(%arg30 : memref<1000xf32, #tpu.memory_space<vmem>>) dst(%dma_wait3A_209 : memref<1000xf32, #tpu.memory_space<hbm>>)
        tpu.yield
      }) : () -> ()
      "tpu.region"() ({
        %run_scoped3A = tpu.sem_alloc : memref<!tpu.dma_semaphore, #tpu.memory_space<semaphore_mem>>
        %dma_start3A_202 = arith.constant 8000 : i32
        %dma_start3A_203 = tpu.memref_slice %arg12[%dma_start3A_202] : memref<10000xf32, #tpu.memory_space<vmem_shared>> -> memref<1000xf32, #tpu.memory_space<vmem_shared>>
        %dma_start3A_204 = arith.constant 8000 : i32
        %dma_start3A_205 = tpu.memref_slice %arg12[%dma_start3A_204] : memref<10000xf32, #tpu.memory_space<vmem_shared>> -> memref<1000xf32, #tpu.memory_space<vmem_shared>>
        tpu.enqueue_dma source(%dma_start3A_205 : memref<1000xf32, #tpu.memory_space<vmem_shared>>) target(%arg30 : memref<1000xf32, #tpu.memory_space<vmem>>) target_semaphore(%run_scoped3A : memref<!tpu.dma_semaphore, #tpu.memory_space<semaphore_mem>>)
        %dma_wait3A_206 = arith.constant 8000 : i32
        %dma_wait3A_207 = tpu.memref_slice %arg12[%dma_wait3A_206] : memref<10000xf32, #tpu.memory_space<vmem_shared>> -> memref<1000xf32, #tpu.memory_space<vmem_shared>>
        %dma_wait3A_208 = arith.constant 8000 : i32
        %dma_wait3A_209 = tpu.memref_slice %arg12[%dma_wait3A_208] : memref<10000xf32, #tpu.memory_space<vmem_shared>> -> memref<1000xf32, #tpu.memory_space<vmem_shared>>
        tpu.wait_dma2 semaphore(%run_scoped3A : memref<!tpu.dma_semaphore, #tpu.memory_space<semaphore_mem>>) src(%dma_wait3A_209 : memref<1000xf32, #tpu.memory_space<vmem_shared>>) dst(%arg30 : memref<1000xf32, #tpu.memory_space<vmem>>)
        tpu.yield
      }) : () -> ()
      "tpu.region"() ({
        %run_scoped3A = tpu.sem_alloc : memref<!tpu.dma_semaphore, #tpu.memory_space<semaphore_mem>>
        %dma_start3A_202 = arith.constant 8000 : i32
        %dma_start3A_203 = tpu.memref_slice %arg8[%dma_start3A_202] : memref<10000xf32, #tpu.memory_space<hbm>> -> memref<1000xf32, #tpu.memory_space<hbm>>
        %dma_start3A_204 = arith.constant 8000 : i32
        %dma_start3A_205 = tpu.memref_slice %arg8[%dma_start3A_204] : memref<10000xf32, #tpu.memory_space<hbm>> -> memref<1000xf32, #tpu.memory_space<hbm>>
        tpu.enqueue_dma source(%arg30 : memref<1000xf32, #tpu.memory_space<vmem>>) target(%dma_start3A_205 : memref<1000xf32, #tpu.memory_space<hbm>>) target_semaphore(%run_scoped3A : memref<!tpu.dma_semaphore, #tpu.memory_space<semaphore_mem>>)
        %dma_wait3A_206 = arith.constant 8000 : i32
        %dma_wait3A_207 = tpu.memref_slice %arg8[%dma_wait3A_206] : memref<10000xf32, #tpu.memory_space<hbm>> -> memref<1000xf32, #tpu.memory_space<hbm>>
        %dma_wait3A_208 = arith.constant 8000 : i32
        %dma_wait3A_209 = tpu.memref_slice %arg8[%dma_wait3A_208] : memref<10000xf32, #tpu.memory_space<hbm>> -> memref<1000xf32, #tpu.memory_space<hbm>>
        tpu.wait_dma2 semaphore(%run_scoped3A : memref<!tpu.dma_semaphore, #tpu.memory_space<semaphore_mem>>) src(%arg30 : memref<1000xf32, #tpu.memory_space<vmem>>) dst(%dma_wait3A_209 : memref<1000xf32, #tpu.memory_space<hbm>>)
        tpu.yield
      }) : () -> ()
      "tpu.region"() ({
        %run_scoped3A = tpu.sem_alloc : memref<!tpu.dma_semaphore, #tpu.memory_space<semaphore_mem>>
        %dma_start3A_202 = arith.constant 9000 : i32
        %dma_start3A_203 = tpu.memref_slice %arg12[%dma_start3A_202] : memref<10000xf32, #tpu.memory_space<vmem_shared>> -> memref<1000xf32, #tpu.memory_space<vmem_shared>>
        %dma_start3A_204 = arith.constant 9000 : i32
        %dma_start3A_205 = tpu.memref_slice %arg12[%dma_start3A_204] : memref<10000xf32, #tpu.memory_space<vmem_shared>> -> memref<1000xf32, #tpu.memory_space<vmem_shared>>
        tpu.enqueue_dma source(%dma_start3A_205 : memref<1000xf32, #tpu.memory_space<vmem_shared>>) target(%arg30 : memref<1000xf32, #tpu.memory_space<vmem>>) target_semaphore(%run_scoped3A : memref<!tpu.dma_semaphore, #tpu.memory_space<semaphore_mem>>)
        %dma_wait3A_206 = arith.constant 9000 : i32
        %dma_wait3A_207 = tpu.memref_slice %arg12[%dma_wait3A_206] : memref<10000xf32, #tpu.memory_space<vmem_shared>> -> memref<1000xf32, #tpu.memory_space<vmem_shared>>
        %dma_wait3A_208 = arith.constant 9000 : i32
        %dma_wait3A_209 = tpu.memref_slice %arg12[%dma_wait3A_208] : memref<10000xf32, #tpu.memory_space<vmem_shared>> -> memref<1000xf32, #tpu.memory_space<vmem_shared>>
        tpu.wait_dma2 semaphore(%run_scoped3A : memref<!tpu.dma_semaphore, #tpu.memory_space<semaphore_mem>>) src(%dma_wait3A_209 : memref<1000xf32, #tpu.memory_space<vmem_shared>>) dst(%arg30 : memref<1000xf32, #tpu.memory_space<vmem>>)
        tpu.yield
      }) : () -> ()
      "tpu.region"() ({
        %run_scoped3A = tpu.sem_alloc : memref<!tpu.dma_semaphore, #tpu.memory_space<semaphore_mem>>
        %dma_start3A_202 = arith.constant 9000 : i32
        %dma_start3A_203 = tpu.memref_slice %arg8[%dma_start3A_202] : memref<10000xf32, #tpu.memory_space<hbm>> -> memref<1000xf32, #tpu.memory_space<hbm>>
        %dma_start3A_204 = arith.constant 9000 : i32
        %dma_start3A_205 = tpu.memref_slice %arg8[%dma_start3A_204] : memref<10000xf32, #tpu.memory_space<hbm>> -> memref<1000xf32, #tpu.memory_space<hbm>>
        tpu.enqueue_dma source(%arg30 : memref<1000xf32, #tpu.memory_space<vmem>>) target(%dma_start3A_205 : memref<1000xf32, #tpu.memory_space<hbm>>) target_semaphore(%run_scoped3A : memref<!tpu.dma_semaphore, #tpu.memory_space<semaphore_mem>>)
        %dma_wait3A_206 = arith.constant 9000 : i32
        %dma_wait3A_207 = tpu.memref_slice %arg8[%dma_wait3A_206] : memref<10000xf32, #tpu.memory_space<hbm>> -> memref<1000xf32, #tpu.memory_space<hbm>>
        %dma_wait3A_208 = arith.constant 9000 : i32
        %dma_wait3A_209 = tpu.memref_slice %arg8[%dma_wait3A_208] : memref<10000xf32, #tpu.memory_space<hbm>> -> memref<1000xf32, #tpu.memory_space<hbm>>
        tpu.wait_dma2 semaphore(%run_scoped3A : memref<!tpu.dma_semaphore, #tpu.memory_space<semaphore_mem>>) src(%arg30 : memref<1000xf32, #tpu.memory_space<vmem>>) dst(%dma_wait3A_209 : memref<1000xf32, #tpu.memory_space<hbm>>)
        tpu.yield
      }) : () -> ()
      "tpu.region"() ({
        %run_scoped3A = tpu.sem_alloc : memref<!tpu.dma_semaphore, #tpu.memory_space<semaphore_mem>>
        %dma_start3A_202 = arith.constant 0 : i32
        %dma_start3A_203 = tpu.memref_slice %arg13[%dma_start3A_202] : memref<10000xf32, #tpu.memory_space<vmem_shared>> -> memref<1000xf32, #tpu.memory_space<vmem_shared>>
        %dma_start3A_204 = arith.constant 0 : i32
        %dma_start3A_205 = tpu.memref_slice %arg13[%dma_start3A_204] : memref<10000xf32, #tpu.memory_space<vmem_shared>> -> memref<1000xf32, #tpu.memory_space<vmem_shared>>
        tpu.enqueue_dma source(%dma_start3A_205 : memref<1000xf32, #tpu.memory_space<vmem_shared>>) target(%arg30 : memref<1000xf32, #tpu.memory_space<vmem>>) target_semaphore(%run_scoped3A : memref<!tpu.dma_semaphore, #tpu.memory_space<semaphore_mem>>)
        %dma_wait3A_206 = arith.constant 0 : i32
        %dma_wait3A_207 = tpu.memref_slice %arg13[%dma_wait3A_206] : memref<10000xf32, #tpu.memory_space<vmem_shared>> -> memref<1000xf32, #tpu.memory_space<vmem_shared>>
        %dma_wait3A_208 = arith.constant 0 : i32
        %dma_wait3A_209 = tpu.memref_slice %arg13[%dma_wait3A_208] : memref<10000xf32, #tpu.memory_space<vmem_shared>> -> memref<1000xf32, #tpu.memory_space<vmem_shared>>
        tpu.wait_dma2 semaphore(%run_scoped3A : memref<!tpu.dma_semaphore, #tpu.memory_space<semaphore_mem>>) src(%dma_wait3A_209 : memref<1000xf32, #tpu.memory_space<vmem_shared>>) dst(%arg30 : memref<1000xf32, #tpu.memory_space<vmem>>)
        tpu.yield
      }) : () -> ()
      "tpu.region"() ({
        %run_scoped3A = tpu.sem_alloc : memref<!tpu.dma_semaphore, #tpu.memory_space<semaphore_mem>>
        %dma_start3A_202 = arith.constant 0 : i32
        %dma_start3A_203 = tpu.memref_slice %arg10[%dma_start3A_202] : memref<10000xf32, #tpu.memory_space<hbm>> -> memref<1000xf32, #tpu.memory_space<hbm>>
        %dma_start3A_204 = arith.constant 0 : i32
        %dma_start3A_205 = tpu.memref_slice %arg10[%dma_start3A_204] : memref<10000xf32, #tpu.memory_space<hbm>> -> memref<1000xf32, #tpu.memory_space<hbm>>
        tpu.enqueue_dma source(%arg30 : memref<1000xf32, #tpu.memory_space<vmem>>) target(%dma_start3A_205 : memref<1000xf32, #tpu.memory_space<hbm>>) target_semaphore(%run_scoped3A : memref<!tpu.dma_semaphore, #tpu.memory_space<semaphore_mem>>)
        %dma_wait3A_206 = arith.constant 0 : i32
        %dma_wait3A_207 = tpu.memref_slice %arg10[%dma_wait3A_206] : memref<10000xf32, #tpu.memory_space<hbm>> -> memref<1000xf32, #tpu.memory_space<hbm>>
        %dma_wait3A_208 = arith.constant 0 : i32
        %dma_wait3A_209 = tpu.memref_slice %arg10[%dma_wait3A_208] : memref<10000xf32, #tpu.memory_space<hbm>> -> memref<1000xf32, #tpu.memory_space<hbm>>
        tpu.wait_dma2 semaphore(%run_scoped3A : memref<!tpu.dma_semaphore, #tpu.memory_space<semaphore_mem>>) src(%arg30 : memref<1000xf32, #tpu.memory_space<vmem>>) dst(%dma_wait3A_209 : memref<1000xf32, #tpu.memory_space<hbm>>)
        tpu.yield
      }) : () -> ()
      "tpu.region"() ({
        %run_scoped3A = tpu.sem_alloc : memref<!tpu.dma_semaphore, #tpu.memory_space<semaphore_mem>>
        %dma_start3A_202 = arith.constant 1000 : i32
        %dma_start3A_203 = tpu.memref_slice %arg13[%dma_start3A_202] : memref<10000xf32, #tpu.memory_space<vmem_shared>> -> memref<1000xf32, #tpu.memory_space<vmem_shared>>
        %dma_start3A_204 = arith.constant 1000 : i32
        %dma_start3A_205 = tpu.memref_slice %arg13[%dma_start3A_204] : memref<10000xf32, #tpu.memory_space<vmem_shared>> -> memref<1000xf32, #tpu.memory_space<vmem_shared>>
        tpu.enqueue_dma source(%dma_start3A_205 : memref<1000xf32, #tpu.memory_space<vmem_shared>>) target(%arg30 : memref<1000xf32, #tpu.memory_space<vmem>>) target_semaphore(%run_scoped3A : memref<!tpu.dma_semaphore, #tpu.memory_space<semaphore_mem>>)
        %dma_wait3A_206 = arith.constant 1000 : i32
        %dma_wait3A_207 = tpu.memref_slice %arg13[%dma_wait3A_206] : memref<10000xf32, #tpu.memory_space<vmem_shared>> -> memref<1000xf32, #tpu.memory_space<vmem_shared>>
        %dma_wait3A_208 = arith.constant 1000 : i32
        %dma_wait3A_209 = tpu.memref_slice %arg13[%dma_wait3A_208] : memref<10000xf32, #tpu.memory_space<vmem_shared>> -> memref<1000xf32, #tpu.memory_space<vmem_shared>>
        tpu.wait_dma2 semaphore(%run_scoped3A : memref<!tpu.dma_semaphore, #tpu.memory_space<semaphore_mem>>) src(%dma_wait3A_209 : memref<1000xf32, #tpu.memory_space<vmem_shared>>) dst(%arg30 : memref<1000xf32, #tpu.memory_space<vmem>>)
        tpu.yield
      }) : () -> ()
      "tpu.region"() ({
        %run_scoped3A = tpu.sem_alloc : memref<!tpu.dma_semaphore, #tpu.memory_space<semaphore_mem>>
        %dma_start3A_202 = arith.constant 1000 : i32
        %dma_start3A_203 = tpu.memref_slice %arg10[%dma_start3A_202] : memref<10000xf32, #tpu.memory_space<hbm>> -> memref<1000xf32, #tpu.memory_space<hbm>>
        %dma_start3A_204 = arith.constant 1000 : i32
        %dma_start3A_205 = tpu.memref_slice %arg10[%dma_start3A_204] : memref<10000xf32, #tpu.memory_space<hbm>> -> memref<1000xf32, #tpu.memory_space<hbm>>
        tpu.enqueue_dma source(%arg30 : memref<1000xf32, #tpu.memory_space<vmem>>) target(%dma_start3A_205 : memref<1000xf32, #tpu.memory_space<hbm>>) target_semaphore(%run_scoped3A : memref<!tpu.dma_semaphore, #tpu.memory_space<semaphore_mem>>)
        %dma_wait3A_206 = arith.constant 1000 : i32
        %dma_wait3A_207 = tpu.memref_slice %arg10[%dma_wait3A_206] : memref<10000xf32, #tpu.memory_space<hbm>> -> memref<1000xf32, #tpu.memory_space<hbm>>
        %dma_wait3A_208 = arith.constant 1000 : i32
        %dma_wait3A_209 = tpu.memref_slice %arg10[%dma_wait3A_208] : memref<10000xf32, #tpu.memory_space<hbm>> -> memref<1000xf32, #tpu.memory_space<hbm>>
        tpu.wait_dma2 semaphore(%run_scoped3A : memref<!tpu.dma_semaphore, #tpu.memory_space<semaphore_mem>>) src(%arg30 : memref<1000xf32, #tpu.memory_space<vmem>>) dst(%dma_wait3A_209 : memref<1000xf32, #tpu.memory_space<hbm>>)
        tpu.yield
      }) : () -> ()
      "tpu.region"() ({
        %run_scoped3A = tpu.sem_alloc : memref<!tpu.dma_semaphore, #tpu.memory_space<semaphore_mem>>
        %dma_start3A_202 = arith.constant 2000 : i32
        %dma_start3A_203 = tpu.memref_slice %arg13[%dma_start3A_202] : memref<10000xf32, #tpu.memory_space<vmem_shared>> -> memref<1000xf32, #tpu.memory_space<vmem_shared>>
        %dma_start3A_204 = arith.constant 2000 : i32
        %dma_start3A_205 = tpu.memref_slice %arg13[%dma_start3A_204] : memref<10000xf32, #tpu.memory_space<vmem_shared>> -> memref<1000xf32, #tpu.memory_space<vmem_shared>>
        tpu.enqueue_dma source(%dma_start3A_205 : memref<1000xf32, #tpu.memory_space<vmem_shared>>) target(%arg30 : memref<1000xf32, #tpu.memory_space<vmem>>) target_semaphore(%run_scoped3A : memref<!tpu.dma_semaphore, #tpu.memory_space<semaphore_mem>>)
        %dma_wait3A_206 = arith.constant 2000 : i32
        %dma_wait3A_207 = tpu.memref_slice %arg13[%dma_wait3A_206] : memref<10000xf32, #tpu.memory_space<vmem_shared>> -> memref<1000xf32, #tpu.memory_space<vmem_shared>>
        %dma_wait3A_208 = arith.constant 2000 : i32
        %dma_wait3A_209 = tpu.memref_slice %arg13[%dma_wait3A_208] : memref<10000xf32, #tpu.memory_space<vmem_shared>> -> memref<1000xf32, #tpu.memory_space<vmem_shared>>
        tpu.wait_dma2 semaphore(%run_scoped3A : memref<!tpu.dma_semaphore, #tpu.memory_space<semaphore_mem>>) src(%dma_wait3A_209 : memref<1000xf32, #tpu.memory_space<vmem_shared>>) dst(%arg30 : memref<1000xf32, #tpu.memory_space<vmem>>)
        tpu.yield
      }) : () -> ()
      "tpu.region"() ({
        %run_scoped3A = tpu.sem_alloc : memref<!tpu.dma_semaphore, #tpu.memory_space<semaphore_mem>>
        %dma_start3A_202 = arith.constant 2000 : i32
        %dma_start3A_203 = tpu.memref_slice %arg10[%dma_start3A_202] : memref<10000xf32, #tpu.memory_space<hbm>> -> memref<1000xf32, #tpu.memory_space<hbm>>
        %dma_start3A_204 = arith.constant 2000 : i32
        %dma_start3A_205 = tpu.memref_slice %arg10[%dma_start3A_204] : memref<10000xf32, #tpu.memory_space<hbm>> -> memref<1000xf32, #tpu.memory_space<hbm>>
        tpu.enqueue_dma source(%arg30 : memref<1000xf32, #tpu.memory_space<vmem>>) target(%dma_start3A_205 : memref<1000xf32, #tpu.memory_space<hbm>>) target_semaphore(%run_scoped3A : memref<!tpu.dma_semaphore, #tpu.memory_space<semaphore_mem>>)
        %dma_wait3A_206 = arith.constant 2000 : i32
        %dma_wait3A_207 = tpu.memref_slice %arg10[%dma_wait3A_206] : memref<10000xf32, #tpu.memory_space<hbm>> -> memref<1000xf32, #tpu.memory_space<hbm>>
        %dma_wait3A_208 = arith.constant 2000 : i32
        %dma_wait3A_209 = tpu.memref_slice %arg10[%dma_wait3A_208] : memref<10000xf32, #tpu.memory_space<hbm>> -> memref<1000xf32, #tpu.memory_space<hbm>>
        tpu.wait_dma2 semaphore(%run_scoped3A : memref<!tpu.dma_semaphore, #tpu.memory_space<semaphore_mem>>) src(%arg30 : memref<1000xf32, #tpu.memory_space<vmem>>) dst(%dma_wait3A_209 : memref<1000xf32, #tpu.memory_space<hbm>>)
        tpu.yield
      }) : () -> ()
      "tpu.region"() ({
        %run_scoped3A = tpu.sem_alloc : memref<!tpu.dma_semaphore, #tpu.memory_space<semaphore_mem>>
        %dma_start3A_202 = arith.constant 3000 : i32
        %dma_start3A_203 = tpu.memref_slice %arg13[%dma_start3A_202] : memref<10000xf32, #tpu.memory_space<vmem_shared>> -> memref<1000xf32, #tpu.memory_space<vmem_shared>>
        %dma_start3A_204 = arith.constant 3000 : i32
        %dma_start3A_205 = tpu.memref_slice %arg13[%dma_start3A_204] : memref<10000xf32, #tpu.memory_space<vmem_shared>> -> memref<1000xf32, #tpu.memory_space<vmem_shared>>
        tpu.enqueue_dma source(%dma_start3A_205 : memref<1000xf32, #tpu.memory_space<vmem_shared>>) target(%arg30 : memref<1000xf32, #tpu.memory_space<vmem>>) target_semaphore(%run_scoped3A : memref<!tpu.dma_semaphore, #tpu.memory_space<semaphore_mem>>)
        %dma_wait3A_206 = arith.constant 3000 : i32
        %dma_wait3A_207 = tpu.memref_slice %arg13[%dma_wait3A_206] : memref<10000xf32, #tpu.memory_space<vmem_shared>> -> memref<1000xf32, #tpu.memory_space<vmem_shared>>
        %dma_wait3A_208 = arith.constant 3000 : i32
        %dma_wait3A_209 = tpu.memref_slice %arg13[%dma_wait3A_208] : memref<10000xf32, #tpu.memory_space<vmem_shared>> -> memref<1000xf32, #tpu.memory_space<vmem_shared>>
        tpu.wait_dma2 semaphore(%run_scoped3A : memref<!tpu.dma_semaphore, #tpu.memory_space<semaphore_mem>>) src(%dma_wait3A_209 : memref<1000xf32, #tpu.memory_space<vmem_shared>>) dst(%arg30 : memref<1000xf32, #tpu.memory_space<vmem>>)
        tpu.yield
      }) : () -> ()
      "tpu.region"() ({
        %run_scoped3A = tpu.sem_alloc : memref<!tpu.dma_semaphore, #tpu.memory_space<semaphore_mem>>
        %dma_start3A_202 = arith.constant 3000 : i32
        %dma_start3A_203 = tpu.memref_slice %arg10[%dma_start3A_202] : memref<10000xf32, #tpu.memory_space<hbm>> -> memref<1000xf32, #tpu.memory_space<hbm>>
        %dma_start3A_204 = arith.constant 3000 : i32
        %dma_start3A_205 = tpu.memref_slice %arg10[%dma_start3A_204] : memref<10000xf32, #tpu.memory_space<hbm>> -> memref<1000xf32, #tpu.memory_space<hbm>>
        tpu.enqueue_dma source(%arg30 : memref<1000xf32, #tpu.memory_space<vmem>>) target(%dma_start3A_205 : memref<1000xf32, #tpu.memory_space<hbm>>) target_semaphore(%run_scoped3A : memref<!tpu.dma_semaphore, #tpu.memory_space<semaphore_mem>>)
        %dma_wait3A_206 = arith.constant 3000 : i32
        %dma_wait3A_207 = tpu.memref_slice %arg10[%dma_wait3A_206] : memref<10000xf32, #tpu.memory_space<hbm>> -> memref<1000xf32, #tpu.memory_space<hbm>>
        %dma_wait3A_208 = arith.constant 3000 : i32
        %dma_wait3A_209 = tpu.memref_slice %arg10[%dma_wait3A_208] : memref<10000xf32, #tpu.memory_space<hbm>> -> memref<1000xf32, #tpu.memory_space<hbm>>
        tpu.wait_dma2 semaphore(%run_scoped3A : memref<!tpu.dma_semaphore, #tpu.memory_space<semaphore_mem>>) src(%arg30 : memref<1000xf32, #tpu.memory_space<vmem>>) dst(%dma_wait3A_209 : memref<1000xf32, #tpu.memory_space<hbm>>)
        tpu.yield
      }) : () -> ()
      "tpu.region"() ({
        %run_scoped3A = tpu.sem_alloc : memref<!tpu.dma_semaphore, #tpu.memory_space<semaphore_mem>>
        %dma_start3A_202 = arith.constant 4000 : i32
        %dma_start3A_203 = tpu.memref_slice %arg13[%dma_start3A_202] : memref<10000xf32, #tpu.memory_space<vmem_shared>> -> memref<1000xf32, #tpu.memory_space<vmem_shared>>
        %dma_start3A_204 = arith.constant 4000 : i32
        %dma_start3A_205 = tpu.memref_slice %arg13[%dma_start3A_204] : memref<10000xf32, #tpu.memory_space<vmem_shared>> -> memref<1000xf32, #tpu.memory_space<vmem_shared>>
        tpu.enqueue_dma source(%dma_start3A_205 : memref<1000xf32, #tpu.memory_space<vmem_shared>>) target(%arg30 : memref<1000xf32, #tpu.memory_space<vmem>>) target_semaphore(%run_scoped3A : memref<!tpu.dma_semaphore, #tpu.memory_space<semaphore_mem>>)
        %dma_wait3A_206 = arith.constant 4000 : i32
        %dma_wait3A_207 = tpu.memref_slice %arg13[%dma_wait3A_206] : memref<10000xf32, #tpu.memory_space<vmem_shared>> -> memref<1000xf32, #tpu.memory_space<vmem_shared>>
        %dma_wait3A_208 = arith.constant 4000 : i32
        %dma_wait3A_209 = tpu.memref_slice %arg13[%dma_wait3A_208] : memref<10000xf32, #tpu.memory_space<vmem_shared>> -> memref<1000xf32, #tpu.memory_space<vmem_shared>>
        tpu.wait_dma2 semaphore(%run_scoped3A : memref<!tpu.dma_semaphore, #tpu.memory_space<semaphore_mem>>) src(%dma_wait3A_209 : memref<1000xf32, #tpu.memory_space<vmem_shared>>) dst(%arg30 : memref<1000xf32, #tpu.memory_space<vmem>>)
        tpu.yield
      }) : () -> ()
      "tpu.region"() ({
        %run_scoped3A = tpu.sem_alloc : memref<!tpu.dma_semaphore, #tpu.memory_space<semaphore_mem>>
        %dma_start3A_202 = arith.constant 4000 : i32
        %dma_start3A_203 = tpu.memref_slice %arg10[%dma_start3A_202] : memref<10000xf32, #tpu.memory_space<hbm>> -> memref<1000xf32, #tpu.memory_space<hbm>>
        %dma_start3A_204 = arith.constant 4000 : i32
        %dma_start3A_205 = tpu.memref_slice %arg10[%dma_start3A_204] : memref<10000xf32, #tpu.memory_space<hbm>> -> memref<1000xf32, #tpu.memory_space<hbm>>
        tpu.enqueue_dma source(%arg30 : memref<1000xf32, #tpu.memory_space<vmem>>) target(%dma_start3A_205 : memref<1000xf32, #tpu.memory_space<hbm>>) target_semaphore(%run_scoped3A : memref<!tpu.dma_semaphore, #tpu.memory_space<semaphore_mem>>)
        %dma_wait3A_206 = arith.constant 4000 : i32
        %dma_wait3A_207 = tpu.memref_slice %arg10[%dma_wait3A_206] : memref<10000xf32, #tpu.memory_space<hbm>> -> memref<1000xf32, #tpu.memory_space<hbm>>
        %dma_wait3A_208 = arith.constant 4000 : i32
        %dma_wait3A_209 = tpu.memref_slice %arg10[%dma_wait3A_208] : memref<10000xf32, #tpu.memory_space<hbm>> -> memref<1000xf32, #tpu.memory_space<hbm>>
        tpu.wait_dma2 semaphore(%run_scoped3A : memref<!tpu.dma_semaphore, #tpu.memory_space<semaphore_mem>>) src(%arg30 : memref<1000xf32, #tpu.memory_space<vmem>>) dst(%dma_wait3A_209 : memref<1000xf32, #tpu.memory_space<hbm>>)
        tpu.yield
      }) : () -> ()
      "tpu.region"() ({
        %run_scoped3A = tpu.sem_alloc : memref<!tpu.dma_semaphore, #tpu.memory_space<semaphore_mem>>
        %dma_start3A_202 = arith.constant 5000 : i32
        %dma_start3A_203 = tpu.memref_slice %arg13[%dma_start3A_202] : memref<10000xf32, #tpu.memory_space<vmem_shared>> -> memref<1000xf32, #tpu.memory_space<vmem_shared>>
        %dma_start3A_204 = arith.constant 5000 : i32
        %dma_start3A_205 = tpu.memref_slice %arg13[%dma_start3A_204] : memref<10000xf32, #tpu.memory_space<vmem_shared>> -> memref<1000xf32, #tpu.memory_space<vmem_shared>>
        tpu.enqueue_dma source(%dma_start3A_205 : memref<1000xf32, #tpu.memory_space<vmem_shared>>) target(%arg30 : memref<1000xf32, #tpu.memory_space<vmem>>) target_semaphore(%run_scoped3A : memref<!tpu.dma_semaphore, #tpu.memory_space<semaphore_mem>>)
        %dma_wait3A_206 = arith.constant 5000 : i32
        %dma_wait3A_207 = tpu.memref_slice %arg13[%dma_wait3A_206] : memref<10000xf32, #tpu.memory_space<vmem_shared>> -> memref<1000xf32, #tpu.memory_space<vmem_shared>>
        %dma_wait3A_208 = arith.constant 5000 : i32
        %dma_wait3A_209 = tpu.memref_slice %arg13[%dma_wait3A_208] : memref<10000xf32, #tpu.memory_space<vmem_shared>> -> memref<1000xf32, #tpu.memory_space<vmem_shared>>
        tpu.wait_dma2 semaphore(%run_scoped3A : memref<!tpu.dma_semaphore, #tpu.memory_space<semaphore_mem>>) src(%dma_wait3A_209 : memref<1000xf32, #tpu.memory_space<vmem_shared>>) dst(%arg30 : memref<1000xf32, #tpu.memory_space<vmem>>)
        tpu.yield
      }) : () -> ()
      "tpu.region"() ({
        %run_scoped3A = tpu.sem_alloc : memref<!tpu.dma_semaphore, #tpu.memory_space<semaphore_mem>>
        %dma_start3A_202 = arith.constant 5000 : i32
        %dma_start3A_203 = tpu.memref_slice %arg10[%dma_start3A_202] : memref<10000xf32, #tpu.memory_space<hbm>> -> memref<1000xf32, #tpu.memory_space<hbm>>
        %dma_start3A_204 = arith.constant 5000 : i32
        %dma_start3A_205 = tpu.memref_slice %arg10[%dma_start3A_204] : memref<10000xf32, #tpu.memory_space<hbm>> -> memref<1000xf32, #tpu.memory_space<hbm>>
        tpu.enqueue_dma source(%arg30 : memref<1000xf32, #tpu.memory_space<vmem>>) target(%dma_start3A_205 : memref<1000xf32, #tpu.memory_space<hbm>>) target_semaphore(%run_scoped3A : memref<!tpu.dma_semaphore, #tpu.memory_space<semaphore_mem>>)
        %dma_wait3A_206 = arith.constant 5000 : i32
        %dma_wait3A_207 = tpu.memref_slice %arg10[%dma_wait3A_206] : memref<10000xf32, #tpu.memory_space<hbm>> -> memref<1000xf32, #tpu.memory_space<hbm>>
        %dma_wait3A_208 = arith.constant 5000 : i32
        %dma_wait3A_209 = tpu.memref_slice %arg10[%dma_wait3A_208] : memref<10000xf32, #tpu.memory_space<hbm>> -> memref<1000xf32, #tpu.memory_space<hbm>>
        tpu.wait_dma2 semaphore(%run_scoped3A : memref<!tpu.dma_semaphore, #tpu.memory_space<semaphore_mem>>) src(%arg30 : memref<1000xf32, #tpu.memory_space<vmem>>) dst(%dma_wait3A_209 : memref<1000xf32, #tpu.memory_space<hbm>>)
        tpu.yield
      }) : () -> ()
      "tpu.region"() ({
        %run_scoped3A = tpu.sem_alloc : memref<!tpu.dma_semaphore, #tpu.memory_space<semaphore_mem>>
        %dma_start3A_202 = arith.constant 6000 : i32
        %dma_start3A_203 = tpu.memref_slice %arg13[%dma_start3A_202] : memref<10000xf32, #tpu.memory_space<vmem_shared>> -> memref<1000xf32, #tpu.memory_space<vmem_shared>>
        %dma_start3A_204 = arith.constant 6000 : i32
        %dma_start3A_205 = tpu.memref_slice %arg13[%dma_start3A_204] : memref<10000xf32, #tpu.memory_space<vmem_shared>> -> memref<1000xf32, #tpu.memory_space<vmem_shared>>
        tpu.enqueue_dma source(%dma_start3A_205 : memref<1000xf32, #tpu.memory_space<vmem_shared>>) target(%arg30 : memref<1000xf32, #tpu.memory_space<vmem>>) target_semaphore(%run_scoped3A : memref<!tpu.dma_semaphore, #tpu.memory_space<semaphore_mem>>)
        %dma_wait3A_206 = arith.constant 6000 : i32
        %dma_wait3A_207 = tpu.memref_slice %arg13[%dma_wait3A_206] : memref<10000xf32, #tpu.memory_space<vmem_shared>> -> memref<1000xf32, #tpu.memory_space<vmem_shared>>
        %dma_wait3A_208 = arith.constant 6000 : i32
        %dma_wait3A_209 = tpu.memref_slice %arg13[%dma_wait3A_208] : memref<10000xf32, #tpu.memory_space<vmem_shared>> -> memref<1000xf32, #tpu.memory_space<vmem_shared>>
        tpu.wait_dma2 semaphore(%run_scoped3A : memref<!tpu.dma_semaphore, #tpu.memory_space<semaphore_mem>>) src(%dma_wait3A_209 : memref<1000xf32, #tpu.memory_space<vmem_shared>>) dst(%arg30 : memref<1000xf32, #tpu.memory_space<vmem>>)
        tpu.yield
      }) : () -> ()
      "tpu.region"() ({
        %run_scoped3A = tpu.sem_alloc : memref<!tpu.dma_semaphore, #tpu.memory_space<semaphore_mem>>
        %dma_start3A_202 = arith.constant 6000 : i32
        %dma_start3A_203 = tpu.memref_slice %arg10[%dma_start3A_202] : memref<10000xf32, #tpu.memory_space<hbm>> -> memref<1000xf32, #tpu.memory_space<hbm>>
        %dma_start3A_204 = arith.constant 6000 : i32
        %dma_start3A_205 = tpu.memref_slice %arg10[%dma_start3A_204] : memref<10000xf32, #tpu.memory_space<hbm>> -> memref<1000xf32, #tpu.memory_space<hbm>>
        tpu.enqueue_dma source(%arg30 : memref<1000xf32, #tpu.memory_space<vmem>>) target(%dma_start3A_205 : memref<1000xf32, #tpu.memory_space<hbm>>) target_semaphore(%run_scoped3A : memref<!tpu.dma_semaphore, #tpu.memory_space<semaphore_mem>>)
        %dma_wait3A_206 = arith.constant 6000 : i32
        %dma_wait3A_207 = tpu.memref_slice %arg10[%dma_wait3A_206] : memref<10000xf32, #tpu.memory_space<hbm>> -> memref<1000xf32, #tpu.memory_space<hbm>>
        %dma_wait3A_208 = arith.constant 6000 : i32
        %dma_wait3A_209 = tpu.memref_slice %arg10[%dma_wait3A_208] : memref<10000xf32, #tpu.memory_space<hbm>> -> memref<1000xf32, #tpu.memory_space<hbm>>
        tpu.wait_dma2 semaphore(%run_scoped3A : memref<!tpu.dma_semaphore, #tpu.memory_space<semaphore_mem>>) src(%arg30 : memref<1000xf32, #tpu.memory_space<vmem>>) dst(%dma_wait3A_209 : memref<1000xf32, #tpu.memory_space<hbm>>)
        tpu.yield
      }) : () -> ()
      "tpu.region"() ({
        %run_scoped3A = tpu.sem_alloc : memref<!tpu.dma_semaphore, #tpu.memory_space<semaphore_mem>>
        %dma_start3A_202 = arith.constant 7000 : i32
        %dma_start3A_203 = tpu.memref_slice %arg13[%dma_start3A_202] : memref<10000xf32, #tpu.memory_space<vmem_shared>> -> memref<1000xf32, #tpu.memory_space<vmem_shared>>
        %dma_start3A_204 = arith.constant 7000 : i32
        %dma_start3A_205 = tpu.memref_slice %arg13[%dma_start3A_204] : memref<10000xf32, #tpu.memory_space<vmem_shared>> -> memref<1000xf32, #tpu.memory_space<vmem_shared>>
        tpu.enqueue_dma source(%dma_start3A_205 : memref<1000xf32, #tpu.memory_space<vmem_shared>>) target(%arg30 : memref<1000xf32, #tpu.memory_space<vmem>>) target_semaphore(%run_scoped3A : memref<!tpu.dma_semaphore, #tpu.memory_space<semaphore_mem>>)
        %dma_wait3A_206 = arith.constant 7000 : i32
        %dma_wait3A_207 = tpu.memref_slice %arg13[%dma_wait3A_206] : memref<10000xf32, #tpu.memory_space<vmem_shared>> -> memref<1000xf32, #tpu.memory_space<vmem_shared>>
        %dma_wait3A_208 = arith.constant 7000 : i32
        %dma_wait3A_209 = tpu.memref_slice %arg13[%dma_wait3A_208] : memref<10000xf32, #tpu.memory_space<vmem_shared>> -> memref<1000xf32, #tpu.memory_space<vmem_shared>>
        tpu.wait_dma2 semaphore(%run_scoped3A : memref<!tpu.dma_semaphore, #tpu.memory_space<semaphore_mem>>) src(%dma_wait3A_209 : memref<1000xf32, #tpu.memory_space<vmem_shared>>) dst(%arg30 : memref<1000xf32, #tpu.memory_space<vmem>>)
        tpu.yield
      }) : () -> ()
      "tpu.region"() ({
        %run_scoped3A = tpu.sem_alloc : memref<!tpu.dma_semaphore, #tpu.memory_space<semaphore_mem>>
        %dma_start3A_202 = arith.constant 7000 : i32
        %dma_start3A_203 = tpu.memref_slice %arg10[%dma_start3A_202] : memref<10000xf32, #tpu.memory_space<hbm>> -> memref<1000xf32, #tpu.memory_space<hbm>>
        %dma_start3A_204 = arith.constant 7000 : i32
        %dma_start3A_205 = tpu.memref_slice %arg10[%dma_start3A_204] : memref<10000xf32, #tpu.memory_space<hbm>> -> memref<1000xf32, #tpu.memory_space<hbm>>
        tpu.enqueue_dma source(%arg30 : memref<1000xf32, #tpu.memory_space<vmem>>) target(%dma_start3A_205 : memref<1000xf32, #tpu.memory_space<hbm>>) target_semaphore(%run_scoped3A : memref<!tpu.dma_semaphore, #tpu.memory_space<semaphore_mem>>)
        %dma_wait3A_206 = arith.constant 7000 : i32
        %dma_wait3A_207 = tpu.memref_slice %arg10[%dma_wait3A_206] : memref<10000xf32, #tpu.memory_space<hbm>> -> memref<1000xf32, #tpu.memory_space<hbm>>
        %dma_wait3A_208 = arith.constant 7000 : i32
        %dma_wait3A_209 = tpu.memref_slice %arg10[%dma_wait3A_208] : memref<10000xf32, #tpu.memory_space<hbm>> -> memref<1000xf32, #tpu.memory_space<hbm>>
        tpu.wait_dma2 semaphore(%run_scoped3A : memref<!tpu.dma_semaphore, #tpu.memory_space<semaphore_mem>>) src(%arg30 : memref<1000xf32, #tpu.memory_space<vmem>>) dst(%dma_wait3A_209 : memref<1000xf32, #tpu.memory_space<hbm>>)
        tpu.yield
      }) : () -> ()
      "tpu.region"() ({
        %run_scoped3A = tpu.sem_alloc : memref<!tpu.dma_semaphore, #tpu.memory_space<semaphore_mem>>
        %dma_start3A_202 = arith.constant 8000 : i32
        %dma_start3A_203 = tpu.memref_slice %arg13[%dma_start3A_202] : memref<10000xf32, #tpu.memory_space<vmem_shared>> -> memref<1000xf32, #tpu.memory_space<vmem_shared>>
        %dma_start3A_204 = arith.constant 8000 : i32
        %dma_start3A_205 = tpu.memref_slice %arg13[%dma_start3A_204] : memref<10000xf32, #tpu.memory_space<vmem_shared>> -> memref<1000xf32, #tpu.memory_space<vmem_shared>>
        tpu.enqueue_dma source(%dma_start3A_205 : memref<1000xf32, #tpu.memory_space<vmem_shared>>) target(%arg30 : memref<1000xf32, #tpu.memory_space<vmem>>) target_semaphore(%run_scoped3A : memref<!tpu.dma_semaphore, #tpu.memory_space<semaphore_mem>>)
        %dma_wait3A_206 = arith.constant 8000 : i32
        %dma_wait3A_207 = tpu.memref_slice %arg13[%dma_wait3A_206] : memref<10000xf32, #tpu.memory_space<vmem_shared>> -> memref<1000xf32, #tpu.memory_space<vmem_shared>>
        %dma_wait3A_208 = arith.constant 8000 : i32
        %dma_wait3A_209 = tpu.memref_slice %arg13[%dma_wait3A_208] : memref<10000xf32, #tpu.memory_space<vmem_shared>> -> memref<1000xf32, #tpu.memory_space<vmem_shared>>
        tpu.wait_dma2 semaphore(%run_scoped3A : memref<!tpu.dma_semaphore, #tpu.memory_space<semaphore_mem>>) src(%dma_wait3A_209 : memref<1000xf32, #tpu.memory_space<vmem_shared>>) dst(%arg30 : memref<1000xf32, #tpu.memory_space<vmem>>)
        tpu.yield
      }) : () -> ()
      "tpu.region"() ({
        %run_scoped3A = tpu.sem_alloc : memref<!tpu.dma_semaphore, #tpu.memory_space<semaphore_mem>>
        %dma_start3A_202 = arith.constant 8000 : i32
        %dma_start3A_203 = tpu.memref_slice %arg10[%dma_start3A_202] : memref<10000xf32, #tpu.memory_space<hbm>> -> memref<1000xf32, #tpu.memory_space<hbm>>
        %dma_start3A_204 = arith.constant 8000 : i32
        %dma_start3A_205 = tpu.memref_slice %arg10[%dma_start3A_204] : memref<10000xf32, #tpu.memory_space<hbm>> -> memref<1000xf32, #tpu.memory_space<hbm>>
        tpu.enqueue_dma source(%arg30 : memref<1000xf32, #tpu.memory_space<vmem>>) target(%dma_start3A_205 : memref<1000xf32, #tpu.memory_space<hbm>>) target_semaphore(%run_scoped3A : memref<!tpu.dma_semaphore, #tpu.memory_space<semaphore_mem>>)
        %dma_wait3A_206 = arith.constant 8000 : i32
        %dma_wait3A_207 = tpu.memref_slice %arg10[%dma_wait3A_206] : memref<10000xf32, #tpu.memory_space<hbm>> -> memref<1000xf32, #tpu.memory_space<hbm>>
        %dma_wait3A_208 = arith.constant 8000 : i32
        %dma_wait3A_209 = tpu.memref_slice %arg10[%dma_wait3A_208] : memref<10000xf32, #tpu.memory_space<hbm>> -> memref<1000xf32, #tpu.memory_space<hbm>>
        tpu.wait_dma2 semaphore(%run_scoped3A : memref<!tpu.dma_semaphore, #tpu.memory_space<semaphore_mem>>) src(%arg30 : memref<1000xf32, #tpu.memory_space<vmem>>) dst(%dma_wait3A_209 : memref<1000xf32, #tpu.memory_space<hbm>>)
        tpu.yield
      }) : () -> ()
      "tpu.region"() ({
        %run_scoped3A = tpu.sem_alloc : memref<!tpu.dma_semaphore, #tpu.memory_space<semaphore_mem>>
        %dma_start3A_202 = arith.constant 9000 : i32
        %dma_start3A_203 = tpu.memref_slice %arg13[%dma_start3A_202] : memref<10000xf32, #tpu.memory_space<vmem_shared>> -> memref<1000xf32, #tpu.memory_space<vmem_shared>>
        %dma_start3A_204 = arith.constant 9000 : i32
        %dma_start3A_205 = tpu.memref_slice %arg13[%dma_start3A_204] : memref<10000xf32, #tpu.memory_space<vmem_shared>> -> memref<1000xf32, #tpu.memory_space<vmem_shared>>
        tpu.enqueue_dma source(%dma_start3A_205 : memref<1000xf32, #tpu.memory_space<vmem_shared>>) target(%arg30 : memref<1000xf32, #tpu.memory_space<vmem>>) target_semaphore(%run_scoped3A : memref<!tpu.dma_semaphore, #tpu.memory_space<semaphore_mem>>)
        %dma_wait3A_206 = arith.constant 9000 : i32
        %dma_wait3A_207 = tpu.memref_slice %arg13[%dma_wait3A_206] : memref<10000xf32, #tpu.memory_space<vmem_shared>> -> memref<1000xf32, #tpu.memory_space<vmem_shared>>
        %dma_wait3A_208 = arith.constant 9000 : i32
        %dma_wait3A_209 = tpu.memref_slice %arg13[%dma_wait3A_208] : memref<10000xf32, #tpu.memory_space<vmem_shared>> -> memref<1000xf32, #tpu.memory_space<vmem_shared>>
        tpu.wait_dma2 semaphore(%run_scoped3A : memref<!tpu.dma_semaphore, #tpu.memory_space<semaphore_mem>>) src(%dma_wait3A_209 : memref<1000xf32, #tpu.memory_space<vmem_shared>>) dst(%arg30 : memref<1000xf32, #tpu.memory_space<vmem>>)
        tpu.yield
      }) : () -> ()
      "tpu.region"() ({
        %run_scoped3A = tpu.sem_alloc : memref<!tpu.dma_semaphore, #tpu.memory_space<semaphore_mem>>
        %dma_start3A_202 = arith.constant 9000 : i32
        %dma_start3A_203 = tpu.memref_slice %arg10[%dma_start3A_202] : memref<10000xf32, #tpu.memory_space<hbm>> -> memref<1000xf32, #tpu.memory_space<hbm>>
        %dma_start3A_204 = arith.constant 9000 : i32
        %dma_start3A_205 = tpu.memref_slice %arg10[%dma_start3A_204] : memref<10000xf32, #tpu.memory_space<hbm>> -> memref<1000xf32, #tpu.memory_space<hbm>>
        tpu.enqueue_dma source(%arg30 : memref<1000xf32, #tpu.memory_space<vmem>>) target(%dma_start3A_205 : memref<1000xf32, #tpu.memory_space<hbm>>) target_semaphore(%run_scoped3A : memref<!tpu.dma_semaphore, #tpu.memory_space<semaphore_mem>>)
        %dma_wait3A_206 = arith.constant 9000 : i32
        %dma_wait3A_207 = tpu.memref_slice %arg10[%dma_wait3A_206] : memref<10000xf32, #tpu.memory_space<hbm>> -> memref<1000xf32, #tpu.memory_space<hbm>>
        %dma_wait3A_208 = arith.constant 9000 : i32
        %dma_wait3A_209 = tpu.memref_slice %arg10[%dma_wait3A_208] : memref<10000xf32, #tpu.memory_space<hbm>> -> memref<1000xf32, #tpu.memory_space<hbm>>
        tpu.wait_dma2 semaphore(%run_scoped3A : memref<!tpu.dma_semaphore, #tpu.memory_space<semaphore_mem>>) src(%arg30 : memref<1000xf32, #tpu.memory_space<vmem>>) dst(%dma_wait3A_209 : memref<1000xf32, #tpu.memory_space<hbm>>)
        tpu.yield
      }) : () -> ()
    } else {
    }
    return
  }
}

#map = affine_map<(d0, d1) -> (0, 0)>
#map1 = affine_map<(d0, d1) -> (0, 0, 0)>
module attributes {stable_mosaic.version = 14 : i64} {
  func.func @body(%arg0: i32, %arg1: i32, %arg2: memref<10000x128xf32, #tpu.memory_space<hbm>>, %arg3: memref<2500x1x128xi32, #tpu.memory_space<hbm>>, %arg4: memref<2500x1x128xi32, #tpu.memory_space<hbm>>, %arg5: memref<10000x128xf32, #tpu.memory_space<hbm>>, %arg6: memref<10000x128xf32, #tpu.memory_space<hbm>>, %arg7: memref<10000x128xf32, #tpu.memory_space<vmem_shared>>, %arg8: memref<128xi32, #tpu.memory_space<vmem>>, %arg9: memref<128xi32, #tpu.memory_space<vmem>>, %arg10: memref<128xi32, #tpu.memory_space<vmem>>, %arg11: memref<128xi32, #tpu.memory_space<vmem>>, %arg12: memref<128xi32, #tpu.memory_space<vmem>>, %arg13: memref<128xi32, #tpu.memory_space<vmem>>, %arg14: memref<128x128xf32, #tpu.memory_space<vmem>>, %arg15: memref<128x128xf32, #tpu.memory_space<vmem>>, %arg16: memref<128xf32, #tpu.memory_space<vmem>>, %arg17: memref<!tpu.dma_semaphore, #tpu.memory_space<semaphore_mem>>, %arg18: memref<!tpu.dma_semaphore, #tpu.memory_space<semaphore_mem>>, %arg19: memref<!tpu.dma_semaphore, #tpu.memory_space<semaphore_mem>>, %arg20: memref<!tpu.dma_semaphore, #tpu.memory_space<semaphore_mem>>, %arg21: memref<!tpu.dma_semaphore, #tpu.memory_space<semaphore_mem>>, %arg22: memref<!tpu.dma_semaphore, #tpu.memory_space<semaphore_mem>>, %arg23: memref<!tpu.dma_semaphore, #tpu.memory_space<semaphore_mem>>) attributes {dimension_semantics = [#tpu.dimension_semantics<core_parallel>, #tpu.dimension_semantics<subcore_parallel>], iteration_bounds = array<i64: 2, 16>, scalar_prefetch = 0 : i64, scratch_operands = 17 : i64, tpu.core_type = #tpu.core_type<sc_vector_subcore>, window_params = [{transform_indices = #map}, {transform_indices = #map1}, {transform_indices = #map1}, {transform_indices = #map}, {transform_indices = #map}]} {
    %mul3A = arith.constant 2 : i32
    %mul3A_0 = arith.muli %arg1, %mul3A : i32
    %add3A = arith.addi %mul3A_0, %arg0 : i32
    %mul3A_1 = arith.constant 632 : i32
    %mul3A_2 = arith.muli %arg1, %mul3A_1 : i32
    %broadcast_in_dim3A = arith.constant 0.000000e+00 : f32
    %broadcast_in_dim3A_3 = vector.broadcast %broadcast_in_dim3A : f32 to vector<16xf32>
    %scan3A = arith.constant 0 : i32
    %scan3A_4 = arith.constant 0 : i32
    %scan3A_5 = arith.constant 128 : i32
    %scan3A_6 = arith.addi %scan3A_4, %scan3A_5 : i32
    %scan3A_7 = arith.constant 1 : i32
    scf.for %scan3A_131 = %scan3A_4 to %scan3A_6 step %scan3A_7  : i32 {
      %swap3A = arith.index_cast %scan3A_131 : i32 to index
      %swap3A_132 = arith.constant 0 : index
      %swap3A_133 = tpu.vector_load %arg14[%swap3A, %swap3A_132] {strides = array<i32>} : memref<128x128xf32, #tpu.memory_space<vmem>>, vector<1x16xf32>,
      %swap3A_134 = vector.shape_cast %swap3A_133 : vector<1x16xf32> to vector<16xf32>
      %swap3A_135 = vector.shape_cast %broadcast_in_dim3A_3 : vector<16xf32> to vector<1x16xf32>
      tpu.vector_store %arg14[%swap3A, %swap3A_132], %swap3A_135 {strides = array<i32>} : memref<128x128xf32, #tpu.memory_space<vmem>>, vector<1x16xf32>,
      %swap3A_136 = arith.index_cast %scan3A_131 : i32 to index
      %swap3A_137 = arith.constant 16 : index
      %swap3A_138 = tpu.vector_load %arg14[%swap3A_136, %swap3A_137] {strides = array<i32>} : memref<128x128xf32, #tpu.memory_space<vmem>>, vector<1x16xf32>,
      %swap3A_139 = vector.shape_cast %swap3A_138 : vector<1x16xf32> to vector<16xf32>
      %swap3A_140 = vector.shape_cast %broadcast_in_dim3A_3 : vector<16xf32> to vector<1x16xf32>
      tpu.vector_store %arg14[%swap3A_136, %swap3A_137], %swap3A_140 {strides = array<i32>} : memref<128x128xf32, #tpu.memory_space<vmem>>, vector<1x16xf32>,
      %swap3A_141 = arith.index_cast %scan3A_131 : i32 to index
      %swap3A_142 = arith.constant 32 : index
      %swap3A_143 = tpu.vector_load %arg14[%swap3A_141, %swap3A_142] {strides = array<i32>} : memref<128x128xf32, #tpu.memory_space<vmem>>, vector<1x16xf32>,
      %swap3A_144 = vector.shape_cast %swap3A_143 : vector<1x16xf32> to vector<16xf32>
      %swap3A_145 = vector.shape_cast %broadcast_in_dim3A_3 : vector<16xf32> to vector<1x16xf32>
      tpu.vector_store %arg14[%swap3A_141, %swap3A_142], %swap3A_145 {strides = array<i32>} : memref<128x128xf32, #tpu.memory_space<vmem>>, vector<1x16xf32>,
      %swap3A_146 = arith.index_cast %scan3A_131 : i32 to index
      %swap3A_147 = arith.constant 48 : index
      %swap3A_148 = tpu.vector_load %arg14[%swap3A_146, %swap3A_147] {strides = array<i32>} : memref<128x128xf32, #tpu.memory_space<vmem>>, vector<1x16xf32>,
      %swap3A_149 = vector.shape_cast %swap3A_148 : vector<1x16xf32> to vector<16xf32>
      %swap3A_150 = vector.shape_cast %broadcast_in_dim3A_3 : vector<16xf32> to vector<1x16xf32>
      tpu.vector_store %arg14[%swap3A_146, %swap3A_147], %swap3A_150 {strides = array<i32>} : memref<128x128xf32, #tpu.memory_space<vmem>>, vector<1x16xf32>,
      %swap3A_151 = arith.index_cast %scan3A_131 : i32 to index
      %swap3A_152 = arith.constant 64 : index
      %swap3A_153 = tpu.vector_load %arg14[%swap3A_151, %swap3A_152] {strides = array<i32>} : memref<128x128xf32, #tpu.memory_space<vmem>>, vector<1x16xf32>,
      %swap3A_154 = vector.shape_cast %swap3A_153 : vector<1x16xf32> to vector<16xf32>
      %swap3A_155 = vector.shape_cast %broadcast_in_dim3A_3 : vector<16xf32> to vector<1x16xf32>
      tpu.vector_store %arg14[%swap3A_151, %swap3A_152], %swap3A_155 {strides = array<i32>} : memref<128x128xf32, #tpu.memory_space<vmem>>, vector<1x16xf32>,
      %swap3A_156 = arith.index_cast %scan3A_131 : i32 to index
      %swap3A_157 = arith.constant 80 : index
      %swap3A_158 = tpu.vector_load %arg14[%swap3A_156, %swap3A_157] {strides = array<i32>} : memref<128x128xf32, #tpu.memory_space<vmem>>, vector<1x16xf32>,
      %swap3A_159 = vector.shape_cast %swap3A_158 : vector<1x16xf32> to vector<16xf32>
      %swap3A_160 = vector.shape_cast %broadcast_in_dim3A_3 : vector<16xf32> to vector<1x16xf32>
      tpu.vector_store %arg14[%swap3A_156, %swap3A_157], %swap3A_160 {strides = array<i32>} : memref<128x128xf32, #tpu.memory_space<vmem>>, vector<1x16xf32>,
      %swap3A_161 = arith.index_cast %scan3A_131 : i32 to index
      %swap3A_162 = arith.constant 96 : index
      %swap3A_163 = tpu.vector_load %arg14[%swap3A_161, %swap3A_162] {strides = array<i32>} : memref<128x128xf32, #tpu.memory_space<vmem>>, vector<1x16xf32>,
      %swap3A_164 = vector.shape_cast %swap3A_163 : vector<1x16xf32> to vector<16xf32>
      %swap3A_165 = vector.shape_cast %broadcast_in_dim3A_3 : vector<16xf32> to vector<1x16xf32>
      tpu.vector_store %arg14[%swap3A_161, %swap3A_162], %swap3A_165 {strides = array<i32>} : memref<128x128xf32, #tpu.memory_space<vmem>>, vector<1x16xf32>,
      %swap3A_166 = arith.index_cast %scan3A_131 : i32 to index
      %swap3A_167 = arith.constant 112 : index
      %swap3A_168 = tpu.vector_load %arg14[%swap3A_166, %swap3A_167] {strides = array<i32>} : memref<128x128xf32, #tpu.memory_space<vmem>>, vector<1x16xf32>,
      %swap3A_169 = vector.shape_cast %swap3A_168 : vector<1x16xf32> to vector<16xf32>
      %swap3A_170 = vector.shape_cast %broadcast_in_dim3A_3 : vector<16xf32> to vector<1x16xf32>
      tpu.vector_store %arg14[%swap3A_166, %swap3A_167], %swap3A_170 {strides = array<i32>} : memref<128x128xf32, #tpu.memory_space<vmem>>, vector<1x16xf32>,
    }
    %scan3A_8 = arith.constant 128 : i32
    %lt3A = arith.constant 15 : i32
    %lt3A_9 = arith.cmpi slt, %arg1, %lt3A : i32
    %convert_element_type3A = arith.extui %lt3A_9 : i1 to i32
    %cond3A = arith.constant 0 : i32
    %cond3A_10 = arith.cmpi ne, %convert_element_type3A, %cond3A : i32
    scf.if %cond3A_10 {
      %add3A_131 = arith.constant 0 : i32
      %add3A_132 = arith.addi %mul3A_2, %add3A_131 : i32
      "tpu.region"() ({
        %run_scoped3A = tpu.sem_alloc : memref<!tpu.dma_semaphore, #tpu.memory_space<semaphore_mem>>
        %dma_start3A_142 = arith.constant 0 : i32
        %dma_start3A_143 = tpu.memref_slice %arg7[%add3A_132, %dma_start3A_142] : memref<10000x128xf32, #tpu.memory_space<vmem_shared>> -> memref<128x128xf32, #tpu.memory_space<vmem_shared>>
        %dma_start3A_144 = arith.constant 0 : i32
        %dma_start3A_145 = tpu.memref_slice %arg7[%add3A_132, %dma_start3A_144] : memref<10000x128xf32, #tpu.memory_space<vmem_shared>> -> memref<128x128xf32, #tpu.memory_space<vmem_shared>>
        tpu.enqueue_dma source(%arg14 : memref<128x128xf32, #tpu.memory_space<vmem>>) target(%dma_start3A_145 : memref<128x128xf32, #tpu.memory_space<vmem_shared>>) target_semaphore(%run_scoped3A : memref<!tpu.dma_semaphore, #tpu.memory_space<semaphore_mem>>)
        %dma_wait3A_146 = arith.constant 0 : i32
        %dma_wait3A_147 = tpu.memref_slice %arg7[%add3A_132, %dma_wait3A_146] : memref<10000x128xf32, #tpu.memory_space<vmem_shared>> -> memref<128x128xf32, #tpu.memory_space<vmem_shared>>
        %dma_wait3A_148 = arith.constant 0 : i32
        %dma_wait3A_149 = tpu.memref_slice %arg7[%add3A_132, %dma_wait3A_148] : memref<10000x128xf32, #tpu.memory_space<vmem_shared>> -> memref<128x128xf32, #tpu.memory_space<vmem_shared>>
        tpu.wait_dma2 semaphore(%run_scoped3A : memref<!tpu.dma_semaphore, #tpu.memory_space<semaphore_mem>>) src(%arg14 : memref<128x128xf32, #tpu.memory_space<vmem>>) dst(%dma_wait3A_149 : memref<128x128xf32, #tpu.memory_space<vmem_shared>>)
        tpu.yield
      }) : () -> ()
      %add3A_133 = arith.constant 128 : i32
      %add3A_134 = arith.addi %mul3A_2, %add3A_133 : i32
      "tpu.region"() ({
        %run_scoped3A = tpu.sem_alloc : memref<!tpu.dma_semaphore, #tpu.memory_space<semaphore_mem>>
        %dma_start3A_142 = arith.constant 0 : i32
        %dma_start3A_143 = tpu.memref_slice %arg7[%add3A_134, %dma_start3A_142] : memref<10000x128xf32, #tpu.memory_space<vmem_shared>> -> memref<128x128xf32, #tpu.memory_space<vmem_shared>>
        %dma_start3A_144 = arith.constant 0 : i32
        %dma_start3A_145 = tpu.memref_slice %arg7[%add3A_134, %dma_start3A_144] : memref<10000x128xf32, #tpu.memory_space<vmem_shared>> -> memref<128x128xf32, #tpu.memory_space<vmem_shared>>
        tpu.enqueue_dma source(%arg14 : memref<128x128xf32, #tpu.memory_space<vmem>>) target(%dma_start3A_145 : memref<128x128xf32, #tpu.memory_space<vmem_shared>>) target_semaphore(%run_scoped3A : memref<!tpu.dma_semaphore, #tpu.memory_space<semaphore_mem>>)
        %dma_wait3A_146 = arith.constant 0 : i32
        %dma_wait3A_147 = tpu.memref_slice %arg7[%add3A_134, %dma_wait3A_146] : memref<10000x128xf32, #tpu.memory_space<vmem_shared>> -> memref<128x128xf32, #tpu.memory_space<vmem_shared>>
        %dma_wait3A_148 = arith.constant 0 : i32
        %dma_wait3A_149 = tpu.memref_slice %arg7[%add3A_134, %dma_wait3A_148] : memref<10000x128xf32, #tpu.memory_space<vmem_shared>> -> memref<128x128xf32, #tpu.memory_space<vmem_shared>>
        tpu.wait_dma2 semaphore(%run_scoped3A : memref<!tpu.dma_semaphore, #tpu.memory_space<semaphore_mem>>) src(%arg14 : memref<128x128xf32, #tpu.memory_space<vmem>>) dst(%dma_wait3A_149 : memref<128x128xf32, #tpu.memory_space<vmem_shared>>)
        tpu.yield
      }) : () -> ()
      %add3A_135 = arith.constant 256 : i32
      %add3A_136 = arith.addi %mul3A_2, %add3A_135 : i32
      "tpu.region"() ({
        %run_scoped3A = tpu.sem_alloc : memref<!tpu.dma_semaphore, #tpu.memory_space<semaphore_mem>>
        %dma_start3A_142 = arith.constant 0 : i32
        %dma_start3A_143 = tpu.memref_slice %arg7[%add3A_136, %dma_start3A_142] : memref<10000x128xf32, #tpu.memory_space<vmem_shared>> -> memref<128x128xf32, #tpu.memory_space<vmem_shared>>
        %dma_start3A_144 = arith.constant 0 : i32
        %dma_start3A_145 = tpu.memref_slice %arg7[%add3A_136, %dma_start3A_144] : memref<10000x128xf32, #tpu.memory_space<vmem_shared>> -> memref<128x128xf32, #tpu.memory_space<vmem_shared>>
        tpu.enqueue_dma source(%arg14 : memref<128x128xf32, #tpu.memory_space<vmem>>) target(%dma_start3A_145 : memref<128x128xf32, #tpu.memory_space<vmem_shared>>) target_semaphore(%run_scoped3A : memref<!tpu.dma_semaphore, #tpu.memory_space<semaphore_mem>>)
        %dma_wait3A_146 = arith.constant 0 : i32
        %dma_wait3A_147 = tpu.memref_slice %arg7[%add3A_136, %dma_wait3A_146] : memref<10000x128xf32, #tpu.memory_space<vmem_shared>> -> memref<128x128xf32, #tpu.memory_space<vmem_shared>>
        %dma_wait3A_148 = arith.constant 0 : i32
        %dma_wait3A_149 = tpu.memref_slice %arg7[%add3A_136, %dma_wait3A_148] : memref<10000x128xf32, #tpu.memory_space<vmem_shared>> -> memref<128x128xf32, #tpu.memory_space<vmem_shared>>
        tpu.wait_dma2 semaphore(%run_scoped3A : memref<!tpu.dma_semaphore, #tpu.memory_space<semaphore_mem>>) src(%arg14 : memref<128x128xf32, #tpu.memory_space<vmem>>) dst(%dma_wait3A_149 : memref<128x128xf32, #tpu.memory_space<vmem_shared>>)
        tpu.yield
      }) : () -> ()
      %add3A_137 = arith.constant 384 : i32
      %add3A_138 = arith.addi %mul3A_2, %add3A_137 : i32
      "tpu.region"() ({
        %run_scoped3A = tpu.sem_alloc : memref<!tpu.dma_semaphore, #tpu.memory_space<semaphore_mem>>
        %dma_start3A_142 = arith.constant 0 : i32
        %dma_start3A_143 = tpu.memref_slice %arg7[%add3A_138, %dma_start3A_142] : memref<10000x128xf32, #tpu.memory_space<vmem_shared>> -> memref<128x128xf32, #tpu.memory_space<vmem_shared>>
        %dma_start3A_144 = arith.constant 0 : i32
        %dma_start3A_145 = tpu.memref_slice %arg7[%add3A_138, %dma_start3A_144] : memref<10000x128xf32, #tpu.memory_space<vmem_shared>> -> memref<128x128xf32, #tpu.memory_space<vmem_shared>>
        tpu.enqueue_dma source(%arg14 : memref<128x128xf32, #tpu.memory_space<vmem>>) target(%dma_start3A_145 : memref<128x128xf32, #tpu.memory_space<vmem_shared>>) target_semaphore(%run_scoped3A : memref<!tpu.dma_semaphore, #tpu.memory_space<semaphore_mem>>)
        %dma_wait3A_146 = arith.constant 0 : i32
        %dma_wait3A_147 = tpu.memref_slice %arg7[%add3A_138, %dma_wait3A_146] : memref<10000x128xf32, #tpu.memory_space<vmem_shared>> -> memref<128x128xf32, #tpu.memory_space<vmem_shared>>
        %dma_wait3A_148 = arith.constant 0 : i32
        %dma_wait3A_149 = tpu.memref_slice %arg7[%add3A_138, %dma_wait3A_148] : memref<10000x128xf32, #tpu.memory_space<vmem_shared>> -> memref<128x128xf32, #tpu.memory_space<vmem_shared>>
        tpu.wait_dma2 semaphore(%run_scoped3A : memref<!tpu.dma_semaphore, #tpu.memory_space<semaphore_mem>>) src(%arg14 : memref<128x128xf32, #tpu.memory_space<vmem>>) dst(%dma_wait3A_149 : memref<128x128xf32, #tpu.memory_space<vmem_shared>>)
        tpu.yield
      }) : () -> ()
      %add3A_139 = arith.constant 632 : i32
      %add3A_140 = arith.addi %mul3A_2, %add3A_139 : i32
      %sub3A = arith.constant 120 : i32
      %sub3A_141 = arith.subi %add3A_140, %sub3A : i32
      "tpu.region"() ({
        %run_scoped3A = tpu.sem_alloc : memref<!tpu.dma_semaphore, #tpu.memory_space<semaphore_mem>>
        %dma_start3A_142 = arith.constant 0 : i32
        %dma_start3A_143 = arith.constant 0 : i32
        %dma_start3A_144 = tpu.memref_slice %arg14[%dma_start3A_142, %dma_start3A_143] : memref<128x128xf32, #tpu.memory_space<vmem>> -> memref<120x128xf32, #tpu.memory_space<vmem>>
        %dma_start3A_145 = arith.constant 0 : i32
        %dma_start3A_146 = tpu.memref_slice %arg7[%sub3A_141, %dma_start3A_145] : memref<10000x128xf32, #tpu.memory_space<vmem_shared>> -> memref<120x128xf32, #tpu.memory_space<vmem_shared>>
        %dma_start3A_147 = arith.constant 0 : i32
        %dma_start3A_148 = tpu.memref_slice %arg7[%sub3A_141, %dma_start3A_147] : memref<10000x128xf32, #tpu.memory_space<vmem_shared>> -> memref<120x128xf32, #tpu.memory_space<vmem_shared>>
        %dma_start3A_149 = arith.constant 0 : i32
        %dma_start3A_150 = arith.constant 0 : i32
        %dma_start3A_151 = tpu.memref_slice %arg14[%dma_start3A_149, %dma_start3A_150] : memref<128x128xf32, #tpu.memory_space<vmem>> -> memref<120x128xf32, #tpu.memory_space<vmem>>
        tpu.enqueue_dma source(%dma_start3A_151 : memref<120x128xf32, #tpu.memory_space<vmem>>) target(%dma_start3A_148 : memref<120x128xf32, #tpu.memory_space<vmem_shared>>) target_semaphore(%run_scoped3A : memref<!tpu.dma_semaphore, #tpu.memory_space<semaphore_mem>>)
        %dma_wait3A_152 = arith.constant 0 : i32
        %dma_wait3A_153 = arith.constant 0 : i32
        %dma_wait3A_154 = tpu.memref_slice %arg14[%dma_wait3A_152, %dma_wait3A_153] : memref<128x128xf32, #tpu.memory_space<vmem>> -> memref<120x128xf32, #tpu.memory_space<vmem>>
        %dma_wait3A_155 = arith.constant 0 : i32
        %dma_wait3A_156 = tpu.memref_slice %arg7[%sub3A_141, %dma_wait3A_155] : memref<10000x128xf32, #tpu.memory_space<vmem_shared>> -> memref<120x128xf32, #tpu.memory_space<vmem_shared>>
        %dma_wait3A_157 = arith.constant 0 : i32
        %dma_wait3A_158 = tpu.memref_slice %arg7[%sub3A_141, %dma_wait3A_157] : memref<10000x128xf32, #tpu.memory_space<vmem_shared>> -> memref<120x128xf32, #tpu.memory_space<vmem_shared>>
        %dma_wait3A_159 = arith.constant 0 : i32
        %dma_wait3A_160 = arith.constant 0 : i32
        %dma_wait3A_161 = tpu.memref_slice %arg14[%dma_wait3A_159, %dma_wait3A_160] : memref<128x128xf32, #tpu.memory_space<vmem>> -> memref<120x128xf32, #tpu.memory_space<vmem>>
        tpu.wait_dma2 semaphore(%run_scoped3A : memref<!tpu.dma_semaphore, #tpu.memory_space<semaphore_mem>>) src(%dma_wait3A_161 : memref<120x128xf32, #tpu.memory_space<vmem>>) dst(%dma_wait3A_158 : memref<120x128xf32, #tpu.memory_space<vmem_shared>>)
        tpu.yield
      }) : () -> ()
    } else {
    }
    %eq3A = arith.constant 15 : i32
    %eq3A_11 = arith.cmpi eq, %arg1, %eq3A : i32
    %convert_element_type3A_12 = arith.extui %eq3A_11 : i1 to i32
    %cond3A_13 = arith.constant 0 : i32
    %cond3A_14 = arith.cmpi ne, %convert_element_type3A_12, %cond3A_13 : i32
    scf.if %cond3A_14 {
      %add3A_131 = arith.constant 0 : i32
      %add3A_132 = arith.addi %mul3A_2, %add3A_131 : i32
      "tpu.region"() ({
        %run_scoped3A = tpu.sem_alloc : memref<!tpu.dma_semaphore, #tpu.memory_space<semaphore_mem>>
        %dma_start3A_142 = arith.constant 0 : i32
        %dma_start3A_143 = tpu.memref_slice %arg7[%add3A_132, %dma_start3A_142] : memref<10000x128xf32, #tpu.memory_space<vmem_shared>> -> memref<128x128xf32, #tpu.memory_space<vmem_shared>>
        %dma_start3A_144 = arith.constant 0 : i32
        %dma_start3A_145 = tpu.memref_slice %arg7[%add3A_132, %dma_start3A_144] : memref<10000x128xf32, #tpu.memory_space<vmem_shared>> -> memref<128x128xf32, #tpu.memory_space<vmem_shared>>
        tpu.enqueue_dma source(%arg14 : memref<128x128xf32, #tpu.memory_space<vmem>>) target(%dma_start3A_145 : memref<128x128xf32, #tpu.memory_space<vmem_shared>>) target_semaphore(%run_scoped3A : memref<!tpu.dma_semaphore, #tpu.memory_space<semaphore_mem>>)
        %dma_wait3A_146 = arith.constant 0 : i32
        %dma_wait3A_147 = tpu.memref_slice %arg7[%add3A_132, %dma_wait3A_146] : memref<10000x128xf32, #tpu.memory_space<vmem_shared>> -> memref<128x128xf32, #tpu.memory_space<vmem_shared>>
        %dma_wait3A_148 = arith.constant 0 : i32
        %dma_wait3A_149 = tpu.memref_slice %arg7[%add3A_132, %dma_wait3A_148] : memref<10000x128xf32, #tpu.memory_space<vmem_shared>> -> memref<128x128xf32, #tpu.memory_space<vmem_shared>>
        tpu.wait_dma2 semaphore(%run_scoped3A : memref<!tpu.dma_semaphore, #tpu.memory_space<semaphore_mem>>) src(%arg14 : memref<128x128xf32, #tpu.memory_space<vmem>>) dst(%dma_wait3A_149 : memref<128x128xf32, #tpu.memory_space<vmem_shared>>)
        tpu.yield
      }) : () -> ()
      %add3A_133 = arith.constant 128 : i32
      %add3A_134 = arith.addi %mul3A_2, %add3A_133 : i32
      "tpu.region"() ({
        %run_scoped3A = tpu.sem_alloc : memref<!tpu.dma_semaphore, #tpu.memory_space<semaphore_mem>>
        %dma_start3A_142 = arith.constant 0 : i32
        %dma_start3A_143 = tpu.memref_slice %arg7[%add3A_134, %dma_start3A_142] : memref<10000x128xf32, #tpu.memory_space<vmem_shared>> -> memref<128x128xf32, #tpu.memory_space<vmem_shared>>
        %dma_start3A_144 = arith.constant 0 : i32
        %dma_start3A_145 = tpu.memref_slice %arg7[%add3A_134, %dma_start3A_144] : memref<10000x128xf32, #tpu.memory_space<vmem_shared>> -> memref<128x128xf32, #tpu.memory_space<vmem_shared>>
        tpu.enqueue_dma source(%arg14 : memref<128x128xf32, #tpu.memory_space<vmem>>) target(%dma_start3A_145 : memref<128x128xf32, #tpu.memory_space<vmem_shared>>) target_semaphore(%run_scoped3A : memref<!tpu.dma_semaphore, #tpu.memory_space<semaphore_mem>>)
        %dma_wait3A_146 = arith.constant 0 : i32
        %dma_wait3A_147 = tpu.memref_slice %arg7[%add3A_134, %dma_wait3A_146] : memref<10000x128xf32, #tpu.memory_space<vmem_shared>> -> memref<128x128xf32, #tpu.memory_space<vmem_shared>>
        %dma_wait3A_148 = arith.constant 0 : i32
        %dma_wait3A_149 = tpu.memref_slice %arg7[%add3A_134, %dma_wait3A_148] : memref<10000x128xf32, #tpu.memory_space<vmem_shared>> -> memref<128x128xf32, #tpu.memory_space<vmem_shared>>
        tpu.wait_dma2 semaphore(%run_scoped3A : memref<!tpu.dma_semaphore, #tpu.memory_space<semaphore_mem>>) src(%arg14 : memref<128x128xf32, #tpu.memory_space<vmem>>) dst(%dma_wait3A_149 : memref<128x128xf32, #tpu.memory_space<vmem_shared>>)
        tpu.yield
      }) : () -> ()
      %add3A_135 = arith.constant 256 : i32
      %add3A_136 = arith.addi %mul3A_2, %add3A_135 : i32
      "tpu.region"() ({
        %run_scoped3A = tpu.sem_alloc : memref<!tpu.dma_semaphore, #tpu.memory_space<semaphore_mem>>
        %dma_start3A_142 = arith.constant 0 : i32
        %dma_start3A_143 = tpu.memref_slice %arg7[%add3A_136, %dma_start3A_142] : memref<10000x128xf32, #tpu.memory_space<vmem_shared>> -> memref<128x128xf32, #tpu.memory_space<vmem_shared>>
        %dma_start3A_144 = arith.constant 0 : i32
        %dma_start3A_145 = tpu.memref_slice %arg7[%add3A_136, %dma_start3A_144] : memref<10000x128xf32, #tpu.memory_space<vmem_shared>> -> memref<128x128xf32, #tpu.memory_space<vmem_shared>>
        tpu.enqueue_dma source(%arg14 : memref<128x128xf32, #tpu.memory_space<vmem>>) target(%dma_start3A_145 : memref<128x128xf32, #tpu.memory_space<vmem_shared>>) target_semaphore(%run_scoped3A : memref<!tpu.dma_semaphore, #tpu.memory_space<semaphore_mem>>)
        %dma_wait3A_146 = arith.constant 0 : i32
        %dma_wait3A_147 = tpu.memref_slice %arg7[%add3A_136, %dma_wait3A_146] : memref<10000x128xf32, #tpu.memory_space<vmem_shared>> -> memref<128x128xf32, #tpu.memory_space<vmem_shared>>
        %dma_wait3A_148 = arith.constant 0 : i32
        %dma_wait3A_149 = tpu.memref_slice %arg7[%add3A_136, %dma_wait3A_148] : memref<10000x128xf32, #tpu.memory_space<vmem_shared>> -> memref<128x128xf32, #tpu.memory_space<vmem_shared>>
        tpu.wait_dma2 semaphore(%run_scoped3A : memref<!tpu.dma_semaphore, #tpu.memory_space<semaphore_mem>>) src(%arg14 : memref<128x128xf32, #tpu.memory_space<vmem>>) dst(%dma_wait3A_149 : memref<128x128xf32, #tpu.memory_space<vmem_shared>>)
        tpu.yield
      }) : () -> ()
      %add3A_137 = arith.constant 384 : i32
      %add3A_138 = arith.addi %mul3A_2, %add3A_137 : i32
      "tpu.region"() ({
        %run_scoped3A = tpu.sem_alloc : memref<!tpu.dma_semaphore, #tpu.memory_space<semaphore_mem>>
        %dma_start3A_142 = arith.constant 0 : i32
        %dma_start3A_143 = tpu.memref_slice %arg7[%add3A_138, %dma_start3A_142] : memref<10000x128xf32, #tpu.memory_space<vmem_shared>> -> memref<128x128xf32, #tpu.memory_space<vmem_shared>>
        %dma_start3A_144 = arith.constant 0 : i32
        %dma_start3A_145 = tpu.memref_slice %arg7[%add3A_138, %dma_start3A_144] : memref<10000x128xf32, #tpu.memory_space<vmem_shared>> -> memref<128x128xf32, #tpu.memory_space<vmem_shared>>
        tpu.enqueue_dma source(%arg14 : memref<128x128xf32, #tpu.memory_space<vmem>>) target(%dma_start3A_145 : memref<128x128xf32, #tpu.memory_space<vmem_shared>>) target_semaphore(%run_scoped3A : memref<!tpu.dma_semaphore, #tpu.memory_space<semaphore_mem>>)
        %dma_wait3A_146 = arith.constant 0 : i32
        %dma_wait3A_147 = tpu.memref_slice %arg7[%add3A_138, %dma_wait3A_146] : memref<10000x128xf32, #tpu.memory_space<vmem_shared>> -> memref<128x128xf32, #tpu.memory_space<vmem_shared>>
        %dma_wait3A_148 = arith.constant 0 : i32
        %dma_wait3A_149 = tpu.memref_slice %arg7[%add3A_138, %dma_wait3A_148] : memref<10000x128xf32, #tpu.memory_space<vmem_shared>> -> memref<128x128xf32, #tpu.memory_space<vmem_shared>>
        tpu.wait_dma2 semaphore(%run_scoped3A : memref<!tpu.dma_semaphore, #tpu.memory_space<semaphore_mem>>) src(%arg14 : memref<128x128xf32, #tpu.memory_space<vmem>>) dst(%dma_wait3A_149 : memref<128x128xf32, #tpu.memory_space<vmem_shared>>)
        tpu.yield
      }) : () -> ()
      %add3A_139 = arith.constant 520 : i32
      %add3A_140 = arith.addi %mul3A_2, %add3A_139 : i32
      %sub3A = arith.constant 8 : i32
      %sub3A_141 = arith.subi %add3A_140, %sub3A : i32
      "tpu.region"() ({
        %run_scoped3A = tpu.sem_alloc : memref<!tpu.dma_semaphore, #tpu.memory_space<semaphore_mem>>
        %dma_start3A_142 = arith.constant 0 : i32
        %dma_start3A_143 = arith.constant 0 : i32
        %dma_start3A_144 = tpu.memref_slice %arg14[%dma_start3A_142, %dma_start3A_143] : memref<128x128xf32, #tpu.memory_space<vmem>> -> memref<8x128xf32, #tpu.memory_space<vmem>>
        %dma_start3A_145 = arith.constant 0 : i32
        %dma_start3A_146 = tpu.memref_slice %arg7[%sub3A_141, %dma_start3A_145] : memref<10000x128xf32, #tpu.memory_space<vmem_shared>> -> memref<8x128xf32, #tpu.memory_space<vmem_shared>>
        %dma_start3A_147 = arith.constant 0 : i32
        %dma_start3A_148 = tpu.memref_slice %arg7[%sub3A_141, %dma_start3A_147] : memref<10000x128xf32, #tpu.memory_space<vmem_shared>> -> memref<8x128xf32, #tpu.memory_space<vmem_shared>>
        %dma_start3A_149 = arith.constant 0 : i32
        %dma_start3A_150 = arith.constant 0 : i32
        %dma_start3A_151 = tpu.memref_slice %arg14[%dma_start3A_149, %dma_start3A_150] : memref<128x128xf32, #tpu.memory_space<vmem>> -> memref<8x128xf32, #tpu.memory_space<vmem>>
        tpu.enqueue_dma source(%dma_start3A_151 : memref<8x128xf32, #tpu.memory_space<vmem>>) target(%dma_start3A_148 : memref<8x128xf32, #tpu.memory_space<vmem_shared>>) target_semaphore(%run_scoped3A : memref<!tpu.dma_semaphore, #tpu.memory_space<semaphore_mem>>)
        %dma_wait3A_152 = arith.constant 0 : i32
        %dma_wait3A_153 = arith.constant 0 : i32
        %dma_wait3A_154 = tpu.memref_slice %arg14[%dma_wait3A_152, %dma_wait3A_153] : memref<128x128xf32, #tpu.memory_space<vmem>> -> memref<8x128xf32, #tpu.memory_space<vmem>>
        %dma_wait3A_155 = arith.constant 0 : i32
        %dma_wait3A_156 = tpu.memref_slice %arg7[%sub3A_141, %dma_wait3A_155] : memref<10000x128xf32, #tpu.memory_space<vmem_shared>> -> memref<8x128xf32, #tpu.memory_space<vmem_shared>>
        %dma_wait3A_157 = arith.constant 0 : i32
        %dma_wait3A_158 = tpu.memref_slice %arg7[%sub3A_141, %dma_wait3A_157] : memref<10000x128xf32, #tpu.memory_space<vmem_shared>> -> memref<8x128xf32, #tpu.memory_space<vmem_shared>>
        %dma_wait3A_159 = arith.constant 0 : i32
        %dma_wait3A_160 = arith.constant 0 : i32
        %dma_wait3A_161 = tpu.memref_slice %arg14[%dma_wait3A_159, %dma_wait3A_160] : memref<128x128xf32, #tpu.memory_space<vmem>> -> memref<8x128xf32, #tpu.memory_space<vmem>>
        tpu.wait_dma2 semaphore(%run_scoped3A : memref<!tpu.dma_semaphore, #tpu.memory_space<semaphore_mem>>) src(%dma_wait3A_161 : memref<8x128xf32, #tpu.memory_space<vmem>>) dst(%dma_wait3A_158 : memref<8x128xf32, #tpu.memory_space<vmem_shared>>)
        tpu.yield
      }) : () -> ()
    } else {
    }
    %barrier3A = arith.constant 0 : index
    tpu.barrier barrier_id(%barrier3A)
    %mul3A_15 = arith.constant 78 : i32
    %mul3A_16 = arith.muli %mul3A_15, %add3A : i32
    %min3A = arith.constant 4 : i32
    %min3A_17 = arith.minsi %add3A, %min3A : i32
    %add3A_18 = arith.addi %mul3A_16, %min3A_17 : i32
    %dma_start3A = arith.constant 0 : i32
    %dma_start3A_19 = arith.constant 0 : i32
    %dma_start3A_20 = tpu.memref_slice %arg3[%add3A_18, %dma_start3A, %dma_start3A_19] : memref<2500x1x128xi32, #tpu.memory_space<hbm>> -> memref<1x1x128xi32, #tpu.memory_space<hbm>>
    %dma_start3A_21 = tpu.memref_squeeze %dma_start3A_20 : memref<1x1x128xi32, #tpu.memory_space<hbm>> -> memref<128xi32, #tpu.memory_space<hbm>>
    %dma_start3A_22 = arith.constant 0 : i32
    %dma_start3A_23 = tpu.memref_slice %arg3[%add3A_18, %dma_start3A, %dma_start3A_22] : memref<2500x1x128xi32, #tpu.memory_space<hbm>> -> memref<1x1x128xi32, #tpu.memory_space<hbm>>
    %dma_start3A_24 = tpu.memref_squeeze %dma_start3A_23 : memref<1x1x128xi32, #tpu.memory_space<hbm>> -> memref<128xi32, #tpu.memory_space<hbm>>
    tpu.enqueue_dma source(%dma_start3A_24 : memref<128xi32, #tpu.memory_space<hbm>>) target(%arg8 : memref<128xi32, #tpu.memory_space<vmem>>) target_semaphore(%arg17 : memref<!tpu.dma_semaphore, #tpu.memory_space<semaphore_mem>>)
    %dma_start3A_25 = arith.constant 0 : i32
    %dma_start3A_26 = arith.constant 0 : i32
    %dma_start3A_27 = tpu.memref_slice %arg4[%add3A_18, %dma_start3A_25, %dma_start3A_26] : memref<2500x1x128xi32, #tpu.memory_space<hbm>> -> memref<1x1x128xi32, #tpu.memory_space<hbm>>
    %dma_start3A_28 = tpu.memref_squeeze %dma_start3A_27 : memref<1x1x128xi32, #tpu.memory_space<hbm>> -> memref<128xi32, #tpu.memory_space<hbm>>
    %dma_start3A_29 = arith.constant 0 : i32
    %dma_start3A_30 = tpu.memref_slice %arg4[%add3A_18, %dma_start3A_25, %dma_start3A_29] : memref<2500x1x128xi32, #tpu.memory_space<hbm>> -> memref<1x1x128xi32, #tpu.memory_space<hbm>>
    %dma_start3A_31 = tpu.memref_squeeze %dma_start3A_30 : memref<1x1x128xi32, #tpu.memory_space<hbm>> -> memref<128xi32, #tpu.memory_space<hbm>>
    tpu.enqueue_dma source(%dma_start3A_31 : memref<128xi32, #tpu.memory_space<hbm>>) target(%arg9 : memref<128xi32, #tpu.memory_space<vmem>>) target_semaphore(%arg17 : memref<!tpu.dma_semaphore, #tpu.memory_space<semaphore_mem>>)
    %dma_wait3A = arith.constant 0 : i32
    %dma_wait3A_32 = arith.constant 0 : i32
    %dma_wait3A_33 = arith.constant 0 : i32
    %dma_wait3A_34 = tpu.memref_slice %arg3[%dma_wait3A, %dma_wait3A_32, %dma_wait3A_33] : memref<2500x1x128xi32, #tpu.memory_space<hbm>> -> memref<1x1x128xi32, #tpu.memory_space<hbm>>
    %dma_wait3A_35 = tpu.memref_squeeze %dma_wait3A_34 : memref<1x1x128xi32, #tpu.memory_space<hbm>> -> memref<128xi32, #tpu.memory_space<hbm>>
    %dma_wait3A_36 = arith.constant 0 : i32
    %dma_wait3A_37 = tpu.memref_slice %arg3[%dma_wait3A, %dma_wait3A_32, %dma_wait3A_36] : memref<2500x1x128xi32, #tpu.memory_space<hbm>> -> memref<1x1x128xi32, #tpu.memory_space<hbm>>
    %dma_wait3A_38 = tpu.memref_squeeze %dma_wait3A_37 : memref<1x1x128xi32, #tpu.memory_space<hbm>> -> memref<128xi32, #tpu.memory_space<hbm>>
    tpu.wait_dma2 semaphore(%arg17 : memref<!tpu.dma_semaphore, #tpu.memory_space<semaphore_mem>>) src(%dma_wait3A_38 : memref<128xi32, #tpu.memory_space<hbm>>) dst(%arg8 : memref<128xi32, #tpu.memory_space<vmem>>)
    %dma_wait3A_39 = arith.constant 0 : i32
    %dma_wait3A_40 = arith.constant 0 : i32
    %dma_wait3A_41 = arith.constant 0 : i32
    %dma_wait3A_42 = tpu.memref_slice %arg4[%dma_wait3A_39, %dma_wait3A_40, %dma_wait3A_41] : memref<2500x1x128xi32, #tpu.memory_space<hbm>> -> memref<1x1x128xi32, #tpu.memory_space<hbm>>
    %dma_wait3A_43 = tpu.memref_squeeze %dma_wait3A_42 : memref<1x1x128xi32, #tpu.memory_space<hbm>> -> memref<128xi32, #tpu.memory_space<hbm>>
    %dma_wait3A_44 = arith.constant 0 : i32
    %dma_wait3A_45 = tpu.memref_slice %arg4[%dma_wait3A_39, %dma_wait3A_40, %dma_wait3A_44] : memref<2500x1x128xi32, #tpu.memory_space<hbm>> -> memref<1x1x128xi32, #tpu.memory_space<hbm>>
    %dma_wait3A_46 = tpu.memref_squeeze %dma_wait3A_45 : memref<1x1x128xi32, #tpu.memory_space<hbm>> -> memref<128xi32, #tpu.memory_space<hbm>>
    tpu.wait_dma2 semaphore(%arg17 : memref<!tpu.dma_semaphore, #tpu.memory_space<semaphore_mem>>) src(%dma_wait3A_46 : memref<128xi32, #tpu.memory_space<hbm>>) dst(%arg9 : memref<128xi32, #tpu.memory_space<vmem>>)
    %add3A_47 = arith.constant 1 : i32
    %add3A_48 = arith.addi %add3A_18, %add3A_47 : i32
    %dma_start3A_49 = arith.constant 0 : i32
    %dma_start3A_50 = arith.constant 0 : i32
    %dma_start3A_51 = tpu.memref_slice %arg3[%add3A_48, %dma_start3A_49, %dma_start3A_50] : memref<2500x1x128xi32, #tpu.memory_space<hbm>> -> memref<1x1x128xi32, #tpu.memory_space<hbm>>
    %dma_start3A_52 = tpu.memref_squeeze %dma_start3A_51 : memref<1x1x128xi32, #tpu.memory_space<hbm>> -> memref<128xi32, #tpu.memory_space<hbm>>
    %dma_start3A_53 = arith.constant 0 : i32
    %dma_start3A_54 = tpu.memref_slice %arg3[%add3A_48, %dma_start3A_49, %dma_start3A_53] : memref<2500x1x128xi32, #tpu.memory_space<hbm>> -> memref<1x1x128xi32, #tpu.memory_space<hbm>>
    %dma_start3A_55 = tpu.memref_squeeze %dma_start3A_54 : memref<1x1x128xi32, #tpu.memory_space<hbm>> -> memref<128xi32, #tpu.memory_space<hbm>>
    tpu.enqueue_dma source(%dma_start3A_55 : memref<128xi32, #tpu.memory_space<hbm>>) target(%arg10 : memref<128xi32, #tpu.memory_space<vmem>>) target_semaphore(%arg18 : memref<!tpu.dma_semaphore, #tpu.memory_space<semaphore_mem>>)
    %dma_start3A_56 = arith.constant 0 : i32
    %dma_start3A_57 = arith.constant 0 : i32
    %dma_start3A_58 = tpu.memref_slice %arg4[%add3A_48, %dma_start3A_56, %dma_start3A_57] : memref<2500x1x128xi32, #tpu.memory_space<hbm>> -> memref<1x1x128xi32, #tpu.memory_space<hbm>>
    %dma_start3A_59 = tpu.memref_squeeze %dma_start3A_58 : memref<1x1x128xi32, #tpu.memory_space<hbm>> -> memref<128xi32, #tpu.memory_space<hbm>>
    %dma_start3A_60 = arith.constant 0 : i32
    %dma_start3A_61 = tpu.memref_slice %arg4[%add3A_48, %dma_start3A_56, %dma_start3A_60] : memref<2500x1x128xi32, #tpu.memory_space<hbm>> -> memref<1x1x128xi32, #tpu.memory_space<hbm>>
    %dma_start3A_62 = tpu.memref_squeeze %dma_start3A_61 : memref<1x1x128xi32, #tpu.memory_space<hbm>> -> memref<128xi32, #tpu.memory_space<hbm>>
    tpu.enqueue_dma source(%dma_start3A_62 : memref<128xi32, #tpu.memory_space<hbm>>) target(%arg11 : memref<128xi32, #tpu.memory_space<vmem>>) target_semaphore(%arg18 : memref<!tpu.dma_semaphore, #tpu.memory_space<semaphore_mem>>)
    %dma_start3A_63 = arith.constant 0 : i32
    %dma_start3A_64 = arith.constant 0 : i32
    %dma_start3A_65 = tpu.memref_slice %arg2[%dma_start3A_63, %dma_start3A_64] : memref<10000x128xf32, #tpu.memory_space<hbm>> -> memref<10000x128xf32, #tpu.memory_space<hbm>>
    tpu.enqueue_indirect_dma source(%dma_start3A_65 : memref<10000x128xf32, #tpu.memory_space<hbm>>) target(%arg14 : memref<128x128xf32, #tpu.memory_space<vmem>>) offsets(%arg8 : memref<128xi32, #tpu.memory_space<vmem>>) semaphore(%arg20 : memref<!tpu.dma_semaphore, #tpu.memory_space<semaphore_mem>>)
    %dma_wait3A_66 = arith.constant 0 : i32
    %dma_wait3A_67 = arith.constant 0 : i32
    %dma_wait3A_68 = arith.constant 0 : i32
    %dma_wait3A_69 = tpu.memref_slice %arg3[%dma_wait3A_66, %dma_wait3A_67, %dma_wait3A_68] : memref<2500x1x128xi32, #tpu.memory_space<hbm>> -> memref<1x1x128xi32, #tpu.memory_space<hbm>>
    %dma_wait3A_70 = tpu.memref_squeeze %dma_wait3A_69 : memref<1x1x128xi32, #tpu.memory_space<hbm>> -> memref<128xi32, #tpu.memory_space<hbm>>
    %dma_wait3A_71 = arith.constant 0 : i32
    %dma_wait3A_72 = tpu.memref_slice %arg3[%dma_wait3A_66, %dma_wait3A_67, %dma_wait3A_71] : memref<2500x1x128xi32, #tpu.memory_space<hbm>> -> memref<1x1x128xi32, #tpu.memory_space<hbm>>
    %dma_wait3A_73 = tpu.memref_squeeze %dma_wait3A_72 : memref<1x1x128xi32, #tpu.memory_space<hbm>> -> memref<128xi32, #tpu.memory_space<hbm>>
    tpu.wait_dma2 semaphore(%arg18 : memref<!tpu.dma_semaphore, #tpu.memory_space<semaphore_mem>>) src(%dma_wait3A_73 : memref<128xi32, #tpu.memory_space<hbm>>) dst(%arg10 : memref<128xi32, #tpu.memory_space<vmem>>)
    %dma_wait3A_74 = arith.constant 0 : i32
    %dma_wait3A_75 = arith.constant 0 : i32
    %dma_wait3A_76 = arith.constant 0 : i32
    %dma_wait3A_77 = tpu.memref_slice %arg4[%dma_wait3A_74, %dma_wait3A_75, %dma_wait3A_76] : memref<2500x1x128xi32, #tpu.memory_space<hbm>> -> memref<1x1x128xi32, #tpu.memory_space<hbm>>
    %dma_wait3A_78 = tpu.memref_squeeze %dma_wait3A_77 : memref<1x1x128xi32, #tpu.memory_space<hbm>> -> memref<128xi32, #tpu.memory_space<hbm>>
    %dma_wait3A_79 = arith.constant 0 : i32
    %dma_wait3A_80 = tpu.memref_slice %arg4[%dma_wait3A_74, %dma_wait3A_75, %dma_wait3A_79] : memref<2500x1x128xi32, #tpu.memory_space<hbm>> -> memref<1x1x128xi32, #tpu.memory_space<hbm>>
    %dma_wait3A_81 = tpu.memref_squeeze %dma_wait3A_80 : memref<1x1x128xi32, #tpu.memory_space<hbm>> -> memref<128xi32, #tpu.memory_space<hbm>>
    tpu.wait_dma2 semaphore(%arg18 : memref<!tpu.dma_semaphore, #tpu.memory_space<semaphore_mem>>) src(%dma_wait3A_81 : memref<128xi32, #tpu.memory_space<hbm>>) dst(%arg11 : memref<128xi32, #tpu.memory_space<vmem>>)
    %scan3A_82 = arith.constant 0 : i32
    %scan3A_83 = arith.constant 0 : i32
    %scan3A_84 = arith.constant 13 : i32
    %scan3A_85 = arith.addi %scan3A_83, %scan3A_84 : i32
    %scan3A_86 = arith.constant 1 : i32
    scf.for %scan3A_131 = %scan3A_83 to %scan3A_85 step %scan3A_86  : i32 {
      %mul3A_132 = arith.constant 6 : i32
      %mul3A_133 = arith.muli %mul3A_132, %scan3A_131 : i32
      %add3A_134 = arith.addi %add3A_18, %mul3A_133 : i32
      %mul3A_135 = arith.constant 6 : i32
      %mul3A_136 = arith.muli %mul3A_135, %scan3A_131 : i32
      %add3A_137 = arith.constant 0 : i32
      %add3A_138 = arith.addi %mul3A_136, %add3A_137 : i32
      %add3A_139 = arith.constant 1 : i32
      %add3A_140 = arith.addi %add3A_138, %add3A_139 : i32
      %lt3A_141 = arith.constant 78 : i32
      %lt3A_142 = arith.cmpi slt, %add3A_140, %lt3A_141 : i32
      %gt3A = arith.constant 0 : i32
      %gt3A_143 = arith.cmpi sgt, %scan3A_131, %gt3A : i32
      %and3A_144 = arith.andi %lt3A_142, %gt3A_143 : i1
      %eq3A_145 = arith.constant 0 : i32
      %eq3A_146 = arith.cmpi eq, %scan3A_131, %eq3A_145 : i32
      %convert_element_type3A_147 = arith.extui %eq3A_146 : i1 to i32
      %cond3A_148 = arith.constant 0 : i32
      %cond3A_149 = arith.cmpi ne, %convert_element_type3A_147, %cond3A_148 : i32
      scf.if %cond3A_149 {
        %dma_start3A_330 = arith.constant 0 : i32
        %dma_start3A_331 = arith.constant 0 : i32
        %dma_start3A_332 = tpu.memref_slice %arg2[%dma_start3A_330, %dma_start3A_331] : memref<10000x128xf32, #tpu.memory_space<hbm>> -> memref<10000x128xf32, #tpu.memory_space<hbm>>
        tpu.enqueue_indirect_dma source(%dma_start3A_332 : memref<10000x128xf32, #tpu.memory_space<hbm>>) target(%arg15 : memref<128x128xf32, #tpu.memory_space<vmem>>) offsets(%arg10 : memref<128xi32, #tpu.memory_space<vmem>>) semaphore(%arg21 : memref<!tpu.dma_semaphore, #tpu.memory_space<semaphore_mem>>)
      } else {
      }
      %convert_element_type3A_150 = arith.extui %and3A_144 : i1 to i32
      %cond3A_151 = arith.constant 0 : i32
      %cond3A_152 = arith.cmpi ne, %convert_element_type3A_150, %cond3A_151 : i32
      scf.if %cond3A_152 {
        %dma_wait3A_330 = arith.constant 0 : i32
        %dma_wait3A_331 = arith.constant 0 : i32
        %dma_wait3A_332 = tpu.memref_slice %arg7[%dma_wait3A_330, %dma_wait3A_331] : memref<10000x128xf32, #tpu.memory_space<vmem_shared>> -> memref<10000x128xf32, #tpu.memory_space<vmem_shared>>
        tpu.wait_indirect_dma semaphore(%arg23 : memref<!tpu.dma_semaphore, #tpu.memory_space<semaphore_mem>>) src(%arg14 : memref<128x128xf32, #tpu.memory_space<vmem>>) dst(%dma_wait3A_332 : memref<10000x128xf32, #tpu.memory_space<vmem_shared>>)
        %dma_start3A_333 = arith.constant 0 : i32
        %dma_start3A_334 = arith.constant 0 : i32
        %dma_start3A_335 = tpu.memref_slice %arg2[%dma_start3A_333, %dma_start3A_334] : memref<10000x128xf32, #tpu.memory_space<hbm>> -> memref<10000x128xf32, #tpu.memory_space<hbm>>
        tpu.enqueue_indirect_dma source(%dma_start3A_335 : memref<10000x128xf32, #tpu.memory_space<hbm>>) target(%arg15 : memref<128x128xf32, #tpu.memory_space<vmem>>) offsets(%arg10 : memref<128xi32, #tpu.memory_space<vmem>>) semaphore(%arg21 : memref<!tpu.dma_semaphore, #tpu.memory_space<semaphore_mem>>)
      } else {
      }
      %add3A_153 = arith.constant 2 : i32
      %add3A_154 = arith.addi %add3A_138, %add3A_153 : i32
      %lt3A_155 = arith.constant 78 : i32
      %lt3A_156 = arith.cmpi slt, %add3A_154, %lt3A_155 : i32
      %convert_element_type3A_157 = arith.extui %lt3A_156 : i1 to i32
      %cond3A_158 = arith.constant 0 : i32
      %cond3A_159 = arith.cmpi ne, %convert_element_type3A_157, %cond3A_158 : i32
      scf.if %cond3A_159 {
        %add3A_330 = arith.constant 0 : i32
        %add3A_331 = arith.addi %add3A_134, %add3A_330 : i32
        %add3A_332 = arith.constant 2 : i32
        %add3A_333 = arith.addi %add3A_331, %add3A_332 : i32
        %dma_start3A_334 = arith.constant 0 : i32
        %dma_start3A_335 = arith.constant 0 : i32
        %dma_start3A_336 = tpu.memref_slice %arg3[%add3A_333, %dma_start3A_334, %dma_start3A_335] : memref<2500x1x128xi32, #tpu.memory_space<hbm>> -> memref<1x1x128xi32, #tpu.memory_space<hbm>>
        %dma_start3A_337 = tpu.memref_squeeze %dma_start3A_336 : memref<1x1x128xi32, #tpu.memory_space<hbm>> -> memref<128xi32, #tpu.memory_space<hbm>>
        %dma_start3A_338 = arith.constant 0 : i32
        %dma_start3A_339 = tpu.memref_slice %arg3[%add3A_333, %dma_start3A_334, %dma_start3A_338] : memref<2500x1x128xi32, #tpu.memory_space<hbm>> -> memref<1x1x128xi32, #tpu.memory_space<hbm>>
        %dma_start3A_340 = tpu.memref_squeeze %dma_start3A_339 : memref<1x1x128xi32, #tpu.memory_space<hbm>> -> memref<128xi32, #tpu.memory_space<hbm>>
        tpu.enqueue_dma source(%dma_start3A_340 : memref<128xi32, #tpu.memory_space<hbm>>) target(%arg12 : memref<128xi32, #tpu.memory_space<vmem>>) target_semaphore(%arg19 : memref<!tpu.dma_semaphore, #tpu.memory_space<semaphore_mem>>)
        %dma_start3A_341 = arith.constant 0 : i32
        %dma_start3A_342 = arith.constant 0 : i32
        %dma_start3A_343 = tpu.memref_slice %arg4[%add3A_333, %dma_start3A_341, %dma_start3A_342] : memref<2500x1x128xi32, #tpu.memory_space<hbm>> -> memref<1x1x128xi32, #tpu.memory_space<hbm>>
        %dma_start3A_344 = tpu.memref_squeeze %dma_start3A_343 : memref<1x1x128xi32, #tpu.memory_space<hbm>> -> memref<128xi32, #tpu.memory_space<hbm>>
        %dma_start3A_345 = arith.constant 0 : i32
        %dma_start3A_346 = tpu.memref_slice %arg4[%add3A_333, %dma_start3A_341, %dma_start3A_345] : memref<2500x1x128xi32, #tpu.memory_space<hbm>> -> memref<1x1x128xi32, #tpu.memory_space<hbm>>
        %dma_start3A_347 = tpu.memref_squeeze %dma_start3A_346 : memref<1x1x128xi32, #tpu.memory_space<hbm>> -> memref<128xi32, #tpu.memory_space<hbm>>
        tpu.enqueue_dma source(%dma_start3A_347 : memref<128xi32, #tpu.memory_space<hbm>>) target(%arg13 : memref<128xi32, #tpu.memory_space<vmem>>) target_semaphore(%arg19 : memref<!tpu.dma_semaphore, #tpu.memory_space<semaphore_mem>>)
      } else {
      }
      %dma_wait3A_160 = arith.constant 0 : i32
      %dma_wait3A_161 = arith.constant 0 : i32
      %dma_wait3A_162 = tpu.memref_slice %arg2[%dma_wait3A_160, %dma_wait3A_161] : memref<10000x128xf32, #tpu.memory_space<hbm>> -> memref<10000x128xf32, #tpu.memory_space<hbm>>
      tpu.wait_indirect_dma semaphore(%arg20 : memref<!tpu.dma_semaphore, #tpu.memory_space<semaphore_mem>>) src(%dma_wait3A_162 : memref<10000x128xf32, #tpu.memory_space<hbm>>) dst(%arg14 : memref<128x128xf32, #tpu.memory_space<vmem>>)
      %dma_start3A_163 = arith.constant 0 : i32
      %dma_start3A_164 = arith.constant 0 : i32
      %dma_start3A_165 = tpu.memref_slice %arg7[%dma_start3A_163, %dma_start3A_164] : memref<10000x128xf32, #tpu.memory_space<vmem_shared>> -> memref<10000x128xf32, #tpu.memory_space<vmem_shared>>
      tpu.enqueue_indirect_dma source(%arg14 : memref<128x128xf32, #tpu.memory_space<vmem>>) target(%dma_start3A_165 : memref<10000x128xf32, #tpu.memory_space<vmem_shared>>) offsets(%arg9 : memref<128xi32, #tpu.memory_space<vmem>>) semaphore(%arg22 : memref<!tpu.dma_semaphore, #tpu.memory_space<semaphore_mem>>) {add = true}
      %add3A_166 = arith.constant 2 : i32
      %add3A_167 = arith.addi %add3A_138, %add3A_166 : i32
      %lt3A_168 = arith.constant 78 : i32
      %lt3A_169 = arith.cmpi slt, %add3A_167, %lt3A_168 : i32
      %convert_element_type3A_170 = arith.extui %lt3A_169 : i1 to i32
      %cond3A_171 = arith.constant 0 : i32
      %cond3A_172 = arith.cmpi ne, %convert_element_type3A_170, %cond3A_171 : i32
      scf.if %cond3A_172 {
        %dma_wait3A_330 = arith.constant 0 : i32
        %dma_wait3A_331 = arith.constant 0 : i32
        %dma_wait3A_332 = arith.constant 0 : i32
        %dma_wait3A_333 = tpu.memref_slice %arg3[%dma_wait3A_330, %dma_wait3A_331, %dma_wait3A_332] : memref<2500x1x128xi32, #tpu.memory_space<hbm>> -> memref<1x1x128xi32, #tpu.memory_space<hbm>>
        %dma_wait3A_334 = tpu.memref_squeeze %dma_wait3A_333 : memref<1x1x128xi32, #tpu.memory_space<hbm>> -> memref<128xi32, #tpu.memory_space<hbm>>
        %dma_wait3A_335 = arith.constant 0 : i32
        %dma_wait3A_336 = tpu.memref_slice %arg3[%dma_wait3A_330, %dma_wait3A_331, %dma_wait3A_335] : memref<2500x1x128xi32, #tpu.memory_space<hbm>> -> memref<1x1x128xi32, #tpu.memory_space<hbm>>
        %dma_wait3A_337 = tpu.memref_squeeze %dma_wait3A_336 : memref<1x1x128xi32, #tpu.memory_space<hbm>> -> memref<128xi32, #tpu.memory_space<hbm>>
        tpu.wait_dma2 semaphore(%arg19 : memref<!tpu.dma_semaphore, #tpu.memory_space<semaphore_mem>>) src(%dma_wait3A_337 : memref<128xi32, #tpu.memory_space<hbm>>) dst(%arg12 : memref<128xi32, #tpu.memory_space<vmem>>)
        %dma_wait3A_338 = arith.constant 0 : i32
        %dma_wait3A_339 = arith.constant 0 : i32
        %dma_wait3A_340 = arith.constant 0 : i32
        %dma_wait3A_341 = tpu.memref_slice %arg4[%dma_wait3A_338, %dma_wait3A_339, %dma_wait3A_340] : memref<2500x1x128xi32, #tpu.memory_space<hbm>> -> memref<1x1x128xi32, #tpu.memory_space<hbm>>
        %dma_wait3A_342 = tpu.memref_squeeze %dma_wait3A_341 : memref<1x1x128xi32, #tpu.memory_space<hbm>> -> memref<128xi32, #tpu.memory_space<hbm>>
        %dma_wait3A_343 = arith.constant 0 : i32
        %dma_wait3A_344 = tpu.memref_slice %arg4[%dma_wait3A_338, %dma_wait3A_339, %dma_wait3A_343] : memref<2500x1x128xi32, #tpu.memory_space<hbm>> -> memref<1x1x128xi32, #tpu.memory_space<hbm>>
        %dma_wait3A_345 = tpu.memref_squeeze %dma_wait3A_344 : memref<1x1x128xi32, #tpu.memory_space<hbm>> -> memref<128xi32, #tpu.memory_space<hbm>>
        tpu.wait_dma2 semaphore(%arg19 : memref<!tpu.dma_semaphore, #tpu.memory_space<semaphore_mem>>) src(%dma_wait3A_345 : memref<128xi32, #tpu.memory_space<hbm>>) dst(%arg13 : memref<128xi32, #tpu.memory_space<vmem>>)
      } else {
      }
      %mul3A_173 = arith.constant 6 : i32
      %mul3A_174 = arith.muli %mul3A_173, %scan3A_131 : i32
      %add3A_175 = arith.constant 1 : i32
      %add3A_176 = arith.addi %mul3A_174, %add3A_175 : i32
      %add3A_177 = arith.constant 1 : i32
      %add3A_178 = arith.addi %add3A_176, %add3A_177 : i32
      %lt3A_179 = arith.constant 78 : i32
      %lt3A_180 = arith.cmpi slt, %add3A_178, %lt3A_179 : i32
      %convert_element_type3A_181 = arith.extui %lt3A_180 : i1 to i32
      %cond3A_182 = arith.constant 0 : i32
      %cond3A_183 = arith.cmpi ne, %convert_element_type3A_181, %cond3A_182 : i32
      scf.if %cond3A_183 {
        %dma_wait3A_330 = arith.constant 0 : i32
        %dma_wait3A_331 = arith.constant 0 : i32
        %dma_wait3A_332 = tpu.memref_slice %arg7[%dma_wait3A_330, %dma_wait3A_331] : memref<10000x128xf32, #tpu.memory_space<vmem_shared>> -> memref<10000x128xf32, #tpu.memory_space<vmem_shared>>
        tpu.wait_indirect_dma semaphore(%arg22 : memref<!tpu.dma_semaphore, #tpu.memory_space<semaphore_mem>>) src(%arg14 : memref<128x128xf32, #tpu.memory_space<vmem>>) dst(%dma_wait3A_332 : memref<10000x128xf32, #tpu.memory_space<vmem_shared>>)
        %dma_start3A_333 = arith.constant 0 : i32
        %dma_start3A_334 = arith.constant 0 : i32
        %dma_start3A_335 = tpu.memref_slice %arg2[%dma_start3A_333, %dma_start3A_334] : memref<10000x128xf32, #tpu.memory_space<hbm>> -> memref<10000x128xf32, #tpu.memory_space<hbm>>
        tpu.enqueue_indirect_dma source(%dma_start3A_335 : memref<10000x128xf32, #tpu.memory_space<hbm>>) target(%arg14 : memref<128x128xf32, #tpu.memory_space<vmem>>) offsets(%arg12 : memref<128xi32, #tpu.memory_space<vmem>>) semaphore(%arg20 : memref<!tpu.dma_semaphore, #tpu.memory_space<semaphore_mem>>)
      } else {
      }
      %add3A_184 = arith.constant 2 : i32
      %add3A_185 = arith.addi %add3A_176, %add3A_184 : i32
      %lt3A_186 = arith.constant 78 : i32
      %lt3A_187 = arith.cmpi slt, %add3A_185, %lt3A_186 : i32
      %convert_element_type3A_188 = arith.extui %lt3A_187 : i1 to i32
      %cond3A_189 = arith.constant 0 : i32
      %cond3A_190 = arith.cmpi ne, %convert_element_type3A_188, %cond3A_189 : i32
      scf.if %cond3A_190 {
        %add3A_330 = arith.constant 1 : i32
        %add3A_331 = arith.addi %add3A_134, %add3A_330 : i32
        %add3A_332 = arith.constant 2 : i32
        %add3A_333 = arith.addi %add3A_331, %add3A_332 : i32
        %dma_start3A_334 = arith.constant 0 : i32
        %dma_start3A_335 = arith.constant 0 : i32
        %dma_start3A_336 = tpu.memref_slice %arg3[%add3A_333, %dma_start3A_334, %dma_start3A_335] : memref<2500x1x128xi32, #tpu.memory_space<hbm>> -> memref<1x1x128xi32, #tpu.memory_space<hbm>>
        %dma_start3A_337 = tpu.memref_squeeze %dma_start3A_336 : memref<1x1x128xi32, #tpu.memory_space<hbm>> -> memref<128xi32, #tpu.memory_space<hbm>>
        %dma_start3A_338 = arith.constant 0 : i32
        %dma_start3A_339 = tpu.memref_slice %arg3[%add3A_333, %dma_start3A_334, %dma_start3A_338] : memref<2500x1x128xi32, #tpu.memory_space<hbm>> -> memref<1x1x128xi32, #tpu.memory_space<hbm>>
        %dma_start3A_340 = tpu.memref_squeeze %dma_start3A_339 : memref<1x1x128xi32, #tpu.memory_space<hbm>> -> memref<128xi32, #tpu.memory_space<hbm>>
        tpu.enqueue_dma source(%dma_start3A_340 : memref<128xi32, #tpu.memory_space<hbm>>) target(%arg8 : memref<128xi32, #tpu.memory_space<vmem>>) target_semaphore(%arg17 : memref<!tpu.dma_semaphore, #tpu.memory_space<semaphore_mem>>)
        %dma_start3A_341 = arith.constant 0 : i32
        %dma_start3A_342 = arith.constant 0 : i32
        %dma_start3A_343 = tpu.memref_slice %arg4[%add3A_333, %dma_start3A_341, %dma_start3A_342] : memref<2500x1x128xi32, #tpu.memory_space<hbm>> -> memref<1x1x128xi32, #tpu.memory_space<hbm>>
        %dma_start3A_344 = tpu.memref_squeeze %dma_start3A_343 : memref<1x1x128xi32, #tpu.memory_space<hbm>> -> memref<128xi32, #tpu.memory_space<hbm>>
        %dma_start3A_345 = arith.constant 0 : i32
        %dma_start3A_346 = tpu.memref_slice %arg4[%add3A_333, %dma_start3A_341, %dma_start3A_345] : memref<2500x1x128xi32, #tpu.memory_space<hbm>> -> memref<1x1x128xi32, #tpu.memory_space<hbm>>
        %dma_start3A_347 = tpu.memref_squeeze %dma_start3A_346 : memref<1x1x128xi32, #tpu.memory_space<hbm>> -> memref<128xi32, #tpu.memory_space<hbm>>
        tpu.enqueue_dma source(%dma_start3A_347 : memref<128xi32, #tpu.memory_space<hbm>>) target(%arg9 : memref<128xi32, #tpu.memory_space<vmem>>) target_semaphore(%arg17 : memref<!tpu.dma_semaphore, #tpu.memory_space<semaphore_mem>>)
      } else {
      }
      %dma_wait3A_191 = arith.constant 0 : i32
      %dma_wait3A_192 = arith.constant 0 : i32
      %dma_wait3A_193 = tpu.memref_slice %arg2[%dma_wait3A_191, %dma_wait3A_192] : memref<10000x128xf32, #tpu.memory_space<hbm>> -> memref<10000x128xf32, #tpu.memory_space<hbm>>
      tpu.wait_indirect_dma semaphore(%arg21 : memref<!tpu.dma_semaphore, #tpu.memory_space<semaphore_mem>>) src(%dma_wait3A_193 : memref<10000x128xf32, #tpu.memory_space<hbm>>) dst(%arg15 : memref<128x128xf32, #tpu.memory_space<vmem>>)
      %dma_start3A_194 = arith.constant 0 : i32
      %dma_start3A_195 = arith.constant 0 : i32
      %dma_start3A_196 = tpu.memref_slice %arg7[%dma_start3A_194, %dma_start3A_195] : memref<10000x128xf32, #tpu.memory_space<vmem_shared>> -> memref<10000x128xf32, #tpu.memory_space<vmem_shared>>
      tpu.enqueue_indirect_dma source(%arg15 : memref<128x128xf32, #tpu.memory_space<vmem>>) target(%dma_start3A_196 : memref<10000x128xf32, #tpu.memory_space<vmem_shared>>) offsets(%arg11 : memref<128xi32, #tpu.memory_space<vmem>>) semaphore(%arg23 : memref<!tpu.dma_semaphore, #tpu.memory_space<semaphore_mem>>) {add = true}
      %add3A_197 = arith.constant 2 : i32
      %add3A_198 = arith.addi %add3A_176, %add3A_197 : i32
      %lt3A_199 = arith.constant 78 : i32
      %lt3A_200 = arith.cmpi slt, %add3A_198, %lt3A_199 : i32
      %convert_element_type3A_201 = arith.extui %lt3A_200 : i1 to i32
      %cond3A_202 = arith.constant 0 : i32
      %cond3A_203 = arith.cmpi ne, %convert_element_type3A_201, %cond3A_202 : i32
      scf.if %cond3A_203 {
        %dma_wait3A_330 = arith.constant 0 : i32
        %dma_wait3A_331 = arith.constant 0 : i32
        %dma_wait3A_332 = arith.constant 0 : i32
        %dma_wait3A_333 = tpu.memref_slice %arg3[%dma_wait3A_330, %dma_wait3A_331, %dma_wait3A_332] : memref<2500x1x128xi32, #tpu.memory_space<hbm>> -> memref<1x1x128xi32, #tpu.memory_space<hbm>>
        %dma_wait3A_334 = tpu.memref_squeeze %dma_wait3A_333 : memref<1x1x128xi32, #tpu.memory_space<hbm>> -> memref<128xi32, #tpu.memory_space<hbm>>
        %dma_wait3A_335 = arith.constant 0 : i32
        %dma_wait3A_336 = tpu.memref_slice %arg3[%dma_wait3A_330, %dma_wait3A_331, %dma_wait3A_335] : memref<2500x1x128xi32, #tpu.memory_space<hbm>> -> memref<1x1x128xi32, #tpu.memory_space<hbm>>
        %dma_wait3A_337 = tpu.memref_squeeze %dma_wait3A_336 : memref<1x1x128xi32, #tpu.memory_space<hbm>> -> memref<128xi32, #tpu.memory_space<hbm>>
        tpu.wait_dma2 semaphore(%arg17 : memref<!tpu.dma_semaphore, #tpu.memory_space<semaphore_mem>>) src(%dma_wait3A_337 : memref<128xi32, #tpu.memory_space<hbm>>) dst(%arg8 : memref<128xi32, #tpu.memory_space<vmem>>)
        %dma_wait3A_338 = arith.constant 0 : i32
        %dma_wait3A_339 = arith.constant 0 : i32
        %dma_wait3A_340 = arith.constant 0 : i32
        %dma_wait3A_341 = tpu.memref_slice %arg4[%dma_wait3A_338, %dma_wait3A_339, %dma_wait3A_340] : memref<2500x1x128xi32, #tpu.memory_space<hbm>> -> memref<1x1x128xi32, #tpu.memory_space<hbm>>
        %dma_wait3A_342 = tpu.memref_squeeze %dma_wait3A_341 : memref<1x1x128xi32, #tpu.memory_space<hbm>> -> memref<128xi32, #tpu.memory_space<hbm>>
        %dma_wait3A_343 = arith.constant 0 : i32
        %dma_wait3A_344 = tpu.memref_slice %arg4[%dma_wait3A_338, %dma_wait3A_339, %dma_wait3A_343] : memref<2500x1x128xi32, #tpu.memory_space<hbm>> -> memref<1x1x128xi32, #tpu.memory_space<hbm>>
        %dma_wait3A_345 = tpu.memref_squeeze %dma_wait3A_344 : memref<1x1x128xi32, #tpu.memory_space<hbm>> -> memref<128xi32, #tpu.memory_space<hbm>>
        tpu.wait_dma2 semaphore(%arg17 : memref<!tpu.dma_semaphore, #tpu.memory_space<semaphore_mem>>) src(%dma_wait3A_345 : memref<128xi32, #tpu.memory_space<hbm>>) dst(%arg9 : memref<128xi32, #tpu.memory_space<vmem>>)
      } else {
      }
      %mul3A_204 = arith.constant 6 : i32
      %mul3A_205 = arith.muli %mul3A_204, %scan3A_131 : i32
      %add3A_206 = arith.constant 2 : i32
      %add3A_207 = arith.addi %mul3A_205, %add3A_206 : i32
      %add3A_208 = arith.constant 1 : i32
      %add3A_209 = arith.addi %add3A_207, %add3A_208 : i32
      %lt3A_210 = arith.constant 78 : i32
      %lt3A_211 = arith.cmpi slt, %add3A_209, %lt3A_210 : i32
      %convert_element_type3A_212 = arith.extui %lt3A_211 : i1 to i32
      %cond3A_213 = arith.constant 0 : i32
      %cond3A_214 = arith.cmpi ne, %convert_element_type3A_212, %cond3A_213 : i32
      scf.if %cond3A_214 {
        %dma_wait3A_330 = arith.constant 0 : i32
        %dma_wait3A_331 = arith.constant 0 : i32
        %dma_wait3A_332 = tpu.memref_slice %arg7[%dma_wait3A_330, %dma_wait3A_331] : memref<10000x128xf32, #tpu.memory_space<vmem_shared>> -> memref<10000x128xf32, #tpu.memory_space<vmem_shared>>
        tpu.wait_indirect_dma semaphore(%arg23 : memref<!tpu.dma_semaphore, #tpu.memory_space<semaphore_mem>>) src(%arg14 : memref<128x128xf32, #tpu.memory_space<vmem>>) dst(%dma_wait3A_332 : memref<10000x128xf32, #tpu.memory_space<vmem_shared>>)
        %dma_start3A_333 = arith.constant 0 : i32
        %dma_start3A_334 = arith.constant 0 : i32
        %dma_start3A_335 = tpu.memref_slice %arg2[%dma_start3A_333, %dma_start3A_334] : memref<10000x128xf32, #tpu.memory_space<hbm>> -> memref<10000x128xf32, #tpu.memory_space<hbm>>
        tpu.enqueue_indirect_dma source(%dma_start3A_335 : memref<10000x128xf32, #tpu.memory_space<hbm>>) target(%arg15 : memref<128x128xf32, #tpu.memory_space<vmem>>) offsets(%arg8 : memref<128xi32, #tpu.memory_space<vmem>>) semaphore(%arg21 : memref<!tpu.dma_semaphore, #tpu.memory_space<semaphore_mem>>)
      } else {
      }
      %add3A_215 = arith.constant 2 : i32
      %add3A_216 = arith.addi %add3A_207, %add3A_215 : i32
      %lt3A_217 = arith.constant 78 : i32
      %lt3A_218 = arith.cmpi slt, %add3A_216, %lt3A_217 : i32
      %convert_element_type3A_219 = arith.extui %lt3A_218 : i1 to i32
      %cond3A_220 = arith.constant 0 : i32
      %cond3A_221 = arith.cmpi ne, %convert_element_type3A_219, %cond3A_220 : i32
      scf.if %cond3A_221 {
        %add3A_330 = arith.constant 2 : i32
        %add3A_331 = arith.addi %add3A_134, %add3A_330 : i32
        %add3A_332 = arith.constant 2 : i32
        %add3A_333 = arith.addi %add3A_331, %add3A_332 : i32
        %dma_start3A_334 = arith.constant 0 : i32
        %dma_start3A_335 = arith.constant 0 : i32
        %dma_start3A_336 = tpu.memref_slice %arg3[%add3A_333, %dma_start3A_334, %dma_start3A_335] : memref<2500x1x128xi32, #tpu.memory_space<hbm>> -> memref<1x1x128xi32, #tpu.memory_space<hbm>>
        %dma_start3A_337 = tpu.memref_squeeze %dma_start3A_336 : memref<1x1x128xi32, #tpu.memory_space<hbm>> -> memref<128xi32, #tpu.memory_space<hbm>>
        %dma_start3A_338 = arith.constant 0 : i32
        %dma_start3A_339 = tpu.memref_slice %arg3[%add3A_333, %dma_start3A_334, %dma_start3A_338] : memref<2500x1x128xi32, #tpu.memory_space<hbm>> -> memref<1x1x128xi32, #tpu.memory_space<hbm>>
        %dma_start3A_340 = tpu.memref_squeeze %dma_start3A_339 : memref<1x1x128xi32, #tpu.memory_space<hbm>> -> memref<128xi32, #tpu.memory_space<hbm>>
        tpu.enqueue_dma source(%dma_start3A_340 : memref<128xi32, #tpu.memory_space<hbm>>) target(%arg10 : memref<128xi32, #tpu.memory_space<vmem>>) target_semaphore(%arg18 : memref<!tpu.dma_semaphore, #tpu.memory_space<semaphore_mem>>)
        %dma_start3A_341 = arith.constant 0 : i32
        %dma_start3A_342 = arith.constant 0 : i32
        %dma_start3A_343 = tpu.memref_slice %arg4[%add3A_333, %dma_start3A_341, %dma_start3A_342] : memref<2500x1x128xi32, #tpu.memory_space<hbm>> -> memref<1x1x128xi32, #tpu.memory_space<hbm>>
        %dma_start3A_344 = tpu.memref_squeeze %dma_start3A_343 : memref<1x1x128xi32, #tpu.memory_space<hbm>> -> memref<128xi32, #tpu.memory_space<hbm>>
        %dma_start3A_345 = arith.constant 0 : i32
        %dma_start3A_346 = tpu.memref_slice %arg4[%add3A_333, %dma_start3A_341, %dma_start3A_345] : memref<2500x1x128xi32, #tpu.memory_space<hbm>> -> memref<1x1x128xi32, #tpu.memory_space<hbm>>
        %dma_start3A_347 = tpu.memref_squeeze %dma_start3A_346 : memref<1x1x128xi32, #tpu.memory_space<hbm>> -> memref<128xi32, #tpu.memory_space<hbm>>
        tpu.enqueue_dma source(%dma_start3A_347 : memref<128xi32, #tpu.memory_space<hbm>>) target(%arg11 : memref<128xi32, #tpu.memory_space<vmem>>) target_semaphore(%arg18 : memref<!tpu.dma_semaphore, #tpu.memory_space<semaphore_mem>>)
      } else {
      }
      %dma_wait3A_222 = arith.constant 0 : i32
      %dma_wait3A_223 = arith.constant 0 : i32
      %dma_wait3A_224 = tpu.memref_slice %arg2[%dma_wait3A_222, %dma_wait3A_223] : memref<10000x128xf32, #tpu.memory_space<hbm>> -> memref<10000x128xf32, #tpu.memory_space<hbm>>
      tpu.wait_indirect_dma semaphore(%arg20 : memref<!tpu.dma_semaphore, #tpu.memory_space<semaphore_mem>>) src(%dma_wait3A_224 : memref<10000x128xf32, #tpu.memory_space<hbm>>) dst(%arg14 : memref<128x128xf32, #tpu.memory_space<vmem>>)
      %dma_start3A_225 = arith.constant 0 : i32
      %dma_start3A_226 = arith.constant 0 : i32
      %dma_start3A_227 = tpu.memref_slice %arg7[%dma_start3A_225, %dma_start3A_226] : memref<10000x128xf32, #tpu.memory_space<vmem_shared>> -> memref<10000x128xf32, #tpu.memory_space<vmem_shared>>
      tpu.enqueue_indirect_dma source(%arg14 : memref<128x128xf32, #tpu.memory_space<vmem>>) target(%dma_start3A_227 : memref<10000x128xf32, #tpu.memory_space<vmem_shared>>) offsets(%arg13 : memref<128xi32, #tpu.memory_space<vmem>>) semaphore(%arg22 : memref<!tpu.dma_semaphore, #tpu.memory_space<semaphore_mem>>) {add = true}
      %add3A_228 = arith.constant 2 : i32
      %add3A_229 = arith.addi %add3A_207, %add3A_228 : i32
      %lt3A_230 = arith.constant 78 : i32
      %lt3A_231 = arith.cmpi slt, %add3A_229, %lt3A_230 : i32
      %convert_element_type3A_232 = arith.extui %lt3A_231 : i1 to i32
      %cond3A_233 = arith.constant 0 : i32
      %cond3A_234 = arith.cmpi ne, %convert_element_type3A_232, %cond3A_233 : i32
      scf.if %cond3A_234 {
        %dma_wait3A_330 = arith.constant 0 : i32
        %dma_wait3A_331 = arith.constant 0 : i32
        %dma_wait3A_332 = arith.constant 0 : i32
        %dma_wait3A_333 = tpu.memref_slice %arg3[%dma_wait3A_330, %dma_wait3A_331, %dma_wait3A_332] : memref<2500x1x128xi32, #tpu.memory_space<hbm>> -> memref<1x1x128xi32, #tpu.memory_space<hbm>>
        %dma_wait3A_334 = tpu.memref_squeeze %dma_wait3A_333 : memref<1x1x128xi32, #tpu.memory_space<hbm>> -> memref<128xi32, #tpu.memory_space<hbm>>
        %dma_wait3A_335 = arith.constant 0 : i32
        %dma_wait3A_336 = tpu.memref_slice %arg3[%dma_wait3A_330, %dma_wait3A_331, %dma_wait3A_335] : memref<2500x1x128xi32, #tpu.memory_space<hbm>> -> memref<1x1x128xi32, #tpu.memory_space<hbm>>
        %dma_wait3A_337 = tpu.memref_squeeze %dma_wait3A_336 : memref<1x1x128xi32, #tpu.memory_space<hbm>> -> memref<128xi32, #tpu.memory_space<hbm>>
        tpu.wait_dma2 semaphore(%arg18 : memref<!tpu.dma_semaphore, #tpu.memory_space<semaphore_mem>>) src(%dma_wait3A_337 : memref<128xi32, #tpu.memory_space<hbm>>) dst(%arg10 : memref<128xi32, #tpu.memory_space<vmem>>)
        %dma_wait3A_338 = arith.constant 0 : i32
        %dma_wait3A_339 = arith.constant 0 : i32
        %dma_wait3A_340 = arith.constant 0 : i32
        %dma_wait3A_341 = tpu.memref_slice %arg4[%dma_wait3A_338, %dma_wait3A_339, %dma_wait3A_340] : memref<2500x1x128xi32, #tpu.memory_space<hbm>> -> memref<1x1x128xi32, #tpu.memory_space<hbm>>
        %dma_wait3A_342 = tpu.memref_squeeze %dma_wait3A_341 : memref<1x1x128xi32, #tpu.memory_space<hbm>> -> memref<128xi32, #tpu.memory_space<hbm>>
        %dma_wait3A_343 = arith.constant 0 : i32
        %dma_wait3A_344 = tpu.memref_slice %arg4[%dma_wait3A_338, %dma_wait3A_339, %dma_wait3A_343] : memref<2500x1x128xi32, #tpu.memory_space<hbm>> -> memref<1x1x128xi32, #tpu.memory_space<hbm>>
        %dma_wait3A_345 = tpu.memref_squeeze %dma_wait3A_344 : memref<1x1x128xi32, #tpu.memory_space<hbm>> -> memref<128xi32, #tpu.memory_space<hbm>>
        tpu.wait_dma2 semaphore(%arg18 : memref<!tpu.dma_semaphore, #tpu.memory_space<semaphore_mem>>) src(%dma_wait3A_345 : memref<128xi32, #tpu.memory_space<hbm>>) dst(%arg11 : memref<128xi32, #tpu.memory_space<vmem>>)
      } else {
      }
      %mul3A_235 = arith.constant 6 : i32
      %mul3A_236 = arith.muli %mul3A_235, %scan3A_131 : i32
      %add3A_237 = arith.constant 3 : i32
      %add3A_238 = arith.addi %mul3A_236, %add3A_237 : i32
      %add3A_239 = arith.constant 1 : i32
      %add3A_240 = arith.addi %add3A_238, %add3A_239 : i32
      %lt3A_241 = arith.constant 78 : i32
      %lt3A_242 = arith.cmpi slt, %add3A_240, %lt3A_241 : i32
      %convert_element_type3A_243 = arith.extui %lt3A_242 : i1 to i32
      %cond3A_244 = arith.constant 0 : i32
      %cond3A_245 = arith.cmpi ne, %convert_element_type3A_243, %cond3A_244 : i32
      scf.if %cond3A_245 {
        %dma_wait3A_330 = arith.constant 0 : i32
        %dma_wait3A_331 = arith.constant 0 : i32
        %dma_wait3A_332 = tpu.memref_slice %arg7[%dma_wait3A_330, %dma_wait3A_331] : memref<10000x128xf32, #tpu.memory_space<vmem_shared>> -> memref<10000x128xf32, #tpu.memory_space<vmem_shared>>
        tpu.wait_indirect_dma semaphore(%arg22 : memref<!tpu.dma_semaphore, #tpu.memory_space<semaphore_mem>>) src(%arg14 : memref<128x128xf32, #tpu.memory_space<vmem>>) dst(%dma_wait3A_332 : memref<10000x128xf32, #tpu.memory_space<vmem_shared>>)
        %dma_start3A_333 = arith.constant 0 : i32
        %dma_start3A_334 = arith.constant 0 : i32
        %dma_start3A_335 = tpu.memref_slice %arg2[%dma_start3A_333, %dma_start3A_334] : memref<10000x128xf32, #tpu.memory_space<hbm>> -> memref<10000x128xf32, #tpu.memory_space<hbm>>
        tpu.enqueue_indirect_dma source(%dma_start3A_335 : memref<10000x128xf32, #tpu.memory_space<hbm>>) target(%arg14 : memref<128x128xf32, #tpu.memory_space<vmem>>) offsets(%arg10 : memref<128xi32, #tpu.memory_space<vmem>>) semaphore(%arg20 : memref<!tpu.dma_semaphore, #tpu.memory_space<semaphore_mem>>)
      } else {
      }
      %add3A_246 = arith.constant 2 : i32
      %add3A_247 = arith.addi %add3A_238, %add3A_246 : i32
      %lt3A_248 = arith.constant 78 : i32
      %lt3A_249 = arith.cmpi slt, %add3A_247, %lt3A_248 : i32
      %convert_element_type3A_250 = arith.extui %lt3A_249 : i1 to i32
      %cond3A_251 = arith.constant 0 : i32
      %cond3A_252 = arith.cmpi ne, %convert_element_type3A_250, %cond3A_251 : i32
      scf.if %cond3A_252 {
        %add3A_330 = arith.constant 3 : i32
        %add3A_331 = arith.addi %add3A_134, %add3A_330 : i32
        %add3A_332 = arith.constant 2 : i32
        %add3A_333 = arith.addi %add3A_331, %add3A_332 : i32
        %dma_start3A_334 = arith.constant 0 : i32
        %dma_start3A_335 = arith.constant 0 : i32
        %dma_start3A_336 = tpu.memref_slice %arg3[%add3A_333, %dma_start3A_334, %dma_start3A_335] : memref<2500x1x128xi32, #tpu.memory_space<hbm>> -> memref<1x1x128xi32, #tpu.memory_space<hbm>>
        %dma_start3A_337 = tpu.memref_squeeze %dma_start3A_336 : memref<1x1x128xi32, #tpu.memory_space<hbm>> -> memref<128xi32, #tpu.memory_space<hbm>>
        %dma_start3A_338 = arith.constant 0 : i32
        %dma_start3A_339 = tpu.memref_slice %arg3[%add3A_333, %dma_start3A_334, %dma_start3A_338] : memref<2500x1x128xi32, #tpu.memory_space<hbm>> -> memref<1x1x128xi32, #tpu.memory_space<hbm>>
        %dma_start3A_340 = tpu.memref_squeeze %dma_start3A_339 : memref<1x1x128xi32, #tpu.memory_space<hbm>> -> memref<128xi32, #tpu.memory_space<hbm>>
        tpu.enqueue_dma source(%dma_start3A_340 : memref<128xi32, #tpu.memory_space<hbm>>) target(%arg12 : memref<128xi32, #tpu.memory_space<vmem>>) target_semaphore(%arg19 : memref<!tpu.dma_semaphore, #tpu.memory_space<semaphore_mem>>)
        %dma_start3A_341 = arith.constant 0 : i32
        %dma_start3A_342 = arith.constant 0 : i32
        %dma_start3A_343 = tpu.memref_slice %arg4[%add3A_333, %dma_start3A_341, %dma_start3A_342] : memref<2500x1x128xi32, #tpu.memory_space<hbm>> -> memref<1x1x128xi32, #tpu.memory_space<hbm>>
        %dma_start3A_344 = tpu.memref_squeeze %dma_start3A_343 : memref<1x1x128xi32, #tpu.memory_space<hbm>> -> memref<128xi32, #tpu.memory_space<hbm>>
        %dma_start3A_345 = arith.constant 0 : i32
        %dma_start3A_346 = tpu.memref_slice %arg4[%add3A_333, %dma_start3A_341, %dma_start3A_345] : memref<2500x1x128xi32, #tpu.memory_space<hbm>> -> memref<1x1x128xi32, #tpu.memory_space<hbm>>
        %dma_start3A_347 = tpu.memref_squeeze %dma_start3A_346 : memref<1x1x128xi32, #tpu.memory_space<hbm>> -> memref<128xi32, #tpu.memory_space<hbm>>
        tpu.enqueue_dma source(%dma_start3A_347 : memref<128xi32, #tpu.memory_space<hbm>>) target(%arg13 : memref<128xi32, #tpu.memory_space<vmem>>) target_semaphore(%arg19 : memref<!tpu.dma_semaphore, #tpu.memory_space<semaphore_mem>>)
      } else {
      }
      %dma_wait3A_253 = arith.constant 0 : i32
      %dma_wait3A_254 = arith.constant 0 : i32
      %dma_wait3A_255 = tpu.memref_slice %arg2[%dma_wait3A_253, %dma_wait3A_254] : memref<10000x128xf32, #tpu.memory_space<hbm>> -> memref<10000x128xf32, #tpu.memory_space<hbm>>
      tpu.wait_indirect_dma semaphore(%arg21 : memref<!tpu.dma_semaphore, #tpu.memory_space<semaphore_mem>>) src(%dma_wait3A_255 : memref<10000x128xf32, #tpu.memory_space<hbm>>) dst(%arg15 : memref<128x128xf32, #tpu.memory_space<vmem>>)
      %dma_start3A_256 = arith.constant 0 : i32
      %dma_start3A_257 = arith.constant 0 : i32
      %dma_start3A_258 = tpu.memref_slice %arg7[%dma_start3A_256, %dma_start3A_257] : memref<10000x128xf32, #tpu.memory_space<vmem_shared>> -> memref<10000x128xf32, #tpu.memory_space<vmem_shared>>
      tpu.enqueue_indirect_dma source(%arg15 : memref<128x128xf32, #tpu.memory_space<vmem>>) target(%dma_start3A_258 : memref<10000x128xf32, #tpu.memory_space<vmem_shared>>) offsets(%arg9 : memref<128xi32, #tpu.memory_space<vmem>>) semaphore(%arg23 : memref<!tpu.dma_semaphore, #tpu.memory_space<semaphore_mem>>) {add = true}
      %add3A_259 = arith.constant 2 : i32
      %add3A_260 = arith.addi %add3A_238, %add3A_259 : i32
      %lt3A_261 = arith.constant 78 : i32
      %lt3A_262 = arith.cmpi slt, %add3A_260, %lt3A_261 : i32
      %convert_element_type3A_263 = arith.extui %lt3A_262 : i1 to i32
      %cond3A_264 = arith.constant 0 : i32
      %cond3A_265 = arith.cmpi ne, %convert_element_type3A_263, %cond3A_264 : i32
      scf.if %cond3A_265 {
        %dma_wait3A_330 = arith.constant 0 : i32
        %dma_wait3A_331 = arith.constant 0 : i32
        %dma_wait3A_332 = arith.constant 0 : i32
        %dma_wait3A_333 = tpu.memref_slice %arg3[%dma_wait3A_330, %dma_wait3A_331, %dma_wait3A_332] : memref<2500x1x128xi32, #tpu.memory_space<hbm>> -> memref<1x1x128xi32, #tpu.memory_space<hbm>>
        %dma_wait3A_334 = tpu.memref_squeeze %dma_wait3A_333 : memref<1x1x128xi32, #tpu.memory_space<hbm>> -> memref<128xi32, #tpu.memory_space<hbm>>
        %dma_wait3A_335 = arith.constant 0 : i32
        %dma_wait3A_336 = tpu.memref_slice %arg3[%dma_wait3A_330, %dma_wait3A_331, %dma_wait3A_335] : memref<2500x1x128xi32, #tpu.memory_space<hbm>> -> memref<1x1x128xi32, #tpu.memory_space<hbm>>
        %dma_wait3A_337 = tpu.memref_squeeze %dma_wait3A_336 : memref<1x1x128xi32, #tpu.memory_space<hbm>> -> memref<128xi32, #tpu.memory_space<hbm>>
        tpu.wait_dma2 semaphore(%arg19 : memref<!tpu.dma_semaphore, #tpu.memory_space<semaphore_mem>>) src(%dma_wait3A_337 : memref<128xi32, #tpu.memory_space<hbm>>) dst(%arg12 : memref<128xi32, #tpu.memory_space<vmem>>)
        %dma_wait3A_338 = arith.constant 0 : i32
        %dma_wait3A_339 = arith.constant 0 : i32
        %dma_wait3A_340 = arith.constant 0 : i32
        %dma_wait3A_341 = tpu.memref_slice %arg4[%dma_wait3A_338, %dma_wait3A_339, %dma_wait3A_340] : memref<2500x1x128xi32, #tpu.memory_space<hbm>> -> memref<1x1x128xi32, #tpu.memory_space<hbm>>
        %dma_wait3A_342 = tpu.memref_squeeze %dma_wait3A_341 : memref<1x1x128xi32, #tpu.memory_space<hbm>> -> memref<128xi32, #tpu.memory_space<hbm>>
        %dma_wait3A_343 = arith.constant 0 : i32
        %dma_wait3A_344 = tpu.memref_slice %arg4[%dma_wait3A_338, %dma_wait3A_339, %dma_wait3A_343] : memref<2500x1x128xi32, #tpu.memory_space<hbm>> -> memref<1x1x128xi32, #tpu.memory_space<hbm>>
        %dma_wait3A_345 = tpu.memref_squeeze %dma_wait3A_344 : memref<1x1x128xi32, #tpu.memory_space<hbm>> -> memref<128xi32, #tpu.memory_space<hbm>>
        tpu.wait_dma2 semaphore(%arg19 : memref<!tpu.dma_semaphore, #tpu.memory_space<semaphore_mem>>) src(%dma_wait3A_345 : memref<128xi32, #tpu.memory_space<hbm>>) dst(%arg13 : memref<128xi32, #tpu.memory_space<vmem>>)
      } else {
      }
      %mul3A_266 = arith.constant 6 : i32
      %mul3A_267 = arith.muli %mul3A_266, %scan3A_131 : i32
      %add3A_268 = arith.constant 4 : i32
      %add3A_269 = arith.addi %mul3A_267, %add3A_268 : i32
      %add3A_270 = arith.constant 1 : i32
      %add3A_271 = arith.addi %add3A_269, %add3A_270 : i32
      %lt3A_272 = arith.constant 78 : i32
      %lt3A_273 = arith.cmpi slt, %add3A_271, %lt3A_272 : i32
      %convert_element_type3A_274 = arith.extui %lt3A_273 : i1 to i32
      %cond3A_275 = arith.constant 0 : i32
      %cond3A_276 = arith.cmpi ne, %convert_element_type3A_274, %cond3A_275 : i32
      scf.if %cond3A_276 {
        %dma_wait3A_330 = arith.constant 0 : i32
        %dma_wait3A_331 = arith.constant 0 : i32
        %dma_wait3A_332 = tpu.memref_slice %arg7[%dma_wait3A_330, %dma_wait3A_331] : memref<10000x128xf32, #tpu.memory_space<vmem_shared>> -> memref<10000x128xf32, #tpu.memory_space<vmem_shared>>
        tpu.wait_indirect_dma semaphore(%arg23 : memref<!tpu.dma_semaphore, #tpu.memory_space<semaphore_mem>>) src(%arg14 : memref<128x128xf32, #tpu.memory_space<vmem>>) dst(%dma_wait3A_332 : memref<10000x128xf32, #tpu.memory_space<vmem_shared>>)
        %dma_start3A_333 = arith.constant 0 : i32
        %dma_start3A_334 = arith.constant 0 : i32
        %dma_start3A_335 = tpu.memref_slice %arg2[%dma_start3A_333, %dma_start3A_334] : memref<10000x128xf32, #tpu.memory_space<hbm>> -> memref<10000x128xf32, #tpu.memory_space<hbm>>
        tpu.enqueue_indirect_dma source(%dma_start3A_335 : memref<10000x128xf32, #tpu.memory_space<hbm>>) target(%arg15 : memref<128x128xf32, #tpu.memory_space<vmem>>) offsets(%arg12 : memref<128xi32, #tpu.memory_space<vmem>>) semaphore(%arg21 : memref<!tpu.dma_semaphore, #tpu.memory_space<semaphore_mem>>)
      } else {
      }
      %add3A_277 = arith.constant 2 : i32
      %add3A_278 = arith.addi %add3A_269, %add3A_277 : i32
      %lt3A_279 = arith.constant 78 : i32
      %lt3A_280 = arith.cmpi slt, %add3A_278, %lt3A_279 : i32
      %convert_element_type3A_281 = arith.extui %lt3A_280 : i1 to i32
      %cond3A_282 = arith.constant 0 : i32
      %cond3A_283 = arith.cmpi ne, %convert_element_type3A_281, %cond3A_282 : i32
      scf.if %cond3A_283 {
        %add3A_330 = arith.constant 4 : i32
        %add3A_331 = arith.addi %add3A_134, %add3A_330 : i32
        %add3A_332 = arith.constant 2 : i32
        %add3A_333 = arith.addi %add3A_331, %add3A_332 : i32
        %dma_start3A_334 = arith.constant 0 : i32
        %dma_start3A_335 = arith.constant 0 : i32
        %dma_start3A_336 = tpu.memref_slice %arg3[%add3A_333, %dma_start3A_334, %dma_start3A_335] : memref<2500x1x128xi32, #tpu.memory_space<hbm>> -> memref<1x1x128xi32, #tpu.memory_space<hbm>>
        %dma_start3A_337 = tpu.memref_squeeze %dma_start3A_336 : memref<1x1x128xi32, #tpu.memory_space<hbm>> -> memref<128xi32, #tpu.memory_space<hbm>>
        %dma_start3A_338 = arith.constant 0 : i32
        %dma_start3A_339 = tpu.memref_slice %arg3[%add3A_333, %dma_start3A_334, %dma_start3A_338] : memref<2500x1x128xi32, #tpu.memory_space<hbm>> -> memref<1x1x128xi32, #tpu.memory_space<hbm>>
        %dma_start3A_340 = tpu.memref_squeeze %dma_start3A_339 : memref<1x1x128xi32, #tpu.memory_space<hbm>> -> memref<128xi32, #tpu.memory_space<hbm>>
        tpu.enqueue_dma source(%dma_start3A_340 : memref<128xi32, #tpu.memory_space<hbm>>) target(%arg8 : memref<128xi32, #tpu.memory_space<vmem>>) target_semaphore(%arg17 : memref<!tpu.dma_semaphore, #tpu.memory_space<semaphore_mem>>)
        %dma_start3A_341 = arith.constant 0 : i32
        %dma_start3A_342 = arith.constant 0 : i32
        %dma_start3A_343 = tpu.memref_slice %arg4[%add3A_333, %dma_start3A_341, %dma_start3A_342] : memref<2500x1x128xi32, #tpu.memory_space<hbm>> -> memref<1x1x128xi32, #tpu.memory_space<hbm>>
        %dma_start3A_344 = tpu.memref_squeeze %dma_start3A_343 : memref<1x1x128xi32, #tpu.memory_space<hbm>> -> memref<128xi32, #tpu.memory_space<hbm>>
        %dma_start3A_345 = arith.constant 0 : i32
        %dma_start3A_346 = tpu.memref_slice %arg4[%add3A_333, %dma_start3A_341, %dma_start3A_345] : memref<2500x1x128xi32, #tpu.memory_space<hbm>> -> memref<1x1x128xi32, #tpu.memory_space<hbm>>
        %dma_start3A_347 = tpu.memref_squeeze %dma_start3A_346 : memref<1x1x128xi32, #tpu.memory_space<hbm>> -> memref<128xi32, #tpu.memory_space<hbm>>
        tpu.enqueue_dma source(%dma_start3A_347 : memref<128xi32, #tpu.memory_space<hbm>>) target(%arg9 : memref<128xi32, #tpu.memory_space<vmem>>) target_semaphore(%arg17 : memref<!tpu.dma_semaphore, #tpu.memory_space<semaphore_mem>>)
      } else {
      }
      %dma_wait3A_284 = arith.constant 0 : i32
      %dma_wait3A_285 = arith.constant 0 : i32
      %dma_wait3A_286 = tpu.memref_slice %arg2[%dma_wait3A_284, %dma_wait3A_285] : memref<10000x128xf32, #tpu.memory_space<hbm>> -> memref<10000x128xf32, #tpu.memory_space<hbm>>
      tpu.wait_indirect_dma semaphore(%arg20 : memref<!tpu.dma_semaphore, #tpu.memory_space<semaphore_mem>>) src(%dma_wait3A_286 : memref<10000x128xf32, #tpu.memory_space<hbm>>) dst(%arg14 : memref<128x128xf32, #tpu.memory_space<vmem>>)
      %dma_start3A_287 = arith.constant 0 : i32
      %dma_start3A_288 = arith.constant 0 : i32
      %dma_start3A_289 = tpu.memref_slice %arg7[%dma_start3A_287, %dma_start3A_288] : memref<10000x128xf32, #tpu.memory_space<vmem_shared>> -> memref<10000x128xf32, #tpu.memory_space<vmem_shared>>
      tpu.enqueue_indirect_dma source(%arg14 : memref<128x128xf32, #tpu.memory_space<vmem>>) target(%dma_start3A_289 : memref<10000x128xf32, #tpu.memory_space<vmem_shared>>) offsets(%arg11 : memref<128xi32, #tpu.memory_space<vmem>>) semaphore(%arg22 : memref<!tpu.dma_semaphore, #tpu.memory_space<semaphore_mem>>) {add = true}
      %add3A_290 = arith.constant 2 : i32
      %add3A_291 = arith.addi %add3A_269, %add3A_290 : i32
      %lt3A_292 = arith.constant 78 : i32
      %lt3A_293 = arith.cmpi slt, %add3A_291, %lt3A_292 : i32
      %convert_element_type3A_294 = arith.extui %lt3A_293 : i1 to i32
      %cond3A_295 = arith.constant 0 : i32
      %cond3A_296 = arith.cmpi ne, %convert_element_type3A_294, %cond3A_295 : i32
      scf.if %cond3A_296 {
        %dma_wait3A_330 = arith.constant 0 : i32
        %dma_wait3A_331 = arith.constant 0 : i32
        %dma_wait3A_332 = arith.constant 0 : i32
        %dma_wait3A_333 = tpu.memref_slice %arg3[%dma_wait3A_330, %dma_wait3A_331, %dma_wait3A_332] : memref<2500x1x128xi32, #tpu.memory_space<hbm>> -> memref<1x1x128xi32, #tpu.memory_space<hbm>>
        %dma_wait3A_334 = tpu.memref_squeeze %dma_wait3A_333 : memref<1x1x128xi32, #tpu.memory_space<hbm>> -> memref<128xi32, #tpu.memory_space<hbm>>
        %dma_wait3A_335 = arith.constant 0 : i32
        %dma_wait3A_336 = tpu.memref_slice %arg3[%dma_wait3A_330, %dma_wait3A_331, %dma_wait3A_335] : memref<2500x1x128xi32, #tpu.memory_space<hbm>> -> memref<1x1x128xi32, #tpu.memory_space<hbm>>
        %dma_wait3A_337 = tpu.memref_squeeze %dma_wait3A_336 : memref<1x1x128xi32, #tpu.memory_space<hbm>> -> memref<128xi32, #tpu.memory_space<hbm>>
        tpu.wait_dma2 semaphore(%arg17 : memref<!tpu.dma_semaphore, #tpu.memory_space<semaphore_mem>>) src(%dma_wait3A_337 : memref<128xi32, #tpu.memory_space<hbm>>) dst(%arg8 : memref<128xi32, #tpu.memory_space<vmem>>)
        %dma_wait3A_338 = arith.constant 0 : i32
        %dma_wait3A_339 = arith.constant 0 : i32
        %dma_wait3A_340 = arith.constant 0 : i32
        %dma_wait3A_341 = tpu.memref_slice %arg4[%dma_wait3A_338, %dma_wait3A_339, %dma_wait3A_340] : memref<2500x1x128xi32, #tpu.memory_space<hbm>> -> memref<1x1x128xi32, #tpu.memory_space<hbm>>
        %dma_wait3A_342 = tpu.memref_squeeze %dma_wait3A_341 : memref<1x1x128xi32, #tpu.memory_space<hbm>> -> memref<128xi32, #tpu.memory_space<hbm>>
        %dma_wait3A_343 = arith.constant 0 : i32
        %dma_wait3A_344 = tpu.memref_slice %arg4[%dma_wait3A_338, %dma_wait3A_339, %dma_wait3A_343] : memref<2500x1x128xi32, #tpu.memory_space<hbm>> -> memref<1x1x128xi32, #tpu.memory_space<hbm>>
        %dma_wait3A_345 = tpu.memref_squeeze %dma_wait3A_344 : memref<1x1x128xi32, #tpu.memory_space<hbm>> -> memref<128xi32, #tpu.memory_space<hbm>>
        tpu.wait_dma2 semaphore(%arg17 : memref<!tpu.dma_semaphore, #tpu.memory_space<semaphore_mem>>) src(%dma_wait3A_345 : memref<128xi32, #tpu.memory_space<hbm>>) dst(%arg9 : memref<128xi32, #tpu.memory_space<vmem>>)
      } else {
      }
      %mul3A_297 = arith.constant 6 : i32
      %mul3A_298 = arith.muli %mul3A_297, %scan3A_131 : i32
      %add3A_299 = arith.constant 5 : i32
      %add3A_300 = arith.addi %mul3A_298, %add3A_299 : i32
      %mul3A_301 = arith.constant 6 : i32
      %mul3A_302 = arith.muli %mul3A_301, %scan3A_131 : i32
      %add3A_303 = arith.constant 6 : i32
      %add3A_304 = arith.addi %mul3A_302, %add3A_303 : i32
      %lt3A_305 = arith.constant 78 : i32
      %lt3A_306 = arith.cmpi slt, %add3A_304, %lt3A_305 : i32
      %convert_element_type3A_307 = arith.extui %lt3A_306 : i1 to i32
      %cond3A_308 = arith.constant 0 : i32
      %cond3A_309 = arith.cmpi ne, %convert_element_type3A_307, %cond3A_308 : i32
      scf.if %cond3A_309 {
        %dma_wait3A_330 = arith.constant 0 : i32
        %dma_wait3A_331 = arith.constant 0 : i32
        %dma_wait3A_332 = tpu.memref_slice %arg7[%dma_wait3A_330, %dma_wait3A_331] : memref<10000x128xf32, #tpu.memory_space<vmem_shared>> -> memref<10000x128xf32, #tpu.memory_space<vmem_shared>>
        tpu.wait_indirect_dma semaphore(%arg22 : memref<!tpu.dma_semaphore, #tpu.memory_space<semaphore_mem>>) src(%arg14 : memref<128x128xf32, #tpu.memory_space<vmem>>) dst(%dma_wait3A_332 : memref<10000x128xf32, #tpu.memory_space<vmem_shared>>)
        %dma_start3A_333 = arith.constant 0 : i32
        %dma_start3A_334 = arith.constant 0 : i32
        %dma_start3A_335 = tpu.memref_slice %arg2[%dma_start3A_333, %dma_start3A_334] : memref<10000x128xf32, #tpu.memory_space<hbm>> -> memref<10000x128xf32, #tpu.memory_space<hbm>>
        tpu.enqueue_indirect_dma source(%dma_start3A_335 : memref<10000x128xf32, #tpu.memory_space<hbm>>) target(%arg14 : memref<128x128xf32, #tpu.memory_space<vmem>>) offsets(%arg8 : memref<128xi32, #tpu.memory_space<vmem>>) semaphore(%arg20 : memref<!tpu.dma_semaphore, #tpu.memory_space<semaphore_mem>>)
      } else {
      }
      %add3A_310 = arith.constant 2 : i32
      %add3A_311 = arith.addi %add3A_300, %add3A_310 : i32
      %lt3A_312 = arith.constant 78 : i32
      %lt3A_313 = arith.cmpi slt, %add3A_311, %lt3A_312 : i32
      %convert_element_type3A_314 = arith.extui %lt3A_313 : i1 to i32
      %cond3A_315 = arith.constant 0 : i32
      %cond3A_316 = arith.cmpi ne, %convert_element_type3A_314, %cond3A_315 : i32
      scf.if %cond3A_316 {
        %add3A_330 = arith.constant 5 : i32
        %add3A_331 = arith.addi %add3A_134, %add3A_330 : i32
        %add3A_332 = arith.constant 2 : i32
        %add3A_333 = arith.addi %add3A_331, %add3A_332 : i32
        %dma_start3A_334 = arith.constant 0 : i32
        %dma_start3A_335 = arith.constant 0 : i32
        %dma_start3A_336 = tpu.memref_slice %arg3[%add3A_333, %dma_start3A_334, %dma_start3A_335] : memref<2500x1x128xi32, #tpu.memory_space<hbm>> -> memref<1x1x128xi32, #tpu.memory_space<hbm>>
        %dma_start3A_337 = tpu.memref_squeeze %dma_start3A_336 : memref<1x1x128xi32, #tpu.memory_space<hbm>> -> memref<128xi32, #tpu.memory_space<hbm>>
        %dma_start3A_338 = arith.constant 0 : i32
        %dma_start3A_339 = tpu.memref_slice %arg3[%add3A_333, %dma_start3A_334, %dma_start3A_338] : memref<2500x1x128xi32, #tpu.memory_space<hbm>> -> memref<1x1x128xi32, #tpu.memory_space<hbm>>
        %dma_start3A_340 = tpu.memref_squeeze %dma_start3A_339 : memref<1x1x128xi32, #tpu.memory_space<hbm>> -> memref<128xi32, #tpu.memory_space<hbm>>
        tpu.enqueue_dma source(%dma_start3A_340 : memref<128xi32, #tpu.memory_space<hbm>>) target(%arg10 : memref<128xi32, #tpu.memory_space<vmem>>) target_semaphore(%arg18 : memref<!tpu.dma_semaphore, #tpu.memory_space<semaphore_mem>>)
        %dma_start3A_341 = arith.constant 0 : i32
        %dma_start3A_342 = arith.constant 0 : i32
        %dma_start3A_343 = tpu.memref_slice %arg4[%add3A_333, %dma_start3A_341, %dma_start3A_342] : memref<2500x1x128xi32, #tpu.memory_space<hbm>> -> memref<1x1x128xi32, #tpu.memory_space<hbm>>
        %dma_start3A_344 = tpu.memref_squeeze %dma_start3A_343 : memref<1x1x128xi32, #tpu.memory_space<hbm>> -> memref<128xi32, #tpu.memory_space<hbm>>
        %dma_start3A_345 = arith.constant 0 : i32
        %dma_start3A_346 = tpu.memref_slice %arg4[%add3A_333, %dma_start3A_341, %dma_start3A_345] : memref<2500x1x128xi32, #tpu.memory_space<hbm>> -> memref<1x1x128xi32, #tpu.memory_space<hbm>>
        %dma_start3A_347 = tpu.memref_squeeze %dma_start3A_346 : memref<1x1x128xi32, #tpu.memory_space<hbm>> -> memref<128xi32, #tpu.memory_space<hbm>>
        tpu.enqueue_dma source(%dma_start3A_347 : memref<128xi32, #tpu.memory_space<hbm>>) target(%arg11 : memref<128xi32, #tpu.memory_space<vmem>>) target_semaphore(%arg18 : memref<!tpu.dma_semaphore, #tpu.memory_space<semaphore_mem>>)
      } else {
      }
      %dma_wait3A_317 = arith.constant 0 : i32
      %dma_wait3A_318 = arith.constant 0 : i32
      %dma_wait3A_319 = tpu.memref_slice %arg2[%dma_wait3A_317, %dma_wait3A_318] : memref<10000x128xf32, #tpu.memory_space<hbm>> -> memref<10000x128xf32, #tpu.memory_space<hbm>>
      tpu.wait_indirect_dma semaphore(%arg21 : memref<!tpu.dma_semaphore, #tpu.memory_space<semaphore_mem>>) src(%dma_wait3A_319 : memref<10000x128xf32, #tpu.memory_space<hbm>>) dst(%arg15 : memref<128x128xf32, #tpu.memory_space<vmem>>)
      %dma_start3A_320 = arith.constant 0 : i32
      %dma_start3A_321 = arith.constant 0 : i32
      %dma_start3A_322 = tpu.memref_slice %arg7[%dma_start3A_320, %dma_start3A_321] : memref<10000x128xf32, #tpu.memory_space<vmem_shared>> -> memref<10000x128xf32, #tpu.memory_space<vmem_shared>>
      tpu.enqueue_indirect_dma source(%arg15 : memref<128x128xf32, #tpu.memory_space<vmem>>) target(%dma_start3A_322 : memref<10000x128xf32, #tpu.memory_space<vmem_shared>>) offsets(%arg13 : memref<128xi32, #tpu.memory_space<vmem>>) semaphore(%arg23 : memref<!tpu.dma_semaphore, #tpu.memory_space<semaphore_mem>>) {add = true}
      %add3A_323 = arith.constant 2 : i32
      %add3A_324 = arith.addi %add3A_300, %add3A_323 : i32
      %lt3A_325 = arith.constant 78 : i32
      %lt3A_326 = arith.cmpi slt, %add3A_324, %lt3A_325 : i32
      %convert_element_type3A_327 = arith.extui %lt3A_326 : i1 to i32
      %cond3A_328 = arith.constant 0 : i32
      %cond3A_329 = arith.cmpi ne, %convert_element_type3A_327, %cond3A_328 : i32
      scf.if %cond3A_329 {
        %dma_wait3A_330 = arith.constant 0 : i32
        %dma_wait3A_331 = arith.constant 0 : i32
        %dma_wait3A_332 = arith.constant 0 : i32
        %dma_wait3A_333 = tpu.memref_slice %arg3[%dma_wait3A_330, %dma_wait3A_331, %dma_wait3A_332] : memref<2500x1x128xi32, #tpu.memory_space<hbm>> -> memref<1x1x128xi32, #tpu.memory_space<hbm>>
        %dma_wait3A_334 = tpu.memref_squeeze %dma_wait3A_333 : memref<1x1x128xi32, #tpu.memory_space<hbm>> -> memref<128xi32, #tpu.memory_space<hbm>>
        %dma_wait3A_335 = arith.constant 0 : i32
        %dma_wait3A_336 = tpu.memref_slice %arg3[%dma_wait3A_330, %dma_wait3A_331, %dma_wait3A_335] : memref<2500x1x128xi32, #tpu.memory_space<hbm>> -> memref<1x1x128xi32, #tpu.memory_space<hbm>>
        %dma_wait3A_337 = tpu.memref_squeeze %dma_wait3A_336 : memref<1x1x128xi32, #tpu.memory_space<hbm>> -> memref<128xi32, #tpu.memory_space<hbm>>
        tpu.wait_dma2 semaphore(%arg18 : memref<!tpu.dma_semaphore, #tpu.memory_space<semaphore_mem>>) src(%dma_wait3A_337 : memref<128xi32, #tpu.memory_space<hbm>>) dst(%arg10 : memref<128xi32, #tpu.memory_space<vmem>>)
        %dma_wait3A_338 = arith.constant 0 : i32
        %dma_wait3A_339 = arith.constant 0 : i32
        %dma_wait3A_340 = arith.constant 0 : i32
        %dma_wait3A_341 = tpu.memref_slice %arg4[%dma_wait3A_338, %dma_wait3A_339, %dma_wait3A_340] : memref<2500x1x128xi32, #tpu.memory_space<hbm>> -> memref<1x1x128xi32, #tpu.memory_space<hbm>>
        %dma_wait3A_342 = tpu.memref_squeeze %dma_wait3A_341 : memref<1x1x128xi32, #tpu.memory_space<hbm>> -> memref<128xi32, #tpu.memory_space<hbm>>
        %dma_wait3A_343 = arith.constant 0 : i32
        %dma_wait3A_344 = tpu.memref_slice %arg4[%dma_wait3A_338, %dma_wait3A_339, %dma_wait3A_343] : memref<2500x1x128xi32, #tpu.memory_space<hbm>> -> memref<1x1x128xi32, #tpu.memory_space<hbm>>
        %dma_wait3A_345 = tpu.memref_squeeze %dma_wait3A_344 : memref<1x1x128xi32, #tpu.memory_space<hbm>> -> memref<128xi32, #tpu.memory_space<hbm>>
        tpu.wait_dma2 semaphore(%arg18 : memref<!tpu.dma_semaphore, #tpu.memory_space<semaphore_mem>>) src(%dma_wait3A_345 : memref<128xi32, #tpu.memory_space<hbm>>) dst(%arg11 : memref<128xi32, #tpu.memory_space<vmem>>)
      } else {
      }
    }
    %scan3A_87 = arith.constant 13 : i32
    %dma_wait3A_88 = arith.constant 0 : i32
    %dma_wait3A_89 = arith.constant 0 : i32
    %dma_wait3A_90 = tpu.memref_slice %arg7[%dma_wait3A_88, %dma_wait3A_89] : memref<10000x128xf32, #tpu.memory_space<vmem_shared>> -> memref<10000x128xf32, #tpu.memory_space<vmem_shared>>
    tpu.wait_indirect_dma semaphore(%arg22 : memref<!tpu.dma_semaphore, #tpu.memory_space<semaphore_mem>>) src(%arg14 : memref<128x128xf32, #tpu.memory_space<vmem>>) dst(%dma_wait3A_90 : memref<10000x128xf32, #tpu.memory_space<vmem_shared>>)
    %dma_wait3A_91 = arith.constant 0 : i32
    %dma_wait3A_92 = arith.constant 0 : i32
    %dma_wait3A_93 = tpu.memref_slice %arg7[%dma_wait3A_91, %dma_wait3A_92] : memref<10000x128xf32, #tpu.memory_space<vmem_shared>> -> memref<10000x128xf32, #tpu.memory_space<vmem_shared>>
    tpu.wait_indirect_dma semaphore(%arg23 : memref<!tpu.dma_semaphore, #tpu.memory_space<semaphore_mem>>) src(%arg14 : memref<128x128xf32, #tpu.memory_space<vmem>>) dst(%dma_wait3A_93 : memref<10000x128xf32, #tpu.memory_space<vmem_shared>>)
    %lt3A_94 = arith.constant 4 : i32
    %lt3A_95 = arith.cmpi slt, %add3A, %lt3A_94 : i32
    %convert_element_type3A_96 = arith.extui %lt3A_95 : i1 to i32
    %cond3A_97 = arith.constant 0 : i32
    %cond3A_98 = arith.cmpi ne, %convert_element_type3A_96, %cond3A_97 : i32
    scf.if %cond3A_98 {
      %add3A_131 = arith.constant 78 : i32
      %add3A_132 = arith.addi %add3A_18, %add3A_131 : i32
      %dma_start3A_133 = arith.constant 0 : i32
      %dma_start3A_134 = arith.constant 0 : i32
      %dma_start3A_135 = tpu.memref_slice %arg3[%add3A_132, %dma_start3A_133, %dma_start3A_134] : memref<2500x1x128xi32, #tpu.memory_space<hbm>> -> memref<1x1x128xi32, #tpu.memory_space<hbm>>
      %dma_start3A_136 = tpu.memref_squeeze %dma_start3A_135 : memref<1x1x128xi32, #tpu.memory_space<hbm>> -> memref<128xi32, #tpu.memory_space<hbm>>
      %dma_start3A_137 = arith.constant 0 : i32
      %dma_start3A_138 = tpu.memref_slice %arg3[%add3A_132, %dma_start3A_133, %dma_start3A_137] : memref<2500x1x128xi32, #tpu.memory_space<hbm>> -> memref<1x1x128xi32, #tpu.memory_space<hbm>>
      %dma_start3A_139 = tpu.memref_squeeze %dma_start3A_138 : memref<1x1x128xi32, #tpu.memory_space<hbm>> -> memref<128xi32, #tpu.memory_space<hbm>>
      tpu.enqueue_dma source(%dma_start3A_139 : memref<128xi32, #tpu.memory_space<hbm>>) target(%arg8 : memref<128xi32, #tpu.memory_space<vmem>>) target_semaphore(%arg17 : memref<!tpu.dma_semaphore, #tpu.memory_space<semaphore_mem>>)
      %dma_start3A_140 = arith.constant 0 : i32
      %dma_start3A_141 = arith.constant 0 : i32
      %dma_start3A_142 = tpu.memref_slice %arg4[%add3A_132, %dma_start3A_140, %dma_start3A_141] : memref<2500x1x128xi32, #tpu.memory_space<hbm>> -> memref<1x1x128xi32, #tpu.memory_space<hbm>>
      %dma_start3A_143 = tpu.memref_squeeze %dma_start3A_142 : memref<1x1x128xi32, #tpu.memory_space<hbm>> -> memref<128xi32, #tpu.memory_space<hbm>>
      %dma_start3A_144 = arith.constant 0 : i32
      %dma_start3A_145 = tpu.memref_slice %arg4[%add3A_132, %dma_start3A_140, %dma_start3A_144] : memref<2500x1x128xi32, #tpu.memory_space<hbm>> -> memref<1x1x128xi32, #tpu.memory_space<hbm>>
      %dma_start3A_146 = tpu.memref_squeeze %dma_start3A_145 : memref<1x1x128xi32, #tpu.memory_space<hbm>> -> memref<128xi32, #tpu.memory_space<hbm>>
      tpu.enqueue_dma source(%dma_start3A_146 : memref<128xi32, #tpu.memory_space<hbm>>) target(%arg9 : memref<128xi32, #tpu.memory_space<vmem>>) target_semaphore(%arg17 : memref<!tpu.dma_semaphore, #tpu.memory_space<semaphore_mem>>)
      %dma_wait3A_147 = arith.constant 0 : i32
      %dma_wait3A_148 = arith.constant 0 : i32
      %dma_wait3A_149 = arith.constant 0 : i32
      %dma_wait3A_150 = tpu.memref_slice %arg3[%dma_wait3A_147, %dma_wait3A_148, %dma_wait3A_149] : memref<2500x1x128xi32, #tpu.memory_space<hbm>> -> memref<1x1x128xi32, #tpu.memory_space<hbm>>
      %dma_wait3A_151 = tpu.memref_squeeze %dma_wait3A_150 : memref<1x1x128xi32, #tpu.memory_space<hbm>> -> memref<128xi32, #tpu.memory_space<hbm>>
      %dma_wait3A_152 = arith.constant 0 : i32
      %dma_wait3A_153 = tpu.memref_slice %arg3[%dma_wait3A_147, %dma_wait3A_148, %dma_wait3A_152] : memref<2500x1x128xi32, #tpu.memory_space<hbm>> -> memref<1x1x128xi32, #tpu.memory_space<hbm>>
      %dma_wait3A_154 = tpu.memref_squeeze %dma_wait3A_153 : memref<1x1x128xi32, #tpu.memory_space<hbm>> -> memref<128xi32, #tpu.memory_space<hbm>>
      tpu.wait_dma2 semaphore(%arg17 : memref<!tpu.dma_semaphore, #tpu.memory_space<semaphore_mem>>) src(%dma_wait3A_154 : memref<128xi32, #tpu.memory_space<hbm>>) dst(%arg8 : memref<128xi32, #tpu.memory_space<vmem>>)
      %dma_wait3A_155 = arith.constant 0 : i32
      %dma_wait3A_156 = arith.constant 0 : i32
      %dma_wait3A_157 = arith.constant 0 : i32
      %dma_wait3A_158 = tpu.memref_slice %arg4[%dma_wait3A_155, %dma_wait3A_156, %dma_wait3A_157] : memref<2500x1x128xi32, #tpu.memory_space<hbm>> -> memref<1x1x128xi32, #tpu.memory_space<hbm>>
      %dma_wait3A_159 = tpu.memref_squeeze %dma_wait3A_158 : memref<1x1x128xi32, #tpu.memory_space<hbm>> -> memref<128xi32, #tpu.memory_space<hbm>>
      %dma_wait3A_160 = arith.constant 0 : i32
      %dma_wait3A_161 = tpu.memref_slice %arg4[%dma_wait3A_155, %dma_wait3A_156, %dma_wait3A_160] : memref<2500x1x128xi32, #tpu.memory_space<hbm>> -> memref<1x1x128xi32, #tpu.memory_space<hbm>>
      %dma_wait3A_162 = tpu.memref_squeeze %dma_wait3A_161 : memref<1x1x128xi32, #tpu.memory_space<hbm>> -> memref<128xi32, #tpu.memory_space<hbm>>
      tpu.wait_dma2 semaphore(%arg17 : memref<!tpu.dma_semaphore, #tpu.memory_space<semaphore_mem>>) src(%dma_wait3A_162 : memref<128xi32, #tpu.memory_space<hbm>>) dst(%arg9 : memref<128xi32, #tpu.memory_space<vmem>>)
      %dma_start3A_163 = arith.constant 0 : i32
      %dma_start3A_164 = arith.constant 0 : i32
      %dma_start3A_165 = tpu.memref_slice %arg2[%dma_start3A_163, %dma_start3A_164] : memref<10000x128xf32, #tpu.memory_space<hbm>> -> memref<10000x128xf32, #tpu.memory_space<hbm>>
      tpu.enqueue_indirect_dma source(%dma_start3A_165 : memref<10000x128xf32, #tpu.memory_space<hbm>>) target(%arg14 : memref<128x128xf32, #tpu.memory_space<vmem>>) offsets(%arg8 : memref<128xi32, #tpu.memory_space<vmem>>) semaphore(%arg20 : memref<!tpu.dma_semaphore, #tpu.memory_space<semaphore_mem>>)
      %dma_wait3A_166 = arith.constant 0 : i32
      %dma_wait3A_167 = arith.constant 0 : i32
      %dma_wait3A_168 = tpu.memref_slice %arg2[%dma_wait3A_166, %dma_wait3A_167] : memref<10000x128xf32, #tpu.memory_space<hbm>> -> memref<10000x128xf32, #tpu.memory_space<hbm>>
      tpu.wait_indirect_dma semaphore(%arg20 : memref<!tpu.dma_semaphore, #tpu.memory_space<semaphore_mem>>) src(%dma_wait3A_168 : memref<10000x128xf32, #tpu.memory_space<hbm>>) dst(%arg14 : memref<128x128xf32, #tpu.memory_space<vmem>>)
      "tpu.region"() ({
        %run_scoped3A = tpu.sem_alloc : memref<!tpu.dma_semaphore, #tpu.memory_space<semaphore_mem>>
        %dma_start3A_169 = arith.constant 0 : i32
        %dma_start3A_170 = arith.constant 0 : i32
        %dma_start3A_171 = tpu.memref_slice %arg7[%dma_start3A_169, %dma_start3A_170] : memref<10000x128xf32, #tpu.memory_space<vmem_shared>> -> memref<10000x128xf32, #tpu.memory_space<vmem_shared>>
        tpu.enqueue_indirect_dma source(%arg14 : memref<128x128xf32, #tpu.memory_space<vmem>>) target(%dma_start3A_171 : memref<10000x128xf32, #tpu.memory_space<vmem_shared>>) offsets(%arg9 : memref<128xi32, #tpu.memory_space<vmem>>) semaphore(%run_scoped3A : memref<!tpu.dma_semaphore, #tpu.memory_space<semaphore_mem>>) {add = true}
        %dma_wait3A_172 = arith.constant 0 : i32
        %dma_wait3A_173 = arith.constant 0 : i32
        %dma_wait3A_174 = tpu.memref_slice %arg7[%dma_wait3A_172, %dma_wait3A_173] : memref<10000x128xf32, #tpu.memory_space<vmem_shared>> -> memref<10000x128xf32, #tpu.memory_space<vmem_shared>>
        tpu.wait_indirect_dma semaphore(%run_scoped3A : memref<!tpu.dma_semaphore, #tpu.memory_space<semaphore_mem>>) src(%arg14 : memref<128x128xf32, #tpu.memory_space<vmem>>) dst(%dma_wait3A_174 : memref<10000x128xf32, #tpu.memory_space<vmem_shared>>)
        tpu.yield
      }) : () -> ()
    } else {
    }
    %barrier3A_99 = arith.constant 0 : index
    tpu.barrier barrier_id(%barrier3A_99)
    %eq3A_100 = arith.constant 0 : i32
    %eq3A_101 = arith.cmpi eq, %arg0, %eq3A_100 : i32
    %lt3A_102 = arith.constant 15 : i32
    %lt3A_103 = arith.cmpi slt, %arg1, %lt3A_102 : i32
    %and3A = arith.andi %eq3A_101, %lt3A_103 : i1
    %convert_element_type3A_104 = arith.extui %and3A : i1 to i32
    %cond3A_105 = arith.constant 0 : i32
    %cond3A_106 = arith.cmpi ne, %convert_element_type3A_104, %cond3A_105 : i32
    scf.if %cond3A_106 {
      "tpu.region"() ({
        %run_scoped3A = tpu.sem_alloc : memref<!tpu.dma_semaphore, #tpu.memory_space<semaphore_mem>>
        %dma_start3A_131 = arith.constant 0 : i32
        %dma_start3A_132 = tpu.memref_slice %arg5[%mul3A_2, %dma_start3A_131] : memref<10000x128xf32, #tpu.memory_space<hbm>> -> memref<632x128xf32, #tpu.memory_space<hbm>>
        %dma_start3A_133 = arith.constant 0 : i32
        %dma_start3A_134 = tpu.memref_slice %arg7[%mul3A_2, %dma_start3A_133] : memref<10000x128xf32, #tpu.memory_space<vmem_shared>> -> memref<632x128xf32, #tpu.memory_space<vmem_shared>>
        tpu.enqueue_dma source(%dma_start3A_134 : memref<632x128xf32, #tpu.memory_space<vmem_shared>>) target(%dma_start3A_132 : memref<632x128xf32, #tpu.memory_space<hbm>>) target_semaphore(%run_scoped3A : memref<!tpu.dma_semaphore, #tpu.memory_space<semaphore_mem>>)
        %dma_wait3A_135 = arith.constant 0 : i32
        %dma_wait3A_136 = tpu.memref_slice %arg5[%mul3A_2, %dma_wait3A_135] : memref<10000x128xf32, #tpu.memory_space<hbm>> -> memref<632x128xf32, #tpu.memory_space<hbm>>
        %dma_wait3A_137 = arith.constant 0 : i32
        %dma_wait3A_138 = tpu.memref_slice %arg7[%mul3A_2, %dma_wait3A_137] : memref<10000x128xf32, #tpu.memory_space<vmem_shared>> -> memref<632x128xf32, #tpu.memory_space<vmem_shared>>
        tpu.wait_dma2 semaphore(%run_scoped3A : memref<!tpu.dma_semaphore, #tpu.memory_space<semaphore_mem>>) src(%dma_wait3A_138 : memref<632x128xf32, #tpu.memory_space<vmem_shared>>) dst(%dma_wait3A_136 : memref<632x128xf32, #tpu.memory_space<hbm>>)
        tpu.yield
      }) : () -> ()
    } else {
    }
    %eq3A_107 = arith.constant 0 : i32
    %eq3A_108 = arith.cmpi eq, %arg0, %eq3A_107 : i32
    %eq3A_109 = arith.constant 15 : i32
    %eq3A_110 = arith.cmpi eq, %arg1, %eq3A_109 : i32
    %and3A_111 = arith.andi %eq3A_108, %eq3A_110 : i1
    %convert_element_type3A_112 = arith.extui %and3A_111 : i1 to i32
    %cond3A_113 = arith.constant 0 : i32
    %cond3A_114 = arith.cmpi ne, %convert_element_type3A_112, %cond3A_113 : i32
    scf.if %cond3A_114 {
      "tpu.region"() ({
        %run_scoped3A = tpu.sem_alloc : memref<!tpu.dma_semaphore, #tpu.memory_space<semaphore_mem>>
        %dma_start3A_131 = arith.constant 0 : i32
        %dma_start3A_132 = tpu.memref_slice %arg5[%mul3A_2, %dma_start3A_131] : memref<10000x128xf32, #tpu.memory_space<hbm>> -> memref<520x128xf32, #tpu.memory_space<hbm>>
        %dma_start3A_133 = arith.constant 0 : i32
        %dma_start3A_134 = tpu.memref_slice %arg7[%mul3A_2, %dma_start3A_133] : memref<10000x128xf32, #tpu.memory_space<vmem_shared>> -> memref<520x128xf32, #tpu.memory_space<vmem_shared>>
        tpu.enqueue_dma source(%dma_start3A_134 : memref<520x128xf32, #tpu.memory_space<vmem_shared>>) target(%dma_start3A_132 : memref<520x128xf32, #tpu.memory_space<hbm>>) target_semaphore(%run_scoped3A : memref<!tpu.dma_semaphore, #tpu.memory_space<semaphore_mem>>)
        %dma_wait3A_135 = arith.constant 0 : i32
        %dma_wait3A_136 = tpu.memref_slice %arg5[%mul3A_2, %dma_wait3A_135] : memref<10000x128xf32, #tpu.memory_space<hbm>> -> memref<520x128xf32, #tpu.memory_space<hbm>>
        %dma_wait3A_137 = arith.constant 0 : i32
        %dma_wait3A_138 = tpu.memref_slice %arg7[%mul3A_2, %dma_wait3A_137] : memref<10000x128xf32, #tpu.memory_space<vmem_shared>> -> memref<520x128xf32, #tpu.memory_space<vmem_shared>>
        tpu.wait_dma2 semaphore(%run_scoped3A : memref<!tpu.dma_semaphore, #tpu.memory_space<semaphore_mem>>) src(%dma_wait3A_138 : memref<520x128xf32, #tpu.memory_space<vmem_shared>>) dst(%dma_wait3A_136 : memref<520x128xf32, #tpu.memory_space<hbm>>)
        tpu.yield
      }) : () -> ()
    } else {
    }
    %eq3A_115 = arith.constant 1 : i32
    %eq3A_116 = arith.cmpi eq, %arg0, %eq3A_115 : i32
    %lt3A_117 = arith.constant 15 : i32
    %lt3A_118 = arith.cmpi slt, %arg1, %lt3A_117 : i32
    %and3A_119 = arith.andi %eq3A_116, %lt3A_118 : i1
    %convert_element_type3A_120 = arith.extui %and3A_119 : i1 to i32
    %cond3A_121 = arith.constant 0 : i32
    %cond3A_122 = arith.cmpi ne, %convert_element_type3A_120, %cond3A_121 : i32
    scf.if %cond3A_122 {
      "tpu.region"() ({
        %run_scoped3A = tpu.sem_alloc : memref<!tpu.dma_semaphore, #tpu.memory_space<semaphore_mem>>
        %dma_start3A_131 = arith.constant 0 : i32
        %dma_start3A_132 = tpu.memref_slice %arg6[%mul3A_2, %dma_start3A_131] : memref<10000x128xf32, #tpu.memory_space<hbm>> -> memref<632x128xf32, #tpu.memory_space<hbm>>
        %dma_start3A_133 = arith.constant 0 : i32
        %dma_start3A_134 = tpu.memref_slice %arg7[%mul3A_2, %dma_start3A_133] : memref<10000x128xf32, #tpu.memory_space<vmem_shared>> -> memref<632x128xf32, #tpu.memory_space<vmem_shared>>
        tpu.enqueue_dma source(%dma_start3A_134 : memref<632x128xf32, #tpu.memory_space<vmem_shared>>) target(%dma_start3A_132 : memref<632x128xf32, #tpu.memory_space<hbm>>) target_semaphore(%run_scoped3A : memref<!tpu.dma_semaphore, #tpu.memory_space<semaphore_mem>>)
        %dma_wait3A_135 = arith.constant 0 : i32
        %dma_wait3A_136 = tpu.memref_slice %arg6[%mul3A_2, %dma_wait3A_135] : memref<10000x128xf32, #tpu.memory_space<hbm>> -> memref<632x128xf32, #tpu.memory_space<hbm>>
        %dma_wait3A_137 = arith.constant 0 : i32
        %dma_wait3A_138 = tpu.memref_slice %arg7[%mul3A_2, %dma_wait3A_137] : memref<10000x128xf32, #tpu.memory_space<vmem_shared>> -> memref<632x128xf32, #tpu.memory_space<vmem_shared>>
        tpu.wait_dma2 semaphore(%run_scoped3A : memref<!tpu.dma_semaphore, #tpu.memory_space<semaphore_mem>>) src(%dma_wait3A_138 : memref<632x128xf32, #tpu.memory_space<vmem_shared>>) dst(%dma_wait3A_136 : memref<632x128xf32, #tpu.memory_space<hbm>>)
        tpu.yield
      }) : () -> ()
    } else {
    }
    %eq3A_123 = arith.constant 1 : i32
    %eq3A_124 = arith.cmpi eq, %arg0, %eq3A_123 : i32
    %eq3A_125 = arith.constant 15 : i32
    %eq3A_126 = arith.cmpi eq, %arg1, %eq3A_125 : i32
    %and3A_127 = arith.andi %eq3A_124, %eq3A_126 : i1
    %convert_element_type3A_128 = arith.extui %and3A_127 : i1 to i32
    %cond3A_129 = arith.constant 0 : i32
    %cond3A_130 = arith.cmpi ne, %convert_element_type3A_128, %cond3A_129 : i32
    scf.if %cond3A_130 {
      "tpu.region"() ({
        %run_scoped3A = tpu.sem_alloc : memref<!tpu.dma_semaphore, #tpu.memory_space<semaphore_mem>>
        %dma_start3A_131 = arith.constant 0 : i32
        %dma_start3A_132 = tpu.memref_slice %arg6[%mul3A_2, %dma_start3A_131] : memref<10000x128xf32, #tpu.memory_space<hbm>> -> memref<520x128xf32, #tpu.memory_space<hbm>>
        %dma_start3A_133 = arith.constant 0 : i32
        %dma_start3A_134 = tpu.memref_slice %arg7[%mul3A_2, %dma_start3A_133] : memref<10000x128xf32, #tpu.memory_space<vmem_shared>> -> memref<520x128xf32, #tpu.memory_space<vmem_shared>>
        tpu.enqueue_dma source(%dma_start3A_134 : memref<520x128xf32, #tpu.memory_space<vmem_shared>>) target(%dma_start3A_132 : memref<520x128xf32, #tpu.memory_space<hbm>>) target_semaphore(%run_scoped3A : memref<!tpu.dma_semaphore, #tpu.memory_space<semaphore_mem>>)
        %dma_wait3A_135 = arith.constant 0 : i32
        %dma_wait3A_136 = tpu.memref_slice %arg6[%mul3A_2, %dma_wait3A_135] : memref<10000x128xf32, #tpu.memory_space<hbm>> -> memref<520x128xf32, #tpu.memory_space<hbm>>
        %dma_wait3A_137 = arith.constant 0 : i32
        %dma_wait3A_138 = tpu.memref_slice %arg7[%mul3A_2, %dma_wait3A_137] : memref<10000x128xf32, #tpu.memory_space<vmem_shared>> -> memref<520x128xf32, #tpu.memory_space<vmem_shared>>
        tpu.wait_dma2 semaphore(%run_scoped3A : memref<!tpu.dma_semaphore, #tpu.memory_space<semaphore_mem>>) src(%dma_wait3A_138 : memref<520x128xf32, #tpu.memory_space<vmem_shared>>) dst(%dma_wait3A_136 : memref<520x128xf32, #tpu.memory_space<hbm>>)
        tpu.yield
      }) : () -> ()
    } else {
    }
    return
  }
}

module attributes {stable_mosaic.version = 14 : i64} {
  func.func @_snn_body(%arg0: memref<10000x128xf32, #tpu.memory_space<vmem>>, %arg1: memref<10000x128xf32, #tpu.memory_space<vmem>>, %arg2: memref<10000xf32, #tpu.memory_space<vmem>>, %arg3: memref<10000xf32, #tpu.memory_space<vmem>>, %arg4: memref<128x128xf32, #tpu.memory_space<vmem>>, %arg5: memref<1x128xf32, #tpu.memory_space<vmem>>, %arg6: memref<1x128xf32, #tpu.memory_space<vmem>>, %arg7: memref<10000x128xf32, #tpu.memory_space<vmem>>) attributes {dimension_semantics = [], scalar_prefetch = 0 : i64, scratch_operands = 0 : i64, tpu.core_type = #tpu.core_type<tc>} {
    %get3A = arith.constant 0 : index
    %get3A_0 = arith.constant 0 : index
    %get3A_1 = vector.load %arg0[%get3A, %get3A_0] : memref<10000x128xf32, #tpu.memory_space<vmem>>, vector<10000x128xf32>
    %get3A_2 = arith.constant 0 : index
    %get3A_3 = arith.constant 0 : index
    %get3A_4 = vector.load %arg1[%get3A_2, %get3A_3] : memref<10000x128xf32, #tpu.memory_space<vmem>>, vector<10000x128xf32>
    %add3A = arith.addf %get3A_1, %get3A_4 : vector<10000x128xf32>
    %get3A_5 = arith.constant 0 : index
    %get3A_6 = vector.load %arg2[%get3A_5] : memref<10000xf32, #tpu.memory_space<vmem>>, vector<10000xf32>
    %get3A_7 = arith.constant 0 : index
    %get3A_8 = vector.load %arg3[%get3A_7] : memref<10000xf32, #tpu.memory_space<vmem>>, vector<10000xf32>
    %add3A_9 = arith.addf %get3A_6, %get3A_8 : vector<10000xf32>
    %gt3A = arith.constant 0.000000e+00 : f32
    %gt3A_10 = vector.broadcast %gt3A : f32 to vector<10000xf32>
    %gt3A_11 = arith.cmpf ogt, %add3A_9, %gt3A_10 : vector<10000xf32>
    %div3A = arith.constant 1.000000e+00 : f32
    %div3A_12 = vector.broadcast %div3A : f32 to vector<10000xf32>
    %div3A_13 = arith.divf %div3A_12, %add3A_9 : vector<10000xf32>
    %jit3A = arith.constant 0.000000e+00 : f32
    %broadcast_in_dim3A = vector.broadcast %jit3A : f32 to vector<10000xf32>
    %select_n3A = arith.select %gt3A_11, %div3A_13, %broadcast_in_dim3A : vector<10000xi1>, vector<10000xf32>
    %broadcast_in_dim3A_14 = vector.shape_cast %select_n3A : vector<10000xf32> to vector<10000x1xf32>
    %mul3A = vector.broadcast %broadcast_in_dim3A_14 : vector<10000x1xf32> to vector<10000x128xf32>
    %mul3A_15 = arith.mulf %add3A, %mul3A : vector<10000x128xf32>
    %get3A_16 = arith.constant 0 : index
    %get3A_17 = arith.constant 0 : index
    %get3A_18 = vector.load %arg4[%get3A_16, %get3A_17] : memref<128x128xf32, #tpu.memory_space<vmem>>, vector<128x128xf32>
    %dot_general3A = arith.constant dense<0.000000e+00> : vector<10000x128xf32>
    %dot_general3A_19 = tpu.matmul %mul3A_15, %get3A_18, %dot_general3A {dimension_numbers = #tpu.dot_dimension_numbers<[1], [1], [0], [0], [0, 0, 1, 0], [], []>, transpose_lhs_hint = false} : vector<10000x128xf32>, vector<128x128xf32>, vector<10000x128xf32> -> vector<10000x128xf32>
    %get3A_20 = arith.constant 0 : index
    %get3A_21 = arith.constant 0 : index
    %get3A_22 = vector.load %arg5[%get3A_20, %get3A_21] : memref<1x128xf32, #tpu.memory_space<vmem>>, vector<1x128xf32>
    %add3A_23 = vector.broadcast %get3A_22 : vector<1x128xf32> to vector<10000x128xf32>
    %add3A_24 = arith.addf %dot_general3A_19, %add3A_23 : vector<10000x128xf32>
    %get3A_25 = arith.constant 0 : index
    %get3A_26 = arith.constant 0 : index
    %get3A_27 = vector.load %arg6[%get3A_25, %get3A_26] : memref<1x128xf32, #tpu.memory_space<vmem>>, vector<1x128xf32>
    %mul3A_28 = arith.constant 0.899999976 : f32
    %mul3A_29 = vector.broadcast %mul3A_28 : f32 to vector<1x128xf32>
    %mul3A_30 = arith.mulf %mul3A_29, %get3A_27 : vector<1x128xf32>
    %add3A_31 = vector.broadcast %mul3A_30 : vector<1x128xf32> to vector<10000x128xf32>
    %add3A_32 = arith.addf %add3A_24, %add3A_31 : vector<10000x128xf32>
    %gt3A_33 = arith.constant 1.000000e+00 : f32
    %gt3A_34 = vector.broadcast %gt3A_33 : f32 to vector<10000x128xf32>
    %gt3A_35 = arith.cmpf ogt, %add3A_32, %gt3A_34 : vector<10000x128xf32>
    %convert_element_type3A = arith.extui %gt3A_35 : vector<10000x128xi1> to vector<10000x128xi32>
    %convert_element_type3A_36 = arith.sitofp %convert_element_type3A : vector<10000x128xi32> to vector<10000x128xf32>
    %swap3A = arith.constant 0 : index
    %swap3A_37 = arith.constant 0 : index
    %swap3A_38 = vector.load %arg7[%swap3A, %swap3A_37] : memref<10000x128xf32, #tpu.memory_space<vmem>>, vector<10000x128xf32>
    tpu.vector_store %arg7[%swap3A, %swap3A_37], %convert_element_type3A_36 {strides = array<i32>} : memref<10000x128xf32, #tpu.memory_space<vmem>>, vector<10000x128xf32>,
    return
  }
}

module attributes {stable_mosaic.version = 14 : i64} {
  func.func @_scale_body(%arg0: memref<10000x128xf32, #tpu.memory_space<vmem>>, %arg1: memref<10000x128xf32, #tpu.memory_space<vmem>>, %arg2: memref<10000xf32, #tpu.memory_space<vmem>>, %arg3: memref<10000xf32, #tpu.memory_space<vmem>>, %arg4: memref<10000x128xf32, #tpu.memory_space<vmem>>) attributes {dimension_semantics = [], scalar_prefetch = 0 : i64, scratch_operands = 0 : i64, tpu.core_type = #tpu.core_type<tc>} {
    %get3A = arith.constant 0 : index
    %get3A_0 = arith.constant 0 : index
    %get3A_1 = vector.load %arg0[%get3A, %get3A_0] : memref<10000x128xf32, #tpu.memory_space<vmem>>, vector<10000x128xf32>
    %get3A_2 = arith.constant 0 : index
    %get3A_3 = arith.constant 0 : index
    %get3A_4 = vector.load %arg1[%get3A_2, %get3A_3] : memref<10000x128xf32, #tpu.memory_space<vmem>>, vector<10000x128xf32>
    %add3A = arith.addf %get3A_1, %get3A_4 : vector<10000x128xf32>
    %get3A_5 = arith.constant 0 : index
    %get3A_6 = vector.load %arg2[%get3A_5] : memref<10000xf32, #tpu.memory_space<vmem>>, vector<10000xf32>
    %get3A_7 = arith.constant 0 : index
    %get3A_8 = vector.load %arg3[%get3A_7] : memref<10000xf32, #tpu.memory_space<vmem>>, vector<10000xf32>
    %add3A_9 = arith.addf %get3A_6, %get3A_8 : vector<10000xf32>
    %gt3A = arith.constant 0.000000e+00 : f32
    %gt3A_10 = vector.broadcast %gt3A : f32 to vector<10000xf32>
    %gt3A_11 = arith.cmpf ogt, %add3A_9, %gt3A_10 : vector<10000xf32>
    %div3A = arith.constant 1.000000e+00 : f32
    %div3A_12 = vector.broadcast %div3A : f32 to vector<10000xf32>
    %div3A_13 = arith.divf %div3A_12, %add3A_9 : vector<10000xf32>
    %jit3A = arith.constant 0.000000e+00 : f32
    %broadcast_in_dim3A = vector.broadcast %jit3A : f32 to vector<10000xf32>
    %select_n3A = arith.select %gt3A_11, %div3A_13, %broadcast_in_dim3A : vector<10000xi1>, vector<10000xf32>
    %broadcast_in_dim3A_14 = vector.shape_cast %select_n3A : vector<10000xf32> to vector<10000x1xf32>
    %mul3A = vector.broadcast %broadcast_in_dim3A_14 : vector<10000x1xf32> to vector<10000x128xf32>
    %mul3A_15 = arith.mulf %add3A, %mul3A : vector<10000x128xf32>
    %swap3A = arith.constant 0 : index
    %swap3A_16 = arith.constant 0 : index
    %swap3A_17 = vector.load %arg4[%swap3A, %swap3A_16] : memref<10000x128xf32, #tpu.memory_space<vmem>>, vector<10000x128xf32>
    tpu.vector_store %arg4[%swap3A, %swap3A_16], %mul3A_15 {strides = array<i32>} : memref<10000x128xf32, #tpu.memory_space<vmem>>, vector<10000x128xf32>,
    return
  }
}

</mosaic_0001>

<sc_bundles>
// kernel: kernel.6.cloned.1.call-start
scs
__scs_entry_jumppad:
0x0: {  	(pc) =	sbr.rel $0x88, $3  }
0x1: {  	(tag) =	ssettag $0x0;
	lr =	simm.s32 $0x1  }
0x2: {  	[smem:$0x3F9C] =	sst lr;
	_ =	strace $0xD0000000  }
0x3: {  	_ = 	snop  }
0x4: {  	_ = 	snop  }
0x5: {  	_ = 	snop  }
0x6: {  	_ = 	snop  }
0x7: {  	_ = 	snop  }
__scs_overlays_trampoline_lowered:
0x8: {  	[smem:$0x3FAB] =	sst s0  }
0x9: {  	[smem:$0x3FAC] =	sst s1  }
0xa: {  	[smem:$0x3FAD] =	sst s2  }
0xb: {  	[smem:$0x3FAE] =	sst s3  }
0xc: {  	[smem:$0x3FAF] =	sst s4  }
0xd: {  	[smem:$0x3FB0] =	sst s5  }
0xe: {  	[smem:$0x3FB1] =	sst s6  }
0xf: {  	[smem:$0x3FB2] =	sst s7  }
0x10: {  	[smem:$0x3FB3] =	sst s8  }
0x11: {  	[smem:$0x3FB4] =	sst s9;
	s0 =	simm.s32 @!p0 $0x0  }
0x12: {  	s1 =	sld [smem:$0x3F9A];
	s0 =	simm.s32 @p0 $0x1  }
0x13: {  	[smem:$0x3FB5] =	sst s0;
	s0 =	simm.s32 @!p1 $0x0  }
0x14: {  	s2 =	sld [smem:$0x3F99];
	s0 =	simm.s32 @p1 $0x1  }
0x15: {  	[smem:$0x3FB6] =	sst s0;
	s0 =	simm.s32 @!p2 $0x0  }
0x16: {  	s3 =	sld [smem:$0x3FDB];
	s0 =	simm.s32 @p2 $0x1  }
0x17: {  	s4 =	simm.s32 $0x1BF5;
	[smem:$0x3FB8] =	sst s0  }
0x18: {  	s0 =	sld [smem:$0x3F9B];
	_ =	swait.ge [sflag:s4], $0x0  }
0x19: {  	s7 =	sld [smem:$0x3F9C]  }
0x1a: {  	s8 =	sadd.s32 $0xFFFFE003, lr  }
0x1b: {  	s9 =	sadd.s32 $0xFFFFFEF7, lr;
	s5 =	simm.s32 $0xFFFFFFFF;
	p2 =	slt.u32 s8, $0xFFFFF086  }
0x1c: {  	p1 =	slt.u32 s9, $0xF7A;
	s5 =	simm.s32 @!p2 $0x0  }
0x1d: {  	s5 =	simm.s32 @p1 $0x1;
	p0 =	seq.s32 s7, s2  }
0x1e: {  	s7 =	smul.u32 @!p0 $0xF7A, s2;
	p2 =	seq.s32 @!p0 s5, $0x0  }
0x1f: {  	s9 =	smul.u32 $0xF7A, s1;
	s8 =	simm.s32 @!p0 $0x1BF5;
	p2 =	por !p2, p0  }
0x20: {  	[sflag:s8] =	ssyncset.s32 @!p0 $0xFFFFF086;
	s6 =	sadd.s32 @!p0 s3, s7;
	s7 =	simm.s32 @!p0 $0x108  }
0x21: {  	s3 =	sadd.s32 s3, s9;
	s6 =	sadd.s32 @!p0 $0x88, s6;
	s7 =	simm.s32 @p2 $0x1082  }
0x22: {  	[simem:s7], [sflag:s8] =	dma.local @!p0 [hbm:s6], $0xF7A  }
0x23: {  	s9 =	sor.u32 $0xD0000000, s2;
	s6 =	simm.s32 $0x108;
	_ =	swait.ge @!p0 [sflag:s8], $0x0  }
0x24: {  	s3 =	sadd.s32 $0x88, s3;
	s6 =	simm.s32 @!p1 $0x1082;
	[sflag:s4] =	ssyncset.s32 $0xFFFFF086  }
0x25: {  	[simem:s6], [sflag:s4] =	dma.local [hbm:s3], $0xF7A  }
0x26: {  	[smem:$0x3F9C] =	sst s1;
	(tag) =	ssettag s2;
	_ =	strace s9  }
0x27: {  	s1 =	sld [smem:$0x3FAC]  }
0x28: {  	s2 =	sld [smem:$0x3FAD]  }
0x29: {  	s4 =	sld [smem:$0x3FAF]  }
0x2a: {  	p0 =	seq.s32 s5, $0x0;
	s5 =	sld [smem:$0x3FB0]  }
0x2b: {  	s6 =	sld [smem:$0x3FB1]  }
0x2c: {  	s7 =	sld [smem:$0x3FB2]  }
0x2d: {  	s3 =	simm.s32 $0x108;
	s8 =	sld [smem:$0x3FB3]  }
0x2e: {  	s3 =	simm.s32 @!p0 $0x1082;
	s9 =	sld [smem:$0x3FB4]  }
0x2f: {  	lr =	sadd.s32 s0, s3;
	s0 =	sld [smem:$0x3FAB]  }
0x30: {  	s3 =	sld [smem:$0x3FAE]  }
0x31: {  	[smem:$0x3FB7] =	sst s10  }
0x32: {  	s10 =	sld [smem:$0x3FB5];
	_ =	sdelay $0x3  }
0x33: {  	p0 =	seq.s32 s10, $0x1;
	s10 =	sld [smem:$0x3FB7];
	_ =	sdelay $0x3  }
0x34: {  	[smem:$0x3FB7] =	sst s10  }
0x35: {  	s10 =	sld [smem:$0x3FB6];
	_ =	sdelay $0x3  }
0x36: {  	p1 =	seq.s32 s10, $0x1;
	s10 =	sld [smem:$0x3FB7];
	_ =	sdelay $0x3  }
0x37: {  	[smem:$0x3FB7] =	sst s10  }
0x38: {  	s10 =	sld [smem:$0x3FB8]  }
0x39: {  	_ = 	snop;
	(pc) =	sbr.ind lr, $3  }
0x3a: {  	_ = 	snop  }
0x3b: {  	_ = 	snop  }
0x3c: {  	p2 =	seq.s32 s10, $0x1;
	s10 =	sld [smem:$0x3FB7]  }
0x3d: {  	_ =	shalt  }
0x3e: {  	_ =	shalt  }
0x3f: {  	_ =	shalt  }
0x40: {  	_ =	shalt  }
0x41: {  	_ =	shalt  }
0x42: {  	_ =	shalt  }
0x43: {  	_ =	shalt  }
0x44: {  	_ =	shalt  }
0x45: {  	_ =	shalt  }
0x46: {  	_ =	shalt  }
0x47: {  	_ =	shalt  }
0x48: {  	_ =	shalt  }
0x49: {  	_ =	shalt  }
0x4a: {  	_ =	shalt  }
0x4b: {  	_ =	shalt  }
0x4c: {  	_ =	shalt  }
0x4d: {  	_ =	shalt  }
0x4e: {  	_ =	shalt  }
0x4f: {  	_ =	shalt  }
0x50: {  	_ =	shalt  }
0x51: {  	_ =	shalt  }
0x52: {  	_ =	shalt  }
0x53: {  	_ =	shalt  }
0x54: {  	_ =	shalt  }
0x55: {  	_ =	shalt  }
0x56: {  	_ =	shalt  }
0x57: {  	_ =	shalt  }
0x58: {  	_ =	shalt  }
0x59: {  	_ =	shalt  }
0x5a: {  	_ =	shalt  }
0x5b: {  	_ =	shalt  }
0x5c: {  	_ =	shalt  }
0x5d: {  	_ =	shalt  }
0x5e: {  	_ =	shalt  }
0x5f: {  	_ =	shalt  }
0x60: {  	_ =	shalt  }
0x61: {  	_ =	shalt  }
0x62: {  	_ =	shalt  }
0x63: {  	_ =	shalt  }
0x64: {  	_ =	shalt  }
0x65: {  	_ =	shalt  }
0x66: {  	_ =	shalt  }
0x67: {  	_ =	shalt  }
0x68: {  	_ =	shalt  }
0x69: {  	_ =	shalt  }
0x6a: {  	_ =	shalt  }
0x6b: {  	_ =	shalt  }
0x6c: {  	_ =	shalt  }
0x6d: {  	_ =	shalt  }
0x6e: {  	_ =	shalt  }
0x6f: {  	_ =	shalt  }
0x70: {  	_ =	shalt  }
0x71: {  	_ =	shalt  }
0x72: {  	_ =	shalt  }
0x73: {  	_ =	shalt  }
0x74: {  	_ =	shalt  }
0x75: {  	_ =	shalt  }
0x76: {  	_ =	shalt  }
0x77: {  	_ =	shalt  }
0x78: {  	_ =	shalt  }
0x79: {  	_ =	shalt  }
0x7a: {  	_ =	shalt  }
0x7b: {  	_ =	shalt  }
0x7c: {  	_ =	shalt  }
0x7d: {  	_ =	shalt  }
0x7e: {  	_ =	shalt  }
0x7f: {  	_ =	shalt  }
0x80: {  	_ =	shalt  }
0x81: {  	_ =	shalt  }
0x82: {  	_ =	shalt  }
0x83: {  	_ =	shalt  }
0x84: {  	_ =	shalt  }
0x85: {  	_ =	shalt  }
0x86: {  	_ =	shalt  }
0x87: {  	_ =	shalt  }
.Lfunc_end0:
.L_simem_size_0:
called_computation_lowered:
.L_overlay_start_0:
0x88: {  	s2 =	sld [smem:$0x3FD9]  }
0x89: {  	s3 =	sld [smem:$0x3FFE];
	_ =	sdelay $0x1  }
0x8a: {  	s1 =	srdreg.scid  }
0x8b: {  	s0 =	sand.u32 $0x1, s1  }
0x8c: {  	s17 =	sshll.u32 s0, $0xA;
	s2 =	sadd.s32 s3, s2  }
0x8d: {  	s2 =	sadd.s32 s2, s17  }
0x8e: {  	[smem:$0x3FC3] =	sst s2  }
0x8f: {  	_ = 	snop  }
0x90: {  	s2 =	sld [smem:$0x3FC9]  }
0x91: {  	s18 =	sld [smem:$0x3FD0];
	(tm) =	ssettm $0x1  }
0x92: {  	s4 =	sld [smem:$0x3FFB];
	_ =	sdelay $0x3  }
0x93: {  	_ =	strace s4  }
0x94: {  	s4 =	sld [smem:$0x3FFC];
	_ =	sdelay $0x3  }
0x95: {  	_ =	strace s4  }
0x96: {  	s4 =	sld [smem:$0x3FFD];
	_ =	sdelay $0x3  }
0x97: {  	_ =	strace s4  }
0x98: {  	_ =	strace $0x8FFFFFFF  }
0x99: {  	s19 =	sld [smem:$0x3FDB];
	_ =	sdelay $0x1  }
0x9a: {  	s5 =	simm.s32 $_scs_section_size  }
0x9b: {  	s6 =	simm.s32 $_size__tile_overlayer_lowered;
	s7 =	simm.s32 $_tile_overlayer_lowered  }
0x9c: {  	s22 =	simm.s32 $0x1BFF;
	s21 =	sshll.u32 s7, $0x1;
	s4 =	sadd.s32 s5, s19  }
0x9d: {  	s8 =	simm.s32 $0x0;
	s20 =	sshll.u32 s6, $0x1;
	s6 =	sadd.s32 s21, s4  }
0x9e: {  	[timem:s8], [sflag:s22] =	dma.local [hbm:s6], s20  }
0x9f: {  	_ =	swait.ge [sflag:s22], s20  }
0xa0: {  	s5 =	ssub.s32 $0x0, s20;
	[sflag:s22] =	ssyncset.done $0x0  }
0xa1: {  	[sflag:s22] =	ssyncadd.s32 s5;
	_ =	sdelay $0x1  }
0xa2: {  	s23 =	simm.s32 $0x1B8B  }
0xa3: {  	_ =	swait.ge [sflag:s23], $0x1  }
0xa4: {  	[sflag:s23] =	ssyncset.done $0x0  }
0xa5: {  	s25 =	simm.s32 $0x1B8E;
	s24 =	sld [smem:$0x3FFE];
	[sflag:s23] =	ssyncadd.s32 $0xFFFFFFFF  }
0xa6: {  	s26 =	simm.s32 $execute0_lowered;
	[smem:$0x3FD2] =	sst s25  }
0xa7: {  	s6 =	sshll.u32 s26, $0x1;
	_ =	strace $0x80000046;
	[dreg:$0x1] =	wrdreg $0xFFFFFFFF  }
0xa8: {  	s28 =	simm.s32 $_size_execute0_lowered;
	s4 =	sadd.s32 s4, s6;
	[dreg:$0x0] =	wrdreg $0x0  }
0xa9: {  	s6 =	sshll.u32 s28, $0x1;
	[dreg:$0x2] =	wrdreg s4  }
0xaa: {  	[dreg:$0x3] =	wrdreg s6  }
0xab: {  	[dreg:$0x4] =	wrdreg $0xC0  }
0xac: {  	_ =	task [dreg:s8], $0x5FFFF  }
0xad: {  	[dreg:$0x1] =	wrdreg $0xFFFFFFFF  }
0xae: {  	[dreg:$0x0] =	wrdreg $0x60  }
0xaf: {  	[dreg:$0x2] =	wrdreg s2  }
0xb0: {  	[dreg:$0x3] =	wrdreg s24  }
0xb1: {  	[dreg:$0x4] =	wrdreg s18  }
0xb2: {  	[dreg:$0x5] =	wrdreg $0x0  }
0xb3: {  	[dreg:$0x6] =	wrdreg $0x138800  }
0xb4: {  	[dreg:$0x7] =	wrdreg $0x13AF80  }
0xb5: {  	[dreg:$0x8] =	wrdreg $0x9  }
0xb6: {  	_ =	task.clear_ibuf [dreg:s8], $0x9FFFF;
	_ =	strace $0x90000046  }
0xb7: {  	s29 =	simm.s32 $0x9;
	_ =	strace $0x80000048  }
0xb8: {  	_ =	swait.ge [sflag:s29], $0x1  }
0xb9: {  	[sflag:s29] =	ssyncadd.s32 $0xFFFFFFFF  }
0xba: {  	_ =	strace $0x90000048  }
0xbb: {  	_ =	sfence  }
0xbc: {  	s30 =	sld [smem:$0x0];
	_ =	sdelay $0x2  }
0xbd: {  	s31 =	sshll.u32 s1, $0xD;
	s1 =	sshrl.u32 s1, $0x2  }
0xbe: {  	s3 =	sand.u32 $0x4000, s31;
	s1 =	sadd.s32 s1, s30  }
0xbf: {  	s0 =	sor.u32 s3, s0;
	s1 =	sshll.u32 s1, $0x11  }
0xc0: {  	s0 =	sor.u32 s1, s0  }
0xc1: {  	s0 =	sadd.s32 $0x8F2B, s0  }
0xc2: {  	[sflag:s0] =	ssyncadd.remote.s32 $0x1  }
0xc3: {  	_ =	sfence.sel $0xFFFF  }
0xc4: {  	[dreg:$0x0] =	wrdreg $0xFFFFFFFF;
	(pc) =	sbr.abs _section_cstart, $3  }
0xc5: {  	[dreg:$0x1] =	wrdreg $0xFFFFFFFF  }
0xc6: {  	_ =	task.clear_ibuf [dreg:s8], $0x2FFFF;
	_ =	strace $0x9FFFFFFF  }
0xc7: {  	(tm) =	ssettm $0x7FFFFFFF  }
tec
execute0_lowered:
.L_overlay_start_1:
0x0: {  	(tag) =	ssettag $0x1  }
0x1: {  	s1 =	rddreg [dreg:$0x0]  }
0x2: {  	s0 =	rddreg [dreg:$0x1]  }
0x3: {  	s7 =	rddreg [dreg:$0x2]  }
0x4: {  	s2 =	rddreg [dreg:$0x3]  }
0x5: {  	s3 =	rddreg [dreg:$0x4]  }
0x6: {  	s4 =	rddreg [dreg:$0x5]  }
0x7: {  	s5 =	simm.s32 $0x0;
	s6 =	srdreg.scid;
	s20 =	stileid.u32  }
0x8: {  	[smem:$0x7FF] =	sst s5;
	s8 =	sand.u32 $0x1, s6;
	s9 =	sadd.s32 $0xC800, s0  }
0x9: {  	s10 =	sadd.s32 $0x2A00, s0;
	s12 =	sshll.u32 s20, $0x1;
	s18 =	smul.u32 $0x4F000, s20  }
0xa: {  	s22 =	smul.u32 $0x9C, s20;
	_ =	strace $0x80000047;
	s6 =	ssub.s32 $0x2, s8  }
0xb: {  	s19 =	sor.u32 s8, s12;
	s12 =	smul.u32 $0x278, s20;
	p3 =	seq.s32 s8, $0x0  }
0xc: {  	p5 =	seq.s32 s8, $0x1;
	s11 =	sshrl.u32 s6, $0x1;
	s13 =	smul.u32 $0x4E, s19  }
0xd: {  	s6 =	ssub.s32 s6, s11;
	s14 =	sadd.s32 $0x100, s12;
	s17 =	sadd.s32 $0x180, s12  }
0xe: {  	s11 =	smin.u32 s19, $0x4;
	s19 =	smul.u32 $0x4E, s8;
	s15 =	sadd.s32 s14, s3  }
0xf: {  	s8 =	sor.u32 s20, s8;
	s21 =	sadd.s32 s14, s4;
	[dreg:$0x7] =	wrdreg s15  }
0x10: {  	s13 =	sadd.s32 s11, s13;
	s11 =	sadd.s32 s22, s11;
	[dreg:$0x8] =	wrdreg s21  }
0x11: {  	s13 =	sshll.u32 s13, $0x4;
	s11 =	sadd.s32 s19, s11;
	s19 =	sadd.s32 s17, s4  }
0x12: {  	p2 =	sne.s32 s8, $0x0;
	s16 =	sadd.s32 s9, s13;
	[dreg:$0x12] =	wrdreg s19  }
0x13: {  	s8 =	simm.s32 @!p2 $0x0;
	s21 =	sadd.s32 s10, s13;
	[dreg:$0x9] =	wrdreg s16  }
0x14: {  	s23 =	sadd.s32 $0x10, s13;
	s8 =	simm.s32 @p2 $0x1;
	[dreg:$0xa] =	wrdreg s21  }
0x15: {  	s13 =	sadd.s32 $0x4E0, s13;
	s24 =	sadd.s32 s9, s23;
	[smem:$0x7B6] =	sst s8  }
0x16: {  	s11 =	sshll.u32 s11, $0x4;
	s25 =	sadd.s32 s10, s23;
	[dreg:$0xb] =	wrdreg s24  }
0x17: {  	s26 =	sadd.s32 s9, s13;
	s13 =	sadd.s32 s10, s13;
	[dreg:$0xc] =	wrdreg s25  }
0x18: {  	s15 =	sadd.s32 s11, s9;
	s16 =	sadd.s32 s11, s10;
	[dreg:$0xd] =	wrdreg s26  }
0x19: {  	s11 =	sshrl.u32 s18, $0x2;
	s18 =	sadd.s32 s17, s3;
	[dreg:$0xe] =	wrdreg s13  }
0x1a: {  	s23 =	sadd.s32 s12, s3;
	[dreg:$0x11] =	wrdreg s18  }
0x1b: {  	[dreg:$0x14] =	wrdreg s23  }
0x1c: {  	[dreg:$0x13] =	wrdreg s15  }
0x1d: {  	s21 =	sshll.u32 s17, $0x7;
	s24 =	sadd.s32 s12, s4;
	[dreg:$0x15] =	wrdreg s16  }
0x1e: {  	s9 =	sadd.s32 $0x80, s12;
	s26 =	sadd.s32 s21, s2;
	[dreg:$0x16] =	wrdreg s24  }
0x1f: {  	s25 =	sadd.s32 $0x200, s12;
	s12 =	sadd.s32 s9, s3;
	[dreg:$0x18] =	wrdreg s26  }
0x20: {  	s23 =	sadd.s32 $0x3E400, s0;
	[dreg:$0x1a] =	wrdreg s12  }
0x21: {  	s22 =	sadd.s32 s11, s2;
	s11 =	sadd.s32 $0x3E577, s0;
	[smem:$0x7B9] =	sst s23  }
0x22: {  	s13 =	sshll.u32 s9, $0x7;
	[smem:$0x7C0] =	sst s11  }
0x23: {  	s8 =	sadd.s32 s13, s2;
	[dreg:$0xf] =	wrdreg s22  }
0x24: {  	s13 =	sadd.s32 s9, s4;
	[dreg:$0x10] =	wrdreg s8  }
0x25: {  	s17 =	sadd.s32 s25, s3;
	[dreg:$0x1b] =	wrdreg s13  }
0x26: {  	s18 =	sadd.s32 s25, s4;
	[dreg:$0x1c] =	wrdreg s17  }
0x27: {  	s24 =	sadd.s32 $0x3EA00, s0;
	[dreg:$0x1d] =	wrdreg s18  }
0x28: {  	s10 =	sshll.u32 s25, $0x7;
	s25 =	sadd.s32 $0x3D800, s0;
	[smem:$0x7BA] =	sst s24  }
0x29: {  	s26 =	sadd.s32 $0x3DE00, s0;
	[smem:$0x7BB] =	sst s25  }
0x2a: {  	s9 =	sadd.s32 $0x3E47D, s0;
	[smem:$0x7BC] =	sst s26  }
0x2b: {  	s12 =	sadd.s32 $0x3E5F4, s0;
	[smem:$0x7BE] =	sst s9  }
0x2c: {  	s23 =	sadd.s32 $0x3D8FA, s0;
	[smem:$0x7C1] =	sst s12  }
0x2d: {  	s14 =	sshll.u32 s14, $0x7;
	s11 =	sadd.s32 $0x3DC65, s0;
	[smem:$0x7C8] =	sst s23  }
0x2e: {  	s8 =	sadd.s32 s14, s2;
	[smem:$0x7CF] =	sst s11  }
0x2f: {  	s13 =	sadd.s32 $0x3E671, s0;
	[dreg:$0x17] =	wrdreg s8  }
0x30: {  	s17 =	sadd.s32 $0x3E76B, s0;
	[smem:$0x7C2] =	sst s13  }
0x31: {  	s18 =	sadd.s32 $0x3E7E8, s0;
	[smem:$0x7C4] =	sst s17  }
0x32: {  	s24 =	sadd.s32 $0x3D977, s0;
	[smem:$0x7C5] =	sst s18  }
0x33: {  	s25 =	sadd.s32 $0x3D9F4, s0;
	[smem:$0x7C9] =	sst s24  }
0x34: {  	s26 =	sadd.s32 $0x3DA71, s0;
	[smem:$0x7CA] =	sst s25  }
0x35: {  	s9 =	sadd.s32 $0x3DB6B, s0;
	[smem:$0x7CB] =	sst s26  }
0x36: {  	s12 =	sadd.s32 $0x3EA7D, s0;
	[smem:$0x7CD] =	sst s9  }
0x37: {  	s23 =	sadd.s32 $0x3EDE8, s0;
	[smem:$0x7D0] =	sst s12  }
0x38: {  	s11 =	sadd.s32 $0x3E0EE, s0;
	[smem:$0x7D7] =	sst s23  }
0x39: {  	s8 =	sadd.s32 s10, s2;
	[smem:$0x7DE] =	sst s11  }
0x3a: {  	s10 =	sadd.s32 $0x3E4FA, s0;
	[dreg:$0x19] =	wrdreg s8  }
0x3b: {  	s13 =	sadd.s32 $0x3EAFA, s0;
	[smem:$0x7BF] =	sst s10  }
0x3c: {  	s17 =	sadd.s32 $0x3EBF4, s0;
	[smem:$0x7D1] =	sst s13  }
0x3d: {  	s18 =	sadd.s32 $0x3EC71, s0;
	[smem:$0x7D3] =	sst s17  }
0x3e: {  	s24 =	sadd.s32 $0x3EE65, s0;
	[smem:$0x7D4] =	sst s18  }
0x3f: {  	s25 =	sadd.s32 $0x3DE7D, s0;
	[smem:$0x7D8] =	sst s24  }
0x40: {  	s26 =	sadd.s32 $0x3DEFA, s0;
	[smem:$0x7D9] =	sst s25  }
0x41: {  	s9 =	sadd.s32 $0x3DFF4, s0;
	[smem:$0x7DA] =	sst s26  }
0x42: {  	s12 =	sadd.s32 $0x3E16B, s0;
	[smem:$0x7DC] =	sst s9  }
0x43: {  	s14 =	smul.u32 $0x2780, s20;
	s23 =	sadd.s32 $0x2588, s3;
	[smem:$0x7DF] =	sst s12  }
0x44: {  	s11 =	sadd.s32 $0x1770, s3;
	[smem:$0x7E8] =	sst s23  }
0x45: {  	s8 =	sadd.s32 s7, s14;
	[smem:$0x7F1] =	sst s11  }
0x46: {  	s7 =	sadd.s32 $0x25080, s7;
	[dreg:$0x1e] =	wrdreg s8  }
0x47: {  	s19 =	sadd.s32 s14, s0;
	s14 =	sadd.s32 $0x3E6EE, s0;
	[dreg:$0x1f] =	wrdreg s7  }
0x48: {  	s10 =	sadd.s32 $0x3DBE8, s0;
	[smem:$0x7C3] =	sst s14  }
0x49: {  	s13 =	sadd.s32 $0x3E1E8, s0;
	[smem:$0x7CE] =	sst s10  }
0x4a: {  	s17 =	smax.u32 s6, $0x1;
	[smem:$0x7E0] =	sst s13  }
0x4b: {  	s18 =	sadd.s32 $0x12C400, s2;
	[smem:$0x7E3] =	sst s17  }
0x4c: {  	s24 =	sadd.s32 $0x2708, s3;
	[smem:$0x7E4] =	sst s18  }
0x4d: {  	s25 =	sadd.s32 $0x2588, s4;
	[smem:$0x7E9] =	sst s24  }
0x4e: {  	s26 =	sadd.s32 $0x2708, s4;
	[smem:$0x7EA] =	sst s25  }
0x4f: {  	s29 =	simm.s32 $0x13D70;
	s6 =	sadd.s32 $0x3E8, s3;
	[smem:$0x7EB] =	sst s26  }
0x50: {  	s30 =	simm.s32 $0x13DF0;
	s9 =	sadd.s32 $0xFA0, s3;
	[smem:$0x7EC] =	sst s6  }
0x51: {  	s31 =	simm.s32 $0x1;
	s12 =	sadd.s32 $0x1B58, s3;
	[smem:$0x7EF] =	sst s9  }
0x52: {  	s28 =	simm.s32 $0x5;
	s23 =	sadd.s32 $0x1770, s4;
	[smem:$0x7F2] =	sst s12  }
0x53: {  	p0 =	seq.s32 s20, $0xF;
	s21 =	sadd.s32 $0x16600, s19;
	[smem:$0x7FA] =	sst s23  }
0x54: {  	p1 =	sne.s32 s20, $0xF;
	s8 =	sadd.s32 $0x3B680, s0;
	[smem:$0x7B7] =	sst s21  }
0x55: {  	p6 =	seq.s32 s20, $0x0;
	s19 =	sadd.s32 $0x3E865, s0;
	[smem:$0x7BD] =	sst s8  }
0x56: {  	p4 =	por !p3, !p1;
	s14 =	sadd.s32 $0x3EB77, s0;
	[smem:$0x7C6] =	sst s19  }
0x57: {  	p3 =	por !p3, !p0;
	s10 =	sadd.s32 $0x3E071, s0;
	[smem:$0x7D2] =	sst s14  }
0x58: {  	p1 =	por !p1, !p5;
	s13 =	sadd.s32 $0x1F40, s3;
	[smem:$0x7DD] =	sst s10  }
0x59: {  	p6 =	por !p6, !p5;
	s17 =	sadd.s32 $0x3E8, s4;
	[smem:$0x7F3] =	sst s13  }
0x5a: {  	p2 =	por !p4, !p4;
	s18 =	sadd.s32 $0x7D0, s4;
	[smem:$0x7F5] =	sst s17  }
0x5b: {  	p4 =	por !p1, !p1;
	s24 =	sadd.s32 $0x1B58, s4;
	[smem:$0x7F6] =	sst s18  }
0x5c: {  	p1 =	por !p6, !p6;
	s25 =	sadd.s32 $0x1F40, s4;
	[smem:$0x7FB] =	sst s24  }
0x5d: {  	s7 =	simm.s32 @!p1 $0x0;
	s26 =	sadd.s32 $0x2328, s4;
	[smem:$0x7FC] =	sst s25  }
0x5e: {  	p5 =	por !p5, !p0;
	s7 =	simm.s32 @p1 $0x1;
	[smem:$0x7FD] =	sst s26  }
0x5f: {  	p3 =	por !p3, !p3;
	s21 =	sadd.s32 $0x3D87D, s0;
	[smem:$0x7B8] =	sst s7  }
0x60: {  	p5 =	por !p5, !p5;
	s8 =	sadd.s32 $0x3DAEE, s0;
	[smem:$0x7C7] =	sst s21  }
0x61: {  	s9 =	simm.s32 $0x13EF0;
	s19 =	sadd.s32 $0x3ECEE, s0;
	[smem:$0x7CC] =	sst s8  }
0x62: {  	s12 =	simm.s32 $0x14070;
	s14 =	sadd.s32 $0x128400, s2;
	[smem:$0x7D5] =	sst s19  }
0x63: {  	p1 =	sgt.u32 s20, $0x1;
	s20 =	sadd.s32 $0x134400, s2;
	[smem:$0x7E2] =	sst s14  }
0x64: {  	s23 =	simm.s32 $0x13FF0;
	s10 =	sadd.s32 $0x1388, s3;
	[smem:$0x7E6] =	sst s20  }
0x65: {  	s6 =	simm.s32 $0x6;
	s21 =	sadd.s32 $0x3ED6B, s0;
	[smem:$0x7F0] =	sst s10  }
0x66: {  	s13 =	simm.s32 $0x2;
	s8 =	sadd.s32 $0x3DF77, s0;
	[smem:$0x7D6] =	sst s21  }
0x67: {  	s18 =	simm.s32 $0x13F70;
	s0 =	sadd.s32 $0x3E265, s0;
	[smem:$0x7DB] =	sst s8  }
0x68: {  	s24 =	simm.s32 $0x4;
	s19 =	sadd.s32 $0x130400, s2;
	[smem:$0x7E1] =	sst s0  }
0x69: {  	s25 =	simm.s32 $0x1C070;
	s7 =	sadd.s32 $0x7D0, s3;
	[smem:$0x7E5] =	sst s19  }
0x6a: {  	s26 =	simm.s32 $0x3;
	s14 =	sadd.s32 $0x2328, s3;
	[smem:$0x7ED] =	sst s7  }
0x6b: {  	s17 =	simm.s32 $0x0;
	s20 =	sadd.s32 $0xFA0, s4;
	[smem:$0x7F4] =	sst s14  }
.Ltmp0:
0x6c: {  	s21 =	sadd.s32 $0x138400, s2;
	[smem:$0x7F8] =	sst s20;
	(pc) =	sbr.rel .LBB2_1-.Ltmp0, $4  }
0x6d: {  	s10 =	simm.s32 $0x80;
	s8 =	sadd.s32 $0xBB8, s3;
	[smem:$0x7E7] =	sst s21  }
0x6e: {  	s19 =	sadd.s32 $0xBB8, s4;
	s0 =	simm.s32 $0x13E70;
	[smem:$0x7EE] =	sst s8  }
0x6f: {  	s14 =	simm.s32 $0x18070;
	[smem:$0x7F7] =	sst s19;
	s21 =	sadd.s32 $0x1388, s4  }
0x70: {  	v0 =	vimm.f32 $0.0e+00;
	v1 =	vimm.f32 $1.000000000e+00;
	s7 =	simm.s32 $0x7;
	s19 =	simm.s32 $0x8;
	[smem:$0x7F9] =	sst s21  }
.LBB2_10:
0x71: {  	s8 =	sld [smem:$0x7E3];
	_ =	sdelay $0x1  }
0x72: {  	s17 =	sadd.s32 $0x1, s17  }
0x73: {  	p6 =	sne.s32 s17, s8  }
.Ltmp1:
0x74: {  	_ = 	snop;
	(pc) =	sbr.rel @!p6 .LBB2_11-.Ltmp1, $1  }
0x75: {  	_ =	sdelay $0x3  }
.LBB2_1:
0x76: {  	[smem:$0x7B5] =	sst s17;
	s17 =	simm.s32 $0x0;
	s21 =	simm.s32 $0x200  }
.LBB2_2:
0x77: {  	p6 =	sne.s32 s21, $0xFE00;
	[tilespmem:s17+$0x140E0] =	vst v0  }
0x78: {  	[tilespmem:s17+$0x14070] =	vst v0  }
0x79: {  	[tilespmem:s17+$0x14080] =	vst v0  }
.Ltmp2:
0x7a: {  	[tilespmem:s17+$0x14090] =	vst v0;
	(pc) =	sbr.rel @p6 .LBB2_2-.Ltmp2, $4  }
0x7b: {  	[tilespmem:s17+$0x140A0] =	vst v0  }
0x7c: {  	[tilespmem:s17+$0x140B0] =	vst v0  }
0x7d: {  	[tilespmem:s17+$0x140C0] =	vst v0  }
0x7e: {  	[tilespmem:s17+$0x140D0] =	vst v0;
	s17 =	sshra.s32 s21, $0x2;
	s21 =	sadd.s32 $0x200, s21  }
0x7f: {  	[tilespmem:s17+$0x140E0] =	vst v0  }
0x80: {  	[tilespmem:s17+$0x14070] =	vst v0  }
0x81: {  	[tilespmem:s17+$0x14080] =	vst v0  }
0x82: {  	[tilespmem:s17+$0x14090] =	vst v0  }
0x83: {  	[tilespmem:s17+$0x140A0] =	vst v0  }
0x84: {  	[tilespmem:s17+$0x140B0] =	vst v0;
	s8 =	sld [smem:$0x7E2]  }
0x85: {  	[tilespmem:s17+$0x140C0] =	vst v0  }
0x86: {  	[tilespmem:s17+$0x140D0] =	vst v0;
	s17 =	simm.s32 @p0 $0x14070;
	s21 =	simm.s32 @p0 $0x8  }
0x87: {  	[spmem:s8] =	stream.linear.scatter @p0 [tilespmem:s17], [sflag:$0x8], $0x4000, $0x38;
	[tilespmem:$0x1C4F0] =	vst v63  }
0x88: {  	_ =	swait.ge @p0 [sflag:s21], $0x4000  }
0x89: {  	s8 =	sld [smem:$0x7E4]  }
0x8a: {  	[sflag:s21] =	ssyncset.done @p0 $0x0  }
0x8b: {  	[sflag:s21] =	ssyncadd.s32 @p0 $0xFFFFC000  }
0x8c: {  	[spmem:s8] =	stream.linear.scatter @p0 [tilespmem:s17], [sflag:$0x8], $0x4000, $0x38;
	[tilespmem:$0x1C4F0] =	vst v63  }
0x8d: {  	_ =	swait.ge @p0 [sflag:s21], $0x4000  }
0x8e: {  	s8 =	sld [smem:$0x7E5]  }
0x8f: {  	[sflag:s21] =	ssyncset.done @p0 $0x0  }
0x90: {  	[sflag:s21] =	ssyncadd.s32 @p0 $0xFFFFC000  }
0x91: {  	[spmem:s8] =	stream.linear.scatter @p0 [tilespmem:s17], [sflag:$0x8], $0x4000, $0x38;
	[tilespmem:$0x1C4F0] =	vst v63  }
0x92: {  	_ =	swait.ge @p0 [sflag:s21], $0x4000  }
0x93: {  	s8 =	sld [smem:$0x7E6]  }
0x94: {  	[sflag:s21] =	ssyncset.done @p0 $0x0  }
0x95: {  	[sflag:s21] =	ssyncadd.s32 @p0 $0xFFFFC000  }
0x96: {  	[spmem:s8] =	stream.linear.scatter @p0 [tilespmem:s17], [sflag:$0x8], $0x4000, $0x38;
	[tilespmem:$0x1C4F0] =	vst v63  }
0x97: {  	_ =	swait.ge @p0 [sflag:s21], $0x4000  }
0x98: {  	s8 =	sld [smem:$0x7E7]  }
0x99: {  	[sflag:s21] =	ssyncset.done @p0 $0x0  }
0x9a: {  	[sflag:s21] =	ssyncadd.s32 @p0 $0xFFFFC000  }
0x9b: {  	[spmem:s8] =	stream.linear.scatter @p0 [tilespmem:s17], [sflag:$0x8], $0x400, $0x38;
	[tilespmem:$0x1C4F0] =	vst v63  }
0x9c: {  	_ =	swait.ge @p0 [sflag:s21], $0x400  }
0x9d: {  	[sflag:s21] =	ssyncset.done @p0 $0x0  }
0x9e: {  	s16 =	rddreg [dreg:$0x14];
	[sflag:s21] =	ssyncadd.s32 @p0 $0xFFFFFC00  }
0x9f: {  	[spmem:s16] =	stream.linear.scatter @p0 [tilespmem:s17], [sflag:$0x8], $0x80, $0x38;
	[tilespmem:$0x1C4F0] =	vst v63  }
0xa0: {  	_ =	swait.ge @p0 [sflag:s21], $0x80  }
0xa1: {  	s8 =	sld [smem:$0x7E8]  }
0xa2: {  	[sflag:s21] =	ssyncset.done @p0 $0x0  }
0xa3: {  	[sflag:s21] =	ssyncadd.s32 @p0 $0xFFFFFF80  }
0xa4: {  	[spmem:s8] =	stream.linear.scatter @p0 [tilespmem:s17], [sflag:$0x8], $0x80, $0x38;
	[tilespmem:$0x1C4F0] =	vst v63  }
0xa5: {  	_ =	swait.ge @p0 [sflag:s21], $0x80  }
0xa6: {  	[sflag:s21] =	ssyncset.done @p0 $0x0  }
0xa7: {  	s11 =	rddreg [dreg:$0x7];
	[sflag:s21] =	ssyncadd.s32 @p0 $0xFFFFFF80  }
0xa8: {  	[spmem:s11] =	stream.linear.scatter @p0 [tilespmem:s17], [sflag:$0x8], $0x80, $0x38;
	[tilespmem:$0x1C4F0] =	vst v63  }
0xa9: {  	_ =	swait.ge @p0 [sflag:s21], $0x80  }
0xaa: {  	[sflag:s21] =	ssyncset.done @p0 $0x0  }
0xab: {  	s8 =	rddreg [dreg:$0x11];
	[sflag:s21] =	ssyncadd.s32 @p0 $0xFFFFFF80  }
0xac: {  	[spmem:s8] =	stream.linear.scatter @p0 [tilespmem:s17], [sflag:$0x8], $0x80, $0x38;
	[tilespmem:$0x1C4F0] =	vst v63  }
0xad: {  	_ =	swait.ge @p0 [sflag:s21], $0x80  }
0xae: {  	s15 =	sld [smem:$0x7E9]  }
0xaf: {  	[sflag:s21] =	ssyncset.done @p0 $0x0  }
0xb0: {  	[sflag:s21] =	ssyncadd.s32 @p0 $0xFFFFFF80  }
0xb1: {  	[spmem:s15] =	stream.linear.scatter @p0 [tilespmem:s17], [sflag:$0x8], $0x8, $0x38;
	[tilespmem:$0x1C4F0] =	vst v63  }
0xb2: {  	_ =	swait.ge @p0 [sflag:s21], $0x8  }
0xb3: {  	[sflag:s21] =	ssyncset.done @p0 $0x0  }
0xb4: {  	s15 =	rddreg [dreg:$0x16];
	[sflag:s21] =	ssyncadd.s32 @p0 $0xFFFFFFF8  }
0xb5: {  	[spmem:s15] =	stream.linear.scatter @p0 [tilespmem:s17], [sflag:$0x8], $0x80, $0x38;
	[tilespmem:$0x1C4F0] =	vst v63  }
0xb6: {  	_ =	swait.ge @p0 [sflag:s21], $0x80  }
0xb7: {  	s15 =	sld [smem:$0x7EA]  }
0xb8: {  	[sflag:s21] =	ssyncset.done @p0 $0x0  }
0xb9: {  	[sflag:s21] =	ssyncadd.s32 @p0 $0xFFFFFF80  }
0xba: {  	[spmem:s15] =	stream.linear.scatter @p0 [tilespmem:s17], [sflag:$0x8], $0x80, $0x38;
	[tilespmem:$0x1C4F0] =	vst v63  }
0xbb: {  	_ =	swait.ge @p0 [sflag:s21], $0x80  }
0xbc: {  	[sflag:s21] =	ssyncset.done @p0 $0x0  }
0xbd: {  	s20 =	rddreg [dreg:$0x8];
	[sflag:s21] =	ssyncadd.s32 @p0 $0xFFFFFF80  }
0xbe: {  	[spmem:s20] =	stream.linear.scatter @p0 [tilespmem:s17], [sflag:$0x8], $0x80, $0x38;
	[tilespmem:$0x1C4F0] =	vst v63  }
0xbf: {  	_ =	swait.ge @p0 [sflag:s21], $0x80  }
0xc0: {  	[sflag:s21] =	ssyncset.done @p0 $0x0  }
0xc1: {  	s15 =	rddreg [dreg:$0x12];
	[sflag:s21] =	ssyncadd.s32 @p0 $0xFFFFFF80  }
0xc2: {  	[spmem:s15] =	stream.linear.scatter @p0 [tilespmem:s17], [sflag:$0x8], $0x80, $0x38;
	[tilespmem:$0x1C4F0] =	vst v63  }
0xc3: {  	_ =	swait.ge @p0 [sflag:s21], $0x80  }
0xc4: {  	s22 =	sld [smem:$0x7EB]  }
0xc5: {  	[sflag:s21] =	ssyncset.done @p0 $0x0  }
0xc6: {  	[sflag:s21] =	ssyncadd.s32 @p0 $0xFFFFFF80  }
0xc7: {  	[spmem:s22] =	stream.linear.scatter @p0 [tilespmem:s17], [sflag:$0x8], $0x8, $0x38;
	[tilespmem:$0x1C4F0] =	vst v63  }
0xc8: {  	_ =	swait.ge @p0 [sflag:s21], $0x8  }
0xc9: {  	[sflag:s21] =	ssyncset.done @p0 $0x0  }
0xca: {  	s17 =	simm.s32 @!p0 $0x14070;
	[sflag:s21] =	ssyncadd.s32 @p0 $0xFFFFFFF8;
	s21 =	rddreg [dreg:$0xf]  }
0xcb: {  	[spmem:s21] =	stream.linear.scatter @!p0 [tilespmem:s17], [sflag:$0x8], $0x4000, $0x38;
	[tilespmem:$0x1C4F0] =	vst v63  }
0xcc: {  	s21 =	simm.s32 @!p0 $0x8  }
0xcd: {  	_ =	swait.ge @!p0 [sflag:s21], $0x4000  }
0xce: {  	[sflag:s21] =	ssyncset.done @!p0 $0x0  }
0xcf: {  	s22 =	rddreg [dreg:$0x10];
	[sflag:s21] =	ssyncadd.s32 @!p0 $0xFFFFC000  }
0xd0: {  	[spmem:s22] =	stream.linear.scatter @!p0 [tilespmem:s17], [sflag:$0x8], $0x4000, $0x38;
	[tilespmem:$0x1C4F0] =	vst v63  }
0xd1: {  	_ =	swait.ge @!p0 [sflag:s21], $0x4000  }
0xd2: {  	[sflag:s21] =	ssyncset.done @!p0 $0x0  }
0xd3: {  	s22 =	rddreg [dreg:$0x17];
	[sflag:s21] =	ssyncadd.s32 @!p0 $0xFFFFC000  }
0xd4: {  	[spmem:s22] =	stream.linear.scatter @!p0 [tilespmem:s17], [sflag:$0x8], $0x4000, $0x38;
	[tilespmem:$0x1C4F0] =	vst v63  }
0xd5: {  	_ =	swait.ge @!p0 [sflag:s21], $0x4000  }
0xd6: {  	[sflag:s21] =	ssyncset.done @!p0 $0x0  }
0xd7: {  	s22 =	rddreg [dreg:$0x18];
	[sflag:s21] =	ssyncadd.s32 @!p0 $0xFFFFC000  }
0xd8: {  	[spmem:s22] =	stream.linear.scatter @!p0 [tilespmem:s17], [sflag:$0x8], $0x4000, $0x38;
	[tilespmem:$0x1C4F0] =	vst v63  }
0xd9: {  	_ =	swait.ge @!p0 [sflag:s21], $0x4000  }
0xda: {  	[sflag:s21] =	ssyncset.done @!p0 $0x0  }
0xdb: {  	s22 =	rddreg [dreg:$0x19];
	[sflag:s21] =	ssyncadd.s32 @!p0 $0xFFFFC000  }
0xdc: {  	[spmem:s22] =	stream.linear.scatter @!p0 [tilespmem:s17], [sflag:$0x8], $0x3C00, $0x38;
	[tilespmem:$0x1C4F0] =	vst v63  }
0xdd: {  	_ =	swait.ge @!p0 [sflag:s21], $0x3C00  }
0xde: {  	[sflag:s21] =	ssyncset.done @!p0 $0x0  }
0xdf: {  	[sflag:s21] =	ssyncadd.s32 @!p0 $0xFFFFC400  }
0xe0: {  	[spmem:s16] =	stream.linear.scatter @!p0 [tilespmem:s17], [sflag:$0x8], $0x80, $0x38;
	[tilespmem:$0x1C4F0] =	vst v63  }
0xe1: {  	_ =	swait.ge @!p0 [sflag:s21], $0x80  }
0xe2: {  	[sflag:s21] =	ssyncset.done @!p0 $0x0  }
0xe3: {  	s16 =	rddreg [dreg:$0x1a];
	[sflag:s21] =	ssyncadd.s32 @!p0 $0xFFFFFF80  }
0xe4: {  	[spmem:s16] =	stream.linear.scatter @!p0 [tilespmem:s17], [sflag:$0x8], $0x80, $0x38;
	[tilespmem:$0x1C4F0] =	vst v63  }
0xe5: {  	_ =	swait.ge @!p0 [sflag:s21], $0x80  }
0xe6: {  	[sflag:s21] =	ssyncset.done @!p0 $0x0  }
0xe7: {  	[sflag:s21] =	ssyncadd.s32 @!p0 $0xFFFFFF80  }
0xe8: {  	[spmem:s11] =	stream.linear.scatter @!p0 [tilespmem:s17], [sflag:$0x8], $0x80, $0x38;
	[tilespmem:$0x1C4F0] =	vst v63  }
0xe9: {  	_ =	swait.ge @!p0 [sflag:s21], $0x80  }
0xea: {  	[sflag:s21] =	ssyncset.done @!p0 $0x0  }
0xeb: {  	[sflag:s21] =	ssyncadd.s32 @!p0 $0xFFFFFF80  }
0xec: {  	[spmem:s8] =	stream.linear.scatter @!p0 [tilespmem:s17], [sflag:$0x8], $0x80, $0x38;
	[tilespmem:$0x1C4F0] =	vst v63  }
0xed: {  	_ =	swait.ge @!p0 [sflag:s21], $0x80  }
0xee: {  	[sflag:s21] =	ssyncset.done @!p0 $0x0  }
0xef: {  	s8 =	rddreg [dreg:$0x1c];
	[sflag:s21] =	ssyncadd.s32 @!p0 $0xFFFFFF80  }
0xf0: {  	[spmem:s8] =	stream.linear.scatter @!p0 [tilespmem:s17], [sflag:$0x8], $0x78, $0x38;
	[tilespmem:$0x1C4F0] =	vst v63  }
0xf1: {  	_ =	swait.ge @!p0 [sflag:s21], $0x78  }
0xf2: {  	[sflag:s21] =	ssyncset.done @!p0 $0x0  }
0xf3: {  	s8 =	rddreg [dreg:$0x16];
	[sflag:s21] =	ssyncadd.s32 @!p0 $0xFFFFFF88  }
0xf4: {  	[spmem:s8] =	stream.linear.scatter @!p0 [tilespmem:s17], [sflag:$0x8], $0x80, $0x38;
	[tilespmem:$0x1C4F0] =	vst v63  }
0xf5: {  	_ =	swait.ge @!p0 [sflag:s21], $0x80  }
0xf6: {  	[sflag:s21] =	ssyncset.done @!p0 $0x0  }
0xf7: {  	s8 =	rddreg [dreg:$0x1b];
	[sflag:s21] =	ssyncadd.s32 @!p0 $0xFFFFFF80  }
0xf8: {  	[spmem:s8] =	stream.linear.scatter @!p0 [tilespmem:s17], [sflag:$0x8], $0x80, $0x38;
	[tilespmem:$0x1C4F0] =	vst v63  }
0xf9: {  	_ =	swait.ge @!p0 [sflag:s21], $0x80  }
0xfa: {  	[sflag:s21] =	ssyncset.done @!p0 $0x0  }
0xfb: {  	[sflag:s21] =	ssyncadd.s32 @!p0 $0xFFFFFF80  }
0xfc: {  	[spmem:s20] =	stream.linear.scatter @!p0 [tilespmem:s17], [sflag:$0x8], $0x80, $0x38;
	[tilespmem:$0x1C4F0] =	vst v63  }
0xfd: {  	_ =	swait.ge @!p0 [sflag:s21], $0x80  }
0xfe: {  	[sflag:s21] =	ssyncset.done @!p0 $0x0  }
0xff: {  	[sflag:s21] =	ssyncadd.s32 @!p0 $0xFFFFFF80  }
0x100: {  	[spmem:s15] =	stream.linear.scatter @!p0 [tilespmem:s17], [sflag:$0x8], $0x80, $0x38;
	[tilespmem:$0x1C4F0] =	vst v63  }
0x101: {  	_ =	swait.ge @!p0 [sflag:s21], $0x80  }
0x102: {  	[sflag:s21] =	ssyncset.done @!p0 $0x0  }
0x103: {  	s8 =	rddreg [dreg:$0x1d];
	[sflag:s21] =	ssyncadd.s32 @!p0 $0xFFFFFF80  }
0x104: {  	[spmem:s8] =	stream.linear.scatter @!p0 [tilespmem:s17], [sflag:$0x8], $0x78, $0x38;
	[tilespmem:$0x1C4F0] =	vst v63  }
0x105: {  	_ =	swait.ge @!p0 [sflag:s21], $0x78  }
0x106: {  	[sflag:s21] =	ssyncset.done @!p0 $0x0  }
0x107: {  	[sflag:s21] =	ssyncadd.s32 @!p0 $0xFFFFFF88  }
0x108: {  	[tilespmem:$0x1C070] =	vst v1  }
0x109: {  	[tilespmem:$0x1C080] =	vst v1  }
0x10a: {  	[tilespmem:$0x1C090] =	vst v1  }
0x10b: {  	[tilespmem:$0x1C0A0] =	vst v1  }
0x10c: {  	[tilespmem:$0x1C0B0] =	vst v1  }
0x10d: {  	[tilespmem:$0x1C0C0] =	vst v1  }
0x10e: {  	[tilespmem:$0x1C0D0] =	vst v1  }
0x10f: {  	[tilespmem:$0x1C0E0] =	vst v1  }
0x110: {  	[bflag:$0x0] =	sbarrier.arrive $0xFFFF  }
0x111: {  	s21 =	simm.s32 $0x0;
	s16 =	rddreg [dreg:$0x9]  }
0x112: {  	[tilespmem:s29], [sflag:$0x1] =	stream.linear.gather [hbm4b:s16+s21], $0x80, $0x38;
	[tilespmem:$0x1C4F0] =	vst v63  }
0x113: {  	s17 =	rddreg [dreg:$0xa]  }
0x114: {  	[tilespmem:s30], [sflag:$0x1] =	stream.linear.gather [hbm4b:s17+s21], $0x80, $0x38;
	[tilespmem:$0x1C4F0] =	vst v63  }
0x115: {  	_ =	swait.ge [sflag:s31], $0x80  }
0x116: {  	[sflag:s31] =	ssyncset.done $0x0  }
0x117: {  	[sflag:s31] =	ssyncadd.s32 $0xFFFFFF80  }
0x118: {  	_ =	swait.ge [sflag:s31], $0x80  }
0x119: {  	[sflag:s31] =	ssyncset.done $0x0  }
0x11a: {  	s20 =	rddreg [dreg:$0xb];
	[sflag:s31] =	ssyncadd.s32 $0xFFFFFF80  }
0x11b: {  	[tilespmem:s0], [sflag:$0x2] =	stream.linear.gather [hbm4b:s20+s21], $0x80, $0x38;
	[tilespmem:$0x1C4F0] =	vst v63  }
0x11c: {  	s22 =	rddreg [dreg:$0xc]  }
0x11d: {  	[tilespmem:s9], [sflag:$0x2] =	stream.linear.gather [hbm4b:s22+s21], $0x80, $0x38;
	[tilespmem:$0x1C4F0] =	vst v63  }
0x11e: {  	_ = 	snop  }
0x11f: {  	[tilespmem:s12], [sflag:$0x4] =	stream.indirect.gather [hbm4b:s1+s10], $0x80, s29, s10, $0xb8;
	[tilespmem:$0x1C4F0] =	vst v63  }
0x120: {  	_ =	swait.ge [sflag:s13], $0x80  }
0x121: {  	[sflag:s13] =	ssyncset.done $0x0  }
0x122: {  	[sflag:s13] =	ssyncadd.s32 $0xFFFFFF80  }
0x123: {  	_ =	swait.ge [sflag:s13], $0x80  }
0x124: {  	[sflag:s13] =	ssyncset.done $0x0;
	s15 =	rddreg [dreg:$0x13]  }
0x125: {  	s16 =	rddreg [dreg:$0x15];
	[sflag:s13] =	ssyncadd.s32 $0xFFFFFF80  }
.LBB2_4:
0x126: {  	p6 =	seq.s32 s21, $0x0  }
0x127: {  	s17 =	simm.s32 @!p6 $0x7  }
0x128: {  	_ =	swait.ge @!p6 [sflag:s17], $0x4000  }
0x129: {  	[sflag:s17] =	ssyncset.done @!p6 $0x0  }
0x12a: {  	[sflag:s17] =	ssyncadd.s32 @!p6 $0xFFFFC000  }
0x12b: {  	_ =	swait.ge @!p6 [sflag:s17], $0x80  }
0x12c: {  	[sflag:s17] =	ssyncset.done @!p6 $0x0  }
0x12d: {  	[sflag:s17] =	ssyncadd.s32 @!p6 $0xFFFFFF80  }
0x12e: {  	_ =	swait.ge @!p6 [sflag:s17], $0x80  }
0x12f: {  	[sflag:s17] =	ssyncset.done @!p6 $0x0  }
0x130: {  	s22 =	sadd.s32 s21, s15;
	[sflag:s17] =	ssyncadd.s32 @!p6 $0xFFFFFF80  }
0x131: {  	[tilespmem:s14], [sflag:$0x5] =	stream.indirect.gather [hbm4b:s1+s10], $0x80, s0, s10, $0xb8;
	[tilespmem:$0x1C4F0] =	vst v63  }
0x132: {  	s20 =	sadd.s32 $0x20, s22;
	s17 =	sadd.s32 s21, s16  }
0x133: {  	[tilespmem:s18], [sflag:$0x3] =	stream.linear.gather [hbm4b:s20+s5], $0x80, $0x38;
	[tilespmem:$0x1C4F0] =	vst v63  }
0x134: {  	s11 =	sadd.s32 $0x20, s17  }
0x135: {  	[tilespmem:s23], [sflag:$0x3] =	stream.linear.gather [hbm4b:s11+s5], $0x80, $0x38;
	[tilespmem:$0x1C4F0] =	vst v63  }
0x136: {  	_ =	swait.ge [sflag:s24], $0x4000  }
0x137: {  	[sflag:s24] =	ssyncset.done $0x0  }
0x138: {  	[sflag:s24] =	ssyncadd.s32 $0xFFFFC000  }
0x139: {  	[spmem:s2] =	stream.indirect.scatter.add.f32 [tilespmem:s12], [sflag:$0x6], $0x80, s30, s10, $0xb8;
	[tilespmem:$0x1C4F0] =	vst v63  }
0x13a: {  	_ = 	snop  }
0x13b: {  	[spmem:s3] =	stream.indirect.scatter.add.f32 [tilespmem:s25], [sflag:$0x6], $0x1, s29, s10, $0xb8;
	[tilespmem:$0x1C4F0] =	vst v63  }
0x13c: {  	_ = 	snop  }
0x13d: {  	[spmem:s4] =	stream.indirect.scatter.add.f32 [tilespmem:s25], [sflag:$0x6], $0x1, s30, s10, $0xb8;
	[tilespmem:$0x1C4F0] =	vst v63  }
0x13e: {  	_ =	swait.ge [sflag:s26], $0x80  }
0x13f: {  	[sflag:s26] =	ssyncset.done $0x0  }
0x140: {  	[sflag:s26] =	ssyncadd.s32 $0xFFFFFF80  }
0x141: {  	_ =	swait.ge [sflag:s26], $0x80  }
0x142: {  	[sflag:s26] =	ssyncset.done $0x0  }
0x143: {  	[sflag:s26] =	ssyncadd.s32 $0xFFFFFF80  }
0x144: {  	_ =	swait.ge [sflag:s6], $0x4000  }
0x145: {  	[sflag:s6] =	ssyncset.done $0x0  }
0x146: {  	[sflag:s6] =	ssyncadd.s32 $0xFFFFC000  }
0x147: {  	_ =	swait.ge [sflag:s6], $0x80  }
0x148: {  	[sflag:s6] =	ssyncset.done $0x0  }
0x149: {  	[sflag:s6] =	ssyncadd.s32 $0xFFFFFF80  }
0x14a: {  	_ =	swait.ge [sflag:s6], $0x80  }
0x14b: {  	[sflag:s6] =	ssyncset.done $0x0  }
0x14c: {  	[sflag:s6] =	ssyncadd.s32 $0xFFFFFF80  }
0x14d: {  	[tilespmem:s12], [sflag:$0x4] =	stream.indirect.gather [hbm4b:s1+s10], $0x80, s18, s10, $0xb8;
	[tilespmem:$0x1C4F0] =	vst v63  }
0x14e: {  	s8 =	sadd.s32 $0x30, s22  }
0x14f: {  	[tilespmem:s29], [sflag:$0x1] =	stream.linear.gather [hbm4b:s8+s5], $0x80, $0x38;
	[tilespmem:$0x1C4F0] =	vst v63  }
0x150: {  	s20 =	sadd.s32 $0x30, s17  }
0x151: {  	[tilespmem:s30], [sflag:$0x1] =	stream.linear.gather [hbm4b:s20+s5], $0x80, $0x38;
	[tilespmem:$0x1C4F0] =	vst v63  }
0x152: {  	_ =	swait.ge [sflag:s28], $0x4000  }
0x153: {  	[sflag:s28] =	ssyncset.done $0x0  }
0x154: {  	[sflag:s28] =	ssyncadd.s32 $0xFFFFC000  }
0x155: {  	[spmem:s2] =	stream.indirect.scatter.add.f32 [tilespmem:s14], [sflag:$0x7], $0x80, s9, s10, $0xb8;
	[tilespmem:$0x1C4F0] =	vst v63  }
0x156: {  	_ = 	snop  }
0x157: {  	[spmem:s3] =	stream.indirect.scatter.add.f32 [tilespmem:s25], [sflag:$0x7], $0x1, s0, s10, $0xb8;
	[tilespmem:$0x1C4F0] =	vst v63  }
0x158: {  	_ = 	snop  }
0x159: {  	[spmem:s4] =	stream.indirect.scatter.add.f32 [tilespmem:s25], [sflag:$0x7], $0x1, s9, s10, $0xb8;
	[tilespmem:$0x1C4F0] =	vst v63  }
0x15a: {  	_ =	swait.ge [sflag:s31], $0x80  }
0x15b: {  	[sflag:s31] =	ssyncset.done $0x0  }
0x15c: {  	[sflag:s31] =	ssyncadd.s32 $0xFFFFFF80  }
0x15d: {  	_ =	swait.ge [sflag:s31], $0x80  }
0x15e: {  	[sflag:s31] =	ssyncset.done $0x0  }
0x15f: {  	[sflag:s31] =	ssyncadd.s32 $0xFFFFFF80  }
0x160: {  	_ =	swait.ge [sflag:s7], $0x4000  }
0x161: {  	[sflag:s7] =	ssyncset.done $0x0  }
0x162: {  	[sflag:s7] =	ssyncadd.s32 $0xFFFFC000  }
0x163: {  	_ =	swait.ge [sflag:s7], $0x80  }
0x164: {  	[sflag:s7] =	ssyncset.done $0x0  }
0x165: {  	[sflag:s7] =	ssyncadd.s32 $0xFFFFFF80  }
0x166: {  	_ =	swait.ge [sflag:s7], $0x80  }
0x167: {  	[sflag:s7] =	ssyncset.done $0x0  }
0x168: {  	[sflag:s7] =	ssyncadd.s32 $0xFFFFFF80  }
0x169: {  	[tilespmem:s14], [sflag:$0x5] =	stream.indirect.gather [hbm4b:s1+s10], $0x80, s29, s10, $0xb8;
	[tilespmem:$0x1C4F0] =	vst v63  }
0x16a: {  	s8 =	sadd.s32 $0x40, s22  }
0x16b: {  	[tilespmem:s0], [sflag:$0x2] =	stream.linear.gather [hbm4b:s8+s5], $0x80, $0x38;
	[tilespmem:$0x1C4F0] =	vst v63  }
0x16c: {  	s20 =	sadd.s32 $0x40, s17  }
0x16d: {  	[tilespmem:s9], [sflag:$0x2] =	stream.linear.gather [hbm4b:s20+s5], $0x80, $0x38;
	[tilespmem:$0x1C4F0] =	vst v63  }
0x16e: {  	_ =	swait.ge [sflag:s24], $0x4000  }
0x16f: {  	[sflag:s24] =	ssyncset.done $0x0  }
0x170: {  	[sflag:s24] =	ssyncadd.s32 $0xFFFFC000  }
0x171: {  	[spmem:s2] =	stream.indirect.scatter.add.f32 [tilespmem:s12], [sflag:$0x6], $0x80, s23, s10, $0xb8;
	[tilespmem:$0x1C4F0] =	vst v63  }
0x172: {  	_ = 	snop  }
0x173: {  	[spmem:s3] =	stream.indirect.scatter.add.f32 [tilespmem:s25], [sflag:$0x6], $0x1, s18, s10, $0xb8;
	[tilespmem:$0x1C4F0] =	vst v63  }
0x174: {  	_ = 	snop  }
0x175: {  	[spmem:s4] =	stream.indirect.scatter.add.f32 [tilespmem:s25], [sflag:$0x6], $0x1, s23, s10, $0xb8;
	[tilespmem:$0x1C4F0] =	vst v63  }
0x176: {  	_ =	swait.ge [sflag:s13], $0x80  }
0x177: {  	[sflag:s13] =	ssyncset.done $0x0  }
0x178: {  	[sflag:s13] =	ssyncadd.s32 $0xFFFFFF80  }
0x179: {  	_ =	swait.ge [sflag:s13], $0x80  }
0x17a: {  	[sflag:s13] =	ssyncset.done $0x0  }
0x17b: {  	[sflag:s13] =	ssyncadd.s32 $0xFFFFFF80  }
0x17c: {  	_ =	swait.ge [sflag:s6], $0x4000  }
0x17d: {  	[sflag:s6] =	ssyncset.done $0x0  }
0x17e: {  	[sflag:s6] =	ssyncadd.s32 $0xFFFFC000  }
0x17f: {  	_ =	swait.ge [sflag:s6], $0x80  }
0x180: {  	[sflag:s6] =	ssyncset.done $0x0  }
0x181: {  	[sflag:s6] =	ssyncadd.s32 $0xFFFFFF80  }
0x182: {  	_ =	swait.ge [sflag:s6], $0x80  }
0x183: {  	[sflag:s6] =	ssyncset.done $0x0  }
0x184: {  	[sflag:s6] =	ssyncadd.s32 $0xFFFFFF80  }
0x185: {  	[tilespmem:s12], [sflag:$0x4] =	stream.indirect.gather [hbm4b:s1+s10], $0x80, s0, s10, $0xb8;
	[tilespmem:$0x1C4F0] =	vst v63  }
0x186: {  	s8 =	sadd.s32 $0x50, s22  }
0x187: {  	[tilespmem:s18], [sflag:$0x3] =	stream.linear.gather [hbm4b:s8+s5], $0x80, $0x38;
	[tilespmem:$0x1C4F0] =	vst v63  }
0x188: {  	s20 =	sadd.s32 $0x50, s17  }
0x189: {  	[tilespmem:s23], [sflag:$0x3] =	stream.linear.gather [hbm4b:s20+s5], $0x80, $0x38;
	[tilespmem:$0x1C4F0] =	vst v63  }
0x18a: {  	_ =	swait.ge [sflag:s28], $0x4000  }
0x18b: {  	[sflag:s28] =	ssyncset.done $0x0  }
0x18c: {  	[sflag:s28] =	ssyncadd.s32 $0xFFFFC000  }
0x18d: {  	[spmem:s2] =	stream.indirect.scatter.add.f32 [tilespmem:s14], [sflag:$0x7], $0x80, s30, s10, $0xb8;
	[tilespmem:$0x1C4F0] =	vst v63  }
0x18e: {  	_ = 	snop  }
0x18f: {  	[spmem:s3] =	stream.indirect.scatter.add.f32 [tilespmem:s25], [sflag:$0x7], $0x1, s29, s10, $0xb8;
	[tilespmem:$0x1C4F0] =	vst v63  }
0x190: {  	_ = 	snop  }
0x191: {  	[spmem:s4] =	stream.indirect.scatter.add.f32 [tilespmem:s25], [sflag:$0x7], $0x1, s30, s10, $0xb8;
	[tilespmem:$0x1C4F0] =	vst v63  }
0x192: {  	_ =	swait.ge [sflag:s26], $0x80  }
0x193: {  	[sflag:s26] =	ssyncset.done $0x0  }
0x194: {  	[sflag:s26] =	ssyncadd.s32 $0xFFFFFF80  }
0x195: {  	_ =	swait.ge [sflag:s26], $0x80  }
0x196: {  	[sflag:s26] =	ssyncset.done $0x0  }
0x197: {  	[sflag:s26] =	ssyncadd.s32 $0xFFFFFF80  }
0x198: {  	_ =	swait.ge [sflag:s7], $0x4000  }
0x199: {  	[sflag:s7] =	ssyncset.done $0x0  }
0x19a: {  	[sflag:s7] =	ssyncadd.s32 $0xFFFFC000  }
0x19b: {  	_ =	swait.ge [sflag:s7], $0x80  }
0x19c: {  	p6 =	seq.s32 s21, $0x480;
	[sflag:s7] =	ssyncset.done $0x0  }
.Ltmp3:
0x19d: {  	[sflag:s7] =	ssyncadd.s32 $0xFFFFFF80;
	(pc) =	sbr.rel @p6 .LBB2_6-.Ltmp3, $4  }
0x19e: {  	_ =	swait.ge [sflag:s7], $0x80  }
0x19f: {  	[sflag:s7] =	ssyncset.done $0x0  }
0x1a0: {  	[sflag:s7] =	ssyncadd.s32 $0xFFFFFF80  }
0x1a1: {  	[tilespmem:s14], [sflag:$0x5] =	stream.indirect.gather [hbm4b:s1+s10], $0x80, s18, s10, $0xb8;
	[tilespmem:$0x1C4F0] =	vst v63  }
0x1a2: {  	s11 =	sadd.s32 $0x60, s22  }
0x1a3: {  	[tilespmem:s29], [sflag:$0x1] =	stream.linear.gather [hbm4b:s11+s5], $0x80, $0x38;
	[tilespmem:$0x1C4F0] =	vst v63  }
0x1a4: {  	s8 =	sadd.s32 $0x60, s17  }
0x1a5: {  	[tilespmem:s30], [sflag:$0x1] =	stream.linear.gather [hbm4b:s8+s5], $0x80, $0x38;
	[tilespmem:$0x1C4F0] =	vst v63  }
0x1a6: {  	_ =	swait.ge [sflag:s24], $0x4000  }
0x1a7: {  	[sflag:s24] =	ssyncset.done $0x0  }
0x1a8: {  	[sflag:s24] =	ssyncadd.s32 $0xFFFFC000  }
0x1a9: {  	[spmem:s2] =	stream.indirect.scatter.add.f32 [tilespmem:s12], [sflag:$0x6], $0x80, s9, s10, $0xb8;
	[tilespmem:$0x1C4F0] =	vst v63  }
0x1aa: {  	_ = 	snop  }
0x1ab: {  	[spmem:s3] =	stream.indirect.scatter.add.f32 [tilespmem:s25], [sflag:$0x6], $0x1, s0, s10, $0xb8;
	[tilespmem:$0x1C4F0] =	vst v63  }
0x1ac: {  	_ = 	snop  }
0x1ad: {  	[spmem:s4] =	stream.indirect.scatter.add.f32 [tilespmem:s25], [sflag:$0x6], $0x1, s9, s10, $0xb8;
	[tilespmem:$0x1C4F0] =	vst v63  }
0x1ae: {  	_ =	swait.ge [sflag:s31], $0x80  }
0x1af: {  	[sflag:s31] =	ssyncset.done $0x0  }
0x1b0: {  	[sflag:s31] =	ssyncadd.s32 $0xFFFFFF80  }
0x1b1: {  	_ =	swait.ge [sflag:s31], $0x80  }
0x1b2: {  	[sflag:s31] =	ssyncset.done $0x0  }
0x1b3: {  	[sflag:s31] =	ssyncadd.s32 $0xFFFFFF80  }
0x1b4: {  	_ =	swait.ge [sflag:s6], $0x4000  }
0x1b5: {  	[sflag:s6] =	ssyncset.done $0x0  }
0x1b6: {  	[sflag:s6] =	ssyncadd.s32 $0xFFFFC000  }
0x1b7: {  	_ =	swait.ge [sflag:s6], $0x80  }
0x1b8: {  	[sflag:s6] =	ssyncset.done $0x0  }
0x1b9: {  	[sflag:s6] =	ssyncadd.s32 $0xFFFFFF80  }
0x1ba: {  	_ =	swait.ge [sflag:s6], $0x80  }
0x1bb: {  	[sflag:s6] =	ssyncset.done $0x0  }
0x1bc: {  	[sflag:s6] =	ssyncadd.s32 $0xFFFFFF80  }
0x1bd: {  	[tilespmem:s12], [sflag:$0x4] =	stream.indirect.gather [hbm4b:s1+s10], $0x80, s29, s10, $0xb8;
	[tilespmem:$0x1C4F0] =	vst v63  }
0x1be: {  	s20 =	sadd.s32 $0x70, s22  }
0x1bf: {  	[tilespmem:s0], [sflag:$0x2] =	stream.linear.gather [hbm4b:s20+s5], $0x80, $0x38;
	[tilespmem:$0x1C4F0] =	vst v63  }
0x1c0: {  	s22 =	sadd.s32 $0x70, s17  }
0x1c1: {  	[tilespmem:s9], [sflag:$0x2] =	stream.linear.gather [hbm4b:s22+s5], $0x80, $0x38;
	[tilespmem:$0x1C4F0] =	vst v63  }
0x1c2: {  	_ =	swait.ge [sflag:s28], $0x4000  }
0x1c3: {  	[sflag:s28] =	ssyncset.done $0x0  }
0x1c4: {  	[sflag:s28] =	ssyncadd.s32 $0xFFFFC000  }
0x1c5: {  	[spmem:s2] =	stream.indirect.scatter.add.f32 [tilespmem:s14], [sflag:$0x7], $0x80, s23, s10, $0xb8;
	[tilespmem:$0x1C4F0] =	vst v63  }
0x1c6: {  	_ = 	snop  }
0x1c7: {  	[spmem:s3] =	stream.indirect.scatter.add.f32 [tilespmem:s25], [sflag:$0x7], $0x1, s18, s10, $0xb8;
	[tilespmem:$0x1C4F0] =	vst v63  }
0x1c8: {  	_ = 	snop  }
0x1c9: {  	[spmem:s4] =	stream.indirect.scatter.add.f32 [tilespmem:s25], [sflag:$0x7], $0x1, s23, s10, $0xb8;
	[tilespmem:$0x1C4F0] =	vst v63  }
0x1ca: {  	_ =	swait.ge [sflag:s13], $0x80  }
.Ltmp4:
0x1cb: {  	[sflag:s13] =	ssyncset.done $0x0;
	(pc) =	sbr.rel .LBB2_4-.Ltmp4, $4  }
0x1cc: {  	[sflag:s13] =	ssyncadd.s32 $0xFFFFFF80  }
0x1cd: {  	_ =	swait.ge [sflag:s13], $0x80  }
0x1ce: {  	[sflag:s13] =	ssyncset.done $0x0  }
0x1cf: {  	s21 =	sadd.s32 $0x60, s21;
	[sflag:s13] =	ssyncadd.s32 $0xFFFFFF80  }
.LBB2_6:
0x1d0: {  	_ =	swait.ge [sflag:s24], $0x4000  }
0x1d1: {  	[sflag:s24] =	ssyncset.done $0x0  }
0x1d2: {  	[sflag:s24] =	ssyncadd.s32 $0xFFFFC000  }
0x1d3: {  	[spmem:s2] =	stream.indirect.scatter.add.f32 [tilespmem:s12], [sflag:$0x6], $0x80, s9, s10, $0xb8;
	[tilespmem:$0x1C4F0] =	vst v63  }
0x1d4: {  	_ = 	snop  }
0x1d5: {  	[spmem:s3] =	stream.indirect.scatter.add.f32 [tilespmem:s25], [sflag:$0x6], $0x1, s0, s10, $0xb8;
	[tilespmem:$0x1C4F0] =	vst v63  }
0x1d6: {  	_ = 	snop  }
0x1d7: {  	[spmem:s4] =	stream.indirect.scatter.add.f32 [tilespmem:s25], [sflag:$0x6], $0x1, s9, s10, $0xb8;
	[tilespmem:$0x1C4F0] =	vst v63  }
0x1d8: {  	_ =	swait.ge [sflag:s28], $0x4000  }
0x1d9: {  	[sflag:s28] =	ssyncset.done $0x0  }
0x1da: {  	[sflag:s28] =	ssyncadd.s32 $0xFFFFC000  }
0x1db: {  	[spmem:s2] =	stream.indirect.scatter.add.f32 [tilespmem:s14], [sflag:$0x7], $0x80, s23, s10, $0xb8;
	[tilespmem:$0x1C4F0] =	vst v63  }
0x1dc: {  	_ = 	snop  }
0x1dd: {  	[spmem:s3] =	stream.indirect.scatter.add.f32 [tilespmem:s25], [sflag:$0x7], $0x1, s18, s10, $0xb8;
	[tilespmem:$0x1C4F0] =	vst v63  }
0x1de: {  	_ = 	snop  }
0x1df: {  	[spmem:s4] =	stream.indirect.scatter.add.f32 [tilespmem:s25], [sflag:$0x7], $0x1, s23, s10, $0xb8;
	[tilespmem:$0x1C4F0] =	vst v63  }
0x1e0: {  	_ =	swait.ge [sflag:s6], $0x4000  }
0x1e1: {  	[sflag:s6] =	ssyncset.done $0x0  }
0x1e2: {  	[sflag:s6] =	ssyncadd.s32 $0xFFFFC000  }
0x1e3: {  	_ =	swait.ge [sflag:s6], $0x80  }
0x1e4: {  	[sflag:s6] =	ssyncset.done $0x0  }
0x1e5: {  	[sflag:s6] =	ssyncadd.s32 $0xFFFFFF80  }
0x1e6: {  	_ =	swait.ge [sflag:s6], $0x80  }
0x1e7: {  	[sflag:s6] =	ssyncset.done $0x0  }
0x1e8: {  	[sflag:s6] =	ssyncadd.s32 $0xFFFFFF80  }
0x1e9: {  	_ =	swait.ge [sflag:s7], $0x4000  }
0x1ea: {  	[sflag:s7] =	ssyncset.done $0x0  }
0x1eb: {  	[sflag:s7] =	ssyncadd.s32 $0xFFFFC000  }
0x1ec: {  	_ =	swait.ge [sflag:s7], $0x80  }
0x1ed: {  	[sflag:s7] =	ssyncset.done $0x0  }
0x1ee: {  	[sflag:s7] =	ssyncadd.s32 $0xFFFFFF80  }
0x1ef: {  	_ =	swait.ge [sflag:s7], $0x80  }
0x1f0: {  	s11 =	simm.s32 @!p1 $0x0;
	[sflag:s7] =	ssyncset.done $0x0  }
0x1f1: {  	s17 =	simm.s32 @!p1 $0x13D70;
	s20 =	rddreg [dreg:$0xd];
	[sflag:s7] =	ssyncadd.s32 $0xFFFFFF80  }
0x1f2: {  	[tilespmem:s17], [sflag:$0x1] =	stream.linear.gather @!p1 [hbm4b:s20+s11], $0x80, $0x38;
	[tilespmem:$0x1C4F0] =	vst v63  }
0x1f3: {  	s21 =	simm.s32 @!p1 $0x13DF0;
	s20 =	rddreg [dreg:$0xe]  }
0x1f4: {  	[tilespmem:s21], [sflag:$0x1] =	stream.linear.gather @!p1 [hbm4b:s20+s11], $0x80, $0x38;
	[tilespmem:$0x1C4F0] =	vst v63  }
0x1f5: {  	s11 =	simm.s32 @!p1 $0x1  }
0x1f6: {  	_ =	swait.ge @!p1 [sflag:s11], $0x80  }
0x1f7: {  	[sflag:s11] =	ssyncset.done @!p1 $0x0  }
0x1f8: {  	[sflag:s11] =	ssyncadd.s32 @!p1 $0xFFFFFF80  }
0x1f9: {  	_ =	swait.ge @!p1 [sflag:s11], $0x80  }
0x1fa: {  	s22 =	simm.s32 @!p1 $0x14070;
	[sflag:s11] =	ssyncset.done @!p1 $0x0  }
0x1fb: {  	s20 =	simm.s32 @!p1 $0x4;
	[sflag:s11] =	ssyncadd.s32 @!p1 $0xFFFFFF80;
	s11 =	simm.s32 @!p1 $0x80  }
0x1fc: {  	[tilespmem:s22], [sflag:$0x4] =	stream.indirect.gather @!p1 [hbm4b:s1+s11], $0x80, s17, s11, $0xb8;
	[tilespmem:$0x1C4F0] =	vst v63  }
0x1fd: {  	_ =	swait.ge @!p1 [sflag:s20], $0x4000  }
0x1fe: {  	[sflag:s20] =	ssyncset.done @!p1 $0x0  }
0x1ff: {  	[sflag:s20] =	ssyncadd.s32 @!p1 $0xFFFFC000;
	s20 =	simm.s32 @!p1 $0x8  }
0x200: {  	[spmem:s2] =	stream.indirect.scatter.add.f32 @!p1 [tilespmem:s22], [sflag:$0x8], $0x80, s21, s11, $0xb8;
	[tilespmem:$0x1C4F0] =	vst v63  }
0x201: {  	_ =	swait.ge @!p1 [sflag:s20], $0x4000  }
0x202: {  	[sflag:s20] =	ssyncset.done @!p1 $0x0  }
0x203: {  	s22 =	simm.s32 @!p1 $0x1C070;
	[sflag:s20] =	ssyncadd.s32 @!p1 $0xFFFFC000  }
0x204: {  	[spmem:s3] =	stream.indirect.scatter.add.f32 @!p1 [tilespmem:s22], [sflag:$0x8], $0x1, s17, s11, $0xb8;
	[tilespmem:$0x1C4F0] =	vst v63  }
0x205: {  	_ =	swait.ge @!p1 [sflag:s20], $0x80  }
0x206: {  	[sflag:s20] =	ssyncset.done @!p1 $0x0  }
0x207: {  	[sflag:s20] =	ssyncadd.s32 @!p1 $0xFFFFFF80  }
0x208: {  	[spmem:s4] =	stream.indirect.scatter.add.f32 @!p1 [tilespmem:s22], [sflag:$0x8], $0x1, s21, s11, $0xb8;
	[tilespmem:$0x1C4F0] =	vst v63  }
0x209: {  	_ =	swait.ge @!p1 [sflag:s20], $0x80  }
0x20a: {  	[sflag:s20] =	ssyncset.done @!p1 $0x0  }
0x20b: {  	[sflag:s20] =	ssyncadd.s32 @!p1 $0xFFFFFF80  }
0x20c: {  	s21 =	stileid.u32;
	[bflag:$0x0] =	sbarrier.arrive $0xFFFF  }
0x20d: {  	s11 =	sshll.u32 @p2 s21, $0x6;
	s22 =	rddreg [dreg:$0xf]  }
0x20e: {  	s11 =	sor.u32 @p2 $0x1C08, s11;
	s8 =	rddreg [dreg:$0x1e];
	s17 =	sshrl.u32 @p2 s22, $0x3  }
0x20f: {  	[hbm:s8], [sflag:s11] =	dma.local @p2 [spmem:s17], $0x2780  }
0x210: {  	s11 =	simm.s32 @p2 $0x8  }
0x211: {  	_ =	swait.ge @p2 [sflag:s11], $0x2780  }
0x212: {  	s20 =	sld [smem:$0x7E2];
	_ =	sdelay $0x1  }
0x213: {  	s17 =	simm.s32 @p3 $0x1FC8;
	[sflag:s11] =	ssyncset.done @p2 $0x0  }
0x214: {  	s8 =	rddreg [dreg:$0x1f];
	[sflag:s11] =	ssyncadd.s32 @p2 $0xFFFFD880;
	s11 =	sshrl.u32 @p3 s20, $0x3  }
0x215: {  	[hbm:s8], [sflag:s17] =	dma.local @p3 [spmem:s11], $0x2080  }
0x216: {  	s11 =	simm.s32 @p3 $0x8  }
0x217: {  	_ =	swait.ge @p3 [sflag:s11], $0x2080  }
0x218: {  	s8 =	sld [smem:$0x7B7]  }
0x219: {  	s17 =	sshll.u32 @p4 s21, $0x6;
	[sflag:s11] =	ssyncset.done @p3 $0x0  }
0x21a: {  	[sflag:s11] =	ssyncadd.s32 @p3 $0xFFFFDF80;
	s11 =	sor.u32 @p4 $0x1C08, s17;
	s17 =	sshrl.u32 @p4 s22, $0x3  }
0x21b: {  	[hbm:s8], [sflag:s11] =	dma.local @p4 [spmem:s17], $0x2780  }
0x21c: {  	s11 =	simm.s32 @p4 $0x8  }
0x21d: {  	_ =	swait.ge @p4 [sflag:s11], $0x2780  }
0x21e: {  	s8 =	sld [smem:$0x7BD]  }
0x21f: {  	[sflag:s11] =	ssyncset.done @p4 $0x0  }
0x220: {  	s17 =	simm.s32 @p5 $0x1FC8;
	[sflag:s11] =	ssyncadd.s32 @p4 $0xFFFFD880;
	s11 =	sshrl.u32 @p5 s20, $0x3  }
0x221: {  	[hbm:s8], [sflag:s17] =	dma.local @p5 [spmem:s11], $0x2080  }
0x222: {  	s11 =	simm.s32 @p5 $0x8  }
0x223: {  	_ =	swait.ge @p5 [sflag:s11], $0x2080  }
0x224: {  	s22 =	sld [smem:$0x7B6];
	_ =	sdelay $0x2  }
0x225: {  	p6 =	seq.s32 s22, $0x1  }
.Ltmp5:
0x226: {  	_ = 	snop;
	(pc) =	sbr.rel @p6 .LBB2_8-.Ltmp5, $3  }
0x227: {  	_ =	sdelay $0x1  }
0x228: {  	[sflag:s11] =	ssyncset.done @p5 $0x0  }
0x229: {  	[sflag:s11] =	ssyncadd.s32 @p5 $0xFFFFDF80  }
0x22a: {  	s11 =	simm.s32 $0x1C0F0  }
0x22b: {  	[tilespmem:s11], [sflag:$0x8] =	stream.linear.gather [spmem:s3], $0x3E8, $0x38;
	[tilespmem:$0x1C4F0] =	vst v63  }
0x22c: {  	_ =	swait.ge [sflag:s19], $0x3E8  }
0x22d: {  	s8 =	sld [smem:$0x7B9]  }
0x22e: {  	[sflag:s19] =	ssyncset.done $0x0  }
0x22f: {  	[sflag:s19] =	ssyncadd.s32 $0xFFFFFC18  }
0x230: {  	[hbm4b:s8+s5] =	stream.linear.scatter [tilespmem:s11], [sflag:$0x8], $0x3E8, $0x38;
	[tilespmem:$0x1C4F0] =	vst v63  }
0x231: {  	_ =	swait.ge [sflag:s19], $0x3E8  }
0x232: {  	s22 =	sld [smem:$0x7EC]  }
0x233: {  	[sflag:s19] =	ssyncset.done $0x0  }
0x234: {  	[sflag:s19] =	ssyncadd.s32 $0xFFFFFC18  }
0x235: {  	[tilespmem:s11], [sflag:$0x8] =	stream.linear.gather [spmem:s22], $0x3E8, $0x38;
	[tilespmem:$0x1C4F0] =	vst v63  }
0x236: {  	_ =	swait.ge [sflag:s19], $0x3E8  }
0x237: {  	s15 =	sld [smem:$0x7BE]  }
0x238: {  	[sflag:s19] =	ssyncset.done $0x0  }
0x239: {  	[sflag:s19] =	ssyncadd.s32 $0xFFFFFC18  }
0x23a: {  	[hbm4b:s15+s5] =	stream.linear.scatter [tilespmem:s11], [sflag:$0x8], $0x3E8, $0x38;
	[tilespmem:$0x1C4F0] =	vst v63  }
0x23b: {  	_ =	swait.ge [sflag:s19], $0x3E8  }
0x23c: {  	s16 =	sld [smem:$0x7ED]  }
0x23d: {  	[sflag:s19] =	ssyncset.done $0x0  }
0x23e: {  	[sflag:s19] =	ssyncadd.s32 $0xFFFFFC18  }
0x23f: {  	[tilespmem:s11], [sflag:$0x8] =	stream.linear.gather [spmem:s16], $0x3E8, $0x38;
	[tilespmem:$0x1C4F0] =	vst v63  }
0x240: {  	_ =	swait.ge [sflag:s19], $0x3E8  }
0x241: {  	s17 =	sld [smem:$0x7BF]  }
0x242: {  	[sflag:s19] =	ssyncset.done $0x0  }
0x243: {  	[sflag:s19] =	ssyncadd.s32 $0xFFFFFC18  }
0x244: {  	[hbm4b:s17+s5] =	stream.linear.scatter [tilespmem:s11], [sflag:$0x8], $0x3E8, $0x38;
	[tilespmem:$0x1C4F0] =	vst v63  }
0x245: {  	_ =	swait.ge [sflag:s19], $0x3E8  }
0x246: {  	s20 =	sld [smem:$0x7EE]  }
0x247: {  	[sflag:s19] =	ssyncset.done $0x0  }
0x248: {  	[sflag:s19] =	ssyncadd.s32 $0xFFFFFC18  }
0x249: {  	[tilespmem:s11], [sflag:$0x8] =	stream.linear.gather [spmem:s20], $0x3E8, $0x38;
	[tilespmem:$0x1C4F0] =	vst v63  }
0x24a: {  	_ =	swait.ge [sflag:s19], $0x3E8  }
0x24b: {  	s21 =	sld [smem:$0x7C0]  }
0x24c: {  	[sflag:s19] =	ssyncset.done $0x0  }
0x24d: {  	[sflag:s19] =	ssyncadd.s32 $0xFFFFFC18  }
0x24e: {  	[hbm4b:s21+s5] =	stream.linear.scatter [tilespmem:s11], [sflag:$0x8], $0x3E8, $0x38;
	[tilespmem:$0x1C4F0] =	vst v63  }
0x24f: {  	_ =	swait.ge [sflag:s19], $0x3E8  }
0x250: {  	s22 =	sld [smem:$0x7EF]  }
0x251: {  	[sflag:s19] =	ssyncset.done $0x0  }
0x252: {  	[sflag:s19] =	ssyncadd.s32 $0xFFFFFC18  }
0x253: {  	[tilespmem:s11], [sflag:$0x8] =	stream.linear.gather [spmem:s22], $0x3E8, $0x38;
	[tilespmem:$0x1C4F0] =	vst v63  }
0x254: {  	_ =	swait.ge [sflag:s19], $0x3E8  }
0x255: {  	s15 =	sld [smem:$0x7C1]  }
0x256: {  	[sflag:s19] =	ssyncset.done $0x0  }
0x257: {  	[sflag:s19] =	ssyncadd.s32 $0xFFFFFC18  }
0x258: {  	[hbm4b:s15+s5] =	stream.linear.scatter [tilespmem:s11], [sflag:$0x8], $0x3E8, $0x38;
	[tilespmem:$0x1C4F0] =	vst v63  }
0x259: {  	_ =	swait.ge [sflag:s19], $0x3E8  }
0x25a: {  	s16 =	sld [smem:$0x7F0]  }
0x25b: {  	[sflag:s19] =	ssyncset.done $0x0  }
0x25c: {  	[sflag:s19] =	ssyncadd.s32 $0xFFFFFC18  }
0x25d: {  	[tilespmem:s11], [sflag:$0x8] =	stream.linear.gather [spmem:s16], $0x3E8, $0x38;
	[tilespmem:$0x1C4F0] =	vst v63  }
0x25e: {  	_ =	swait.ge [sflag:s19], $0x3E8  }
0x25f: {  	s17 =	sld [smem:$0x7C2]  }
0x260: {  	[sflag:s19] =	ssyncset.done $0x0  }
0x261: {  	[sflag:s19] =	ssyncadd.s32 $0xFFFFFC18  }
0x262: {  	[hbm4b:s17+s5] =	stream.linear.scatter [tilespmem:s11], [sflag:$0x8], $0x3E8, $0x38;
	[tilespmem:$0x1C4F0] =	vst v63  }
0x263: {  	_ =	swait.ge [sflag:s19], $0x3E8  }
0x264: {  	s20 =	sld [smem:$0x7F1]  }
0x265: {  	[sflag:s19] =	ssyncset.done $0x0  }
0x266: {  	[sflag:s19] =	ssyncadd.s32 $0xFFFFFC18  }
0x267: {  	[tilespmem:s11], [sflag:$0x8] =	stream.linear.gather [spmem:s20], $0x3E8, $0x38;
	[tilespmem:$0x1C4F0] =	vst v63  }
0x268: {  	_ =	swait.ge [sflag:s19], $0x3E8  }
0x269: {  	s21 =	sld [smem:$0x7C3]  }
0x26a: {  	[sflag:s19] =	ssyncset.done $0x0  }
0x26b: {  	[sflag:s19] =	ssyncadd.s32 $0xFFFFFC18  }
0x26c: {  	[hbm4b:s21+s5] =	stream.linear.scatter [tilespmem:s11], [sflag:$0x8], $0x3E8, $0x38;
	[tilespmem:$0x1C4F0] =	vst v63  }
0x26d: {  	_ =	swait.ge [sflag:s19], $0x3E8  }
0x26e: {  	s22 =	sld [smem:$0x7F2]  }
0x26f: {  	[sflag:s19] =	ssyncset.done $0x0  }
0x270: {  	[sflag:s19] =	ssyncadd.s32 $0xFFFFFC18  }
0x271: {  	[tilespmem:s11], [sflag:$0x8] =	stream.linear.gather [spmem:s22], $0x3E8, $0x38;
	[tilespmem:$0x1C4F0] =	vst v63  }
0x272: {  	_ =	swait.ge [sflag:s19], $0x3E8  }
0x273: {  	s15 =	sld [smem:$0x7C4]  }
0x274: {  	[sflag:s19] =	ssyncset.done $0x0  }
0x275: {  	[sflag:s19] =	ssyncadd.s32 $0xFFFFFC18  }
0x276: {  	[hbm4b:s15+s5] =	stream.linear.scatter [tilespmem:s11], [sflag:$0x8], $0x3E8, $0x38;
	[tilespmem:$0x1C4F0] =	vst v63  }
0x277: {  	_ =	swait.ge [sflag:s19], $0x3E8  }
0x278: {  	s16 =	sld [smem:$0x7F3]  }
0x279: {  	[sflag:s19] =	ssyncset.done $0x0  }
0x27a: {  	[sflag:s19] =	ssyncadd.s32 $0xFFFFFC18  }
0x27b: {  	[tilespmem:s11], [sflag:$0x8] =	stream.linear.gather [spmem:s16], $0x3E8, $0x38;
	[tilespmem:$0x1C4F0] =	vst v63  }
0x27c: {  	_ =	swait.ge [sflag:s19], $0x3E8  }
0x27d: {  	s17 =	sld [smem:$0x7C5]  }
0x27e: {  	[sflag:s19] =	ssyncset.done $0x0  }
0x27f: {  	[sflag:s19] =	ssyncadd.s32 $0xFFFFFC18  }
0x280: {  	[hbm4b:s17+s5] =	stream.linear.scatter [tilespmem:s11], [sflag:$0x8], $0x3E8, $0x38;
	[tilespmem:$0x1C4F0] =	vst v63  }
0x281: {  	_ =	swait.ge [sflag:s19], $0x3E8  }
0x282: {  	s20 =	sld [smem:$0x7F4]  }
0x283: {  	[sflag:s19] =	ssyncset.done $0x0  }
0x284: {  	[sflag:s19] =	ssyncadd.s32 $0xFFFFFC18  }
0x285: {  	[tilespmem:s11], [sflag:$0x8] =	stream.linear.gather [spmem:s20], $0x3E8, $0x38;
	[tilespmem:$0x1C4F0] =	vst v63  }
0x286: {  	_ =	swait.ge [sflag:s19], $0x3E8  }
0x287: {  	s21 =	sld [smem:$0x7C6]  }
0x288: {  	[sflag:s19] =	ssyncset.done $0x0  }
0x289: {  	[sflag:s19] =	ssyncadd.s32 $0xFFFFFC18  }
0x28a: {  	[hbm4b:s21+s5] =	stream.linear.scatter [tilespmem:s11], [sflag:$0x8], $0x3E8, $0x38;
	[tilespmem:$0x1C4F0] =	vst v63  }
0x28b: {  	_ =	swait.ge [sflag:s19], $0x3E8  }
0x28c: {  	[sflag:s19] =	ssyncset.done $0x0  }
0x28d: {  	[sflag:s19] =	ssyncadd.s32 $0xFFFFFC18  }
0x28e: {  	[tilespmem:s11], [sflag:$0x8] =	stream.linear.gather [spmem:s4], $0x3E8, $0x38;
	[tilespmem:$0x1C4F0] =	vst v63  }
0x28f: {  	_ =	swait.ge [sflag:s19], $0x3E8  }
0x290: {  	s22 =	sld [smem:$0x7BB]  }
0x291: {  	[sflag:s19] =	ssyncset.done $0x0  }
0x292: {  	[sflag:s19] =	ssyncadd.s32 $0xFFFFFC18  }
0x293: {  	[hbm4b:s22+s5] =	stream.linear.scatter [tilespmem:s11], [sflag:$0x8], $0x3E8, $0x38;
	[tilespmem:$0x1C4F0] =	vst v63  }
0x294: {  	_ =	swait.ge [sflag:s19], $0x3E8  }
0x295: {  	s15 =	sld [smem:$0x7F5]  }
0x296: {  	[sflag:s19] =	ssyncset.done $0x0  }
0x297: {  	[sflag:s19] =	ssyncadd.s32 $0xFFFFFC18  }
0x298: {  	[tilespmem:s11], [sflag:$0x8] =	stream.linear.gather [spmem:s15], $0x3E8, $0x38;
	[tilespmem:$0x1C4F0] =	vst v63  }
0x299: {  	_ =	swait.ge [sflag:s19], $0x3E8  }
0x29a: {  	s16 =	sld [smem:$0x7C7]  }
0x29b: {  	[sflag:s19] =	ssyncset.done $0x0  }
0x29c: {  	[sflag:s19] =	ssyncadd.s32 $0xFFFFFC18  }
0x29d: {  	[hbm4b:s16+s5] =	stream.linear.scatter [tilespmem:s11], [sflag:$0x8], $0x3E8, $0x38;
	[tilespmem:$0x1C4F0] =	vst v63  }
0x29e: {  	_ =	swait.ge [sflag:s19], $0x3E8  }
0x29f: {  	s17 =	sld [smem:$0x7F6]  }
0x2a0: {  	[sflag:s19] =	ssyncset.done $0x0  }
0x2a1: {  	[sflag:s19] =	ssyncadd.s32 $0xFFFFFC18  }
0x2a2: {  	[tilespmem:s11], [sflag:$0x8] =	stream.linear.gather [spmem:s17], $0x3E8, $0x38;
	[tilespmem:$0x1C4F0] =	vst v63  }
0x2a3: {  	_ =	swait.ge [sflag:s19], $0x3E8  }
0x2a4: {  	s20 =	sld [smem:$0x7C8]  }
0x2a5: {  	[sflag:s19] =	ssyncset.done $0x0  }
0x2a6: {  	[sflag:s19] =	ssyncadd.s32 $0xFFFFFC18  }
0x2a7: {  	[hbm4b:s20+s5] =	stream.linear.scatter [tilespmem:s11], [sflag:$0x8], $0x3E8, $0x38;
	[tilespmem:$0x1C4F0] =	vst v63  }
0x2a8: {  	_ =	swait.ge [sflag:s19], $0x3E8  }
0x2a9: {  	s21 =	sld [smem:$0x7F7]  }
0x2aa: {  	[sflag:s19] =	ssyncset.done $0x0  }
0x2ab: {  	[sflag:s19] =	ssyncadd.s32 $0xFFFFFC18  }
0x2ac: {  	[tilespmem:s11], [sflag:$0x8] =	stream.linear.gather [spmem:s21], $0x3E8, $0x38;
	[tilespmem:$0x1C4F0] =	vst v63  }
0x2ad: {  	_ =	swait.ge [sflag:s19], $0x3E8  }
0x2ae: {  	s22 =	sld [smem:$0x7C9]  }
0x2af: {  	[sflag:s19] =	ssyncset.done $0x0  }
0x2b0: {  	[sflag:s19] =	ssyncadd.s32 $0xFFFFFC18  }
0x2b1: {  	[hbm4b:s22+s5] =	stream.linear.scatter [tilespmem:s11], [sflag:$0x8], $0x3E8, $0x38;
	[tilespmem:$0x1C4F0] =	vst v63  }
0x2b2: {  	_ =	swait.ge [sflag:s19], $0x3E8  }
0x2b3: {  	s15 =	sld [smem:$0x7F8]  }
0x2b4: {  	[sflag:s19] =	ssyncset.done $0x0  }
0x2b5: {  	[sflag:s19] =	ssyncadd.s32 $0xFFFFFC18  }
0x2b6: {  	[tilespmem:s11], [sflag:$0x8] =	stream.linear.gather [spmem:s15], $0x3E8, $0x38;
	[tilespmem:$0x1C4F0] =	vst v63  }
0x2b7: {  	_ =	swait.ge [sflag:s19], $0x3E8  }
0x2b8: {  	s16 =	sld [smem:$0x7CA]  }
0x2b9: {  	[sflag:s19] =	ssyncset.done $0x0  }
0x2ba: {  	[sflag:s19] =	ssyncadd.s32 $0xFFFFFC18  }
0x2bb: {  	[hbm4b:s16+s5] =	stream.linear.scatter [tilespmem:s11], [sflag:$0x8], $0x3E8, $0x38;
	[tilespmem:$0x1C4F0] =	vst v63  }
0x2bc: {  	_ =	swait.ge [sflag:s19], $0x3E8  }
0x2bd: {  	s17 =	sld [smem:$0x7F9]  }
0x2be: {  	[sflag:s19] =	ssyncset.done $0x0  }
0x2bf: {  	[sflag:s19] =	ssyncadd.s32 $0xFFFFFC18  }
0x2c0: {  	[tilespmem:s11], [sflag:$0x8] =	stream.linear.gather [spmem:s17], $0x3E8, $0x38;
	[tilespmem:$0x1C4F0] =	vst v63  }
0x2c1: {  	_ =	swait.ge [sflag:s19], $0x3E8  }
0x2c2: {  	s20 =	sld [smem:$0x7CB]  }
0x2c3: {  	[sflag:s19] =	ssyncset.done $0x0  }
0x2c4: {  	[sflag:s19] =	ssyncadd.s32 $0xFFFFFC18  }
0x2c5: {  	[hbm4b:s20+s5] =	stream.linear.scatter [tilespmem:s11], [sflag:$0x8], $0x3E8, $0x38;
	[tilespmem:$0x1C4F0] =	vst v63  }
0x2c6: {  	_ =	swait.ge [sflag:s19], $0x3E8  }
0x2c7: {  	s21 =	sld [smem:$0x7FA]  }
0x2c8: {  	[sflag:s19] =	ssyncset.done $0x0  }
0x2c9: {  	[sflag:s19] =	ssyncadd.s32 $0xFFFFFC18  }
0x2ca: {  	[tilespmem:s11], [sflag:$0x8] =	stream.linear.gather [spmem:s21], $0x3E8, $0x38;
	[tilespmem:$0x1C4F0] =	vst v63  }
0x2cb: {  	_ =	swait.ge [sflag:s19], $0x3E8  }
0x2cc: {  	s22 =	sld [smem:$0x7CC]  }
0x2cd: {  	[sflag:s19] =	ssyncset.done $0x0  }
0x2ce: {  	[sflag:s19] =	ssyncadd.s32 $0xFFFFFC18  }
0x2cf: {  	[hbm4b:s22+s5] =	stream.linear.scatter [tilespmem:s11], [sflag:$0x8], $0x3E8, $0x38;
	[tilespmem:$0x1C4F0] =	vst v63  }
0x2d0: {  	_ =	swait.ge [sflag:s19], $0x3E8  }
0x2d1: {  	s15 =	sld [smem:$0x7FB]  }
0x2d2: {  	[sflag:s19] =	ssyncset.done $0x0  }
0x2d3: {  	[sflag:s19] =	ssyncadd.s32 $0xFFFFFC18  }
0x2d4: {  	[tilespmem:s11], [sflag:$0x8] =	stream.linear.gather [spmem:s15], $0x3E8, $0x38;
	[tilespmem:$0x1C4F0] =	vst v63  }
0x2d5: {  	_ =	swait.ge [sflag:s19], $0x3E8  }
0x2d6: {  	s16 =	sld [smem:$0x7CD]  }
0x2d7: {  	[sflag:s19] =	ssyncset.done $0x0  }
0x2d8: {  	[sflag:s19] =	ssyncadd.s32 $0xFFFFFC18  }
0x2d9: {  	[hbm4b:s16+s5] =	stream.linear.scatter [tilespmem:s11], [sflag:$0x8], $0x3E8, $0x38;
	[tilespmem:$0x1C4F0] =	vst v63  }
0x2da: {  	_ =	swait.ge [sflag:s19], $0x3E8  }
0x2db: {  	s17 =	sld [smem:$0x7FC]  }
0x2dc: {  	[sflag:s19] =	ssyncset.done $0x0  }
0x2dd: {  	[sflag:s19] =	ssyncadd.s32 $0xFFFFFC18  }
0x2de: {  	[tilespmem:s11], [sflag:$0x8] =	stream.linear.gather [spmem:s17], $0x3E8, $0x38;
	[tilespmem:$0x1C4F0] =	vst v63  }
0x2df: {  	_ =	swait.ge [sflag:s19], $0x3E8  }
0x2e0: {  	s20 =	sld [smem:$0x7CE]  }
0x2e1: {  	[sflag:s19] =	ssyncset.done $0x0  }
0x2e2: {  	[sflag:s19] =	ssyncadd.s32 $0xFFFFFC18  }
0x2e3: {  	[hbm4b:s20+s5] =	stream.linear.scatter [tilespmem:s11], [sflag:$0x8], $0x3E8, $0x38;
	[tilespmem:$0x1C4F0] =	vst v63  }
0x2e4: {  	_ =	swait.ge [sflag:s19], $0x3E8  }
0x2e5: {  	s21 =	sld [smem:$0x7FD]  }
0x2e6: {  	[sflag:s19] =	ssyncset.done $0x0  }
0x2e7: {  	[sflag:s19] =	ssyncadd.s32 $0xFFFFFC18  }
0x2e8: {  	[tilespmem:s11], [sflag:$0x8] =	stream.linear.gather [spmem:s21], $0x3E8, $0x38;
	[tilespmem:$0x1C4F0] =	vst v63  }
0x2e9: {  	_ =	swait.ge [sflag:s19], $0x3E8  }
0x2ea: {  	s22 =	sld [smem:$0x7CF]  }
0x2eb: {  	[sflag:s19] =	ssyncset.done $0x0  }
0x2ec: {  	[sflag:s19] =	ssyncadd.s32 $0xFFFFFC18  }
0x2ed: {  	[hbm4b:s22+s5] =	stream.linear.scatter [tilespmem:s11], [sflag:$0x8], $0x3E8, $0x38;
	[tilespmem:$0x1C4F0] =	vst v63  }
0x2ee: {  	_ =	swait.ge [sflag:s19], $0x3E8  }
0x2ef: {  	[sflag:s19] =	ssyncset.done $0x0  }
0x2f0: {  	[sflag:s19] =	ssyncadd.s32 $0xFFFFFC18  }
.LBB2_8:
0x2f1: {  	s8 =	sld [smem:$0x7B8];
	_ =	sdelay $0x2  }
0x2f2: {  	p6 =	seq.s32 s8, $0x1  }
.Ltmp6:
0x2f3: {  	_ = 	snop;
	(pc) =	sbr.rel @!p6 .LBB2_10-.Ltmp6, $2  }
0x2f4: {  	_ =	sdelay $0x2  }
0x2f5: {  	s17 =	sld [smem:$0x7B5]  }
0x2f6: {  	s11 =	simm.s32 $0x1C0F0  }
0x2f7: {  	[tilespmem:s11], [sflag:$0x8] =	stream.linear.gather [spmem:s3], $0x3E8, $0x38;
	[tilespmem:$0x1C4F0] =	vst v63  }
0x2f8: {  	_ =	swait.ge [sflag:s19], $0x3E8  }
0x2f9: {  	s8 =	sld [smem:$0x7BA]  }
0x2fa: {  	[sflag:s19] =	ssyncset.done $0x0  }
0x2fb: {  	[sflag:s19] =	ssyncadd.s32 $0xFFFFFC18  }
0x2fc: {  	[hbm4b:s8+s5] =	stream.linear.scatter [tilespmem:s11], [sflag:$0x8], $0x3E8, $0x38;
	[tilespmem:$0x1C4F0] =	vst v63  }
0x2fd: {  	_ =	swait.ge [sflag:s19], $0x3E8  }
0x2fe: {  	s21 =	sld [smem:$0x7EC]  }
0x2ff: {  	[sflag:s19] =	ssyncset.done $0x0  }
0x300: {  	[sflag:s19] =	ssyncadd.s32 $0xFFFFFC18  }
0x301: {  	[tilespmem:s11], [sflag:$0x8] =	stream.linear.gather [spmem:s21], $0x3E8, $0x38;
	[tilespmem:$0x1C4F0] =	vst v63  }
0x302: {  	_ =	swait.ge [sflag:s19], $0x3E8  }
0x303: {  	s22 =	sld [smem:$0x7D0]  }
0x304: {  	[sflag:s19] =	ssyncset.done $0x0  }
0x305: {  	[sflag:s19] =	ssyncadd.s32 $0xFFFFFC18  }
0x306: {  	[hbm4b:s22+s5] =	stream.linear.scatter [tilespmem:s11], [sflag:$0x8], $0x3E8, $0x38;
	[tilespmem:$0x1C4F0] =	vst v63  }
0x307: {  	_ =	swait.ge [sflag:s19], $0x3E8  }
0x308: {  	s15 =	sld [smem:$0x7ED]  }
0x309: {  	[sflag:s19] =	ssyncset.done $0x0  }
0x30a: {  	[sflag:s19] =	ssyncadd.s32 $0xFFFFFC18  }
0x30b: {  	[tilespmem:s11], [sflag:$0x8] =	stream.linear.gather [spmem:s15], $0x3E8, $0x38;
	[tilespmem:$0x1C4F0] =	vst v63  }
0x30c: {  	_ =	swait.ge [sflag:s19], $0x3E8  }
0x30d: {  	s16 =	sld [smem:$0x7D1]  }
0x30e: {  	[sflag:s19] =	ssyncset.done $0x0  }
0x30f: {  	[sflag:s19] =	ssyncadd.s32 $0xFFFFFC18  }
0x310: {  	[hbm4b:s16+s5] =	stream.linear.scatter [tilespmem:s11], [sflag:$0x8], $0x3E8, $0x38;
	[tilespmem:$0x1C4F0] =	vst v63  }
0x311: {  	_ =	swait.ge [sflag:s19], $0x3E8  }
0x312: {  	s20 =	sld [smem:$0x7EE]  }
0x313: {  	[sflag:s19] =	ssyncset.done $0x0  }
0x314: {  	[sflag:s19] =	ssyncadd.s32 $0xFFFFFC18  }
0x315: {  	[tilespmem:s11], [sflag:$0x8] =	stream.linear.gather [spmem:s20], $0x3E8, $0x38;
	[tilespmem:$0x1C4F0] =	vst v63  }
0x316: {  	_ =	swait.ge [sflag:s19], $0x3E8  }
0x317: {  	s21 =	sld [smem:$0x7D2]  }
0x318: {  	[sflag:s19] =	ssyncset.done $0x0  }
0x319: {  	[sflag:s19] =	ssyncadd.s32 $0xFFFFFC18  }
0x31a: {  	[hbm4b:s21+s5] =	stream.linear.scatter [tilespmem:s11], [sflag:$0x8], $0x3E8, $0x38;
	[tilespmem:$0x1C4F0] =	vst v63  }
0x31b: {  	_ =	swait.ge [sflag:s19], $0x3E8  }
0x31c: {  	s22 =	sld [smem:$0x7EF]  }
0x31d: {  	[sflag:s19] =	ssyncset.done $0x0  }
0x31e: {  	[sflag:s19] =	ssyncadd.s32 $0xFFFFFC18  }
0x31f: {  	[tilespmem:s11], [sflag:$0x8] =	stream.linear.gather [spmem:s22], $0x3E8, $0x38;
	[tilespmem:$0x1C4F0] =	vst v63  }
0x320: {  	_ =	swait.ge [sflag:s19], $0x3E8  }
0x321: {  	s15 =	sld [smem:$0x7D3]  }
0x322: {  	[sflag:s19] =	ssyncset.done $0x0  }
0x323: {  	[sflag:s19] =	ssyncadd.s32 $0xFFFFFC18  }
0x324: {  	[hbm4b:s15+s5] =	stream.linear.scatter [tilespmem:s11], [sflag:$0x8], $0x3E8, $0x38;
	[tilespmem:$0x1C4F0] =	vst v63  }
0x325: {  	_ =	swait.ge [sflag:s19], $0x3E8  }
0x326: {  	s16 =	sld [smem:$0x7F0]  }
0x327: {  	[sflag:s19] =	ssyncset.done $0x0  }
0x328: {  	[sflag:s19] =	ssyncadd.s32 $0xFFFFFC18  }
0x329: {  	[tilespmem:s11], [sflag:$0x8] =	stream.linear.gather [spmem:s16], $0x3E8, $0x38;
	[tilespmem:$0x1C4F0] =	vst v63  }
0x32a: {  	_ =	swait.ge [sflag:s19], $0x3E8  }
0x32b: {  	s20 =	sld [smem:$0x7D4]  }
0x32c: {  	[sflag:s19] =	ssyncset.done $0x0  }
0x32d: {  	[sflag:s19] =	ssyncadd.s32 $0xFFFFFC18  }
0x32e: {  	[hbm4b:s20+s5] =	stream.linear.scatter [tilespmem:s11], [sflag:$0x8], $0x3E8, $0x38;
	[tilespmem:$0x1C4F0] =	vst v63  }
0x32f: {  	_ =	swait.ge [sflag:s19], $0x3E8  }
0x330: {  	s21 =	sld [smem:$0x7F1]  }
0x331: {  	[sflag:s19] =	ssyncset.done $0x0  }
0x332: {  	[sflag:s19] =	ssyncadd.s32 $0xFFFFFC18  }
0x333: {  	[tilespmem:s11], [sflag:$0x8] =	stream.linear.gather [spmem:s21], $0x3E8, $0x38;
	[tilespmem:$0x1C4F0] =	vst v63  }
0x334: {  	_ =	swait.ge [sflag:s19], $0x3E8  }
0x335: {  	s22 =	sld [smem:$0x7D5]  }
0x336: {  	[sflag:s19] =	ssyncset.done $0x0  }
0x337: {  	[sflag:s19] =	ssyncadd.s32 $0xFFFFFC18  }
0x338: {  	[hbm4b:s22+s5] =	stream.linear.scatter [tilespmem:s11], [sflag:$0x8], $0x3E8, $0x38;
	[tilespmem:$0x1C4F0] =	vst v63  }
0x339: {  	_ =	swait.ge [sflag:s19], $0x3E8  }
0x33a: {  	s15 =	sld [smem:$0x7F2]  }
0x33b: {  	[sflag:s19] =	ssyncset.done $0x0  }
0x33c: {  	[sflag:s19] =	ssyncadd.s32 $0xFFFFFC18  }
0x33d: {  	[tilespmem:s11], [sflag:$0x8] =	stream.linear.gather [spmem:s15], $0x3E8, $0x38;
	[tilespmem:$0x1C4F0] =	vst v63  }
0x33e: {  	_ =	swait.ge [sflag:s19], $0x3E8  }
0x33f: {  	s16 =	sld [smem:$0x7D6]  }
0x340: {  	[sflag:s19] =	ssyncset.done $0x0  }
0x341: {  	[sflag:s19] =	ssyncadd.s32 $0xFFFFFC18  }
0x342: {  	[hbm4b:s16+s5] =	stream.linear.scatter [tilespmem:s11], [sflag:$0x8], $0x3E8, $0x38;
	[tilespmem:$0x1C4F0] =	vst v63  }
0x343: {  	_ =	swait.ge [sflag:s19], $0x3E8  }
0x344: {  	s20 =	sld [smem:$0x7F3]  }
0x345: {  	[sflag:s19] =	ssyncset.done $0x0  }
0x346: {  	[sflag:s19] =	ssyncadd.s32 $0xFFFFFC18  }
0x347: {  	[tilespmem:s11], [sflag:$0x8] =	stream.linear.gather [spmem:s20], $0x3E8, $0x38;
	[tilespmem:$0x1C4F0] =	vst v63  }
0x348: {  	_ =	swait.ge [sflag:s19], $0x3E8  }
0x349: {  	s21 =	sld [smem:$0x7D7]  }
0x34a: {  	[sflag:s19] =	ssyncset.done $0x0  }
0x34b: {  	[sflag:s19] =	ssyncadd.s32 $0xFFFFFC18  }
0x34c: {  	[hbm4b:s21+s5] =	stream.linear.scatter [tilespmem:s11], [sflag:$0x8], $0x3E8, $0x38;
	[tilespmem:$0x1C4F0] =	vst v63  }
0x34d: {  	_ =	swait.ge [sflag:s19], $0x3E8  }
0x34e: {  	s22 =	sld [smem:$0x7F4]  }
0x34f: {  	[sflag:s19] =	ssyncset.done $0x0  }
0x350: {  	[sflag:s19] =	ssyncadd.s32 $0xFFFFFC18  }
0x351: {  	[tilespmem:s11], [sflag:$0x8] =	stream.linear.gather [spmem:s22], $0x3E8, $0x38;
	[tilespmem:$0x1C4F0] =	vst v63  }
0x352: {  	_ =	swait.ge [sflag:s19], $0x3E8  }
0x353: {  	s15 =	sld [smem:$0x7D8]  }
0x354: {  	[sflag:s19] =	ssyncset.done $0x0  }
0x355: {  	[sflag:s19] =	ssyncadd.s32 $0xFFFFFC18  }
0x356: {  	[hbm4b:s15+s5] =	stream.linear.scatter [tilespmem:s11], [sflag:$0x8], $0x3E8, $0x38;
	[tilespmem:$0x1C4F0] =	vst v63  }
0x357: {  	_ =	swait.ge [sflag:s19], $0x3E8  }
0x358: {  	[sflag:s19] =	ssyncset.done $0x0  }
0x359: {  	[sflag:s19] =	ssyncadd.s32 $0xFFFFFC18  }
0x35a: {  	[tilespmem:s11], [sflag:$0x8] =	stream.linear.gather [spmem:s4], $0x3E8, $0x38;
	[tilespmem:$0x1C4F0] =	vst v63  }
0x35b: {  	_ =	swait.ge [sflag:s19], $0x3E8  }
0x35c: {  	s16 =	sld [smem:$0x7BC]  }
0x35d: {  	[sflag:s19] =	ssyncset.done $0x0  }
0x35e: {  	[sflag:s19] =	ssyncadd.s32 $0xFFFFFC18  }
0x35f: {  	[hbm4b:s16+s5] =	stream.linear.scatter [tilespmem:s11], [sflag:$0x8], $0x3E8, $0x38;
	[tilespmem:$0x1C4F0] =	vst v63  }
0x360: {  	_ =	swait.ge [sflag:s19], $0x3E8  }
0x361: {  	s20 =	sld [smem:$0x7F5]  }
0x362: {  	[sflag:s19] =	ssyncset.done $0x0  }
0x363: {  	[sflag:s19] =	ssyncadd.s32 $0xFFFFFC18  }
0x364: {  	[tilespmem:s11], [sflag:$0x8] =	stream.linear.gather [spmem:s20], $0x3E8, $0x38;
	[tilespmem:$0x1C4F0] =	vst v63  }
0x365: {  	_ =	swait.ge [sflag:s19], $0x3E8  }
0x366: {  	s21 =	sld [smem:$0x7D9]  }
0x367: {  	[sflag:s19] =	ssyncset.done $0x0  }
0x368: {  	[sflag:s19] =	ssyncadd.s32 $0xFFFFFC18  }
0x369: {  	[hbm4b:s21+s5] =	stream.linear.scatter [tilespmem:s11], [sflag:$0x8], $0x3E8, $0x38;
	[tilespmem:$0x1C4F0] =	vst v63  }
0x36a: {  	_ =	swait.ge [sflag:s19], $0x3E8  }
0x36b: {  	s22 =	sld [smem:$0x7F6]  }
0x36c: {  	[sflag:s19] =	ssyncset.done $0x0  }
0x36d: {  	[sflag:s19] =	ssyncadd.s32 $0xFFFFFC18  }
0x36e: {  	[tilespmem:s11], [sflag:$0x8] =	stream.linear.gather [spmem:s22], $0x3E8, $0x38;
	[tilespmem:$0x1C4F0] =	vst v63  }
0x36f: {  	_ =	swait.ge [sflag:s19], $0x3E8  }
0x370: {  	s15 =	sld [smem:$0x7DA]  }
0x371: {  	[sflag:s19] =	ssyncset.done $0x0  }
0x372: {  	[sflag:s19] =	ssyncadd.s32 $0xFFFFFC18  }
0x373: {  	[hbm4b:s15+s5] =	stream.linear.scatter [tilespmem:s11], [sflag:$0x8], $0x3E8, $0x38;
	[tilespmem:$0x1C4F0] =	vst v63  }
0x374: {  	_ =	swait.ge [sflag:s19], $0x3E8  }
0x375: {  	s16 =	sld [smem:$0x7F7]  }
0x376: {  	[sflag:s19] =	ssyncset.done $0x0  }
0x377: {  	[sflag:s19] =	ssyncadd.s32 $0xFFFFFC18  }
0x378: {  	[tilespmem:s11], [sflag:$0x8] =	stream.linear.gather [spmem:s16], $0x3E8, $0x38;
	[tilespmem:$0x1C4F0] =	vst v63  }
0x379: {  	_ =	swait.ge [sflag:s19], $0x3E8  }
0x37a: {  	s20 =	sld [smem:$0x7DB]  }
0x37b: {  	[sflag:s19] =	ssyncset.done $0x0  }
0x37c: {  	[sflag:s19] =	ssyncadd.s32 $0xFFFFFC18  }
0x37d: {  	[hbm4b:s20+s5] =	stream.linear.scatter [tilespmem:s11], [sflag:$0x8], $0x3E8, $0x38;
	[tilespmem:$0x1C4F0] =	vst v63  }
0x37e: {  	_ =	swait.ge [sflag:s19], $0x3E8  }
0x37f: {  	s21 =	sld [smem:$0x7F8]  }
0x380: {  	[sflag:s19] =	ssyncset.done $0x0  }
0x381: {  	[sflag:s19] =	ssyncadd.s32 $0xFFFFFC18  }
0x382: {  	[tilespmem:s11], [sflag:$0x8] =	stream.linear.gather [spmem:s21], $0x3E8, $0x38;
	[tilespmem:$0x1C4F0] =	vst v63  }
0x383: {  	_ =	swait.ge [sflag:s19], $0x3E8  }
0x384: {  	s22 =	sld [smem:$0x7DC]  }
0x385: {  	[sflag:s19] =	ssyncset.done $0x0  }
0x386: {  	[sflag:s19] =	ssyncadd.s32 $0xFFFFFC18  }
0x387: {  	[hbm4b:s22+s5] =	stream.linear.scatter [tilespmem:s11], [sflag:$0x8], $0x3E8, $0x38;
	[tilespmem:$0x1C4F0] =	vst v63  }
0x388: {  	_ =	swait.ge [sflag:s19], $0x3E8  }
0x389: {  	s15 =	sld [smem:$0x7F9]  }
0x38a: {  	[sflag:s19] =	ssyncset.done $0x0  }
0x38b: {  	[sflag:s19] =	ssyncadd.s32 $0xFFFFFC18  }
0x38c: {  	[tilespmem:s11], [sflag:$0x8] =	stream.linear.gather [spmem:s15], $0x3E8, $0x38;
	[tilespmem:$0x1C4F0] =	vst v63  }
0x38d: {  	_ =	swait.ge [sflag:s19], $0x3E8  }
0x38e: {  	s16 =	sld [smem:$0x7DD]  }
0x38f: {  	[sflag:s19] =	ssyncset.done $0x0  }
0x390: {  	[sflag:s19] =	ssyncadd.s32 $0xFFFFFC18  }
0x391: {  	[hbm4b:s16+s5] =	stream.linear.scatter [tilespmem:s11], [sflag:$0x8], $0x3E8, $0x38;
	[tilespmem:$0x1C4F0] =	vst v63  }
0x392: {  	_ =	swait.ge [sflag:s19], $0x3E8  }
0x393: {  	s20 =	sld [smem:$0x7FA]  }
0x394: {  	[sflag:s19] =	ssyncset.done $0x0  }
0x395: {  	[sflag:s19] =	ssyncadd.s32 $0xFFFFFC18  }
0x396: {  	[tilespmem:s11], [sflag:$0x8] =	stream.linear.gather [spmem:s20], $0x3E8, $0x38;
	[tilespmem:$0x1C4F0] =	vst v63  }
0x397: {  	_ =	swait.ge [sflag:s19], $0x3E8  }
0x398: {  	s21 =	sld [smem:$0x7DE]  }
0x399: {  	[sflag:s19] =	ssyncset.done $0x0  }
0x39a: {  	[sflag:s19] =	ssyncadd.s32 $0xFFFFFC18  }
0x39b: {  	[hbm4b:s21+s5] =	stream.linear.scatter [tilespmem:s11], [sflag:$0x8], $0x3E8, $0x38;
	[tilespmem:$0x1C4F0] =	vst v63  }
0x39c: {  	_ =	swait.ge [sflag:s19], $0x3E8  }
0x39d: {  	s22 =	sld [smem:$0x7FB]  }
0x39e: {  	[sflag:s19] =	ssyncset.done $0x0  }
0x39f: {  	[sflag:s19] =	ssyncadd.s32 $0xFFFFFC18  }
0x3a0: {  	[tilespmem:s11], [sflag:$0x8] =	stream.linear.gather [spmem:s22], $0x3E8, $0x38;
	[tilespmem:$0x1C4F0] =	vst v63  }
0x3a1: {  	_ =	swait.ge [sflag:s19], $0x3E8  }
0x3a2: {  	s15 =	sld [smem:$0x7DF]  }
0x3a3: {  	[sflag:s19] =	ssyncset.done $0x0  }
0x3a4: {  	[sflag:s19] =	ssyncadd.s32 $0xFFFFFC18  }
0x3a5: {  	[hbm4b:s15+s5] =	stream.linear.scatter [tilespmem:s11], [sflag:$0x8], $0x3E8, $0x38;
	[tilespmem:$0x1C4F0] =	vst v63  }
0x3a6: {  	_ =	swait.ge [sflag:s19], $0x3E8  }
0x3a7: {  	s16 =	sld [smem:$0x7FC]  }
0x3a8: {  	[sflag:s19] =	ssyncset.done $0x0  }
0x3a9: {  	[sflag:s19] =	ssyncadd.s32 $0xFFFFFC18  }
0x3aa: {  	[tilespmem:s11], [sflag:$0x8] =	stream.linear.gather [spmem:s16], $0x3E8, $0x38;
	[tilespmem:$0x1C4F0] =	vst v63  }
0x3ab: {  	_ =	swait.ge [sflag:s19], $0x3E8  }
0x3ac: {  	s20 =	sld [smem:$0x7E0]  }
0x3ad: {  	[sflag:s19] =	ssyncset.done $0x0  }
0x3ae: {  	[sflag:s19] =	ssyncadd.s32 $0xFFFFFC18  }
0x3af: {  	[hbm4b:s20+s5] =	stream.linear.scatter [tilespmem:s11], [sflag:$0x8], $0x3E8, $0x38;
	[tilespmem:$0x1C4F0] =	vst v63  }
0x3b0: {  	_ =	swait.ge [sflag:s19], $0x3E8  }
0x3b1: {  	s21 =	sld [smem:$0x7FD]  }
0x3b2: {  	[sflag:s19] =	ssyncset.done $0x0  }
0x3b3: {  	[sflag:s19] =	ssyncadd.s32 $0xFFFFFC18  }
0x3b4: {  	[tilespmem:s11], [sflag:$0x8] =	stream.linear.gather [spmem:s21], $0x3E8, $0x38;
	[tilespmem:$0x1C4F0] =	vst v63  }
0x3b5: {  	_ =	swait.ge [sflag:s19], $0x3E8  }
0x3b6: {  	s22 =	sld [smem:$0x7E1]  }
0x3b7: {  	[sflag:s19] =	ssyncset.done $0x0  }
.Ltmp7:
0x3b8: {  	[sflag:s19] =	ssyncadd.s32 $0xFFFFFC18;
	(pc) =	sbr.rel .LBB2_10-.Ltmp7, $4  }
0x3b9: {  	[hbm4b:s22+s5] =	stream.linear.scatter [tilespmem:s11], [sflag:$0x8], $0x3E8, $0x38;
	[tilespmem:$0x1C4F0] =	vst v63  }
0x3ba: {  	_ =	swait.ge [sflag:s19], $0x3E8  }
0x3bb: {  	[sflag:s19] =	ssyncset.done $0x0  }
0x3bc: {  	[sflag:s19] =	ssyncadd.s32 $0xFFFFFC18  }
.LBB2_11:
0x3bd: {  	_ =	sfence.sel $0x180000  }
0x3be: {  	[bflag:$0x0] =	sbarrier.arrive $0xFFFF  }
0x3bf: {  	_ =	strace $0x90000047  }
0x3c0: {  	s0 =	stileid.u32;
	[bflag:$0x2] =	sbarrier.arrive $0xFFFF  }
0x3c1: {  	p0 =	sne.s32 s0, $0x0;
	s0 =	rddreg [dreg:$0x6]  }
0x3c2: {  	s0 =	sadd.s32 @!p0 $0x100000, s0  }
0x3c3: {  	[sflag:s0] =	ssyncadd.tile.s32 @!p0 $0x1;
	_ =	shalt  }
.Lfunc_end2:
_tile_overlayer_lowered:
.L_overlay_start_2:
0x3c4: {  	(tag) =	ssettag $0x2  }
0x3c5: {  	s0 =	rddreg [dreg:$0x0];
	s2 =	stileid.u32  }
0x3c6: {  	s1 =	rddreg [dreg:$0x1];
	p0 =	sne.s32 s2, $0x0  }
0x3c7: {  	s3 =	rddreg [dreg:$0x2];
	[bflag:$0x3] =	sbarrier.arrive $0xFFFF;
	s2 =	simm.s32 @!p0 $0x1C08  }
0x3c8: {  	[timem:s3], [sflag:s2] =	dma.local @!p0 [hbm:s0], s1  }
0x3c9: {  	s0 =	simm.s32 @!p0 $0x8  }
0x3ca: {  	_ =	swait.ge @!p0 [sflag:s0], s1  }
0x3cb: {  	s1 =	ssub.s32 @!p0 $0x0, s1;
	[sflag:s0] =	ssyncset.done @!p0 $0x0  }
0x3cc: {  	[sflag:s0] =	ssyncadd.s32 @!p0 s1  }
0x3cd: {  	[bflag:$0x3] =	sbarrier.arrive $0xFFFF  }
0x3ce: {  	_ =	shalt  }

// kernel: kernel.9.cloned.1.call-start
scs
__scs_entry_jumppad:
0x0: {  	(pc) =	sbr.rel $0x88, $3  }
0x1: {  	(tag) =	ssettag $0x0;
	lr =	simm.s32 $0x1  }
0x2: {  	[smem:$0x3F9C] =	sst lr;
	_ =	strace $0xD0000000  }
0x3: {  	_ = 	snop  }
0x4: {  	_ = 	snop  }
0x5: {  	_ = 	snop  }
0x6: {  	_ = 	snop  }
0x7: {  	_ = 	snop  }
__scs_overlays_trampoline_lowered:
0x8: {  	[smem:$0x3FAB] =	sst s0  }
0x9: {  	[smem:$0x3FAC] =	sst s1  }
0xa: {  	[smem:$0x3FAD] =	sst s2  }
0xb: {  	[smem:$0x3FAE] =	sst s3  }
0xc: {  	[smem:$0x3FAF] =	sst s4  }
0xd: {  	[smem:$0x3FB0] =	sst s5  }
0xe: {  	[smem:$0x3FB1] =	sst s6  }
0xf: {  	[smem:$0x3FB2] =	sst s7  }
0x10: {  	[smem:$0x3FB3] =	sst s8  }
0x11: {  	[smem:$0x3FB4] =	sst s9;
	s0 =	simm.s32 @!p0 $0x0  }
0x12: {  	s1 =	sld [smem:$0x3F9A];
	s0 =	simm.s32 @p0 $0x1  }
0x13: {  	[smem:$0x3FB5] =	sst s0;
	s0 =	simm.s32 @!p1 $0x0  }
0x14: {  	s2 =	sld [smem:$0x3F99];
	s0 =	simm.s32 @p1 $0x1  }
0x15: {  	[smem:$0x3FB6] =	sst s0;
	s0 =	simm.s32 @!p2 $0x0  }
0x16: {  	s3 =	sld [smem:$0x3FDB];
	s0 =	simm.s32 @p2 $0x1  }
0x17: {  	s4 =	simm.s32 $0x1BF5;
	[smem:$0x3FB8] =	sst s0  }
0x18: {  	s0 =	sld [smem:$0x3F9B];
	_ =	swait.ge [sflag:s4], $0x0  }
0x19: {  	s7 =	sld [smem:$0x3F9C]  }
0x1a: {  	s8 =	sadd.s32 $0xFFFFE003, lr  }
0x1b: {  	s9 =	sadd.s32 $0xFFFFFEF7, lr;
	s5 =	simm.s32 $0xFFFFFFFF;
	p2 =	slt.u32 s8, $0xFFFFF086  }
0x1c: {  	p1 =	slt.u32 s9, $0xF7A;
	s5 =	simm.s32 @!p2 $0x0  }
0x1d: {  	s5 =	simm.s32 @p1 $0x1;
	p0 =	seq.s32 s7, s2  }
0x1e: {  	s7 =	smul.u32 @!p0 $0xF7A, s2;
	p2 =	seq.s32 @!p0 s5, $0x0  }
0x1f: {  	s9 =	smul.u32 $0xF7A, s1;
	s8 =	simm.s32 @!p0 $0x1BF5;
	p2 =	por !p2, p0  }
0x20: {  	[sflag:s8] =	ssyncset.s32 @!p0 $0xFFFFF086;
	s6 =	sadd.s32 @!p0 s3, s7;
	s7 =	simm.s32 @!p0 $0x108  }
0x21: {  	s3 =	sadd.s32 s3, s9;
	s6 =	sadd.s32 @!p0 $0x88, s6;
	s7 =	simm.s32 @p2 $0x1082  }
0x22: {  	[simem:s7], [sflag:s8] =	dma.local @!p0 [hbm:s6], $0xF7A  }
0x23: {  	s9 =	sor.u32 $0xD0000000, s2;
	s6 =	simm.s32 $0x108;
	_ =	swait.ge @!p0 [sflag:s8], $0x0  }
0x24: {  	s3 =	sadd.s32 $0x88, s3;
	s6 =	simm.s32 @!p1 $0x1082;
	[sflag:s4] =	ssyncset.s32 $0xFFFFF086  }
0x25: {  	[simem:s6], [sflag:s4] =	dma.local [hbm:s3], $0xF7A  }
0x26: {  	[smem:$0x3F9C] =	sst s1;
	(tag) =	ssettag s2;
	_ =	strace s9  }
0x27: {  	s1 =	sld [smem:$0x3FAC]  }
0x28: {  	s2 =	sld [smem:$0x3FAD]  }
0x29: {  	s4 =	sld [smem:$0x3FAF]  }
0x2a: {  	p0 =	seq.s32 s5, $0x0;
	s5 =	sld [smem:$0x3FB0]  }
0x2b: {  	s6 =	sld [smem:$0x3FB1]  }
0x2c: {  	s7 =	sld [smem:$0x3FB2]  }
0x2d: {  	s3 =	simm.s32 $0x108;
	s8 =	sld [smem:$0x3FB3]  }
0x2e: {  	s3 =	simm.s32 @!p0 $0x1082;
	s9 =	sld [smem:$0x3FB4]  }
0x2f: {  	lr =	sadd.s32 s0, s3;
	s0 =	sld [smem:$0x3FAB]  }
0x30: {  	s3 =	sld [smem:$0x3FAE]  }
0x31: {  	[smem:$0x3FB7] =	sst s10  }
0x32: {  	s10 =	sld [smem:$0x3FB5];
	_ =	sdelay $0x3  }
0x33: {  	p0 =	seq.s32 s10, $0x1;
	s10 =	sld [smem:$0x3FB7];
	_ =	sdelay $0x3  }
0x34: {  	[smem:$0x3FB7] =	sst s10  }
0x35: {  	s10 =	sld [smem:$0x3FB6];
	_ =	sdelay $0x3  }
0x36: {  	p1 =	seq.s32 s10, $0x1;
	s10 =	sld [smem:$0x3FB7];
	_ =	sdelay $0x3  }
0x37: {  	[smem:$0x3FB7] =	sst s10  }
0x38: {  	s10 =	sld [smem:$0x3FB8]  }
0x39: {  	_ = 	snop;
	(pc) =	sbr.ind lr, $3  }
0x3a: {  	_ = 	snop  }
0x3b: {  	_ = 	snop  }
0x3c: {  	p2 =	seq.s32 s10, $0x1;
	s10 =	sld [smem:$0x3FB7]  }
0x3d: {  	_ =	shalt  }
0x3e: {  	_ =	shalt  }
0x3f: {  	_ =	shalt  }
0x40: {  	_ =	shalt  }
0x41: {  	_ =	shalt  }
0x42: {  	_ =	shalt  }
0x43: {  	_ =	shalt  }
0x44: {  	_ =	shalt  }
0x45: {  	_ =	shalt  }
0x46: {  	_ =	shalt  }
0x47: {  	_ =	shalt  }
0x48: {  	_ =	shalt  }
0x49: {  	_ =	shalt  }
0x4a: {  	_ =	shalt  }
0x4b: {  	_ =	shalt  }
0x4c: {  	_ =	shalt  }
0x4d: {  	_ =	shalt  }
0x4e: {  	_ =	shalt  }
0x4f: {  	_ =	shalt  }
0x50: {  	_ =	shalt  }
0x51: {  	_ =	shalt  }
0x52: {  	_ =	shalt  }
0x53: {  	_ =	shalt  }
0x54: {  	_ =	shalt  }
0x55: {  	_ =	shalt  }
0x56: {  	_ =	shalt  }
0x57: {  	_ =	shalt  }
0x58: {  	_ =	shalt  }
0x59: {  	_ =	shalt  }
0x5a: {  	_ =	shalt  }
0x5b: {  	_ =	shalt  }
0x5c: {  	_ =	shalt  }
0x5d: {  	_ =	shalt  }
0x5e: {  	_ =	shalt  }
0x5f: {  	_ =	shalt  }
0x60: {  	_ =	shalt  }
0x61: {  	_ =	shalt  }
0x62: {  	_ =	shalt  }
0x63: {  	_ =	shalt  }
0x64: {  	_ =	shalt  }
0x65: {  	_ =	shalt  }
0x66: {  	_ =	shalt  }
0x67: {  	_ =	shalt  }
0x68: {  	_ =	shalt  }
0x69: {  	_ =	shalt  }
0x6a: {  	_ =	shalt  }
0x6b: {  	_ =	shalt  }
0x6c: {  	_ =	shalt  }
0x6d: {  	_ =	shalt  }
0x6e: {  	_ =	shalt  }
0x6f: {  	_ =	shalt  }
0x70: {  	_ =	shalt  }
0x71: {  	_ =	shalt  }
0x72: {  	_ =	shalt  }
0x73: {  	_ =	shalt  }
0x74: {  	_ =	shalt  }
0x75: {  	_ =	shalt  }
0x76: {  	_ =	shalt  }
0x77: {  	_ =	shalt  }
0x78: {  	_ =	shalt  }
0x79: {  	_ =	shalt  }
0x7a: {  	_ =	shalt  }
0x7b: {  	_ =	shalt  }
0x7c: {  	_ =	shalt  }
0x7d: {  	_ =	shalt  }
0x7e: {  	_ =	shalt  }
0x7f: {  	_ =	shalt  }
0x80: {  	_ =	shalt  }
0x81: {  	_ =	shalt  }
0x82: {  	_ =	shalt  }
0x83: {  	_ =	shalt  }
0x84: {  	_ =	shalt  }
0x85: {  	_ =	shalt  }
0x86: {  	_ =	shalt  }
0x87: {  	_ =	shalt  }
.Lfunc_end0:
.L_simem_size_0:
called_computation.1_lowered:
.L_overlay_start_0:
0x88: {  	s2 =	sld [smem:$0x3FD9]  }
0x89: {  	s3 =	sld [smem:$0x3FFE];
	_ =	sdelay $0x1  }
0x8a: {  	s1 =	srdreg.scid  }
0x8b: {  	s0 =	sand.u32 $0x1, s1  }
0x8c: {  	s17 =	sshll.u32 s0, $0xA;
	s2 =	sadd.s32 s3, s2  }
0x8d: {  	s2 =	sadd.s32 s2, s17  }
0x8e: {  	[smem:$0x3FC3] =	sst s2  }
0x8f: {  	_ = 	snop  }
0x90: {  	s2 =	sld [smem:$0x3FD0];
	(tm) =	ssettm $0x1  }
0x91: {  	s18 =	sld [smem:$0x3FFB];
	_ =	sdelay $0x3  }
0x92: {  	_ =	strace s18  }
0x93: {  	s3 =	sld [smem:$0x3FFC];
	_ =	sdelay $0x3  }
0x94: {  	_ =	strace s3  }
0x95: {  	s3 =	sld [smem:$0x3FFD];
	_ =	sdelay $0x3  }
0x96: {  	_ =	strace s3  }
0x97: {  	_ =	strace $0x8FFFFFFF  }
0x98: {  	s19 =	sld [smem:$0x3FDB];
	_ =	sdelay $0x1  }
0x99: {  	s4 =	simm.s32 $_scs_section_size  }
0x9a: {  	s5 =	simm.s32 $_size__tile_overlayer_lowered;
	s6 =	simm.s32 $_tile_overlayer_lowered  }
0x9b: {  	s22 =	simm.s32 $0x1BFF;
	s21 =	sshll.u32 s6, $0x1;
	s3 =	sadd.s32 s4, s19  }
0x9c: {  	s7 =	simm.s32 $0x0;
	s20 =	sshll.u32 s5, $0x1;
	s5 =	sadd.s32 s21, s3  }
0x9d: {  	[timem:s7], [sflag:s22] =	dma.local [hbm:s5], s20  }
0x9e: {  	_ =	swait.ge [sflag:s22], s20  }
0x9f: {  	s4 =	ssub.s32 $0x0, s20;
	[sflag:s22] =	ssyncset.done $0x0  }
0xa0: {  	[sflag:s22] =	ssyncadd.s32 s4;
	_ =	sdelay $0x1  }
0xa1: {  	s23 =	simm.s32 $0x1B8B  }
0xa2: {  	_ =	swait.ge [sflag:s23], $0x1  }
0xa3: {  	[sflag:s23] =	ssyncset.done $0x0  }
0xa4: {  	s25 =	simm.s32 $0x1B8E;
	s24 =	sld [smem:$0x3FFE];
	[sflag:s23] =	ssyncadd.s32 $0xFFFFFFFF  }
0xa5: {  	s26 =	simm.s32 $execute0_lowered;
	[smem:$0x3FD2] =	sst s25  }
0xa6: {  	s5 =	sshll.u32 s26, $0x1;
	_ =	strace $0x80000049;
	[dreg:$0x1] =	wrdreg $0xFFFFFFFF  }
0xa7: {  	s28 =	simm.s32 $_size_execute0_lowered;
	s3 =	sadd.s32 s3, s5;
	[dreg:$0x0] =	wrdreg $0x0  }
0xa8: {  	s5 =	sshll.u32 s28, $0x1;
	[dreg:$0x2] =	wrdreg s3  }
0xa9: {  	[dreg:$0x3] =	wrdreg s5  }
0xaa: {  	[dreg:$0x4] =	wrdreg $0xC0  }
0xab: {  	_ =	task [dreg:s7], $0x5FFFF  }
0xac: {  	[dreg:$0x1] =	wrdreg $0xFFFFFFFF  }
0xad: {  	[dreg:$0x0] =	wrdreg $0x60  }
0xae: {  	[dreg:$0x2] =	wrdreg s2  }
0xaf: {  	[dreg:$0x3] =	wrdreg s24  }
0xb0: {  	[dreg:$0x4] =	wrdreg $0x0  }
0xb1: {  	[dreg:$0x5] =	wrdreg $0x9  }
0xb2: {  	_ =	task.clear_ibuf [dreg:s7], $0x6FFFF;
	_ =	strace $0x90000049  }
0xb3: {  	s29 =	simm.s32 $0x9;
	_ =	strace $0x8000004B  }
0xb4: {  	_ =	swait.ge [sflag:s29], $0x1  }
0xb5: {  	[sflag:s29] =	ssyncadd.s32 $0xFFFFFFFF  }
0xb6: {  	_ =	strace $0x9000004B  }
0xb7: {  	_ =	sfence  }
0xb8: {  	s30 =	sld [smem:$0x0];
	_ =	sdelay $0x2  }
0xb9: {  	s31 =	sshll.u32 s1, $0xD;
	s1 =	sshrl.u32 s1, $0x2  }
0xba: {  	s3 =	sand.u32 $0x4000, s31;
	s1 =	sadd.s32 s1, s30  }
0xbb: {  	s0 =	sor.u32 s3, s0;
	s1 =	sshll.u32 s1, $0x11  }
0xbc: {  	s0 =	sor.u32 s1, s0  }
0xbd: {  	s0 =	sadd.s32 $0x8F2B, s0  }
0xbe: {  	[sflag:s0] =	ssyncadd.remote.s32 $0x1  }
0xbf: {  	_ =	sfence.sel $0xFFFF  }
0xc0: {  	[dreg:$0x0] =	wrdreg $0xFFFFFFFF;
	(pc) =	sbr.abs _section_cstart, $3  }
0xc1: {  	[dreg:$0x1] =	wrdreg $0xFFFFFFFF  }
0xc2: {  	_ =	task.clear_ibuf [dreg:s7], $0x2FFFF;
	_ =	strace $0x9FFFFFFF  }
0xc3: {  	(tm) =	ssettm $0x7FFFFFFF  }
tec
execute0_lowered:
.L_overlay_start_1:
0x0: {  	(tag) =	ssettag $0x1  }
0x1: {  	s1 =	rddreg [dreg:$0x0]  }
0x2: {  	s0 =	rddreg [dreg:$0x1]  }
0x3: {  	s2 =	rddreg [dreg:$0x2];
	s4 =	simm.s32 $0x0;
	s3 =	srdreg.scid  }
0x4: {  	s15 =	stileid.u32;
	s29 =	simm.s32 $0x13880;
	s30 =	simm.s32 $0x13900  }
0x5: {  	s31 =	simm.s32 $0x1;
	[smem:$0x7FF] =	sst s4;
	s3 =	sand.u32 $0x1, s3  }
0x6: {  	s6 =	sadd.s32 $0x2A00, s0;
	s5 =	smul.u32 $0x2780, s15;
	s8 =	sadd.s32 $0xC800, s0  }
0x7: {  	p0 =	seq.s32 s15, $0xF;
	s22 =	smul.u32 $0x4F000, s15;
	p3 =	sne.s32 s15, $0xF  }
0x8: {  	s10 =	sshll.u32 s15, $0x1;
	s12 =	sadd.s32 $0x12C400, s2;
	s13 =	sadd.s32 $0x130400, s2  }
0x9: {  	s25 =	sadd.s32 $0x134400, s2;
	_ =	strace $0x8000004A;
	[dreg:$0x4] =	wrdreg s12  }
0xa: {  	s14 =	sadd.s32 $0x138400, s2;
	p5 =	sgt.u32 s15, $0x1;
	[dreg:$0x5] =	wrdreg s13  }
0xb: {  	s7 =	ssub.s32 $0x2, s3;
	s21 =	sor.u32 s3, s10;
	[dreg:$0x6] =	wrdreg s25  }
0xc: {  	[dreg:$0x7] =	wrdreg s14;
	p2 =	seq.s32 s3, $0x0;
	p4 =	seq.s32 s3, $0x1  }
0xd: {  	s3 =	smul.u32 $0x4E, s3;
	s25 =	sadd.s32 $0x3B680, s0;
	s13 =	simm.s32 $0x13B00  }
0xe: {  	s9 =	sshrl.u32 s7, $0x1;
	s11 =	sadd.s32 s5, s0;
	s5 =	sadd.s32 $0x128400, s2  }
0xf: {  	s23 =	smul.u32 $0x4E, s21;
	s10 =	sshrl.u32 s22, $0x2;
	s24 =	smin.u32 s21, $0x4  }
0x10: {  	s21 =	smul.u32 $0x9C, s15;
	p1 =	por !p2, !p3;
	p2 =	por !p2, !p0  }
0x11: {  	p3 =	por !p3, !p4;
	[dreg:$0x11] =	wrdreg s25;
	p4 =	por !p4, !p0  }
0x12: {  	s0 =	sadd.s32 $0x64080, s0;
	s15 =	simm.s32 $0x3;
	s7 =	ssub.s32 s7, s9  }
0x13: {  	s9 =	sadd.s32 s10, s2;
	p1 =	por !p1, !p1;
	p2 =	por !p2, !p2  }
0x14: {  	p3 =	por !p3, !p3;
	p4 =	por !p4, !p4;
	[dreg:$0x13] =	wrdreg s0  }
0x15: {  	s0 =	simm.s32 $0x13980;
	s26 =	sadd.s32 s24, s23;
	s16 =	sadd.s32 $0x4000, s9  }
0x16: {  	s17 =	sadd.s32 $0x8000, s9;
	s22 =	sadd.s32 s21, s24;
	s24 =	sadd.s32 $0x16600, s11  }
0x17: {  	s25 =	smax.u32 s7, $0x1;
	s28 =	sadd.s32 $0x10000, s9;
	[dreg:$0x8] =	wrdreg s16  }
0x18: {  	s7 =	simm.s32 $0x80;
	s10 =	sshll.u32 s26, $0x4;
	[dreg:$0x9] =	wrdreg s17  }
0x19: {  	s3 =	sadd.s32 s3, s22;
	[dreg:$0x10] =	wrdreg s24;
	s26 =	sadd.s32 $0x3F000, s11  }
0x1a: {  	s11 =	simm.s32 $0x17B80;
	s16 =	simm.s32 $0x6;
	s17 =	simm.s32 $0x7  }
0x1b: {  	s18 =	sadd.s32 s6, s10;
	s19 =	sadd.s32 $0x10, s10;
	[dreg:$0x12] =	wrdreg s26  }
0x1c: {  	s14 =	sadd.s32 s8, s10;
	s10 =	sadd.s32 $0x4E0, s10;
	[dreg:$0xa] =	wrdreg s18  }
0x1d: {  	s3 =	sshll.u32 s3, $0x4;
	s26 =	sadd.s32 $0xC000, s9;
	[dreg:$0xb] =	wrdreg s14  }
0x1e: {  	s20 =	sadd.s32 s6, s19;
	s12 =	sadd.s32 s8, s19;
	s23 =	sadd.s32 s6, s10  }
.Ltmp0:
0x1f: {  	s10 =	sadd.s32 s8, s10;
	[dreg:$0xc] =	wrdreg s20;
	(pc) =	sbr.rel .LBB2_1-.Ltmp0, $4  }
0x20: {  	s21 =	sadd.s32 s3, s8;
	s8 =	simm.s32 $0x13B80;
	[dreg:$0xd] =	wrdreg s12  }
0x21: {  	s14 =	simm.s32 $0x4;
	s18 =	simm.s32 $0x0;
	[dreg:$0xe] =	wrdreg s23  }
0x22: {  	[dreg:$0xf] =	wrdreg s10;
	s20 =	sadd.s32 s3, s6;
	s6 =	simm.s32 $0x13A00  }
0x23: {  	v0 =	vimm.f32 $0.0e+00;
	s10 =	simm.s32 $0x2;
	s12 =	simm.s32 $0x13A80;
	s3 =	simm.s32 $0x5  }
.LBB2_6:
0x24: {  	_ =	swait.ge [sflag:s14], $0x4000  }
0x25: {  	[sflag:s14] =	ssyncset.done $0x0  }
0x26: {  	[sflag:s14] =	ssyncadd.s32 $0xFFFFC000  }
0x27: {  	[spmem:s2] =	stream.indirect.scatter.add.f32 [tilespmem:s8], [sflag:$0x6], $0x80, s6, s7, $0xb8;
	[tilespmem:$0x1BB80] =	vst v63  }
0x28: {  	_ =	swait.ge [sflag:s3], $0x4000  }
0x29: {  	[sflag:s3] =	ssyncset.done $0x0  }
0x2a: {  	[sflag:s3] =	ssyncadd.s32 $0xFFFFC000  }
0x2b: {  	[spmem:s2] =	stream.indirect.scatter.add.f32 [tilespmem:s11], [sflag:$0x7], $0x80, s13, s7, $0xb8;
	[tilespmem:$0x1BB80] =	vst v63  }
0x2c: {  	_ =	swait.ge [sflag:s16], $0x4000  }
0x2d: {  	[sflag:s16] =	ssyncset.done $0x0  }
0x2e: {  	[sflag:s16] =	ssyncadd.s32 $0xFFFFC000  }
0x2f: {  	_ =	swait.ge [sflag:s17], $0x4000  }
0x30: {  	s19 =	simm.s32 @!p5 $0x0;
	[sflag:s17] =	ssyncset.done $0x0  }
0x31: {  	s22 =	simm.s32 @!p5 $0x13880;
	s23 =	rddreg [dreg:$0xe];
	[sflag:s17] =	ssyncadd.s32 $0xFFFFC000  }
0x32: {  	[tilespmem:s22], [sflag:$0x1] =	stream.linear.gather @!p5 [hbm4b:s23+s19], $0x80, $0x38;
	[tilespmem:$0x1BB80] =	vst v63  }
0x33: {  	s24 =	rddreg [dreg:$0xf];
	s23 =	simm.s32 @!p5 $0x13900  }
0x34: {  	[tilespmem:s23], [sflag:$0x1] =	stream.linear.gather @!p5 [hbm4b:s24+s19], $0x80, $0x38;
	[tilespmem:$0x1BB80] =	vst v63  }
0x35: {  	s19 =	simm.s32 @!p5 $0x1  }
0x36: {  	_ =	swait.ge @!p5 [sflag:s19], $0x80  }
0x37: {  	[sflag:s19] =	ssyncset.done @!p5 $0x0  }
0x38: {  	[sflag:s19] =	ssyncadd.s32 @!p5 $0xFFFFFF80  }
0x39: {  	_ =	swait.ge @!p5 [sflag:s19], $0x80  }
0x3a: {  	[sflag:s19] =	ssyncset.done @!p5 $0x0  }
0x3b: {  	s24 =	simm.s32 @!p5 $0x13B80;
	[sflag:s19] =	ssyncadd.s32 @!p5 $0xFFFFFF80;
	s19 =	simm.s32 @!p5 $0x80  }
0x3c: {  	[tilespmem:s24], [sflag:$0x4] =	stream.indirect.gather @!p5 [hbm4b:s1+s19], $0x80, s22, s19, $0xb8;
	[tilespmem:$0x1BB80] =	vst v63  }
0x3d: {  	s22 =	simm.s32 @!p5 $0x4  }
0x3e: {  	_ =	swait.ge @!p5 [sflag:s22], $0x4000  }
0x3f: {  	[sflag:s22] =	ssyncset.done @!p5 $0x0  }
0x40: {  	[sflag:s22] =	ssyncadd.s32 @!p5 $0xFFFFC000  }
0x41: {  	[spmem:s2] =	stream.indirect.scatter.add.f32 @!p5 [tilespmem:s24], [sflag:$0x8], $0x80, s23, s19, $0xb8;
	[tilespmem:$0x1BB80] =	vst v63  }
0x42: {  	s19 =	simm.s32 @!p5 $0x8  }
0x43: {  	_ =	swait.ge @!p5 [sflag:s19], $0x4000  }
0x44: {  	[sflag:s19] =	ssyncset.done @!p5 $0x0  }
0x45: {  	s24 =	stileid.u32;
	[sflag:s19] =	ssyncadd.s32 @!p5 $0xFFFFC000  }
0x46: {  	s19 =	sshll.u32 @p1 s24, $0x6;
	[bflag:$0x0] =	sbarrier.arrive $0xFFFF  }
0x47: {  	s22 =	sshrl.u32 @p1 s9, $0x3;
	s19 =	sor.u32 @p1 $0x1C08, s19;
	s23 =	rddreg [dreg:$0x10]  }
0x48: {  	[hbm:s23], [sflag:s19] =	dma.local @p1 [spmem:s22], $0x2780  }
0x49: {  	s19 =	simm.s32 @p1 $0x8  }
0x4a: {  	_ =	swait.ge @p1 [sflag:s19], $0x2780  }
0x4b: {  	s22 =	simm.s32 @p2 $0x1FC8;
	[sflag:s19] =	ssyncset.done @p1 $0x0  }
0x4c: {  	s23 =	rddreg [dreg:$0x11];
	[sflag:s19] =	ssyncadd.s32 @p1 $0xFFFFD880;
	s19 =	sshrl.u32 @p2 s5, $0x3  }
0x4d: {  	[hbm:s23], [sflag:s22] =	dma.local @p2 [spmem:s19], $0x2080  }
0x4e: {  	s19 =	simm.s32 @p2 $0x8  }
0x4f: {  	_ =	swait.ge @p2 [sflag:s19], $0x2080  }
0x50: {  	s22 =	sshll.u32 @p3 s24, $0x6;
	[sflag:s19] =	ssyncset.done @p2 $0x0;
	s24 =	rddreg [dreg:$0x12]  }
0x51: {  	[sflag:s19] =	ssyncadd.s32 @p2 $0xFFFFDF80;
	s19 =	sor.u32 @p3 $0x1C08, s22;
	s22 =	sshrl.u32 @p3 s9, $0x3  }
0x52: {  	[hbm:s24], [sflag:s19] =	dma.local @p3 [spmem:s22], $0x2780  }
0x53: {  	s19 =	simm.s32 @p3 $0x8  }
0x54: {  	s18 =	sadd.s32 $0x1, s18;
	_ =	swait.ge @p3 [sflag:s19], $0x2780  }
0x55: {  	p6 =	sne.s32 s18, s25;
	s22 =	simm.s32 @p4 $0x1FC8;
	[sflag:s19] =	ssyncset.done @p3 $0x0  }
0x56: {  	s24 =	rddreg [dreg:$0x13];
	[sflag:s19] =	ssyncadd.s32 @p3 $0xFFFFD880;
	s19 =	sshrl.u32 @p4 s5, $0x3  }
0x57: {  	[hbm:s24], [sflag:s22] =	dma.local @p4 [spmem:s19], $0x2080  }
.Ltmp1:
0x58: {  	_ = 	snop;
	(pc) =	sbr.rel @!p6 .LBB2_7-.Ltmp1, $4  }
0x59: {  	s19 =	simm.s32 @p4 $0x8  }
0x5a: {  	_ =	swait.ge @p4 [sflag:s19], $0x2080  }
0x5b: {  	[sflag:s19] =	ssyncset.done @p4 $0x0  }
0x5c: {  	s23 =	stileid.u32;
	[sflag:s19] =	ssyncadd.s32 @p4 $0xFFFFDF80  }
.LBB2_1:
0x5d: {  	s19 =	simm.s32 $0x0;
	s22 =	simm.s32 $0x200  }
.LBB2_2:
0x5e: {  	p6 =	sne.s32 s22, $0xFE00;
	[tilespmem:s19+$0x13BF0] =	vst v0  }
0x5f: {  	[tilespmem:s19+$0x13B80] =	vst v0  }
0x60: {  	[tilespmem:s19+$0x13B90] =	vst v0  }
.Ltmp2:
0x61: {  	[tilespmem:s19+$0x13BA0] =	vst v0;
	(pc) =	sbr.rel @p6 .LBB2_2-.Ltmp2, $4  }
0x62: {  	[tilespmem:s19+$0x13BB0] =	vst v0  }
0x63: {  	[tilespmem:s19+$0x13BC0] =	vst v0  }
0x64: {  	[tilespmem:s19+$0x13BD0] =	vst v0  }
0x65: {  	[tilespmem:s19+$0x13BE0] =	vst v0;
	s19 =	sshra.s32 s22, $0x2;
	s22 =	sadd.s32 $0x200, s22  }
0x66: {  	[tilespmem:s19+$0x13BF0] =	vst v0  }
0x67: {  	[tilespmem:s19+$0x13B80] =	vst v0  }
0x68: {  	[tilespmem:s19+$0x13B90] =	vst v0  }
0x69: {  	[tilespmem:s19+$0x13BA0] =	vst v0  }
0x6a: {  	[tilespmem:s19+$0x13BB0] =	vst v0  }
0x6b: {  	[tilespmem:s19+$0x13BC0] =	vst v0  }
0x6c: {  	[tilespmem:s19+$0x13BD0] =	vst v0  }
0x6d: {  	[tilespmem:s19+$0x13BE0] =	vst v0;
	s19 =	simm.s32 @p0 $0x13B80;
	s22 =	simm.s32 @p0 $0x8  }
0x6e: {  	[spmem:s5] =	stream.linear.scatter @p0 [tilespmem:s19], [sflag:$0x8], $0x4000, $0x38;
	[tilespmem:$0x1BB80] =	vst v63  }
0x6f: {  	_ =	swait.ge @p0 [sflag:s22], $0x4000  }
0x70: {  	[sflag:s22] =	ssyncset.done @p0 $0x0  }
0x71: {  	s23 =	rddreg [dreg:$0x4];
	[sflag:s22] =	ssyncadd.s32 @p0 $0xFFFFC000  }
0x72: {  	[spmem:s23] =	stream.linear.scatter @p0 [tilespmem:s19], [sflag:$0x8], $0x4000, $0x38;
	[tilespmem:$0x1BB80] =	vst v63  }
0x73: {  	_ =	swait.ge @p0 [sflag:s22], $0x4000  }
0x74: {  	[sflag:s22] =	ssyncset.done @p0 $0x0  }
0x75: {  	s23 =	rddreg [dreg:$0x5];
	[sflag:s22] =	ssyncadd.s32 @p0 $0xFFFFC000  }
0x76: {  	[spmem:s23] =	stream.linear.scatter @p0 [tilespmem:s19], [sflag:$0x8], $0x4000, $0x38;
	[tilespmem:$0x1BB80] =	vst v63  }
0x77: {  	_ =	swait.ge @p0 [sflag:s22], $0x4000  }
0x78: {  	[sflag:s22] =	ssyncset.done @p0 $0x0  }
0x79: {  	s23 =	rddreg [dreg:$0x6];
	[sflag:s22] =	ssyncadd.s32 @p0 $0xFFFFC000  }
0x7a: {  	[spmem:s23] =	stream.linear.scatter @p0 [tilespmem:s19], [sflag:$0x8], $0x4000, $0x38;
	[tilespmem:$0x1BB80] =	vst v63  }
0x7b: {  	_ =	swait.ge @p0 [sflag:s22], $0x4000  }
0x7c: {  	[sflag:s22] =	ssyncset.done @p0 $0x0  }
0x7d: {  	s23 =	rddreg [dreg:$0x7];
	[sflag:s22] =	ssyncadd.s32 @p0 $0xFFFFC000  }
0x7e: {  	[spmem:s23] =	stream.linear.scatter @p0 [tilespmem:s19], [sflag:$0x8], $0x400, $0x38;
	[tilespmem:$0x1BB80] =	vst v63  }
0x7f: {  	_ =	swait.ge @p0 [sflag:s22], $0x400  }
0x80: {  	[sflag:s22] =	ssyncset.done @p0 $0x0  }
0x81: {  	s19 =	simm.s32 @!p0 $0x13B80;
	[sflag:s22] =	ssyncadd.s32 @p0 $0xFFFFFC00;
	s22 =	simm.s32 @!p0 $0x8  }
0x82: {  	[spmem:s9] =	stream.linear.scatter @!p0 [tilespmem:s19], [sflag:$0x8], $0x4000, $0x38;
	[tilespmem:$0x1BB80] =	vst v63  }
0x83: {  	_ =	swait.ge @!p0 [sflag:s22], $0x4000  }
0x84: {  	[sflag:s22] =	ssyncset.done @!p0 $0x0  }
0x85: {  	s23 =	rddreg [dreg:$0x8];
	[sflag:s22] =	ssyncadd.s32 @!p0 $0xFFFFC000  }
0x86: {  	[spmem:s23] =	stream.linear.scatter @!p0 [tilespmem:s19], [sflag:$0x8], $0x4000, $0x38;
	[tilespmem:$0x1BB80] =	vst v63  }
0x87: {  	_ =	swait.ge @!p0 [sflag:s22], $0x4000  }
0x88: {  	[sflag:s22] =	ssyncset.done @!p0 $0x0  }
0x89: {  	s23 =	rddreg [dreg:$0x9];
	[sflag:s22] =	ssyncadd.s32 @!p0 $0xFFFFC000  }
0x8a: {  	[spmem:s23] =	stream.linear.scatter @!p0 [tilespmem:s19], [sflag:$0x8], $0x4000, $0x38;
	[tilespmem:$0x1BB80] =	vst v63  }
0x8b: {  	_ =	swait.ge @!p0 [sflag:s22], $0x4000  }
0x8c: {  	[sflag:s22] =	ssyncset.done @!p0 $0x0  }
0x8d: {  	[sflag:s22] =	ssyncadd.s32 @!p0 $0xFFFFC000  }
0x8e: {  	[spmem:s26] =	stream.linear.scatter @!p0 [tilespmem:s19], [sflag:$0x8], $0x4000, $0x38;
	[tilespmem:$0x1BB80] =	vst v63  }
0x8f: {  	_ =	swait.ge @!p0 [sflag:s22], $0x4000  }
0x90: {  	[sflag:s22] =	ssyncset.done @!p0 $0x0  }
0x91: {  	[sflag:s22] =	ssyncadd.s32 @!p0 $0xFFFFC000  }
0x92: {  	[spmem:s28] =	stream.linear.scatter @!p0 [tilespmem:s19], [sflag:$0x8], $0x3C00, $0x38;
	[tilespmem:$0x1BB80] =	vst v63  }
0x93: {  	_ =	swait.ge @!p0 [sflag:s22], $0x3C00  }
0x94: {  	[sflag:s22] =	ssyncset.done @!p0 $0x0  }
0x95: {  	[sflag:s22] =	ssyncadd.s32 @!p0 $0xFFFFC400  }
0x96: {  	[bflag:$0x0] =	sbarrier.arrive $0xFFFF  }
0x97: {  	s19 =	simm.s32 $0x0;
	s23 =	rddreg [dreg:$0xa]  }
0x98: {  	[tilespmem:s29], [sflag:$0x1] =	stream.linear.gather [hbm4b:s23+s19], $0x80, $0x38;
	[tilespmem:$0x1BB80] =	vst v63  }
0x99: {  	s24 =	rddreg [dreg:$0xb]  }
0x9a: {  	[tilespmem:s30], [sflag:$0x1] =	stream.linear.gather [hbm4b:s24+s19], $0x80, $0x38;
	[tilespmem:$0x1BB80] =	vst v63  }
0x9b: {  	_ =	swait.ge [sflag:s31], $0x80  }
0x9c: {  	[sflag:s31] =	ssyncset.done $0x0  }
0x9d: {  	[sflag:s31] =	ssyncadd.s32 $0xFFFFFF80  }
0x9e: {  	_ =	swait.ge [sflag:s31], $0x80  }
0x9f: {  	[sflag:s31] =	ssyncset.done $0x0  }
0xa0: {  	s23 =	rddreg [dreg:$0xc];
	[sflag:s31] =	ssyncadd.s32 $0xFFFFFF80  }
0xa1: {  	[tilespmem:s0], [sflag:$0x2] =	stream.linear.gather [hbm4b:s23+s19], $0x80, $0x38;
	[tilespmem:$0x1BB80] =	vst v63  }
0xa2: {  	s24 =	rddreg [dreg:$0xd]  }
0xa3: {  	[tilespmem:s6], [sflag:$0x2] =	stream.linear.gather [hbm4b:s24+s19], $0x80, $0x38;
	[tilespmem:$0x1BB80] =	vst v63  }
0xa4: {  	_ = 	snop  }
0xa5: {  	[tilespmem:s8], [sflag:$0x4] =	stream.indirect.gather [hbm4b:s1+s7], $0x80, s29, s7, $0xb8;
	[tilespmem:$0x1BB80] =	vst v63  }
0xa6: {  	_ =	swait.ge [sflag:s10], $0x80  }
0xa7: {  	[sflag:s10] =	ssyncset.done $0x0  }
0xa8: {  	[sflag:s10] =	ssyncadd.s32 $0xFFFFFF80  }
0xa9: {  	_ =	swait.ge [sflag:s10], $0x80  }
0xaa: {  	[sflag:s10] =	ssyncset.done $0x0  }
0xab: {  	[sflag:s10] =	ssyncadd.s32 $0xFFFFFF80  }
.LBB2_4:
0xac: {  	p6 =	seq.s32 s19, $0x0  }
0xad: {  	s22 =	simm.s32 @!p6 $0x7  }
0xae: {  	_ =	swait.ge @!p6 [sflag:s22], $0x4000  }
0xaf: {  	[sflag:s22] =	ssyncset.done @!p6 $0x0  }
0xb0: {  	[sflag:s22] =	ssyncadd.s32 @!p6 $0xFFFFC000;
	s22 =	sadd.s32 s19, s20  }
0xb1: {  	[tilespmem:s11], [sflag:$0x5] =	stream.indirect.gather [hbm4b:s1+s7], $0x80, s0, s7, $0xb8;
	[tilespmem:$0x1BB80] =	vst v63  }
0xb2: {  	s23 =	sadd.s32 $0x20, s22  }
0xb3: {  	[tilespmem:s12], [sflag:$0x3] =	stream.linear.gather [hbm4b:s23+s4], $0x80, $0x38;
	[tilespmem:$0x1BB80] =	vst v63  }
0xb4: {  	s23 =	sadd.s32 s19, s21  }
0xb5: {  	s24 =	sadd.s32 $0x20, s23  }
0xb6: {  	[tilespmem:s13], [sflag:$0x3] =	stream.linear.gather [hbm4b:s24+s4], $0x80, $0x38;
	[tilespmem:$0x1BB80] =	vst v63  }
0xb7: {  	_ =	swait.ge [sflag:s14], $0x4000  }
0xb8: {  	[sflag:s14] =	ssyncset.done $0x0  }
0xb9: {  	[sflag:s14] =	ssyncadd.s32 $0xFFFFC000  }
0xba: {  	[spmem:s2] =	stream.indirect.scatter.add.f32 [tilespmem:s8], [sflag:$0x6], $0x80, s30, s7, $0xb8;
	[tilespmem:$0x1BB80] =	vst v63  }
0xbb: {  	_ =	swait.ge [sflag:s15], $0x80  }
0xbc: {  	[sflag:s15] =	ssyncset.done $0x0  }
0xbd: {  	[sflag:s15] =	ssyncadd.s32 $0xFFFFFF80  }
0xbe: {  	_ =	swait.ge [sflag:s15], $0x80  }
0xbf: {  	[sflag:s15] =	ssyncset.done $0x0  }
0xc0: {  	[sflag:s15] =	ssyncadd.s32 $0xFFFFFF80  }
0xc1: {  	_ =	swait.ge [sflag:s16], $0x4000  }
0xc2: {  	[sflag:s16] =	ssyncset.done $0x0  }
0xc3: {  	[sflag:s16] =	ssyncadd.s32 $0xFFFFC000  }
0xc4: {  	[tilespmem:s8], [sflag:$0x4] =	stream.indirect.gather [hbm4b:s1+s7], $0x80, s12, s7, $0xb8;
	[tilespmem:$0x1BB80] =	vst v63  }
0xc5: {  	s24 =	sadd.s32 $0x30, s22  }
0xc6: {  	[tilespmem:s29], [sflag:$0x1] =	stream.linear.gather [hbm4b:s24+s4], $0x80, $0x38;
	[tilespmem:$0x1BB80] =	vst v63  }
0xc7: {  	s24 =	sadd.s32 $0x30, s23  }
0xc8: {  	[tilespmem:s30], [sflag:$0x1] =	stream.linear.gather [hbm4b:s24+s4], $0x80, $0x38;
	[tilespmem:$0x1BB80] =	vst v63  }
0xc9: {  	_ =	swait.ge [sflag:s3], $0x4000  }
0xca: {  	[sflag:s3] =	ssyncset.done $0x0  }
0xcb: {  	[sflag:s3] =	ssyncadd.s32 $0xFFFFC000  }
0xcc: {  	[spmem:s2] =	stream.indirect.scatter.add.f32 [tilespmem:s11], [sflag:$0x7], $0x80, s6, s7, $0xb8;
	[tilespmem:$0x1BB80] =	vst v63  }
0xcd: {  	_ =	swait.ge [sflag:s31], $0x80  }
0xce: {  	[sflag:s31] =	ssyncset.done $0x0  }
0xcf: {  	[sflag:s31] =	ssyncadd.s32 $0xFFFFFF80  }
0xd0: {  	_ =	swait.ge [sflag:s31], $0x80  }
0xd1: {  	[sflag:s31] =	ssyncset.done $0x0  }
0xd2: {  	[sflag:s31] =	ssyncadd.s32 $0xFFFFFF80  }
0xd3: {  	_ =	swait.ge [sflag:s17], $0x4000  }
0xd4: {  	[sflag:s17] =	ssyncset.done $0x0  }
0xd5: {  	[sflag:s17] =	ssyncadd.s32 $0xFFFFC000  }
0xd6: {  	[tilespmem:s11], [sflag:$0x5] =	stream.indirect.gather [hbm4b:s1+s7], $0x80, s29, s7, $0xb8;
	[tilespmem:$0x1BB80] =	vst v63  }
0xd7: {  	s24 =	sadd.s32 $0x40, s22  }
0xd8: {  	[tilespmem:s0], [sflag:$0x2] =	stream.linear.gather [hbm4b:s24+s4], $0x80, $0x38;
	[tilespmem:$0x1BB80] =	vst v63  }
0xd9: {  	s24 =	sadd.s32 $0x40, s23  }
0xda: {  	[tilespmem:s6], [sflag:$0x2] =	stream.linear.gather [hbm4b:s24+s4], $0x80, $0x38;
	[tilespmem:$0x1BB80] =	vst v63  }
0xdb: {  	_ =	swait.ge [sflag:s14], $0x4000  }
0xdc: {  	[sflag:s14] =	ssyncset.done $0x0  }
0xdd: {  	[sflag:s14] =	ssyncadd.s32 $0xFFFFC000  }
0xde: {  	[spmem:s2] =	stream.indirect.scatter.add.f32 [tilespmem:s8], [sflag:$0x6], $0x80, s13, s7, $0xb8;
	[tilespmem:$0x1BB80] =	vst v63  }
0xdf: {  	_ =	swait.ge [sflag:s10], $0x80  }
0xe0: {  	[sflag:s10] =	ssyncset.done $0x0  }
0xe1: {  	[sflag:s10] =	ssyncadd.s32 $0xFFFFFF80  }
0xe2: {  	_ =	swait.ge [sflag:s10], $0x80  }
0xe3: {  	[sflag:s10] =	ssyncset.done $0x0  }
0xe4: {  	[sflag:s10] =	ssyncadd.s32 $0xFFFFFF80  }
0xe5: {  	_ =	swait.ge [sflag:s16], $0x4000  }
0xe6: {  	[sflag:s16] =	ssyncset.done $0x0  }
0xe7: {  	[sflag:s16] =	ssyncadd.s32 $0xFFFFC000  }
0xe8: {  	[tilespmem:s8], [sflag:$0x4] =	stream.indirect.gather [hbm4b:s1+s7], $0x80, s0, s7, $0xb8;
	[tilespmem:$0x1BB80] =	vst v63  }
0xe9: {  	s24 =	sadd.s32 $0x50, s22  }
0xea: {  	[tilespmem:s12], [sflag:$0x3] =	stream.linear.gather [hbm4b:s24+s4], $0x80, $0x38;
	[tilespmem:$0x1BB80] =	vst v63  }
0xeb: {  	s24 =	sadd.s32 $0x50, s23  }
0xec: {  	[tilespmem:s13], [sflag:$0x3] =	stream.linear.gather [hbm4b:s24+s4], $0x80, $0x38;
	[tilespmem:$0x1BB80] =	vst v63  }
0xed: {  	_ =	swait.ge [sflag:s3], $0x4000  }
0xee: {  	[sflag:s3] =	ssyncset.done $0x0  }
0xef: {  	[sflag:s3] =	ssyncadd.s32 $0xFFFFC000  }
0xf0: {  	[spmem:s2] =	stream.indirect.scatter.add.f32 [tilespmem:s11], [sflag:$0x7], $0x80, s30, s7, $0xb8;
	[tilespmem:$0x1BB80] =	vst v63  }
0xf1: {  	_ =	swait.ge [sflag:s15], $0x80  }
0xf2: {  	[sflag:s15] =	ssyncset.done $0x0  }
0xf3: {  	[sflag:s15] =	ssyncadd.s32 $0xFFFFFF80  }
0xf4: {  	_ =	swait.ge [sflag:s15], $0x80  }
0xf5: {  	p6 =	seq.s32 s19, $0x480;
	[sflag:s15] =	ssyncset.done $0x0  }
.Ltmp3:
0xf6: {  	[sflag:s15] =	ssyncadd.s32 $0xFFFFFF80;
	(pc) =	sbr.rel @p6 .LBB2_6-.Ltmp3, $4  }
0xf7: {  	_ =	swait.ge [sflag:s17], $0x4000  }
0xf8: {  	[sflag:s17] =	ssyncset.done $0x0  }
0xf9: {  	[sflag:s17] =	ssyncadd.s32 $0xFFFFC000  }
0xfa: {  	[tilespmem:s11], [sflag:$0x5] =	stream.indirect.gather [hbm4b:s1+s7], $0x80, s12, s7, $0xb8;
	[tilespmem:$0x1BB80] =	vst v63  }
0xfb: {  	s24 =	sadd.s32 $0x60, s22  }
0xfc: {  	[tilespmem:s29], [sflag:$0x1] =	stream.linear.gather [hbm4b:s24+s4], $0x80, $0x38;
	[tilespmem:$0x1BB80] =	vst v63  }
0xfd: {  	s24 =	sadd.s32 $0x60, s23  }
0xfe: {  	[tilespmem:s30], [sflag:$0x1] =	stream.linear.gather [hbm4b:s24+s4], $0x80, $0x38;
	[tilespmem:$0x1BB80] =	vst v63  }
0xff: {  	_ =	swait.ge [sflag:s14], $0x4000  }
0x100: {  	[sflag:s14] =	ssyncset.done $0x0  }
0x101: {  	[sflag:s14] =	ssyncadd.s32 $0xFFFFC000  }
0x102: {  	[spmem:s2] =	stream.indirect.scatter.add.f32 [tilespmem:s8], [sflag:$0x6], $0x80, s6, s7, $0xb8;
	[tilespmem:$0x1BB80] =	vst v63  }
0x103: {  	_ =	swait.ge [sflag:s31], $0x80  }
0x104: {  	[sflag:s31] =	ssyncset.done $0x0  }
0x105: {  	[sflag:s31] =	ssyncadd.s32 $0xFFFFFF80  }
0x106: {  	_ =	swait.ge [sflag:s31], $0x80  }
0x107: {  	[sflag:s31] =	ssyncset.done $0x0  }
0x108: {  	[sflag:s31] =	ssyncadd.s32 $0xFFFFFF80  }
0x109: {  	_ =	swait.ge [sflag:s16], $0x4000  }
0x10a: {  	[sflag:s16] =	ssyncset.done $0x0  }
0x10b: {  	[sflag:s16] =	ssyncadd.s32 $0xFFFFC000  }
0x10c: {  	[tilespmem:s8], [sflag:$0x4] =	stream.indirect.gather [hbm4b:s1+s7], $0x80, s29, s7, $0xb8;
	[tilespmem:$0x1BB80] =	vst v63  }
0x10d: {  	s24 =	sadd.s32 $0x70, s22  }
0x10e: {  	[tilespmem:s0], [sflag:$0x2] =	stream.linear.gather [hbm4b:s24+s4], $0x80, $0x38;
	[tilespmem:$0x1BB80] =	vst v63  }
0x10f: {  	s24 =	sadd.s32 $0x70, s23  }
0x110: {  	[tilespmem:s6], [sflag:$0x2] =	stream.linear.gather [hbm4b:s24+s4], $0x80, $0x38;
	[tilespmem:$0x1BB80] =	vst v63  }
0x111: {  	_ =	swait.ge [sflag:s3], $0x4000  }
0x112: {  	[sflag:s3] =	ssyncset.done $0x0  }
0x113: {  	[sflag:s3] =	ssyncadd.s32 $0xFFFFC000  }
0x114: {  	[spmem:s2] =	stream.indirect.scatter.add.f32 [tilespmem:s11], [sflag:$0x7], $0x80, s13, s7, $0xb8;
	[tilespmem:$0x1BB80] =	vst v63  }
0x115: {  	_ =	swait.ge [sflag:s10], $0x80  }
.Ltmp4:
0x116: {  	[sflag:s10] =	ssyncset.done $0x0;
	(pc) =	sbr.rel .LBB2_4-.Ltmp4, $4  }
0x117: {  	[sflag:s10] =	ssyncadd.s32 $0xFFFFFF80  }
0x118: {  	_ =	swait.ge [sflag:s10], $0x80  }
0x119: {  	[sflag:s10] =	ssyncset.done $0x0  }
0x11a: {  	s19 =	sadd.s32 $0x60, s19;
	[sflag:s10] =	ssyncadd.s32 $0xFFFFFF80  }
.LBB2_7:
0x11b: {  	_ =	sfence.sel $0x180000  }
0x11c: {  	[bflag:$0x0] =	sbarrier.arrive $0xFFFF  }
0x11d: {  	_ =	strace $0x9000004A  }
0x11e: {  	[bflag:$0x2] =	sbarrier.arrive $0xFFFF  }
0x11f: {  	p0 =	sne.s32 s23, $0x0;
	s0 =	rddreg [dreg:$0x3]  }
0x120: {  	s0 =	sadd.s32 @!p0 $0x100000, s0  }
0x121: {  	[sflag:s0] =	ssyncadd.tile.s32 @!p0 $0x1;
	_ =	shalt  }
.Lfunc_end2:
_tile_overlayer_lowered:
.L_overlay_start_2:
0x122: {  	(tag) =	ssettag $0x2  }
0x123: {  	s0 =	rddreg [dreg:$0x0];
	s2 =	stileid.u32  }
0x124: {  	s1 =	rddreg [dreg:$0x1];
	p0 =	sne.s32 s2, $0x0  }
0x125: {  	s3 =	rddreg [dreg:$0x2];
	[bflag:$0x3] =	sbarrier.arrive $0xFFFF;
	s2 =	simm.s32 @!p0 $0x1C08  }
0x126: {  	[timem:s3], [sflag:s2] =	dma.local @!p0 [hbm:s0], s1  }
0x127: {  	s0 =	simm.s32 @!p0 $0x8  }
0x128: {  	_ =	swait.ge @!p0 [sflag:s0], s1  }
0x129: {  	s1 =	ssub.s32 @!p0 $0x0, s1;
	[sflag:s0] =	ssyncset.done @!p0 $0x0  }
0x12a: {  	[sflag:s0] =	ssyncadd.s32 @!p0 s1  }
0x12b: {  	[bflag:$0x3] =	sbarrier.arrive $0xFFFF  }
0x12c: {  	_ =	shalt  }

</sc_bundles>
